<compile_context>
chip_gen: v7x
topology: tpu7x:2x2x1
jax: 0.10.2.dev20260603
libtpu: 0.0.44.dev20260713+nightly
codegen_flags: <defaults>
</compile_context>

<pallas_src>
import functools

import jax
import jax.numpy as jnp
from jax import lax
from jax.experimental import pallas as pl
from jax.experimental.pallas import tpu as pltpu
from jax.experimental.pallas import tpu_sc as plsc

N = 10000
E = 320000
D = 128
NC = 2
NS = 16
NW = NC * NS
CH = 125
NCHUNK = E // CH
CPT = NCHUNK // NW
ZR = 624
TAIL = N - NS * ZR
ZC = 104
IB = 40
BN = 2000

_f32 = jnp.float32


def _sc_mesh():
  return plsc.VectorSubcoreMesh(
      core_axis_name="c", subcore_axis_name="s", num_cores=NC, num_subcores=NS)


def _sc_degree(dst2d):

  @functools.partial(
      pl.kernel,
      out_type=jax.ShapeDtypeStruct((NC, N, 16), _f32),
      mesh=_sc_mesh(),
      scratch_types=[
          pltpu.VMEM_SHARED((N, 16), _f32),
          pltpu.VMEM((CPT, CH), jnp.int32),
          pltpu.VMEM((CH, 16), _f32),
          pltpu.VMEM((ZC, 16), _f32),
      ],
      compiler_params=pltpu.CompilerParams(use_tc_tiling_on_sc=False),
  )
  def deg_kernel(dst_hbm, out_hbm, acc, idx_d, ones, zeros):
    c = lax.axis_index("c")
    s = lax.axis_index("s")
    w = c * NS + s

    one16 = jnp.ones((16,), _f32)
    zero16 = jnp.zeros((16,), _f32)

    def fill_ones(i, _):
      ones[i, pl.ds(0, 16)] = one16
      return 0
    lax.fori_loop(0, CH, fill_ones, 0)

    def fill_zeros(i, _):
      zeros[i, pl.ds(0, 16)] = zero16
      return 0
    lax.fori_loop(0, ZC, fill_zeros, 0)

    for k in range(ZR // ZC):
      pltpu.sync_copy(zeros, acc.at[pl.ds(s * ZR + k * ZC, ZC)])

    @pl.when(s == 0)
    def _():
      pltpu.sync_copy(zeros.at[pl.ds(0, TAIL)], acc.at[pl.ds(NS * ZR, TAIL)])

    pltpu.sync_copy(dst_hbm.at[pl.ds(w * CPT, CPT)], idx_d)
    plsc.subcore_barrier()

    def chunk(j, _):
      pltpu.sync_copy(ones, acc.at[idx_d.at[j]], add=True)
      return 0
    lax.fori_loop(0, CPT, chunk, 0)

    plsc.subcore_barrier()
    pltpu.sync_copy(acc.at[pl.ds(s * ZR, ZR)],
                    out_hbm.at[c, pl.ds(s * ZR, ZR)])

    @pl.when(s == 0)
    def _():
      pltpu.sync_copy(acc.at[pl.ds(NS * ZR, TAIL)],
                      out_hbm.at[c, pl.ds(NS * ZR, TAIL)])

  return deg_kernel(dst2d)


def _sc_scatter(y, src2d, dst2d):

  @functools.partial(
      pl.kernel,
      out_type=jax.ShapeDtypeStruct((NC, N, D), _f32),
      mesh=_sc_mesh(),
      scratch_types=[
          pltpu.VMEM_SHARED((N, D), _f32),
          pltpu.VMEM((IB, CH), jnp.int32),
          pltpu.VMEM((IB, CH), jnp.int32),
          pltpu.VMEM((CH, D), _f32),
          pltpu.VMEM((CH, D), _f32),
          pltpu.SemaphoreType.DMA,
          pltpu.SemaphoreType.DMA,
      ],
  )
  def scatter_kernel(y_hbm, src_hbm, dst_hbm, out_hbm,
                     acc, idx_s, idx_d, rows0, rows1, gs0, gs1):
    c = lax.axis_index("c")
    s = lax.axis_index("s")
    w = c * NS + s

    zero16 = jnp.zeros((16,), _f32)

    def fill_zeros(i, _):
      for jj in range(D // 16):
        rows0[i, pl.ds(jj * 16, 16)] = zero16
      return 0
    lax.fori_loop(0, ZC, fill_zeros, 0)

    for k in range(ZR // ZC):
      pltpu.sync_copy(rows0.at[pl.ds(0, ZC)],
                      acc.at[pl.ds(s * ZR + k * ZC, ZC)])

    @pl.when(s == 0)
    def _():
      pltpu.sync_copy(rows0.at[pl.ds(0, TAIL)], acc.at[pl.ds(NS * ZR, TAIL)])

    plsc.subcore_barrier()

    for blk in range(CPT // IB):
      base = w * CPT + blk * IB
      pltpu.sync_copy(src_hbm.at[pl.ds(base, IB)], idx_s)
      pltpu.sync_copy(dst_hbm.at[pl.ds(base, IB)], idx_d)
      pltpu.async_copy(y_hbm.at[idx_s.at[0]], rows0, gs0)

      def chunk_pair(i, _):
        j0 = 2 * i
        j1 = j0 + 1
        pltpu.async_copy(y_hbm.at[idx_s.at[j1]], rows1, gs1)
        pltpu.make_async_copy(y_hbm.at[idx_s.at[j0]], rows0, gs0).wait()
        pltpu.sync_copy(rows0, acc.at[idx_d.at[j0]], add=True)

        @pl.when(j1 + 1 < IB)
        def _():
          pltpu.async_copy(y_hbm.at[idx_s.at[j1 + 1]], rows0, gs0)

        pltpu.make_async_copy(y_hbm.at[idx_s.at[j1]], rows1, gs1).wait()
        pltpu.sync_copy(rows1, acc.at[idx_d.at[j1]], add=True)
        return 0
      lax.fori_loop(0, IB // 2, chunk_pair, 0)

    plsc.subcore_barrier()
    pltpu.sync_copy(acc.at[pl.ds(s * ZR, ZR)],
                    out_hbm.at[c, pl.ds(s * ZR, ZR)])

    @pl.when(s == 0)
    def _():
      pltpu.sync_copy(acc.at[pl.ds(NS * ZR, TAIL)],
                      out_hbm.at[c, pl.ds(NS * ZR, TAIL)])

  return scatter_kernel(y, src2d, dst2d)


def _tc_prologue(deg2, x, W1):

  def body(deg_ref, x_ref, w_ref, dinv_ref, y_ref):
    d = deg_ref[0, :, 0] + deg_ref[1, :, 0] + 1.0
    dinv = lax.rsqrt(d)[:, None]
    dinv_ref[...] = dinv
    y_ref[...] = dinv * jnp.dot(x_ref[...], w_ref[...],
                                preferred_element_type=_f32)

  return pl.pallas_call(
      body,
      grid=(N // BN,),
      in_specs=[
          pl.BlockSpec((2, BN, 16), lambda i: (0, i, 0)),
          pl.BlockSpec((BN, D), lambda i: (i, 0)),
          pl.BlockSpec((D, D), lambda i: (0, 0)),
      ],
      out_specs=[
          pl.BlockSpec((BN, 1), lambda i: (i, 0)),
          pl.BlockSpec((BN, D), lambda i: (i, 0)),
      ],
      out_shape=[
          jax.ShapeDtypeStruct((N, 1), _f32),
          jax.ShapeDtypeStruct((N, D), _f32),
      ],
  )(deg2, x, W1)


def _tc_mid(acc2, y, dinv, b, Wnext):

  def body(acc_ref, y_ref, dinv_ref, b_ref, w_ref, ynext_ref):
    dinv = dinv_ref[...]
    h = (acc_ref[0] + acc_ref[1] + y_ref[...]) * dinv + b_ref[...]
    h = jnp.maximum(h, 0.0)
    ynext_ref[...] = dinv * jnp.dot(h, w_ref[...],
                                    preferred_element_type=_f32)

  return pl.pallas_call(
      body,
      grid=(N // BN,),
      in_specs=[
          pl.BlockSpec((2, BN, D), lambda i: (0, i, 0)),
          pl.BlockSpec((BN, D), lambda i: (i, 0)),
          pl.BlockSpec((BN, 1), lambda i: (i, 0)),
          pl.BlockSpec((1, D), lambda i: (0, 0)),
          pl.BlockSpec((D, D), lambda i: (0, 0)),
      ],
      out_specs=pl.BlockSpec((BN, D), lambda i: (i, 0)),
      out_shape=jax.ShapeDtypeStruct((N, D), _f32),
  )(acc2, y, dinv, b, Wnext)


def _tc_final(acc2, y, dinv, b):

  def body(acc_ref, y_ref, dinv_ref, b_ref, h_ref, hc_ref):
    dinv = dinv_ref[...]
    z = (acc_ref[0] + acc_ref[1] + y_ref[...]) * dinv + b_ref[...]
    h = jax.nn.sigmoid(z)
    h_ref[...] = h
    hc_ref[...] = jnp.where(h >= 0.5, 1.0, 0.0)

  return pl.pallas_call(
      body,
      grid=(N // BN,),
      in_specs=[
          pl.BlockSpec((2, BN, D), lambda i: (0, i, 0)),
          pl.BlockSpec((BN, D), lambda i: (i, 0)),
          pl.BlockSpec((BN, 1), lambda i: (i, 0)),
          pl.BlockSpec((1, D), lambda i: (0, 0)),
      ],
      out_specs=[
          pl.BlockSpec((BN, D), lambda i: (i, 0)),
          pl.BlockSpec((BN, D), lambda i: (i, 0)),
      ],
      out_shape=[
          jax.ShapeDtypeStruct((N, D), _f32),
          jax.ShapeDtypeStruct((N, D), _f32),
      ],
  )(acc2, y, dinv, b)


def kernel(x, edge_index, W1, b1, W2, b2, W3, b3):
  src2d = edge_index[0].reshape(NCHUNK, CH)
  dst2d = edge_index[1].reshape(NCHUNK, CH)

  deg2 = _sc_degree(dst2d)
  dinv, y1 = _tc_prologue(deg2, x, W1)

  acc1 = _sc_scatter(y1, src2d, dst2d)
  y2 = _tc_mid(acc1, y1, dinv, b1.reshape(1, D), W2)

  acc2 = _sc_scatter(y2, src2d, dst2d)
  y3 = _tc_mid(acc2, y2, dinv, b2.reshape(1, D), W3)

  acc3 = _sc_scatter(y3, src2d, dst2d)
  return _tc_final(acc3, y3, dinv, b3.reshape(1, D))

# --- scband reference (transcript-rebuilt; emitter-appended) ---
"""Pipeline reference for scband-gcn-45749991637478 (READ-ONLY COPY).

The authoritative reference and input builder live on the scoring server;
editing this copy changes nothing except your own understanding.
"""

import jax, jax.numpy as jnp
import numpy as np
import math

N_NODES = 10000
N_EDGES = 320000
D_IN = 128
D_HID = 128  # floor((128+128)/2)
D_OUT = 128


def gcn_conv(x, edge_index, W, b):
    # PyG-style GCNConv: add self-loops, symmetric normalization, linear transform, scatter-add
    n = x.shape[0]
    src = edge_index[0]
    dst = edge_index[1]
    loop = jnp.arange(n, dtype=src.dtype)
    src = jnp.concatenate([src, loop])
    dst = jnp.concatenate([dst, loop])
    deg = jax.ops.segment_sum(jnp.ones(src.shape[0], dtype=x.dtype), dst, num_segments=n)
    dinv = jnp.where(deg > 0, 1.0 / jnp.sqrt(deg), 0.0)
    norm = dinv[src] * dinv[dst]
    xw = x @ W
    msg = xw[src] * norm[:, None]
    out = jax.ops.segment_sum(msg, dst, num_segments=n)
    return out + b


def setup_inputs(seed: int = 0) -> dict:
    key = jax.random.key(seed)
    ks = jax.random.split(key, 9)
    x = jax.random.normal(ks[0], (N_NODES, D_IN), dtype=jnp.float32)
    edge_index = jax.random.randint(ks[1], (2, N_EDGES), 0, N_NODES, dtype=jnp.int32)
    s1 = 1.0 / math.sqrt(D_IN)
    s2 = 1.0 / math.sqrt(D_HID)
    W1 = jax.random.uniform(ks[2], (D_IN, D_HID), dtype=jnp.float32, minval=-s1, maxval=s1)
    b1 = jnp.zeros((D_HID,), dtype=jnp.float32)
    W2 = jax.random.uniform(ks[3], (D_HID, D_HID), dtype=jnp.float32, minval=-s2, maxval=s2)
    b2 = jnp.zeros((D_HID,), dtype=jnp.float32)
    W3 = jax.random.uniform(ks[4], (D_HID, D_OUT), dtype=jnp.float32, minval=-s2, maxval=s2)
    b3 = jnp.zeros((D_OUT,), dtype=jnp.float32)
    return {"x": x, "edge_index": edge_index, "W1": W1, "b1": b1, "W2": W2, "b2": b2, "W3": W3, "b3": b3}


def reference(x, edge_index, W1, b1, W2, b2, W3, b3):
    h = jax.nn.relu(gcn_conv(x, edge_index, W1, b1))
    h = jax.nn.relu(gcn_conv(h, edge_index, W2, b2))
    h = jax.nn.sigmoid(gcn_conv(h, edge_index, W3, b3))
    # hard thresholding (the original python double loop, vectorized)
    h_clone = jnp.where(h >= 0.5, 1.0, 0.0).astype(h.dtype)
    return (h, h_clone)

if __name__ == "__main__":
    import jax
    _d = setup_inputs()
    print(jax.jit(kernel)(*tuple(_d.values())))

</pallas_src>

<mosaic_0001>
#map = affine_map<(d0, d1) -> (0, 0)>
#map1 = affine_map<(d0, d1) -> (0, 0, 0)>
module attributes {stable_mosaic.version = 14 : i64} {
  func.func @scatter_kernel(%arg0: i32, %arg1: i32, %arg2: memref<10000x128xf32, #tpu.memory_space<hbm>>, %arg3: memref<2560x125xi32, #tpu.memory_space<hbm>>, %arg4: memref<2560x125xi32, #tpu.memory_space<hbm>>, %arg5: memref<2x10000x128xf32, #tpu.memory_space<hbm>>, %arg6: memref<10000x128xf32, #tpu.memory_space<vmem_shared>>, %arg7: memref<40x125xi32, #tpu.memory_space<vmem>>, %arg8: memref<40x125xi32, #tpu.memory_space<vmem>>, %arg9: memref<125x128xf32, #tpu.memory_space<vmem>>, %arg10: memref<125x128xf32, #tpu.memory_space<vmem>>, %arg11: memref<!tpu.dma_semaphore, #tpu.memory_space<semaphore_mem>>, %arg12: memref<!tpu.dma_semaphore, #tpu.memory_space<semaphore_mem>>) attributes {dimension_semantics = [#tpu.dimension_semantics<core_parallel>, #tpu.dimension_semantics<subcore_parallel>], iteration_bounds = array<i64: 2, 16>, scalar_prefetch = 0 : i64, scratch_operands = 7 : i64, tpu.core_type = #tpu.core_type<sc_vector_subcore>, window_params = [{transform_indices = #map}, {transform_indices = #map}, {transform_indices = #map}, {transform_indices = #map1}]} {
    %mul3A = arith.constant 16 : i32
    %mul3A_0 = arith.muli %arg0, %mul3A : i32
    %add3A = arith.addi %mul3A_0, %arg1 : i32
    %broadcast_in_dim3A = arith.constant 0.000000e+00 : f32
    %broadcast_in_dim3A_1 = vector.broadcast %broadcast_in_dim3A : f32 to vector<16xf32>
    %scan3A = arith.constant 0 : i32
    %scan3A_2 = arith.constant 0 : i32
    %scan3A_3 = arith.constant 104 : i32
    %scan3A_4 = arith.addi %scan3A_2, %scan3A_3 : i32
    %scan3A_5 = arith.constant 1 : i32
    %scan3A_6 = scf.for %scan3A_79 = %scan3A_2 to %scan3A_4 step %scan3A_5 iter_args(%scan3A_80 = %scan3A) -> (i32)  : i32 {
      %swap3A = arith.index_cast %scan3A_79 : i32 to index
      %swap3A_81 = arith.constant 0 : index
      %swap3A_82 = tpu.vector_load %arg9[%swap3A, %swap3A_81] {strides = array<i32>} : memref<125x128xf32, #tpu.memory_space<vmem>>, vector<1x16xf32>,
      %swap3A_83 = vector.shape_cast %swap3A_82 : vector<1x16xf32> to vector<16xf32>
      %swap3A_84 = vector.shape_cast %broadcast_in_dim3A_1 : vector<16xf32> to vector<1x16xf32>
      tpu.vector_store %arg9[%swap3A, %swap3A_81], %swap3A_84 {strides = array<i32>} : memref<125x128xf32, #tpu.memory_space<vmem>>, vector<1x16xf32>,
      %swap3A_85 = arith.index_cast %scan3A_79 : i32 to index
      %swap3A_86 = arith.constant 16 : index
      %swap3A_87 = tpu.vector_load %arg9[%swap3A_85, %swap3A_86] {strides = array<i32>} : memref<125x128xf32, #tpu.memory_space<vmem>>, vector<1x16xf32>,
      %swap3A_88 = vector.shape_cast %swap3A_87 : vector<1x16xf32> to vector<16xf32>
      %swap3A_89 = vector.shape_cast %broadcast_in_dim3A_1 : vector<16xf32> to vector<1x16xf32>
      tpu.vector_store %arg9[%swap3A_85, %swap3A_86], %swap3A_89 {strides = array<i32>} : memref<125x128xf32, #tpu.memory_space<vmem>>, vector<1x16xf32>,
      %swap3A_90 = arith.index_cast %scan3A_79 : i32 to index
      %swap3A_91 = arith.constant 32 : index
      %swap3A_92 = tpu.vector_load %arg9[%swap3A_90, %swap3A_91] {strides = array<i32>} : memref<125x128xf32, #tpu.memory_space<vmem>>, vector<1x16xf32>,
      %swap3A_93 = vector.shape_cast %swap3A_92 : vector<1x16xf32> to vector<16xf32>
      %swap3A_94 = vector.shape_cast %broadcast_in_dim3A_1 : vector<16xf32> to vector<1x16xf32>
      tpu.vector_store %arg9[%swap3A_90, %swap3A_91], %swap3A_94 {strides = array<i32>} : memref<125x128xf32, #tpu.memory_space<vmem>>, vector<1x16xf32>,
      %swap3A_95 = arith.index_cast %scan3A_79 : i32 to index
      %swap3A_96 = arith.constant 48 : index
      %swap3A_97 = tpu.vector_load %arg9[%swap3A_95, %swap3A_96] {strides = array<i32>} : memref<125x128xf32, #tpu.memory_space<vmem>>, vector<1x16xf32>,
      %swap3A_98 = vector.shape_cast %swap3A_97 : vector<1x16xf32> to vector<16xf32>
      %swap3A_99 = vector.shape_cast %broadcast_in_dim3A_1 : vector<16xf32> to vector<1x16xf32>
      tpu.vector_store %arg9[%swap3A_95, %swap3A_96], %swap3A_99 {strides = array<i32>} : memref<125x128xf32, #tpu.memory_space<vmem>>, vector<1x16xf32>,
      %swap3A_100 = arith.index_cast %scan3A_79 : i32 to index
      %swap3A_101 = arith.constant 64 : index
      %swap3A_102 = tpu.vector_load %arg9[%swap3A_100, %swap3A_101] {strides = array<i32>} : memref<125x128xf32, #tpu.memory_space<vmem>>, vector<1x16xf32>,
      %swap3A_103 = vector.shape_cast %swap3A_102 : vector<1x16xf32> to vector<16xf32>
      %swap3A_104 = vector.shape_cast %broadcast_in_dim3A_1 : vector<16xf32> to vector<1x16xf32>
      tpu.vector_store %arg9[%swap3A_100, %swap3A_101], %swap3A_104 {strides = array<i32>} : memref<125x128xf32, #tpu.memory_space<vmem>>, vector<1x16xf32>,
      %swap3A_105 = arith.index_cast %scan3A_79 : i32 to index
      %swap3A_106 = arith.constant 80 : index
      %swap3A_107 = tpu.vector_load %arg9[%swap3A_105, %swap3A_106] {strides = array<i32>} : memref<125x128xf32, #tpu.memory_space<vmem>>, vector<1x16xf32>,
      %swap3A_108 = vector.shape_cast %swap3A_107 : vector<1x16xf32> to vector<16xf32>
      %swap3A_109 = vector.shape_cast %broadcast_in_dim3A_1 : vector<16xf32> to vector<1x16xf32>
      tpu.vector_store %arg9[%swap3A_105, %swap3A_106], %swap3A_109 {strides = array<i32>} : memref<125x128xf32, #tpu.memory_space<vmem>>, vector<1x16xf32>,
      %swap3A_110 = arith.index_cast %scan3A_79 : i32 to index
      %swap3A_111 = arith.constant 96 : index
      %swap3A_112 = tpu.vector_load %arg9[%swap3A_110, %swap3A_111] {strides = array<i32>} : memref<125x128xf32, #tpu.memory_space<vmem>>, vector<1x16xf32>,
      %swap3A_113 = vector.shape_cast %swap3A_112 : vector<1x16xf32> to vector<16xf32>
      %swap3A_114 = vector.shape_cast %broadcast_in_dim3A_1 : vector<16xf32> to vector<1x16xf32>
      tpu.vector_store %arg9[%swap3A_110, %swap3A_111], %swap3A_114 {strides = array<i32>} : memref<125x128xf32, #tpu.memory_space<vmem>>, vector<1x16xf32>,
      %swap3A_115 = arith.index_cast %scan3A_79 : i32 to index
      %swap3A_116 = arith.constant 112 : index
      %swap3A_117 = tpu.vector_load %arg9[%swap3A_115, %swap3A_116] {strides = array<i32>} : memref<125x128xf32, #tpu.memory_space<vmem>>, vector<1x16xf32>,
      %swap3A_118 = vector.shape_cast %swap3A_117 : vector<1x16xf32> to vector<16xf32>
      %swap3A_119 = vector.shape_cast %broadcast_in_dim3A_1 : vector<16xf32> to vector<1x16xf32>
      tpu.vector_store %arg9[%swap3A_115, %swap3A_116], %swap3A_119 {strides = array<i32>} : memref<125x128xf32, #tpu.memory_space<vmem>>, vector<1x16xf32>,
      %scan3A_120 = arith.constant 0 : i32
      scf.yield %scan3A_120 : i32
    }
    %scan3A_7 = arith.constant 104 : i32
    %mul3A_8 = arith.constant 624 : i32
    %mul3A_9 = arith.muli %arg1, %mul3A_8 : i32
    %add3A_10 = arith.constant 0 : i32
    %add3A_11 = arith.addi %mul3A_9, %add3A_10 : i32
    "tpu.region"() ({
      %run_scoped3A = tpu.sem_alloc : memref<!tpu.dma_semaphore, #tpu.memory_space<semaphore_mem>>
      %dma_start3A_79 = arith.constant 0 : i32
      %dma_start3A_80 = arith.constant 0 : i32
      %dma_start3A_81 = tpu.memref_slice %arg9[%dma_start3A_79, %dma_start3A_80] : memref<125x128xf32, #tpu.memory_space<vmem>> -> memref<104x128xf32, #tpu.memory_space<vmem>>
      %dma_start3A_82 = arith.constant 0 : i32
      %dma_start3A_83 = tpu.memref_slice %arg6[%add3A_11, %dma_start3A_82] : memref<10000x128xf32, #tpu.memory_space<vmem_shared>> -> memref<104x128xf32, #tpu.memory_space<vmem_shared>>
      %dma_start3A_84 = arith.constant 0 : i32
      %dma_start3A_85 = tpu.memref_slice %arg6[%add3A_11, %dma_start3A_84] : memref<10000x128xf32, #tpu.memory_space<vmem_shared>> -> memref<104x128xf32, #tpu.memory_space<vmem_shared>>
      %dma_start3A_86 = arith.constant 0 : i32
      %dma_start3A_87 = arith.constant 0 : i32
      %dma_start3A_88 = tpu.memref_slice %arg9[%dma_start3A_86, %dma_start3A_87] : memref<125x128xf32, #tpu.memory_space<vmem>> -> memref<104x128xf32, #tpu.memory_space<vmem>>
      tpu.enqueue_dma source(%dma_start3A_88 : memref<104x128xf32, #tpu.memory_space<vmem>>) target(%dma_start3A_85 : memref<104x128xf32, #tpu.memory_space<vmem_shared>>) target_semaphore(%run_scoped3A : memref<!tpu.dma_semaphore, #tpu.memory_space<semaphore_mem>>)
      %dma_wait3A = arith.constant 0 : i32
      %dma_wait3A_89 = arith.constant 0 : i32
      %dma_wait3A_90 = tpu.memref_slice %arg9[%dma_wait3A, %dma_wait3A_89] : memref<125x128xf32, #tpu.memory_space<vmem>> -> memref<104x128xf32, #tpu.memory_space<vmem>>
      %dma_wait3A_91 = arith.constant 0 : i32
      %dma_wait3A_92 = tpu.memref_slice %arg6[%add3A_11, %dma_wait3A_91] : memref<10000x128xf32, #tpu.memory_space<vmem_shared>> -> memref<104x128xf32, #tpu.memory_space<vmem_shared>>
      %dma_wait3A_93 = arith.constant 0 : i32
      %dma_wait3A_94 = tpu.memref_slice %arg6[%add3A_11, %dma_wait3A_93] : memref<10000x128xf32, #tpu.memory_space<vmem_shared>> -> memref<104x128xf32, #tpu.memory_space<vmem_shared>>
      %dma_wait3A_95 = arith.constant 0 : i32
      %dma_wait3A_96 = arith.constant 0 : i32
      %dma_wait3A_97 = tpu.memref_slice %arg9[%dma_wait3A_95, %dma_wait3A_96] : memref<125x128xf32, #tpu.memory_space<vmem>> -> memref<104x128xf32, #tpu.memory_space<vmem>>
      tpu.wait_dma2 semaphore(%run_scoped3A : memref<!tpu.dma_semaphore, #tpu.memory_space<semaphore_mem>>) src(%dma_wait3A_97 : memref<104x128xf32, #tpu.memory_space<vmem>>) dst(%dma_wait3A_94 : memref<104x128xf32, #tpu.memory_space<vmem_shared>>)
      tpu.yield
    }) : () -> ()
    %mul3A_12 = arith.constant 624 : i32
    %mul3A_13 = arith.muli %arg1, %mul3A_12 : i32
    %add3A_14 = arith.constant 104 : i32
    %add3A_15 = arith.addi %mul3A_13, %add3A_14 : i32
    "tpu.region"() ({
      %run_scoped3A = tpu.sem_alloc : memref<!tpu.dma_semaphore, #tpu.memory_space<semaphore_mem>>
      %dma_start3A_79 = arith.constant 0 : i32
      %dma_start3A_80 = arith.constant 0 : i32
      %dma_start3A_81 = tpu.memref_slice %arg9[%dma_start3A_79, %dma_start3A_80] : memref<125x128xf32, #tpu.memory_space<vmem>> -> memref<104x128xf32, #tpu.memory_space<vmem>>
      %dma_start3A_82 = arith.constant 0 : i32
      %dma_start3A_83 = tpu.memref_slice %arg6[%add3A_15, %dma_start3A_82] : memref<10000x128xf32, #tpu.memory_space<vmem_shared>> -> memref<104x128xf32, #tpu.memory_space<vmem_shared>>
      %dma_start3A_84 = arith.constant 0 : i32
      %dma_start3A_85 = tpu.memref_slice %arg6[%add3A_15, %dma_start3A_84] : memref<10000x128xf32, #tpu.memory_space<vmem_shared>> -> memref<104x128xf32, #tpu.memory_space<vmem_shared>>
      %dma_start3A_86 = arith.constant 0 : i32
      %dma_start3A_87 = arith.constant 0 : i32
      %dma_start3A_88 = tpu.memref_slice %arg9[%dma_start3A_86, %dma_start3A_87] : memref<125x128xf32, #tpu.memory_space<vmem>> -> memref<104x128xf32, #tpu.memory_space<vmem>>
      tpu.enqueue_dma source(%dma_start3A_88 : memref<104x128xf32, #tpu.memory_space<vmem>>) target(%dma_start3A_85 : memref<104x128xf32, #tpu.memory_space<vmem_shared>>) target_semaphore(%run_scoped3A : memref<!tpu.dma_semaphore, #tpu.memory_space<semaphore_mem>>)
      %dma_wait3A = arith.constant 0 : i32
      %dma_wait3A_89 = arith.constant 0 : i32
      %dma_wait3A_90 = tpu.memref_slice %arg9[%dma_wait3A, %dma_wait3A_89] : memref<125x128xf32, #tpu.memory_space<vmem>> -> memref<104x128xf32, #tpu.memory_space<vmem>>
      %dma_wait3A_91 = arith.constant 0 : i32
      %dma_wait3A_92 = tpu.memref_slice %arg6[%add3A_15, %dma_wait3A_91] : memref<10000x128xf32, #tpu.memory_space<vmem_shared>> -> memref<104x128xf32, #tpu.memory_space<vmem_shared>>
      %dma_wait3A_93 = arith.constant 0 : i32
      %dma_wait3A_94 = tpu.memref_slice %arg6[%add3A_15, %dma_wait3A_93] : memref<10000x128xf32, #tpu.memory_space<vmem_shared>> -> memref<104x128xf32, #tpu.memory_space<vmem_shared>>
      %dma_wait3A_95 = arith.constant 0 : i32
      %dma_wait3A_96 = arith.constant 0 : i32
      %dma_wait3A_97 = tpu.memref_slice %arg9[%dma_wait3A_95, %dma_wait3A_96] : memref<125x128xf32, #tpu.memory_space<vmem>> -> memref<104x128xf32, #tpu.memory_space<vmem>>
      tpu.wait_dma2 semaphore(%run_scoped3A : memref<!tpu.dma_semaphore, #tpu.memory_space<semaphore_mem>>) src(%dma_wait3A_97 : memref<104x128xf32, #tpu.memory_space<vmem>>) dst(%dma_wait3A_94 : memref<104x128xf32, #tpu.memory_space<vmem_shared>>)
      tpu.yield
    }) : () -> ()
    %mul3A_16 = arith.constant 624 : i32
    %mul3A_17 = arith.muli %arg1, %mul3A_16 : i32
    %add3A_18 = arith.constant 208 : i32
    %add3A_19 = arith.addi %mul3A_17, %add3A_18 : i32
    "tpu.region"() ({
      %run_scoped3A = tpu.sem_alloc : memref<!tpu.dma_semaphore, #tpu.memory_space<semaphore_mem>>
      %dma_start3A_79 = arith.constant 0 : i32
      %dma_start3A_80 = arith.constant 0 : i32
      %dma_start3A_81 = tpu.memref_slice %arg9[%dma_start3A_79, %dma_start3A_80] : memref<125x128xf32, #tpu.memory_space<vmem>> -> memref<104x128xf32, #tpu.memory_space<vmem>>
      %dma_start3A_82 = arith.constant 0 : i32
      %dma_start3A_83 = tpu.memref_slice %arg6[%add3A_19, %dma_start3A_82] : memref<10000x128xf32, #tpu.memory_space<vmem_shared>> -> memref<104x128xf32, #tpu.memory_space<vmem_shared>>
      %dma_start3A_84 = arith.constant 0 : i32
      %dma_start3A_85 = tpu.memref_slice %arg6[%add3A_19, %dma_start3A_84] : memref<10000x128xf32, #tpu.memory_space<vmem_shared>> -> memref<104x128xf32, #tpu.memory_space<vmem_shared>>
      %dma_start3A_86 = arith.constant 0 : i32
      %dma_start3A_87 = arith.constant 0 : i32
      %dma_start3A_88 = tpu.memref_slice %arg9[%dma_start3A_86, %dma_start3A_87] : memref<125x128xf32, #tpu.memory_space<vmem>> -> memref<104x128xf32, #tpu.memory_space<vmem>>
      tpu.enqueue_dma source(%dma_start3A_88 : memref<104x128xf32, #tpu.memory_space<vmem>>) target(%dma_start3A_85 : memref<104x128xf32, #tpu.memory_space<vmem_shared>>) target_semaphore(%run_scoped3A : memref<!tpu.dma_semaphore, #tpu.memory_space<semaphore_mem>>)
      %dma_wait3A = arith.constant 0 : i32
      %dma_wait3A_89 = arith.constant 0 : i32
      %dma_wait3A_90 = tpu.memref_slice %arg9[%dma_wait3A, %dma_wait3A_89] : memref<125x128xf32, #tpu.memory_space<vmem>> -> memref<104x128xf32, #tpu.memory_space<vmem>>
      %dma_wait3A_91 = arith.constant 0 : i32
      %dma_wait3A_92 = tpu.memref_slice %arg6[%add3A_19, %dma_wait3A_91] : memref<10000x128xf32, #tpu.memory_space<vmem_shared>> -> memref<104x128xf32, #tpu.memory_space<vmem_shared>>
      %dma_wait3A_93 = arith.constant 0 : i32
      %dma_wait3A_94 = tpu.memref_slice %arg6[%add3A_19, %dma_wait3A_93] : memref<10000x128xf32, #tpu.memory_space<vmem_shared>> -> memref<104x128xf32, #tpu.memory_space<vmem_shared>>
      %dma_wait3A_95 = arith.constant 0 : i32
      %dma_wait3A_96 = arith.constant 0 : i32
      %dma_wait3A_97 = tpu.memref_slice %arg9[%dma_wait3A_95, %dma_wait3A_96] : memref<125x128xf32, #tpu.memory_space<vmem>> -> memref<104x128xf32, #tpu.memory_space<vmem>>
      tpu.wait_dma2 semaphore(%run_scoped3A : memref<!tpu.dma_semaphore, #tpu.memory_space<semaphore_mem>>) src(%dma_wait3A_97 : memref<104x128xf32, #tpu.memory_space<vmem>>) dst(%dma_wait3A_94 : memref<104x128xf32, #tpu.memory_space<vmem_shared>>)
      tpu.yield
    }) : () -> ()
    %mul3A_20 = arith.constant 624 : i32
    %mul3A_21 = arith.muli %arg1, %mul3A_20 : i32
    %add3A_22 = arith.constant 312 : i32
    %add3A_23 = arith.addi %mul3A_21, %add3A_22 : i32
    "tpu.region"() ({
      %run_scoped3A = tpu.sem_alloc : memref<!tpu.dma_semaphore, #tpu.memory_space<semaphore_mem>>
      %dma_start3A_79 = arith.constant 0 : i32
      %dma_start3A_80 = arith.constant 0 : i32
      %dma_start3A_81 = tpu.memref_slice %arg9[%dma_start3A_79, %dma_start3A_80] : memref<125x128xf32, #tpu.memory_space<vmem>> -> memref<104x128xf32, #tpu.memory_space<vmem>>
      %dma_start3A_82 = arith.constant 0 : i32
      %dma_start3A_83 = tpu.memref_slice %arg6[%add3A_23, %dma_start3A_82] : memref<10000x128xf32, #tpu.memory_space<vmem_shared>> -> memref<104x128xf32, #tpu.memory_space<vmem_shared>>
      %dma_start3A_84 = arith.constant 0 : i32
      %dma_start3A_85 = tpu.memref_slice %arg6[%add3A_23, %dma_start3A_84] : memref<10000x128xf32, #tpu.memory_space<vmem_shared>> -> memref<104x128xf32, #tpu.memory_space<vmem_shared>>
      %dma_start3A_86 = arith.constant 0 : i32
      %dma_start3A_87 = arith.constant 0 : i32
      %dma_start3A_88 = tpu.memref_slice %arg9[%dma_start3A_86, %dma_start3A_87] : memref<125x128xf32, #tpu.memory_space<vmem>> -> memref<104x128xf32, #tpu.memory_space<vmem>>
      tpu.enqueue_dma source(%dma_start3A_88 : memref<104x128xf32, #tpu.memory_space<vmem>>) target(%dma_start3A_85 : memref<104x128xf32, #tpu.memory_space<vmem_shared>>) target_semaphore(%run_scoped3A : memref<!tpu.dma_semaphore, #tpu.memory_space<semaphore_mem>>)
      %dma_wait3A = arith.constant 0 : i32
      %dma_wait3A_89 = arith.constant 0 : i32
      %dma_wait3A_90 = tpu.memref_slice %arg9[%dma_wait3A, %dma_wait3A_89] : memref<125x128xf32, #tpu.memory_space<vmem>> -> memref<104x128xf32, #tpu.memory_space<vmem>>
      %dma_wait3A_91 = arith.constant 0 : i32
      %dma_wait3A_92 = tpu.memref_slice %arg6[%add3A_23, %dma_wait3A_91] : memref<10000x128xf32, #tpu.memory_space<vmem_shared>> -> memref<104x128xf32, #tpu.memory_space<vmem_shared>>
      %dma_wait3A_93 = arith.constant 0 : i32
      %dma_wait3A_94 = tpu.memref_slice %arg6[%add3A_23, %dma_wait3A_93] : memref<10000x128xf32, #tpu.memory_space<vmem_shared>> -> memref<104x128xf32, #tpu.memory_space<vmem_shared>>
      %dma_wait3A_95 = arith.constant 0 : i32
      %dma_wait3A_96 = arith.constant 0 : i32
      %dma_wait3A_97 = tpu.memref_slice %arg9[%dma_wait3A_95, %dma_wait3A_96] : memref<125x128xf32, #tpu.memory_space<vmem>> -> memref<104x128xf32, #tpu.memory_space<vmem>>
      tpu.wait_dma2 semaphore(%run_scoped3A : memref<!tpu.dma_semaphore, #tpu.memory_space<semaphore_mem>>) src(%dma_wait3A_97 : memref<104x128xf32, #tpu.memory_space<vmem>>) dst(%dma_wait3A_94 : memref<104x128xf32, #tpu.memory_space<vmem_shared>>)
      tpu.yield
    }) : () -> ()
    %mul3A_24 = arith.constant 624 : i32
    %mul3A_25 = arith.muli %arg1, %mul3A_24 : i32
    %add3A_26 = arith.constant 416 : i32
    %add3A_27 = arith.addi %mul3A_25, %add3A_26 : i32
    "tpu.region"() ({
      %run_scoped3A = tpu.sem_alloc : memref<!tpu.dma_semaphore, #tpu.memory_space<semaphore_mem>>
      %dma_start3A_79 = arith.constant 0 : i32
      %dma_start3A_80 = arith.constant 0 : i32
      %dma_start3A_81 = tpu.memref_slice %arg9[%dma_start3A_79, %dma_start3A_80] : memref<125x128xf32, #tpu.memory_space<vmem>> -> memref<104x128xf32, #tpu.memory_space<vmem>>
      %dma_start3A_82 = arith.constant 0 : i32
      %dma_start3A_83 = tpu.memref_slice %arg6[%add3A_27, %dma_start3A_82] : memref<10000x128xf32, #tpu.memory_space<vmem_shared>> -> memref<104x128xf32, #tpu.memory_space<vmem_shared>>
      %dma_start3A_84 = arith.constant 0 : i32
      %dma_start3A_85 = tpu.memref_slice %arg6[%add3A_27, %dma_start3A_84] : memref<10000x128xf32, #tpu.memory_space<vmem_shared>> -> memref<104x128xf32, #tpu.memory_space<vmem_shared>>
      %dma_start3A_86 = arith.constant 0 : i32
      %dma_start3A_87 = arith.constant 0 : i32
      %dma_start3A_88 = tpu.memref_slice %arg9[%dma_start3A_86, %dma_start3A_87] : memref<125x128xf32, #tpu.memory_space<vmem>> -> memref<104x128xf32, #tpu.memory_space<vmem>>
      tpu.enqueue_dma source(%dma_start3A_88 : memref<104x128xf32, #tpu.memory_space<vmem>>) target(%dma_start3A_85 : memref<104x128xf32, #tpu.memory_space<vmem_shared>>) target_semaphore(%run_scoped3A : memref<!tpu.dma_semaphore, #tpu.memory_space<semaphore_mem>>)
      %dma_wait3A = arith.constant 0 : i32
      %dma_wait3A_89 = arith.constant 0 : i32
      %dma_wait3A_90 = tpu.memref_slice %arg9[%dma_wait3A, %dma_wait3A_89] : memref<125x128xf32, #tpu.memory_space<vmem>> -> memref<104x128xf32, #tpu.memory_space<vmem>>
      %dma_wait3A_91 = arith.constant 0 : i32
      %dma_wait3A_92 = tpu.memref_slice %arg6[%add3A_27, %dma_wait3A_91] : memref<10000x128xf32, #tpu.memory_space<vmem_shared>> -> memref<104x128xf32, #tpu.memory_space<vmem_shared>>
      %dma_wait3A_93 = arith.constant 0 : i32
      %dma_wait3A_94 = tpu.memref_slice %arg6[%add3A_27, %dma_wait3A_93] : memref<10000x128xf32, #tpu.memory_space<vmem_shared>> -> memref<104x128xf32, #tpu.memory_space<vmem_shared>>
      %dma_wait3A_95 = arith.constant 0 : i32
      %dma_wait3A_96 = arith.constant 0 : i32
      %dma_wait3A_97 = tpu.memref_slice %arg9[%dma_wait3A_95, %dma_wait3A_96] : memref<125x128xf32, #tpu.memory_space<vmem>> -> memref<104x128xf32, #tpu.memory_space<vmem>>
      tpu.wait_dma2 semaphore(%run_scoped3A : memref<!tpu.dma_semaphore, #tpu.memory_space<semaphore_mem>>) src(%dma_wait3A_97 : memref<104x128xf32, #tpu.memory_space<vmem>>) dst(%dma_wait3A_94 : memref<104x128xf32, #tpu.memory_space<vmem_shared>>)
      tpu.yield
    }) : () -> ()
    %mul3A_28 = arith.constant 624 : i32
    %mul3A_29 = arith.muli %arg1, %mul3A_28 : i32
    %add3A_30 = arith.constant 520 : i32
    %add3A_31 = arith.addi %mul3A_29, %add3A_30 : i32
    "tpu.region"() ({
      %run_scoped3A = tpu.sem_alloc : memref<!tpu.dma_semaphore, #tpu.memory_space<semaphore_mem>>
      %dma_start3A_79 = arith.constant 0 : i32
      %dma_start3A_80 = arith.constant 0 : i32
      %dma_start3A_81 = tpu.memref_slice %arg9[%dma_start3A_79, %dma_start3A_80] : memref<125x128xf32, #tpu.memory_space<vmem>> -> memref<104x128xf32, #tpu.memory_space<vmem>>
      %dma_start3A_82 = arith.constant 0 : i32
      %dma_start3A_83 = tpu.memref_slice %arg6[%add3A_31, %dma_start3A_82] : memref<10000x128xf32, #tpu.memory_space<vmem_shared>> -> memref<104x128xf32, #tpu.memory_space<vmem_shared>>
      %dma_start3A_84 = arith.constant 0 : i32
      %dma_start3A_85 = tpu.memref_slice %arg6[%add3A_31, %dma_start3A_84] : memref<10000x128xf32, #tpu.memory_space<vmem_shared>> -> memref<104x128xf32, #tpu.memory_space<vmem_shared>>
      %dma_start3A_86 = arith.constant 0 : i32
      %dma_start3A_87 = arith.constant 0 : i32
      %dma_start3A_88 = tpu.memref_slice %arg9[%dma_start3A_86, %dma_start3A_87] : memref<125x128xf32, #tpu.memory_space<vmem>> -> memref<104x128xf32, #tpu.memory_space<vmem>>
      tpu.enqueue_dma source(%dma_start3A_88 : memref<104x128xf32, #tpu.memory_space<vmem>>) target(%dma_start3A_85 : memref<104x128xf32, #tpu.memory_space<vmem_shared>>) target_semaphore(%run_scoped3A : memref<!tpu.dma_semaphore, #tpu.memory_space<semaphore_mem>>)
      %dma_wait3A = arith.constant 0 : i32
      %dma_wait3A_89 = arith.constant 0 : i32
      %dma_wait3A_90 = tpu.memref_slice %arg9[%dma_wait3A, %dma_wait3A_89] : memref<125x128xf32, #tpu.memory_space<vmem>> -> memref<104x128xf32, #tpu.memory_space<vmem>>
      %dma_wait3A_91 = arith.constant 0 : i32
      %dma_wait3A_92 = tpu.memref_slice %arg6[%add3A_31, %dma_wait3A_91] : memref<10000x128xf32, #tpu.memory_space<vmem_shared>> -> memref<104x128xf32, #tpu.memory_space<vmem_shared>>
      %dma_wait3A_93 = arith.constant 0 : i32
      %dma_wait3A_94 = tpu.memref_slice %arg6[%add3A_31, %dma_wait3A_93] : memref<10000x128xf32, #tpu.memory_space<vmem_shared>> -> memref<104x128xf32, #tpu.memory_space<vmem_shared>>
      %dma_wait3A_95 = arith.constant 0 : i32
      %dma_wait3A_96 = arith.constant 0 : i32
      %dma_wait3A_97 = tpu.memref_slice %arg9[%dma_wait3A_95, %dma_wait3A_96] : memref<125x128xf32, #tpu.memory_space<vmem>> -> memref<104x128xf32, #tpu.memory_space<vmem>>
      tpu.wait_dma2 semaphore(%run_scoped3A : memref<!tpu.dma_semaphore, #tpu.memory_space<semaphore_mem>>) src(%dma_wait3A_97 : memref<104x128xf32, #tpu.memory_space<vmem>>) dst(%dma_wait3A_94 : memref<104x128xf32, #tpu.memory_space<vmem_shared>>)
      tpu.yield
    }) : () -> ()
    %eq3A = arith.constant 0 : i32
    %eq3A_32 = arith.cmpi eq, %arg1, %eq3A : i32
    %convert_element_type3A = arith.extui %eq3A_32 : i1 to i32
    %cond3A = arith.constant 0 : i32
    %cond3A_33 = arith.cmpi ne, %convert_element_type3A, %cond3A : i32
    scf.if %cond3A_33 {
      "tpu.region"() ({
        %run_scoped3A = tpu.sem_alloc : memref<!tpu.dma_semaphore, #tpu.memory_space<semaphore_mem>>
        %dma_start3A_79 = arith.constant 0 : i32
        %dma_start3A_80 = arith.constant 0 : i32
        %dma_start3A_81 = tpu.memref_slice %arg9[%dma_start3A_79, %dma_start3A_80] : memref<125x128xf32, #tpu.memory_space<vmem>> -> memref<16x128xf32, #tpu.memory_space<vmem>>
        %dma_start3A_82 = arith.constant 9984 : i32
        %dma_start3A_83 = arith.constant 0 : i32
        %dma_start3A_84 = tpu.memref_slice %arg6[%dma_start3A_82, %dma_start3A_83] : memref<10000x128xf32, #tpu.memory_space<vmem_shared>> -> memref<16x128xf32, #tpu.memory_space<vmem_shared>>
        %dma_start3A_85 = arith.constant 9984 : i32
        %dma_start3A_86 = arith.constant 0 : i32
        %dma_start3A_87 = tpu.memref_slice %arg6[%dma_start3A_85, %dma_start3A_86] : memref<10000x128xf32, #tpu.memory_space<vmem_shared>> -> memref<16x128xf32, #tpu.memory_space<vmem_shared>>
        %dma_start3A_88 = arith.constant 0 : i32
        %dma_start3A_89 = arith.constant 0 : i32
        %dma_start3A_90 = tpu.memref_slice %arg9[%dma_start3A_88, %dma_start3A_89] : memref<125x128xf32, #tpu.memory_space<vmem>> -> memref<16x128xf32, #tpu.memory_space<vmem>>
        tpu.enqueue_dma source(%dma_start3A_90 : memref<16x128xf32, #tpu.memory_space<vmem>>) target(%dma_start3A_87 : memref<16x128xf32, #tpu.memory_space<vmem_shared>>) target_semaphore(%run_scoped3A : memref<!tpu.dma_semaphore, #tpu.memory_space<semaphore_mem>>)
        %dma_wait3A = arith.constant 0 : i32
        %dma_wait3A_91 = arith.constant 0 : i32
        %dma_wait3A_92 = tpu.memref_slice %arg9[%dma_wait3A, %dma_wait3A_91] : memref<125x128xf32, #tpu.memory_space<vmem>> -> memref<16x128xf32, #tpu.memory_space<vmem>>
        %dma_wait3A_93 = arith.constant 9984 : i32
        %dma_wait3A_94 = arith.constant 0 : i32
        %dma_wait3A_95 = tpu.memref_slice %arg6[%dma_wait3A_93, %dma_wait3A_94] : memref<10000x128xf32, #tpu.memory_space<vmem_shared>> -> memref<16x128xf32, #tpu.memory_space<vmem_shared>>
        %dma_wait3A_96 = arith.constant 9984 : i32
        %dma_wait3A_97 = arith.constant 0 : i32
        %dma_wait3A_98 = tpu.memref_slice %arg6[%dma_wait3A_96, %dma_wait3A_97] : memref<10000x128xf32, #tpu.memory_space<vmem_shared>> -> memref<16x128xf32, #tpu.memory_space<vmem_shared>>
        %dma_wait3A_99 = arith.constant 0 : i32
        %dma_wait3A_100 = arith.constant 0 : i32
        %dma_wait3A_101 = tpu.memref_slice %arg9[%dma_wait3A_99, %dma_wait3A_100] : memref<125x128xf32, #tpu.memory_space<vmem>> -> memref<16x128xf32, #tpu.memory_space<vmem>>
        tpu.wait_dma2 semaphore(%run_scoped3A : memref<!tpu.dma_semaphore, #tpu.memory_space<semaphore_mem>>) src(%dma_wait3A_101 : memref<16x128xf32, #tpu.memory_space<vmem>>) dst(%dma_wait3A_98 : memref<16x128xf32, #tpu.memory_space<vmem_shared>>)
        tpu.yield
      }) : () -> ()
    } else {
    }
    %barrier3A = arith.constant 0 : index
    tpu.barrier barrier_id(%barrier3A)
    %mul3A_34 = arith.constant 80 : i32
    %mul3A_35 = arith.muli %add3A, %mul3A_34 : i32
    %add3A_36 = arith.constant 0 : i32
    %add3A_37 = arith.addi %mul3A_35, %add3A_36 : i32
    "tpu.region"() ({
      %run_scoped3A = tpu.sem_alloc : memref<!tpu.dma_semaphore, #tpu.memory_space<semaphore_mem>>
      %dma_start3A_79 = arith.constant 0 : i32
      %dma_start3A_80 = tpu.memref_slice %arg3[%add3A_37, %dma_start3A_79] : memref<2560x125xi32, #tpu.memory_space<hbm>> -> memref<40x125xi32, #tpu.memory_space<hbm>>
      %dma_start3A_81 = arith.constant 0 : i32
      %dma_start3A_82 = tpu.memref_slice %arg3[%add3A_37, %dma_start3A_81] : memref<2560x125xi32, #tpu.memory_space<hbm>> -> memref<40x125xi32, #tpu.memory_space<hbm>>
      tpu.enqueue_dma source(%dma_start3A_82 : memref<40x125xi32, #tpu.memory_space<hbm>>) target(%arg7 : memref<40x125xi32, #tpu.memory_space<vmem>>) target_semaphore(%run_scoped3A : memref<!tpu.dma_semaphore, #tpu.memory_space<semaphore_mem>>)
      %dma_wait3A = arith.constant 0 : i32
      %dma_wait3A_83 = tpu.memref_slice %arg3[%add3A_37, %dma_wait3A] : memref<2560x125xi32, #tpu.memory_space<hbm>> -> memref<40x125xi32, #tpu.memory_space<hbm>>
      %dma_wait3A_84 = arith.constant 0 : i32
      %dma_wait3A_85 = tpu.memref_slice %arg3[%add3A_37, %dma_wait3A_84] : memref<2560x125xi32, #tpu.memory_space<hbm>> -> memref<40x125xi32, #tpu.memory_space<hbm>>
      tpu.wait_dma2 semaphore(%run_scoped3A : memref<!tpu.dma_semaphore, #tpu.memory_space<semaphore_mem>>) src(%dma_wait3A_85 : memref<40x125xi32, #tpu.memory_space<hbm>>) dst(%arg7 : memref<40x125xi32, #tpu.memory_space<vmem>>)
      tpu.yield
    }) : () -> ()
    "tpu.region"() ({
      %run_scoped3A = tpu.sem_alloc : memref<!tpu.dma_semaphore, #tpu.memory_space<semaphore_mem>>
      %dma_start3A_79 = arith.constant 0 : i32
      %dma_start3A_80 = tpu.memref_slice %arg4[%add3A_37, %dma_start3A_79] : memref<2560x125xi32, #tpu.memory_space<hbm>> -> memref<40x125xi32, #tpu.memory_space<hbm>>
      %dma_start3A_81 = arith.constant 0 : i32
      %dma_start3A_82 = tpu.memref_slice %arg4[%add3A_37, %dma_start3A_81] : memref<2560x125xi32, #tpu.memory_space<hbm>> -> memref<40x125xi32, #tpu.memory_space<hbm>>
      tpu.enqueue_dma source(%dma_start3A_82 : memref<40x125xi32, #tpu.memory_space<hbm>>) target(%arg8 : memref<40x125xi32, #tpu.memory_space<vmem>>) target_semaphore(%run_scoped3A : memref<!tpu.dma_semaphore, #tpu.memory_space<semaphore_mem>>)
      %dma_wait3A = arith.constant 0 : i32
      %dma_wait3A_83 = tpu.memref_slice %arg4[%add3A_37, %dma_wait3A] : memref<2560x125xi32, #tpu.memory_space<hbm>> -> memref<40x125xi32, #tpu.memory_space<hbm>>
      %dma_wait3A_84 = arith.constant 0 : i32
      %dma_wait3A_85 = tpu.memref_slice %arg4[%add3A_37, %dma_wait3A_84] : memref<2560x125xi32, #tpu.memory_space<hbm>> -> memref<40x125xi32, #tpu.memory_space<hbm>>
      tpu.wait_dma2 semaphore(%run_scoped3A : memref<!tpu.dma_semaphore, #tpu.memory_space<semaphore_mem>>) src(%dma_wait3A_85 : memref<40x125xi32, #tpu.memory_space<hbm>>) dst(%arg8 : memref<40x125xi32, #tpu.memory_space<vmem>>)
      tpu.yield
    }) : () -> ()
    %dma_start3A = arith.constant 0 : i32
    %dma_start3A_38 = arith.constant 0 : i32
    %dma_start3A_39 = tpu.memref_slice %arg7[%dma_start3A, %dma_start3A_38] : memref<40x125xi32, #tpu.memory_space<vmem>> -> memref<1x125xi32, #tpu.memory_space<vmem>>
    %dma_start3A_40 = tpu.memref_squeeze %dma_start3A_39 : memref<1x125xi32, #tpu.memory_space<vmem>> -> memref<125xi32, #tpu.memory_space<vmem>>
    %dma_start3A_41 = arith.constant 0 : i32
    %dma_start3A_42 = arith.constant 0 : i32
    %dma_start3A_43 = tpu.memref_slice %arg2[%dma_start3A_41, %dma_start3A_42] : memref<10000x128xf32, #tpu.memory_space<hbm>> -> memref<10000x128xf32, #tpu.memory_space<hbm>>
    tpu.enqueue_indirect_dma source(%dma_start3A_43 : memref<10000x128xf32, #tpu.memory_space<hbm>>) target(%arg9 : memref<125x128xf32, #tpu.memory_space<vmem>>) offsets(%dma_start3A_40 : memref<125xi32, #tpu.memory_space<vmem>>) semaphore(%arg11 : memref<!tpu.dma_semaphore, #tpu.memory_space<semaphore_mem>>)
    %scan3A_44 = arith.constant 0 : i32
    %scan3A_45 = arith.constant 0 : i32
    %scan3A_46 = arith.constant 20 : i32
    %scan3A_47 = arith.addi %scan3A_45, %scan3A_46 : i32
    %scan3A_48 = arith.constant 1 : i32
    %scan3A_49 = scf.for %scan3A_79 = %scan3A_45 to %scan3A_47 step %scan3A_48 iter_args(%scan3A_80 = %scan3A_44) -> (i32)  : i32 {
      %mul3A_81 = arith.constant 2 : i32
      %mul3A_82 = arith.muli %mul3A_81, %scan3A_79 : i32
      %add3A_83 = arith.constant 1 : i32
      %add3A_84 = arith.addi %mul3A_82, %add3A_83 : i32
      %dma_start3A_85 = arith.constant 0 : i32
      %dma_start3A_86 = tpu.memref_slice %arg7[%add3A_84, %dma_start3A_85] : memref<40x125xi32, #tpu.memory_space<vmem>> -> memref<1x125xi32, #tpu.memory_space<vmem>>
      %dma_start3A_87 = tpu.memref_squeeze %dma_start3A_86 : memref<1x125xi32, #tpu.memory_space<vmem>> -> memref<125xi32, #tpu.memory_space<vmem>>
      %dma_start3A_88 = arith.constant 0 : i32
      %dma_start3A_89 = arith.constant 0 : i32
      %dma_start3A_90 = tpu.memref_slice %arg2[%dma_start3A_88, %dma_start3A_89] : memref<10000x128xf32, #tpu.memory_space<hbm>> -> memref<10000x128xf32, #tpu.memory_space<hbm>>
      tpu.enqueue_indirect_dma source(%dma_start3A_90 : memref<10000x128xf32, #tpu.memory_space<hbm>>) target(%arg10 : memref<125x128xf32, #tpu.memory_space<vmem>>) offsets(%dma_start3A_87 : memref<125xi32, #tpu.memory_space<vmem>>) semaphore(%arg12 : memref<!tpu.dma_semaphore, #tpu.memory_space<semaphore_mem>>)
      %dma_wait3A = arith.constant 0 : i32
      %dma_wait3A_91 = tpu.memref_slice %arg7[%mul3A_82, %dma_wait3A] : memref<40x125xi32, #tpu.memory_space<vmem>> -> memref<1x125xi32, #tpu.memory_space<vmem>>
      %dma_wait3A_92 = tpu.memref_squeeze %dma_wait3A_91 : memref<1x125xi32, #tpu.memory_space<vmem>> -> memref<125xi32, #tpu.memory_space<vmem>>
      %dma_wait3A_93 = arith.constant 0 : i32
      %dma_wait3A_94 = arith.constant 0 : i32
      %dma_wait3A_95 = tpu.memref_slice %arg2[%dma_wait3A_93, %dma_wait3A_94] : memref<10000x128xf32, #tpu.memory_space<hbm>> -> memref<10000x128xf32, #tpu.memory_space<hbm>>
      tpu.wait_indirect_dma semaphore(%arg11 : memref<!tpu.dma_semaphore, #tpu.memory_space<semaphore_mem>>) src(%dma_wait3A_95 : memref<10000x128xf32, #tpu.memory_space<hbm>>) dst(%arg9 : memref<125x128xf32, #tpu.memory_space<vmem>>)
      "tpu.region"() ({
        %run_scoped3A = tpu.sem_alloc : memref<!tpu.dma_semaphore, #tpu.memory_space<semaphore_mem>>
        %dma_start3A_109 = arith.constant 0 : i32
        %dma_start3A_110 = tpu.memref_slice %arg8[%mul3A_82, %dma_start3A_109] : memref<40x125xi32, #tpu.memory_space<vmem>> -> memref<1x125xi32, #tpu.memory_space<vmem>>
        %dma_start3A_111 = tpu.memref_squeeze %dma_start3A_110 : memref<1x125xi32, #tpu.memory_space<vmem>> -> memref<125xi32, #tpu.memory_space<vmem>>
        %dma_start3A_112 = arith.constant 0 : i32
        %dma_start3A_113 = arith.constant 0 : i32
        %dma_start3A_114 = tpu.memref_slice %arg6[%dma_start3A_112, %dma_start3A_113] : memref<10000x128xf32, #tpu.memory_space<vmem_shared>> -> memref<10000x128xf32, #tpu.memory_space<vmem_shared>>
        tpu.enqueue_indirect_dma source(%arg9 : memref<125x128xf32, #tpu.memory_space<vmem>>) target(%dma_start3A_114 : memref<10000x128xf32, #tpu.memory_space<vmem_shared>>) offsets(%dma_start3A_111 : memref<125xi32, #tpu.memory_space<vmem>>) semaphore(%run_scoped3A : memref<!tpu.dma_semaphore, #tpu.memory_space<semaphore_mem>>) {add = true}
        %dma_wait3A_115 = arith.constant 0 : i32
        %dma_wait3A_116 = tpu.memref_slice %arg8[%mul3A_82, %dma_wait3A_115] : memref<40x125xi32, #tpu.memory_space<vmem>> -> memref<1x125xi32, #tpu.memory_space<vmem>>
        %dma_wait3A_117 = tpu.memref_squeeze %dma_wait3A_116 : memref<1x125xi32, #tpu.memory_space<vmem>> -> memref<125xi32, #tpu.memory_space<vmem>>
        %dma_wait3A_118 = arith.constant 0 : i32
        %dma_wait3A_119 = arith.constant 0 : i32
        %dma_wait3A_120 = tpu.memref_slice %arg6[%dma_wait3A_118, %dma_wait3A_119] : memref<10000x128xf32, #tpu.memory_space<vmem_shared>> -> memref<10000x128xf32, #tpu.memory_space<vmem_shared>>
        tpu.wait_indirect_dma semaphore(%run_scoped3A : memref<!tpu.dma_semaphore, #tpu.memory_space<semaphore_mem>>) src(%arg9 : memref<125x128xf32, #tpu.memory_space<vmem>>) dst(%dma_wait3A_120 : memref<10000x128xf32, #tpu.memory_space<vmem_shared>>)
        tpu.yield
      }) : () -> ()
      %add3A_96 = arith.constant 1 : i32
      %add3A_97 = arith.addi %add3A_84, %add3A_96 : i32
      %lt3A = arith.constant 40 : i32
      %lt3A_98 = arith.cmpi slt, %add3A_97, %lt3A : i32
      %convert_element_type3A_99 = arith.extui %lt3A_98 : i1 to i32
      %cond3A_100 = arith.constant 0 : i32
      %cond3A_101 = arith.cmpi ne, %convert_element_type3A_99, %cond3A_100 : i32
      scf.if %cond3A_101 {
        %add3A_109 = arith.constant 1 : i32
        %add3A_110 = arith.addi %add3A_84, %add3A_109 : i32
        %dma_start3A_111 = arith.constant 0 : i32
        %dma_start3A_112 = tpu.memref_slice %arg7[%add3A_110, %dma_start3A_111] : memref<40x125xi32, #tpu.memory_space<vmem>> -> memref<1x125xi32, #tpu.memory_space<vmem>>
        %dma_start3A_113 = tpu.memref_squeeze %dma_start3A_112 : memref<1x125xi32, #tpu.memory_space<vmem>> -> memref<125xi32, #tpu.memory_space<vmem>>
        %dma_start3A_114 = arith.constant 0 : i32
        %dma_start3A_115 = arith.constant 0 : i32
        %dma_start3A_116 = tpu.memref_slice %arg2[%dma_start3A_114, %dma_start3A_115] : memref<10000x128xf32, #tpu.memory_space<hbm>> -> memref<10000x128xf32, #tpu.memory_space<hbm>>
        tpu.enqueue_indirect_dma source(%dma_start3A_116 : memref<10000x128xf32, #tpu.memory_space<hbm>>) target(%arg9 : memref<125x128xf32, #tpu.memory_space<vmem>>) offsets(%dma_start3A_113 : memref<125xi32, #tpu.memory_space<vmem>>) semaphore(%arg11 : memref<!tpu.dma_semaphore, #tpu.memory_space<semaphore_mem>>)
      } else {
      }
      %dma_wait3A_102 = arith.constant 0 : i32
      %dma_wait3A_103 = tpu.memref_slice %arg7[%add3A_84, %dma_wait3A_102] : memref<40x125xi32, #tpu.memory_space<vmem>> -> memref<1x125xi32, #tpu.memory_space<vmem>>
      %dma_wait3A_104 = tpu.memref_squeeze %dma_wait3A_103 : memref<1x125xi32, #tpu.memory_space<vmem>> -> memref<125xi32, #tpu.memory_space<vmem>>
      %dma_wait3A_105 = arith.constant 0 : i32
      %dma_wait3A_106 = arith.constant 0 : i32
      %dma_wait3A_107 = tpu.memref_slice %arg2[%dma_wait3A_105, %dma_wait3A_106] : memref<10000x128xf32, #tpu.memory_space<hbm>> -> memref<10000x128xf32, #tpu.memory_space<hbm>>
      tpu.wait_indirect_dma semaphore(%arg12 : memref<!tpu.dma_semaphore, #tpu.memory_space<semaphore_mem>>) src(%dma_wait3A_107 : memref<10000x128xf32, #tpu.memory_space<hbm>>) dst(%arg10 : memref<125x128xf32, #tpu.memory_space<vmem>>)
      "tpu.region"() ({
        %run_scoped3A = tpu.sem_alloc : memref<!tpu.dma_semaphore, #tpu.memory_space<semaphore_mem>>
        %dma_start3A_109 = arith.constant 0 : i32
        %dma_start3A_110 = tpu.memref_slice %arg8[%add3A_84, %dma_start3A_109] : memref<40x125xi32, #tpu.memory_space<vmem>> -> memref<1x125xi32, #tpu.memory_space<vmem>>
        %dma_start3A_111 = tpu.memref_squeeze %dma_start3A_110 : memref<1x125xi32, #tpu.memory_space<vmem>> -> memref<125xi32, #tpu.memory_space<vmem>>
        %dma_start3A_112 = arith.constant 0 : i32
        %dma_start3A_113 = arith.constant 0 : i32
        %dma_start3A_114 = tpu.memref_slice %arg6[%dma_start3A_112, %dma_start3A_113] : memref<10000x128xf32, #tpu.memory_space<vmem_shared>> -> memref<10000x128xf32, #tpu.memory_space<vmem_shared>>
        tpu.enqueue_indirect_dma source(%arg10 : memref<125x128xf32, #tpu.memory_space<vmem>>) target(%dma_start3A_114 : memref<10000x128xf32, #tpu.memory_space<vmem_shared>>) offsets(%dma_start3A_111 : memref<125xi32, #tpu.memory_space<vmem>>) semaphore(%run_scoped3A : memref<!tpu.dma_semaphore, #tpu.memory_space<semaphore_mem>>) {add = true}
        %dma_wait3A_115 = arith.constant 0 : i32
        %dma_wait3A_116 = tpu.memref_slice %arg8[%add3A_84, %dma_wait3A_115] : memref<40x125xi32, #tpu.memory_space<vmem>> -> memref<1x125xi32, #tpu.memory_space<vmem>>
        %dma_wait3A_117 = tpu.memref_squeeze %dma_wait3A_116 : memref<1x125xi32, #tpu.memory_space<vmem>> -> memref<125xi32, #tpu.memory_space<vmem>>
        %dma_wait3A_118 = arith.constant 0 : i32
        %dma_wait3A_119 = arith.constant 0 : i32
        %dma_wait3A_120 = tpu.memref_slice %arg6[%dma_wait3A_118, %dma_wait3A_119] : memref<10000x128xf32, #tpu.memory_space<vmem_shared>> -> memref<10000x128xf32, #tpu.memory_space<vmem_shared>>
        tpu.wait_indirect_dma semaphore(%run_scoped3A : memref<!tpu.dma_semaphore, #tpu.memory_space<semaphore_mem>>) src(%arg10 : memref<125x128xf32, #tpu.memory_space<vmem>>) dst(%dma_wait3A_120 : memref<10000x128xf32, #tpu.memory_space<vmem_shared>>)
        tpu.yield
      }) : () -> ()
      %scan3A_108 = arith.constant 0 : i32
      scf.yield %scan3A_108 : i32
    }
    %scan3A_50 = arith.constant 20 : i32
    %mul3A_51 = arith.constant 80 : i32
    %mul3A_52 = arith.muli %add3A, %mul3A_51 : i32
    %add3A_53 = arith.constant 40 : i32
    %add3A_54 = arith.addi %mul3A_52, %add3A_53 : i32
    "tpu.region"() ({
      %run_scoped3A = tpu.sem_alloc : memref<!tpu.dma_semaphore, #tpu.memory_space<semaphore_mem>>
      %dma_start3A_79 = arith.constant 0 : i32
      %dma_start3A_80 = tpu.memref_slice %arg3[%add3A_54, %dma_start3A_79] : memref<2560x125xi32, #tpu.memory_space<hbm>> -> memref<40x125xi32, #tpu.memory_space<hbm>>
      %dma_start3A_81 = arith.constant 0 : i32
      %dma_start3A_82 = tpu.memref_slice %arg3[%add3A_54, %dma_start3A_81] : memref<2560x125xi32, #tpu.memory_space<hbm>> -> memref<40x125xi32, #tpu.memory_space<hbm>>
      tpu.enqueue_dma source(%dma_start3A_82 : memref<40x125xi32, #tpu.memory_space<hbm>>) target(%arg7 : memref<40x125xi32, #tpu.memory_space<vmem>>) target_semaphore(%run_scoped3A : memref<!tpu.dma_semaphore, #tpu.memory_space<semaphore_mem>>)
      %dma_wait3A = arith.constant 0 : i32
      %dma_wait3A_83 = tpu.memref_slice %arg3[%add3A_54, %dma_wait3A] : memref<2560x125xi32, #tpu.memory_space<hbm>> -> memref<40x125xi32, #tpu.memory_space<hbm>>
      %dma_wait3A_84 = arith.constant 0 : i32
      %dma_wait3A_85 = tpu.memref_slice %arg3[%add3A_54, %dma_wait3A_84] : memref<2560x125xi32, #tpu.memory_space<hbm>> -> memref<40x125xi32, #tpu.memory_space<hbm>>
      tpu.wait_dma2 semaphore(%run_scoped3A : memref<!tpu.dma_semaphore, #tpu.memory_space<semaphore_mem>>) src(%dma_wait3A_85 : memref<40x125xi32, #tpu.memory_space<hbm>>) dst(%arg7 : memref<40x125xi32, #tpu.memory_space<vmem>>)
      tpu.yield
    }) : () -> ()
    "tpu.region"() ({
      %run_scoped3A = tpu.sem_alloc : memref<!tpu.dma_semaphore, #tpu.memory_space<semaphore_mem>>
      %dma_start3A_79 = arith.constant 0 : i32
      %dma_start3A_80 = tpu.memref_slice %arg4[%add3A_54, %dma_start3A_79] : memref<2560x125xi32, #tpu.memory_space<hbm>> -> memref<40x125xi32, #tpu.memory_space<hbm>>
      %dma_start3A_81 = arith.constant 0 : i32
      %dma_start3A_82 = tpu.memref_slice %arg4[%add3A_54, %dma_start3A_81] : memref<2560x125xi32, #tpu.memory_space<hbm>> -> memref<40x125xi32, #tpu.memory_space<hbm>>
      tpu.enqueue_dma source(%dma_start3A_82 : memref<40x125xi32, #tpu.memory_space<hbm>>) target(%arg8 : memref<40x125xi32, #tpu.memory_space<vmem>>) target_semaphore(%run_scoped3A : memref<!tpu.dma_semaphore, #tpu.memory_space<semaphore_mem>>)
      %dma_wait3A = arith.constant 0 : i32
      %dma_wait3A_83 = tpu.memref_slice %arg4[%add3A_54, %dma_wait3A] : memref<2560x125xi32, #tpu.memory_space<hbm>> -> memref<40x125xi32, #tpu.memory_space<hbm>>
      %dma_wait3A_84 = arith.constant 0 : i32
      %dma_wait3A_85 = tpu.memref_slice %arg4[%add3A_54, %dma_wait3A_84] : memref<2560x125xi32, #tpu.memory_space<hbm>> -> memref<40x125xi32, #tpu.memory_space<hbm>>
      tpu.wait_dma2 semaphore(%run_scoped3A : memref<!tpu.dma_semaphore, #tpu.memory_space<semaphore_mem>>) src(%dma_wait3A_85 : memref<40x125xi32, #tpu.memory_space<hbm>>) dst(%arg8 : memref<40x125xi32, #tpu.memory_space<vmem>>)
      tpu.yield
    }) : () -> ()
    %dma_start3A_55 = arith.constant 0 : i32
    %dma_start3A_56 = arith.constant 0 : i32
    %dma_start3A_57 = tpu.memref_slice %arg7[%dma_start3A_55, %dma_start3A_56] : memref<40x125xi32, #tpu.memory_space<vmem>> -> memref<1x125xi32, #tpu.memory_space<vmem>>
    %dma_start3A_58 = tpu.memref_squeeze %dma_start3A_57 : memref<1x125xi32, #tpu.memory_space<vmem>> -> memref<125xi32, #tpu.memory_space<vmem>>
    %dma_start3A_59 = arith.constant 0 : i32
    %dma_start3A_60 = arith.constant 0 : i32
    %dma_start3A_61 = tpu.memref_slice %arg2[%dma_start3A_59, %dma_start3A_60] : memref<10000x128xf32, #tpu.memory_space<hbm>> -> memref<10000x128xf32, #tpu.memory_space<hbm>>
    tpu.enqueue_indirect_dma source(%dma_start3A_61 : memref<10000x128xf32, #tpu.memory_space<hbm>>) target(%arg9 : memref<125x128xf32, #tpu.memory_space<vmem>>) offsets(%dma_start3A_58 : memref<125xi32, #tpu.memory_space<vmem>>) semaphore(%arg11 : memref<!tpu.dma_semaphore, #tpu.memory_space<semaphore_mem>>)
    %scan3A_62 = arith.constant 0 : i32
    %scan3A_63 = arith.constant 0 : i32
    %scan3A_64 = arith.constant 20 : i32
    %scan3A_65 = arith.addi %scan3A_63, %scan3A_64 : i32
    %scan3A_66 = arith.constant 1 : i32
    %scan3A_67 = scf.for %scan3A_79 = %scan3A_63 to %scan3A_65 step %scan3A_66 iter_args(%scan3A_80 = %scan3A_62) -> (i32)  : i32 {
      %mul3A_81 = arith.constant 2 : i32
      %mul3A_82 = arith.muli %mul3A_81, %scan3A_79 : i32
      %add3A_83 = arith.constant 1 : i32
      %add3A_84 = arith.addi %mul3A_82, %add3A_83 : i32
      %dma_start3A_85 = arith.constant 0 : i32
      %dma_start3A_86 = tpu.memref_slice %arg7[%add3A_84, %dma_start3A_85] : memref<40x125xi32, #tpu.memory_space<vmem>> -> memref<1x125xi32, #tpu.memory_space<vmem>>
      %dma_start3A_87 = tpu.memref_squeeze %dma_start3A_86 : memref<1x125xi32, #tpu.memory_space<vmem>> -> memref<125xi32, #tpu.memory_space<vmem>>
      %dma_start3A_88 = arith.constant 0 : i32
      %dma_start3A_89 = arith.constant 0 : i32
      %dma_start3A_90 = tpu.memref_slice %arg2[%dma_start3A_88, %dma_start3A_89] : memref<10000x128xf32, #tpu.memory_space<hbm>> -> memref<10000x128xf32, #tpu.memory_space<hbm>>
      tpu.enqueue_indirect_dma source(%dma_start3A_90 : memref<10000x128xf32, #tpu.memory_space<hbm>>) target(%arg10 : memref<125x128xf32, #tpu.memory_space<vmem>>) offsets(%dma_start3A_87 : memref<125xi32, #tpu.memory_space<vmem>>) semaphore(%arg12 : memref<!tpu.dma_semaphore, #tpu.memory_space<semaphore_mem>>)
      %dma_wait3A = arith.constant 0 : i32
      %dma_wait3A_91 = tpu.memref_slice %arg7[%mul3A_82, %dma_wait3A] : memref<40x125xi32, #tpu.memory_space<vmem>> -> memref<1x125xi32, #tpu.memory_space<vmem>>
      %dma_wait3A_92 = tpu.memref_squeeze %dma_wait3A_91 : memref<1x125xi32, #tpu.memory_space<vmem>> -> memref<125xi32, #tpu.memory_space<vmem>>
      %dma_wait3A_93 = arith.constant 0 : i32
      %dma_wait3A_94 = arith.constant 0 : i32
      %dma_wait3A_95 = tpu.memref_slice %arg2[%dma_wait3A_93, %dma_wait3A_94] : memref<10000x128xf32, #tpu.memory_space<hbm>> -> memref<10000x128xf32, #tpu.memory_space<hbm>>
      tpu.wait_indirect_dma semaphore(%arg11 : memref<!tpu.dma_semaphore, #tpu.memory_space<semaphore_mem>>) src(%dma_wait3A_95 : memref<10000x128xf32, #tpu.memory_space<hbm>>) dst(%arg9 : memref<125x128xf32, #tpu.memory_space<vmem>>)
      "tpu.region"() ({
        %run_scoped3A = tpu.sem_alloc : memref<!tpu.dma_semaphore, #tpu.memory_space<semaphore_mem>>
        %dma_start3A_109 = arith.constant 0 : i32
        %dma_start3A_110 = tpu.memref_slice %arg8[%mul3A_82, %dma_start3A_109] : memref<40x125xi32, #tpu.memory_space<vmem>> -> memref<1x125xi32, #tpu.memory_space<vmem>>
        %dma_start3A_111 = tpu.memref_squeeze %dma_start3A_110 : memref<1x125xi32, #tpu.memory_space<vmem>> -> memref<125xi32, #tpu.memory_space<vmem>>
        %dma_start3A_112 = arith.constant 0 : i32
        %dma_start3A_113 = arith.constant 0 : i32
        %dma_start3A_114 = tpu.memref_slice %arg6[%dma_start3A_112, %dma_start3A_113] : memref<10000x128xf32, #tpu.memory_space<vmem_shared>> -> memref<10000x128xf32, #tpu.memory_space<vmem_shared>>
        tpu.enqueue_indirect_dma source(%arg9 : memref<125x128xf32, #tpu.memory_space<vmem>>) target(%dma_start3A_114 : memref<10000x128xf32, #tpu.memory_space<vmem_shared>>) offsets(%dma_start3A_111 : memref<125xi32, #tpu.memory_space<vmem>>) semaphore(%run_scoped3A : memref<!tpu.dma_semaphore, #tpu.memory_space<semaphore_mem>>) {add = true}
        %dma_wait3A_115 = arith.constant 0 : i32
        %dma_wait3A_116 = tpu.memref_slice %arg8[%mul3A_82, %dma_wait3A_115] : memref<40x125xi32, #tpu.memory_space<vmem>> -> memref<1x125xi32, #tpu.memory_space<vmem>>
        %dma_wait3A_117 = tpu.memref_squeeze %dma_wait3A_116 : memref<1x125xi32, #tpu.memory_space<vmem>> -> memref<125xi32, #tpu.memory_space<vmem>>
        %dma_wait3A_118 = arith.constant 0 : i32
        %dma_wait3A_119 = arith.constant 0 : i32
        %dma_wait3A_120 = tpu.memref_slice %arg6[%dma_wait3A_118, %dma_wait3A_119] : memref<10000x128xf32, #tpu.memory_space<vmem_shared>> -> memref<10000x128xf32, #tpu.memory_space<vmem_shared>>
        tpu.wait_indirect_dma semaphore(%run_scoped3A : memref<!tpu.dma_semaphore, #tpu.memory_space<semaphore_mem>>) src(%arg9 : memref<125x128xf32, #tpu.memory_space<vmem>>) dst(%dma_wait3A_120 : memref<10000x128xf32, #tpu.memory_space<vmem_shared>>)
        tpu.yield
      }) : () -> ()
      %add3A_96 = arith.constant 1 : i32
      %add3A_97 = arith.addi %add3A_84, %add3A_96 : i32
      %lt3A = arith.constant 40 : i32
      %lt3A_98 = arith.cmpi slt, %add3A_97, %lt3A : i32
      %convert_element_type3A_99 = arith.extui %lt3A_98 : i1 to i32
      %cond3A_100 = arith.constant 0 : i32
      %cond3A_101 = arith.cmpi ne, %convert_element_type3A_99, %cond3A_100 : i32
      scf.if %cond3A_101 {
        %add3A_109 = arith.constant 1 : i32
        %add3A_110 = arith.addi %add3A_84, %add3A_109 : i32
        %dma_start3A_111 = arith.constant 0 : i32
        %dma_start3A_112 = tpu.memref_slice %arg7[%add3A_110, %dma_start3A_111] : memref<40x125xi32, #tpu.memory_space<vmem>> -> memref<1x125xi32, #tpu.memory_space<vmem>>
        %dma_start3A_113 = tpu.memref_squeeze %dma_start3A_112 : memref<1x125xi32, #tpu.memory_space<vmem>> -> memref<125xi32, #tpu.memory_space<vmem>>
        %dma_start3A_114 = arith.constant 0 : i32
        %dma_start3A_115 = arith.constant 0 : i32
        %dma_start3A_116 = tpu.memref_slice %arg2[%dma_start3A_114, %dma_start3A_115] : memref<10000x128xf32, #tpu.memory_space<hbm>> -> memref<10000x128xf32, #tpu.memory_space<hbm>>
        tpu.enqueue_indirect_dma source(%dma_start3A_116 : memref<10000x128xf32, #tpu.memory_space<hbm>>) target(%arg9 : memref<125x128xf32, #tpu.memory_space<vmem>>) offsets(%dma_start3A_113 : memref<125xi32, #tpu.memory_space<vmem>>) semaphore(%arg11 : memref<!tpu.dma_semaphore, #tpu.memory_space<semaphore_mem>>)
      } else {
      }
      %dma_wait3A_102 = arith.constant 0 : i32
      %dma_wait3A_103 = tpu.memref_slice %arg7[%add3A_84, %dma_wait3A_102] : memref<40x125xi32, #tpu.memory_space<vmem>> -> memref<1x125xi32, #tpu.memory_space<vmem>>
      %dma_wait3A_104 = tpu.memref_squeeze %dma_wait3A_103 : memref<1x125xi32, #tpu.memory_space<vmem>> -> memref<125xi32, #tpu.memory_space<vmem>>
      %dma_wait3A_105 = arith.constant 0 : i32
      %dma_wait3A_106 = arith.constant 0 : i32
      %dma_wait3A_107 = tpu.memref_slice %arg2[%dma_wait3A_105, %dma_wait3A_106] : memref<10000x128xf32, #tpu.memory_space<hbm>> -> memref<10000x128xf32, #tpu.memory_space<hbm>>
      tpu.wait_indirect_dma semaphore(%arg12 : memref<!tpu.dma_semaphore, #tpu.memory_space<semaphore_mem>>) src(%dma_wait3A_107 : memref<10000x128xf32, #tpu.memory_space<hbm>>) dst(%arg10 : memref<125x128xf32, #tpu.memory_space<vmem>>)
      "tpu.region"() ({
        %run_scoped3A = tpu.sem_alloc : memref<!tpu.dma_semaphore, #tpu.memory_space<semaphore_mem>>
        %dma_start3A_109 = arith.constant 0 : i32
        %dma_start3A_110 = tpu.memref_slice %arg8[%add3A_84, %dma_start3A_109] : memref<40x125xi32, #tpu.memory_space<vmem>> -> memref<1x125xi32, #tpu.memory_space<vmem>>
        %dma_start3A_111 = tpu.memref_squeeze %dma_start3A_110 : memref<1x125xi32, #tpu.memory_space<vmem>> -> memref<125xi32, #tpu.memory_space<vmem>>
        %dma_start3A_112 = arith.constant 0 : i32
        %dma_start3A_113 = arith.constant 0 : i32
        %dma_start3A_114 = tpu.memref_slice %arg6[%dma_start3A_112, %dma_start3A_113] : memref<10000x128xf32, #tpu.memory_space<vmem_shared>> -> memref<10000x128xf32, #tpu.memory_space<vmem_shared>>
        tpu.enqueue_indirect_dma source(%arg10 : memref<125x128xf32, #tpu.memory_space<vmem>>) target(%dma_start3A_114 : memref<10000x128xf32, #tpu.memory_space<vmem_shared>>) offsets(%dma_start3A_111 : memref<125xi32, #tpu.memory_space<vmem>>) semaphore(%run_scoped3A : memref<!tpu.dma_semaphore, #tpu.memory_space<semaphore_mem>>) {add = true}
        %dma_wait3A_115 = arith.constant 0 : i32
        %dma_wait3A_116 = tpu.memref_slice %arg8[%add3A_84, %dma_wait3A_115] : memref<40x125xi32, #tpu.memory_space<vmem>> -> memref<1x125xi32, #tpu.memory_space<vmem>>
        %dma_wait3A_117 = tpu.memref_squeeze %dma_wait3A_116 : memref<1x125xi32, #tpu.memory_space<vmem>> -> memref<125xi32, #tpu.memory_space<vmem>>
        %dma_wait3A_118 = arith.constant 0 : i32
        %dma_wait3A_119 = arith.constant 0 : i32
        %dma_wait3A_120 = tpu.memref_slice %arg6[%dma_wait3A_118, %dma_wait3A_119] : memref<10000x128xf32, #tpu.memory_space<vmem_shared>> -> memref<10000x128xf32, #tpu.memory_space<vmem_shared>>
        tpu.wait_indirect_dma semaphore(%run_scoped3A : memref<!tpu.dma_semaphore, #tpu.memory_space<semaphore_mem>>) src(%arg10 : memref<125x128xf32, #tpu.memory_space<vmem>>) dst(%dma_wait3A_120 : memref<10000x128xf32, #tpu.memory_space<vmem_shared>>)
        tpu.yield
      }) : () -> ()
      %scan3A_108 = arith.constant 0 : i32
      scf.yield %scan3A_108 : i32
    }
    %scan3A_68 = arith.constant 20 : i32
    %barrier3A_69 = arith.constant 0 : index
    tpu.barrier barrier_id(%barrier3A_69)
    %mul3A_70 = arith.constant 624 : i32
    %mul3A_71 = arith.muli %arg1, %mul3A_70 : i32
    %mul3A_72 = arith.constant 624 : i32
    %mul3A_73 = arith.muli %arg1, %mul3A_72 : i32
    "tpu.region"() ({
      %run_scoped3A = tpu.sem_alloc : memref<!tpu.dma_semaphore, #tpu.memory_space<semaphore_mem>>
      %dma_start3A_79 = arith.constant 0 : i32
      %dma_start3A_80 = tpu.memref_slice %arg5[%arg0, %mul3A_73, %dma_start3A_79] : memref<2x10000x128xf32, #tpu.memory_space<hbm>> -> memref<1x624x128xf32, #tpu.memory_space<hbm>>
      %dma_start3A_81 = tpu.memref_squeeze %dma_start3A_80 : memref<1x624x128xf32, #tpu.memory_space<hbm>> -> memref<624x128xf32, #tpu.memory_space<hbm>>
      %dma_start3A_82 = arith.constant 0 : i32
      %dma_start3A_83 = tpu.memref_slice %arg6[%mul3A_71, %dma_start3A_82] : memref<10000x128xf32, #tpu.memory_space<vmem_shared>> -> memref<624x128xf32, #tpu.memory_space<vmem_shared>>
      tpu.enqueue_dma source(%dma_start3A_83 : memref<624x128xf32, #tpu.memory_space<vmem_shared>>) target(%dma_start3A_81 : memref<624x128xf32, #tpu.memory_space<hbm>>) target_semaphore(%run_scoped3A : memref<!tpu.dma_semaphore, #tpu.memory_space<semaphore_mem>>)
      %dma_wait3A = arith.constant 0 : i32
      %dma_wait3A_84 = tpu.memref_slice %arg5[%arg0, %mul3A_73, %dma_wait3A] : memref<2x10000x128xf32, #tpu.memory_space<hbm>> -> memref<1x624x128xf32, #tpu.memory_space<hbm>>
      %dma_wait3A_85 = tpu.memref_squeeze %dma_wait3A_84 : memref<1x624x128xf32, #tpu.memory_space<hbm>> -> memref<624x128xf32, #tpu.memory_space<hbm>>
      %dma_wait3A_86 = arith.constant 0 : i32
      %dma_wait3A_87 = tpu.memref_slice %arg6[%mul3A_71, %dma_wait3A_86] : memref<10000x128xf32, #tpu.memory_space<vmem_shared>> -> memref<624x128xf32, #tpu.memory_space<vmem_shared>>
      tpu.wait_dma2 semaphore(%run_scoped3A : memref<!tpu.dma_semaphore, #tpu.memory_space<semaphore_mem>>) src(%dma_wait3A_87 : memref<624x128xf32, #tpu.memory_space<vmem_shared>>) dst(%dma_wait3A_85 : memref<624x128xf32, #tpu.memory_space<hbm>>)
      tpu.yield
    }) : () -> ()
    %eq3A_74 = arith.constant 0 : i32
    %eq3A_75 = arith.cmpi eq, %arg1, %eq3A_74 : i32
    %convert_element_type3A_76 = arith.extui %eq3A_75 : i1 to i32
    %cond3A_77 = arith.constant 0 : i32
    %cond3A_78 = arith.cmpi ne, %convert_element_type3A_76, %cond3A_77 : i32
    scf.if %cond3A_78 {
      "tpu.region"() ({
        %run_scoped3A = tpu.sem_alloc : memref<!tpu.dma_semaphore, #tpu.memory_space<semaphore_mem>>
        %dma_start3A_79 = arith.constant 9984 : i32
        %dma_start3A_80 = arith.constant 0 : i32
        %dma_start3A_81 = tpu.memref_slice %arg5[%arg0, %dma_start3A_79, %dma_start3A_80] : memref<2x10000x128xf32, #tpu.memory_space<hbm>> -> memref<1x16x128xf32, #tpu.memory_space<hbm>>
        %dma_start3A_82 = tpu.memref_squeeze %dma_start3A_81 : memref<1x16x128xf32, #tpu.memory_space<hbm>> -> memref<16x128xf32, #tpu.memory_space<hbm>>
        %dma_start3A_83 = arith.constant 9984 : i32
        %dma_start3A_84 = arith.constant 0 : i32
        %dma_start3A_85 = tpu.memref_slice %arg6[%dma_start3A_83, %dma_start3A_84] : memref<10000x128xf32, #tpu.memory_space<vmem_shared>> -> memref<16x128xf32, #tpu.memory_space<vmem_shared>>
        tpu.enqueue_dma source(%dma_start3A_85 : memref<16x128xf32, #tpu.memory_space<vmem_shared>>) target(%dma_start3A_82 : memref<16x128xf32, #tpu.memory_space<hbm>>) target_semaphore(%run_scoped3A : memref<!tpu.dma_semaphore, #tpu.memory_space<semaphore_mem>>)
        %dma_wait3A = arith.constant 9984 : i32
        %dma_wait3A_86 = arith.constant 0 : i32
        %dma_wait3A_87 = tpu.memref_slice %arg5[%arg0, %dma_wait3A, %dma_wait3A_86] : memref<2x10000x128xf32, #tpu.memory_space<hbm>> -> memref<1x16x128xf32, #tpu.memory_space<hbm>>
        %dma_wait3A_88 = tpu.memref_squeeze %dma_wait3A_87 : memref<1x16x128xf32, #tpu.memory_space<hbm>> -> memref<16x128xf32, #tpu.memory_space<hbm>>
        %dma_wait3A_89 = arith.constant 9984 : i32
        %dma_wait3A_90 = arith.constant 0 : i32
        %dma_wait3A_91 = tpu.memref_slice %arg6[%dma_wait3A_89, %dma_wait3A_90] : memref<10000x128xf32, #tpu.memory_space<vmem_shared>> -> memref<16x128xf32, #tpu.memory_space<vmem_shared>>
        tpu.wait_dma2 semaphore(%run_scoped3A : memref<!tpu.dma_semaphore, #tpu.memory_space<semaphore_mem>>) src(%dma_wait3A_91 : memref<16x128xf32, #tpu.memory_space<vmem_shared>>) dst(%dma_wait3A_88 : memref<16x128xf32, #tpu.memory_space<hbm>>)
        tpu.yield
      }) : () -> ()
    } else {
    }
    return
  }
}

#map = affine_map<(d0, d1) -> (0, 0)>
#map1 = affine_map<(d0, d1) -> (0, 0, 0)>
module attributes {stable_mosaic.version = 14 : i64} {
  func.func @deg_kernel(%arg0: i32, %arg1: i32, %arg2: memref<2560x125xi32, #tpu.memory_space<hbm>>, %arg3: memref<2x10000x16xf32, #tpu.memory_space<hbm>>, %arg4: memref<10000x16xf32, #tpu.memory_space<vmem_shared>>, %arg5: memref<80x125xi32, #tpu.memory_space<vmem>>, %arg6: memref<125x16xf32, #tpu.memory_space<vmem>>, %arg7: memref<104x16xf32, #tpu.memory_space<vmem>>) attributes {dimension_semantics = [#tpu.dimension_semantics<core_parallel>, #tpu.dimension_semantics<subcore_parallel>], iteration_bounds = array<i64: 2, 16>, scalar_prefetch = 0 : i64, scratch_operands = 4 : i64, tpu.core_type = #tpu.core_type<sc_vector_subcore>, window_params = [{transform_indices = #map}, {transform_indices = #map1}]} {
    %mul3A = arith.constant 16 : i32
    %mul3A_0 = arith.muli %arg0, %mul3A : i32
    %add3A = arith.addi %mul3A_0, %arg1 : i32
    %broadcast_in_dim3A = arith.constant 1.000000e+00 : f32
    %broadcast_in_dim3A_1 = vector.broadcast %broadcast_in_dim3A : f32 to vector<16xf32>
    %broadcast_in_dim3A_2 = arith.constant 0.000000e+00 : f32
    %broadcast_in_dim3A_3 = vector.broadcast %broadcast_in_dim3A_2 : f32 to vector<16xf32>
    %scan3A = arith.constant 0 : i32
    %scan3A_4 = arith.constant 0 : i32
    %scan3A_5 = arith.constant 125 : i32
    %scan3A_6 = arith.addi %scan3A_4, %scan3A_5 : i32
    %scan3A_7 = arith.constant 1 : i32
    %scan3A_8 = scf.for %scan3A_62 = %scan3A_4 to %scan3A_6 step %scan3A_7 iter_args(%scan3A_63 = %scan3A) -> (i32)  : i32 {
      %swap3A = arith.index_cast %scan3A_62 : i32 to index
      %swap3A_64 = arith.constant 0 : index
      %swap3A_65 = tpu.vector_load %arg6[%swap3A, %swap3A_64] {strides = array<i32>} : memref<125x16xf32, #tpu.memory_space<vmem>>, vector<1x16xf32>,
      %swap3A_66 = vector.shape_cast %swap3A_65 : vector<1x16xf32> to vector<16xf32>
      %swap3A_67 = vector.shape_cast %broadcast_in_dim3A_1 : vector<16xf32> to vector<1x16xf32>
      tpu.vector_store %arg6[%swap3A, %swap3A_64], %swap3A_67 {strides = array<i32>} : memref<125x16xf32, #tpu.memory_space<vmem>>, vector<1x16xf32>,
      %scan3A_68 = arith.constant 0 : i32
      scf.yield %scan3A_68 : i32
    }
    %scan3A_9 = arith.constant 125 : i32
    %scan3A_10 = arith.constant 0 : i32
    %scan3A_11 = arith.constant 0 : i32
    %scan3A_12 = arith.constant 104 : i32
    %scan3A_13 = arith.addi %scan3A_11, %scan3A_12 : i32
    %scan3A_14 = arith.constant 1 : i32
    %scan3A_15 = scf.for %scan3A_62 = %scan3A_11 to %scan3A_13 step %scan3A_14 iter_args(%scan3A_63 = %scan3A_10) -> (i32)  : i32 {
      %swap3A = arith.index_cast %scan3A_62 : i32 to index
      %swap3A_64 = arith.constant 0 : index
      %swap3A_65 = tpu.vector_load %arg7[%swap3A, %swap3A_64] {strides = array<i32>} : memref<104x16xf32, #tpu.memory_space<vmem>>, vector<1x16xf32>,
      %swap3A_66 = vector.shape_cast %swap3A_65 : vector<1x16xf32> to vector<16xf32>
      %swap3A_67 = vector.shape_cast %broadcast_in_dim3A_3 : vector<16xf32> to vector<1x16xf32>
      tpu.vector_store %arg7[%swap3A, %swap3A_64], %swap3A_67 {strides = array<i32>} : memref<104x16xf32, #tpu.memory_space<vmem>>, vector<1x16xf32>,
      %scan3A_68 = arith.constant 0 : i32
      scf.yield %scan3A_68 : i32
    }
    %scan3A_16 = arith.constant 104 : i32
    %mul3A_17 = arith.constant 624 : i32
    %mul3A_18 = arith.muli %arg1, %mul3A_17 : i32
    %add3A_19 = arith.constant 0 : i32
    %add3A_20 = arith.addi %mul3A_18, %add3A_19 : i32
    "tpu.region"() ({
      %run_scoped3A = tpu.sem_alloc : memref<!tpu.dma_semaphore, #tpu.memory_space<semaphore_mem>>
      %dma_start3A = arith.constant 0 : i32
      %dma_start3A_62 = tpu.memref_slice %arg4[%add3A_20, %dma_start3A] : memref<10000x16xf32, #tpu.memory_space<vmem_shared>> -> memref<104x16xf32, #tpu.memory_space<vmem_shared>>
      %dma_start3A_63 = arith.constant 0 : i32
      %dma_start3A_64 = tpu.memref_slice %arg4[%add3A_20, %dma_start3A_63] : memref<10000x16xf32, #tpu.memory_space<vmem_shared>> -> memref<104x16xf32, #tpu.memory_space<vmem_shared>>
      tpu.enqueue_dma source(%arg7 : memref<104x16xf32, #tpu.memory_space<vmem>>) target(%dma_start3A_64 : memref<104x16xf32, #tpu.memory_space<vmem_shared>>) target_semaphore(%run_scoped3A : memref<!tpu.dma_semaphore, #tpu.memory_space<semaphore_mem>>)
      %dma_wait3A = arith.constant 0 : i32
      %dma_wait3A_65 = tpu.memref_slice %arg4[%add3A_20, %dma_wait3A] : memref<10000x16xf32, #tpu.memory_space<vmem_shared>> -> memref<104x16xf32, #tpu.memory_space<vmem_shared>>
      %dma_wait3A_66 = arith.constant 0 : i32
      %dma_wait3A_67 = tpu.memref_slice %arg4[%add3A_20, %dma_wait3A_66] : memref<10000x16xf32, #tpu.memory_space<vmem_shared>> -> memref<104x16xf32, #tpu.memory_space<vmem_shared>>
      tpu.wait_dma2 semaphore(%run_scoped3A : memref<!tpu.dma_semaphore, #tpu.memory_space<semaphore_mem>>) src(%arg7 : memref<104x16xf32, #tpu.memory_space<vmem>>) dst(%dma_wait3A_67 : memref<104x16xf32, #tpu.memory_space<vmem_shared>>)
      tpu.yield
    }) : () -> ()
    %mul3A_21 = arith.constant 624 : i32
    %mul3A_22 = arith.muli %arg1, %mul3A_21 : i32
    %add3A_23 = arith.constant 104 : i32
    %add3A_24 = arith.addi %mul3A_22, %add3A_23 : i32
    "tpu.region"() ({
      %run_scoped3A = tpu.sem_alloc : memref<!tpu.dma_semaphore, #tpu.memory_space<semaphore_mem>>
      %dma_start3A = arith.constant 0 : i32
      %dma_start3A_62 = tpu.memref_slice %arg4[%add3A_24, %dma_start3A] : memref<10000x16xf32, #tpu.memory_space<vmem_shared>> -> memref<104x16xf32, #tpu.memory_space<vmem_shared>>
      %dma_start3A_63 = arith.constant 0 : i32
      %dma_start3A_64 = tpu.memref_slice %arg4[%add3A_24, %dma_start3A_63] : memref<10000x16xf32, #tpu.memory_space<vmem_shared>> -> memref<104x16xf32, #tpu.memory_space<vmem_shared>>
      tpu.enqueue_dma source(%arg7 : memref<104x16xf32, #tpu.memory_space<vmem>>) target(%dma_start3A_64 : memref<104x16xf32, #tpu.memory_space<vmem_shared>>) target_semaphore(%run_scoped3A : memref<!tpu.dma_semaphore, #tpu.memory_space<semaphore_mem>>)
      %dma_wait3A = arith.constant 0 : i32
      %dma_wait3A_65 = tpu.memref_slice %arg4[%add3A_24, %dma_wait3A] : memref<10000x16xf32, #tpu.memory_space<vmem_shared>> -> memref<104x16xf32, #tpu.memory_space<vmem_shared>>
      %dma_wait3A_66 = arith.constant 0 : i32
      %dma_wait3A_67 = tpu.memref_slice %arg4[%add3A_24, %dma_wait3A_66] : memref<10000x16xf32, #tpu.memory_space<vmem_shared>> -> memref<104x16xf32, #tpu.memory_space<vmem_shared>>
      tpu.wait_dma2 semaphore(%run_scoped3A : memref<!tpu.dma_semaphore, #tpu.memory_space<semaphore_mem>>) src(%arg7 : memref<104x16xf32, #tpu.memory_space<vmem>>) dst(%dma_wait3A_67 : memref<104x16xf32, #tpu.memory_space<vmem_shared>>)
      tpu.yield
    }) : () -> ()
    %mul3A_25 = arith.constant 624 : i32
    %mul3A_26 = arith.muli %arg1, %mul3A_25 : i32
    %add3A_27 = arith.constant 208 : i32
    %add3A_28 = arith.addi %mul3A_26, %add3A_27 : i32
    "tpu.region"() ({
      %run_scoped3A = tpu.sem_alloc : memref<!tpu.dma_semaphore, #tpu.memory_space<semaphore_mem>>
      %dma_start3A = arith.constant 0 : i32
      %dma_start3A_62 = tpu.memref_slice %arg4[%add3A_28, %dma_start3A] : memref<10000x16xf32, #tpu.memory_space<vmem_shared>> -> memref<104x16xf32, #tpu.memory_space<vmem_shared>>
      %dma_start3A_63 = arith.constant 0 : i32
      %dma_start3A_64 = tpu.memref_slice %arg4[%add3A_28, %dma_start3A_63] : memref<10000x16xf32, #tpu.memory_space<vmem_shared>> -> memref<104x16xf32, #tpu.memory_space<vmem_shared>>
      tpu.enqueue_dma source(%arg7 : memref<104x16xf32, #tpu.memory_space<vmem>>) target(%dma_start3A_64 : memref<104x16xf32, #tpu.memory_space<vmem_shared>>) target_semaphore(%run_scoped3A : memref<!tpu.dma_semaphore, #tpu.memory_space<semaphore_mem>>)
      %dma_wait3A = arith.constant 0 : i32
      %dma_wait3A_65 = tpu.memref_slice %arg4[%add3A_28, %dma_wait3A] : memref<10000x16xf32, #tpu.memory_space<vmem_shared>> -> memref<104x16xf32, #tpu.memory_space<vmem_shared>>
      %dma_wait3A_66 = arith.constant 0 : i32
      %dma_wait3A_67 = tpu.memref_slice %arg4[%add3A_28, %dma_wait3A_66] : memref<10000x16xf32, #tpu.memory_space<vmem_shared>> -> memref<104x16xf32, #tpu.memory_space<vmem_shared>>
      tpu.wait_dma2 semaphore(%run_scoped3A : memref<!tpu.dma_semaphore, #tpu.memory_space<semaphore_mem>>) src(%arg7 : memref<104x16xf32, #tpu.memory_space<vmem>>) dst(%dma_wait3A_67 : memref<104x16xf32, #tpu.memory_space<vmem_shared>>)
      tpu.yield
    }) : () -> ()
    %mul3A_29 = arith.constant 624 : i32
    %mul3A_30 = arith.muli %arg1, %mul3A_29 : i32
    %add3A_31 = arith.constant 312 : i32
    %add3A_32 = arith.addi %mul3A_30, %add3A_31 : i32
    "tpu.region"() ({
      %run_scoped3A = tpu.sem_alloc : memref<!tpu.dma_semaphore, #tpu.memory_space<semaphore_mem>>
      %dma_start3A = arith.constant 0 : i32
      %dma_start3A_62 = tpu.memref_slice %arg4[%add3A_32, %dma_start3A] : memref<10000x16xf32, #tpu.memory_space<vmem_shared>> -> memref<104x16xf32, #tpu.memory_space<vmem_shared>>
      %dma_start3A_63 = arith.constant 0 : i32
      %dma_start3A_64 = tpu.memref_slice %arg4[%add3A_32, %dma_start3A_63] : memref<10000x16xf32, #tpu.memory_space<vmem_shared>> -> memref<104x16xf32, #tpu.memory_space<vmem_shared>>
      tpu.enqueue_dma source(%arg7 : memref<104x16xf32, #tpu.memory_space<vmem>>) target(%dma_start3A_64 : memref<104x16xf32, #tpu.memory_space<vmem_shared>>) target_semaphore(%run_scoped3A : memref<!tpu.dma_semaphore, #tpu.memory_space<semaphore_mem>>)
      %dma_wait3A = arith.constant 0 : i32
      %dma_wait3A_65 = tpu.memref_slice %arg4[%add3A_32, %dma_wait3A] : memref<10000x16xf32, #tpu.memory_space<vmem_shared>> -> memref<104x16xf32, #tpu.memory_space<vmem_shared>>
      %dma_wait3A_66 = arith.constant 0 : i32
      %dma_wait3A_67 = tpu.memref_slice %arg4[%add3A_32, %dma_wait3A_66] : memref<10000x16xf32, #tpu.memory_space<vmem_shared>> -> memref<104x16xf32, #tpu.memory_space<vmem_shared>>
      tpu.wait_dma2 semaphore(%run_scoped3A : memref<!tpu.dma_semaphore, #tpu.memory_space<semaphore_mem>>) src(%arg7 : memref<104x16xf32, #tpu.memory_space<vmem>>) dst(%dma_wait3A_67 : memref<104x16xf32, #tpu.memory_space<vmem_shared>>)
      tpu.yield
    }) : () -> ()
    %mul3A_33 = arith.constant 624 : i32
    %mul3A_34 = arith.muli %arg1, %mul3A_33 : i32
    %add3A_35 = arith.constant 416 : i32
    %add3A_36 = arith.addi %mul3A_34, %add3A_35 : i32
    "tpu.region"() ({
      %run_scoped3A = tpu.sem_alloc : memref<!tpu.dma_semaphore, #tpu.memory_space<semaphore_mem>>
      %dma_start3A = arith.constant 0 : i32
      %dma_start3A_62 = tpu.memref_slice %arg4[%add3A_36, %dma_start3A] : memref<10000x16xf32, #tpu.memory_space<vmem_shared>> -> memref<104x16xf32, #tpu.memory_space<vmem_shared>>
      %dma_start3A_63 = arith.constant 0 : i32
      %dma_start3A_64 = tpu.memref_slice %arg4[%add3A_36, %dma_start3A_63] : memref<10000x16xf32, #tpu.memory_space<vmem_shared>> -> memref<104x16xf32, #tpu.memory_space<vmem_shared>>
      tpu.enqueue_dma source(%arg7 : memref<104x16xf32, #tpu.memory_space<vmem>>) target(%dma_start3A_64 : memref<104x16xf32, #tpu.memory_space<vmem_shared>>) target_semaphore(%run_scoped3A : memref<!tpu.dma_semaphore, #tpu.memory_space<semaphore_mem>>)
      %dma_wait3A = arith.constant 0 : i32
      %dma_wait3A_65 = tpu.memref_slice %arg4[%add3A_36, %dma_wait3A] : memref<10000x16xf32, #tpu.memory_space<vmem_shared>> -> memref<104x16xf32, #tpu.memory_space<vmem_shared>>
      %dma_wait3A_66 = arith.constant 0 : i32
      %dma_wait3A_67 = tpu.memref_slice %arg4[%add3A_36, %dma_wait3A_66] : memref<10000x16xf32, #tpu.memory_space<vmem_shared>> -> memref<104x16xf32, #tpu.memory_space<vmem_shared>>
      tpu.wait_dma2 semaphore(%run_scoped3A : memref<!tpu.dma_semaphore, #tpu.memory_space<semaphore_mem>>) src(%arg7 : memref<104x16xf32, #tpu.memory_space<vmem>>) dst(%dma_wait3A_67 : memref<104x16xf32, #tpu.memory_space<vmem_shared>>)
      tpu.yield
    }) : () -> ()
    %mul3A_37 = arith.constant 624 : i32
    %mul3A_38 = arith.muli %arg1, %mul3A_37 : i32
    %add3A_39 = arith.constant 520 : i32
    %add3A_40 = arith.addi %mul3A_38, %add3A_39 : i32
    "tpu.region"() ({
      %run_scoped3A = tpu.sem_alloc : memref<!tpu.dma_semaphore, #tpu.memory_space<semaphore_mem>>
      %dma_start3A = arith.constant 0 : i32
      %dma_start3A_62 = tpu.memref_slice %arg4[%add3A_40, %dma_start3A] : memref<10000x16xf32, #tpu.memory_space<vmem_shared>> -> memref<104x16xf32, #tpu.memory_space<vmem_shared>>
      %dma_start3A_63 = arith.constant 0 : i32
      %dma_start3A_64 = tpu.memref_slice %arg4[%add3A_40, %dma_start3A_63] : memref<10000x16xf32, #tpu.memory_space<vmem_shared>> -> memref<104x16xf32, #tpu.memory_space<vmem_shared>>
      tpu.enqueue_dma source(%arg7 : memref<104x16xf32, #tpu.memory_space<vmem>>) target(%dma_start3A_64 : memref<104x16xf32, #tpu.memory_space<vmem_shared>>) target_semaphore(%run_scoped3A : memref<!tpu.dma_semaphore, #tpu.memory_space<semaphore_mem>>)
      %dma_wait3A = arith.constant 0 : i32
      %dma_wait3A_65 = tpu.memref_slice %arg4[%add3A_40, %dma_wait3A] : memref<10000x16xf32, #tpu.memory_space<vmem_shared>> -> memref<104x16xf32, #tpu.memory_space<vmem_shared>>
      %dma_wait3A_66 = arith.constant 0 : i32
      %dma_wait3A_67 = tpu.memref_slice %arg4[%add3A_40, %dma_wait3A_66] : memref<10000x16xf32, #tpu.memory_space<vmem_shared>> -> memref<104x16xf32, #tpu.memory_space<vmem_shared>>
      tpu.wait_dma2 semaphore(%run_scoped3A : memref<!tpu.dma_semaphore, #tpu.memory_space<semaphore_mem>>) src(%arg7 : memref<104x16xf32, #tpu.memory_space<vmem>>) dst(%dma_wait3A_67 : memref<104x16xf32, #tpu.memory_space<vmem_shared>>)
      tpu.yield
    }) : () -> ()
    %eq3A = arith.constant 0 : i32
    %eq3A_41 = arith.cmpi eq, %arg1, %eq3A : i32
    %convert_element_type3A = arith.extui %eq3A_41 : i1 to i32
    %cond3A = arith.constant 0 : i32
    %cond3A_42 = arith.cmpi ne, %convert_element_type3A, %cond3A : i32
    scf.if %cond3A_42 {
      "tpu.region"() ({
        %run_scoped3A = tpu.sem_alloc : memref<!tpu.dma_semaphore, #tpu.memory_space<semaphore_mem>>
        %dma_start3A = arith.constant 0 : i32
        %dma_start3A_62 = arith.constant 0 : i32
        %dma_start3A_63 = tpu.memref_slice %arg7[%dma_start3A, %dma_start3A_62] : memref<104x16xf32, #tpu.memory_space<vmem>> -> memref<16x16xf32, #tpu.memory_space<vmem>>
        %dma_start3A_64 = arith.constant 9984 : i32
        %dma_start3A_65 = arith.constant 0 : i32
        %dma_start3A_66 = tpu.memref_slice %arg4[%dma_start3A_64, %dma_start3A_65] : memref<10000x16xf32, #tpu.memory_space<vmem_shared>> -> memref<16x16xf32, #tpu.memory_space<vmem_shared>>
        %dma_start3A_67 = arith.constant 9984 : i32
        %dma_start3A_68 = arith.constant 0 : i32
        %dma_start3A_69 = tpu.memref_slice %arg4[%dma_start3A_67, %dma_start3A_68] : memref<10000x16xf32, #tpu.memory_space<vmem_shared>> -> memref<16x16xf32, #tpu.memory_space<vmem_shared>>
        %dma_start3A_70 = arith.constant 0 : i32
        %dma_start3A_71 = arith.constant 0 : i32
        %dma_start3A_72 = tpu.memref_slice %arg7[%dma_start3A_70, %dma_start3A_71] : memref<104x16xf32, #tpu.memory_space<vmem>> -> memref<16x16xf32, #tpu.memory_space<vmem>>
        tpu.enqueue_dma source(%dma_start3A_72 : memref<16x16xf32, #tpu.memory_space<vmem>>) target(%dma_start3A_69 : memref<16x16xf32, #tpu.memory_space<vmem_shared>>) target_semaphore(%run_scoped3A : memref<!tpu.dma_semaphore, #tpu.memory_space<semaphore_mem>>)
        %dma_wait3A = arith.constant 0 : i32
        %dma_wait3A_73 = arith.constant 0 : i32
        %dma_wait3A_74 = tpu.memref_slice %arg7[%dma_wait3A, %dma_wait3A_73] : memref<104x16xf32, #tpu.memory_space<vmem>> -> memref<16x16xf32, #tpu.memory_space<vmem>>
        %dma_wait3A_75 = arith.constant 9984 : i32
        %dma_wait3A_76 = arith.constant 0 : i32
        %dma_wait3A_77 = tpu.memref_slice %arg4[%dma_wait3A_75, %dma_wait3A_76] : memref<10000x16xf32, #tpu.memory_space<vmem_shared>> -> memref<16x16xf32, #tpu.memory_space<vmem_shared>>
        %dma_wait3A_78 = arith.constant 9984 : i32
        %dma_wait3A_79 = arith.constant 0 : i32
        %dma_wait3A_80 = tpu.memref_slice %arg4[%dma_wait3A_78, %dma_wait3A_79] : memref<10000x16xf32, #tpu.memory_space<vmem_shared>> -> memref<16x16xf32, #tpu.memory_space<vmem_shared>>
        %dma_wait3A_81 = arith.constant 0 : i32
        %dma_wait3A_82 = arith.constant 0 : i32
        %dma_wait3A_83 = tpu.memref_slice %arg7[%dma_wait3A_81, %dma_wait3A_82] : memref<104x16xf32, #tpu.memory_space<vmem>> -> memref<16x16xf32, #tpu.memory_space<vmem>>
        tpu.wait_dma2 semaphore(%run_scoped3A : memref<!tpu.dma_semaphore, #tpu.memory_space<semaphore_mem>>) src(%dma_wait3A_83 : memref<16x16xf32, #tpu.memory_space<vmem>>) dst(%dma_wait3A_80 : memref<16x16xf32, #tpu.memory_space<vmem_shared>>)
        tpu.yield
      }) : () -> ()
    } else {
    }
    %mul3A_43 = arith.constant 80 : i32
    %mul3A_44 = arith.muli %add3A, %mul3A_43 : i32
    "tpu.region"() ({
      %run_scoped3A = tpu.sem_alloc : memref<!tpu.dma_semaphore, #tpu.memory_space<semaphore_mem>>
      %dma_start3A = arith.constant 0 : i32
      %dma_start3A_62 = tpu.memref_slice %arg2[%mul3A_44, %dma_start3A] : memref<2560x125xi32, #tpu.memory_space<hbm>> -> memref<80x125xi32, #tpu.memory_space<hbm>>
      %dma_start3A_63 = arith.constant 0 : i32
      %dma_start3A_64 = tpu.memref_slice %arg2[%mul3A_44, %dma_start3A_63] : memref<2560x125xi32, #tpu.memory_space<hbm>> -> memref<80x125xi32, #tpu.memory_space<hbm>>
      tpu.enqueue_dma source(%dma_start3A_64 : memref<80x125xi32, #tpu.memory_space<hbm>>) target(%arg5 : memref<80x125xi32, #tpu.memory_space<vmem>>) target_semaphore(%run_scoped3A : memref<!tpu.dma_semaphore, #tpu.memory_space<semaphore_mem>>)
      %dma_wait3A = arith.constant 0 : i32
      %dma_wait3A_65 = tpu.memref_slice %arg2[%mul3A_44, %dma_wait3A] : memref<2560x125xi32, #tpu.memory_space<hbm>> -> memref<80x125xi32, #tpu.memory_space<hbm>>
      %dma_wait3A_66 = arith.constant 0 : i32
      %dma_wait3A_67 = tpu.memref_slice %arg2[%mul3A_44, %dma_wait3A_66] : memref<2560x125xi32, #tpu.memory_space<hbm>> -> memref<80x125xi32, #tpu.memory_space<hbm>>
      tpu.wait_dma2 semaphore(%run_scoped3A : memref<!tpu.dma_semaphore, #tpu.memory_space<semaphore_mem>>) src(%dma_wait3A_67 : memref<80x125xi32, #tpu.memory_space<hbm>>) dst(%arg5 : memref<80x125xi32, #tpu.memory_space<vmem>>)
      tpu.yield
    }) : () -> ()
    %barrier3A = arith.constant 0 : index
    tpu.barrier barrier_id(%barrier3A)
    %scan3A_45 = arith.constant 0 : i32
    %scan3A_46 = arith.constant 0 : i32
    %scan3A_47 = arith.constant 80 : i32
    %scan3A_48 = arith.addi %scan3A_46, %scan3A_47 : i32
    %scan3A_49 = arith.constant 1 : i32
    %scan3A_50 = scf.for %scan3A_62 = %scan3A_46 to %scan3A_48 step %scan3A_49 iter_args(%scan3A_63 = %scan3A_45) -> (i32)  : i32 {
      "tpu.region"() ({
        %run_scoped3A = tpu.sem_alloc : memref<!tpu.dma_semaphore, #tpu.memory_space<semaphore_mem>>
        %dma_start3A = arith.constant 0 : i32
        %dma_start3A_65 = tpu.memref_slice %arg5[%scan3A_62, %dma_start3A] : memref<80x125xi32, #tpu.memory_space<vmem>> -> memref<1x125xi32, #tpu.memory_space<vmem>>
        %dma_start3A_66 = tpu.memref_squeeze %dma_start3A_65 : memref<1x125xi32, #tpu.memory_space<vmem>> -> memref<125xi32, #tpu.memory_space<vmem>>
        %dma_start3A_67 = arith.constant 0 : i32
        %dma_start3A_68 = arith.constant 0 : i32
        %dma_start3A_69 = tpu.memref_slice %arg4[%dma_start3A_67, %dma_start3A_68] : memref<10000x16xf32, #tpu.memory_space<vmem_shared>> -> memref<10000x16xf32, #tpu.memory_space<vmem_shared>>
        tpu.enqueue_indirect_dma source(%arg6 : memref<125x16xf32, #tpu.memory_space<vmem>>) target(%dma_start3A_69 : memref<10000x16xf32, #tpu.memory_space<vmem_shared>>) offsets(%dma_start3A_66 : memref<125xi32, #tpu.memory_space<vmem>>) semaphore(%run_scoped3A : memref<!tpu.dma_semaphore, #tpu.memory_space<semaphore_mem>>) {add = true}
        %dma_wait3A = arith.constant 0 : i32
        %dma_wait3A_70 = tpu.memref_slice %arg5[%scan3A_62, %dma_wait3A] : memref<80x125xi32, #tpu.memory_space<vmem>> -> memref<1x125xi32, #tpu.memory_space<vmem>>
        %dma_wait3A_71 = tpu.memref_squeeze %dma_wait3A_70 : memref<1x125xi32, #tpu.memory_space<vmem>> -> memref<125xi32, #tpu.memory_space<vmem>>
        %dma_wait3A_72 = arith.constant 0 : i32
        %dma_wait3A_73 = arith.constant 0 : i32
        %dma_wait3A_74 = tpu.memref_slice %arg4[%dma_wait3A_72, %dma_wait3A_73] : memref<10000x16xf32, #tpu.memory_space<vmem_shared>> -> memref<10000x16xf32, #tpu.memory_space<vmem_shared>>
        tpu.wait_indirect_dma semaphore(%run_scoped3A : memref<!tpu.dma_semaphore, #tpu.memory_space<semaphore_mem>>) src(%arg6 : memref<125x16xf32, #tpu.memory_space<vmem>>) dst(%dma_wait3A_74 : memref<10000x16xf32, #tpu.memory_space<vmem_shared>>)
        tpu.yield
      }) : () -> ()
      %scan3A_64 = arith.constant 0 : i32
      scf.yield %scan3A_64 : i32
    }
    %scan3A_51 = arith.constant 80 : i32
    %barrier3A_52 = arith.constant 0 : index
    tpu.barrier barrier_id(%barrier3A_52)
    %mul3A_53 = arith.constant 624 : i32
    %mul3A_54 = arith.muli %arg1, %mul3A_53 : i32
    %mul3A_55 = arith.constant 624 : i32
    %mul3A_56 = arith.muli %arg1, %mul3A_55 : i32
    "tpu.region"() ({
      %run_scoped3A = tpu.sem_alloc : memref<!tpu.dma_semaphore, #tpu.memory_space<semaphore_mem>>
      %dma_start3A = arith.constant 0 : i32
      %dma_start3A_62 = tpu.memref_slice %arg3[%arg0, %mul3A_56, %dma_start3A] : memref<2x10000x16xf32, #tpu.memory_space<hbm>> -> memref<1x624x16xf32, #tpu.memory_space<hbm>>
      %dma_start3A_63 = tpu.memref_squeeze %dma_start3A_62 : memref<1x624x16xf32, #tpu.memory_space<hbm>> -> memref<624x16xf32, #tpu.memory_space<hbm>>
      %dma_start3A_64 = arith.constant 0 : i32
      %dma_start3A_65 = tpu.memref_slice %arg4[%mul3A_54, %dma_start3A_64] : memref<10000x16xf32, #tpu.memory_space<vmem_shared>> -> memref<624x16xf32, #tpu.memory_space<vmem_shared>>
      tpu.enqueue_dma source(%dma_start3A_65 : memref<624x16xf32, #tpu.memory_space<vmem_shared>>) target(%dma_start3A_63 : memref<624x16xf32, #tpu.memory_space<hbm>>) target_semaphore(%run_scoped3A : memref<!tpu.dma_semaphore, #tpu.memory_space<semaphore_mem>>)
      %dma_wait3A = arith.constant 0 : i32
      %dma_wait3A_66 = tpu.memref_slice %arg3[%arg0, %mul3A_56, %dma_wait3A] : memref<2x10000x16xf32, #tpu.memory_space<hbm>> -> memref<1x624x16xf32, #tpu.memory_space<hbm>>
      %dma_wait3A_67 = tpu.memref_squeeze %dma_wait3A_66 : memref<1x624x16xf32, #tpu.memory_space<hbm>> -> memref<624x16xf32, #tpu.memory_space<hbm>>
      %dma_wait3A_68 = arith.constant 0 : i32
      %dma_wait3A_69 = tpu.memref_slice %arg4[%mul3A_54, %dma_wait3A_68] : memref<10000x16xf32, #tpu.memory_space<vmem_shared>> -> memref<624x16xf32, #tpu.memory_space<vmem_shared>>
      tpu.wait_dma2 semaphore(%run_scoped3A : memref<!tpu.dma_semaphore, #tpu.memory_space<semaphore_mem>>) src(%dma_wait3A_69 : memref<624x16xf32, #tpu.memory_space<vmem_shared>>) dst(%dma_wait3A_67 : memref<624x16xf32, #tpu.memory_space<hbm>>)
      tpu.yield
    }) : () -> ()
    %eq3A_57 = arith.constant 0 : i32
    %eq3A_58 = arith.cmpi eq, %arg1, %eq3A_57 : i32
    %convert_element_type3A_59 = arith.extui %eq3A_58 : i1 to i32
    %cond3A_60 = arith.constant 0 : i32
    %cond3A_61 = arith.cmpi ne, %convert_element_type3A_59, %cond3A_60 : i32
    scf.if %cond3A_61 {
      "tpu.region"() ({
        %run_scoped3A = tpu.sem_alloc : memref<!tpu.dma_semaphore, #tpu.memory_space<semaphore_mem>>
        %dma_start3A = arith.constant 9984 : i32
        %dma_start3A_62 = arith.constant 0 : i32
        %dma_start3A_63 = tpu.memref_slice %arg3[%arg0, %dma_start3A, %dma_start3A_62] : memref<2x10000x16xf32, #tpu.memory_space<hbm>> -> memref<1x16x16xf32, #tpu.memory_space<hbm>>
        %dma_start3A_64 = tpu.memref_squeeze %dma_start3A_63 : memref<1x16x16xf32, #tpu.memory_space<hbm>> -> memref<16x16xf32, #tpu.memory_space<hbm>>
        %dma_start3A_65 = arith.constant 9984 : i32
        %dma_start3A_66 = arith.constant 0 : i32
        %dma_start3A_67 = tpu.memref_slice %arg4[%dma_start3A_65, %dma_start3A_66] : memref<10000x16xf32, #tpu.memory_space<vmem_shared>> -> memref<16x16xf32, #tpu.memory_space<vmem_shared>>
        tpu.enqueue_dma source(%dma_start3A_67 : memref<16x16xf32, #tpu.memory_space<vmem_shared>>) target(%dma_start3A_64 : memref<16x16xf32, #tpu.memory_space<hbm>>) target_semaphore(%run_scoped3A : memref<!tpu.dma_semaphore, #tpu.memory_space<semaphore_mem>>)
        %dma_wait3A = arith.constant 9984 : i32
        %dma_wait3A_68 = arith.constant 0 : i32
        %dma_wait3A_69 = tpu.memref_slice %arg3[%arg0, %dma_wait3A, %dma_wait3A_68] : memref<2x10000x16xf32, #tpu.memory_space<hbm>> -> memref<1x16x16xf32, #tpu.memory_space<hbm>>
        %dma_wait3A_70 = tpu.memref_squeeze %dma_wait3A_69 : memref<1x16x16xf32, #tpu.memory_space<hbm>> -> memref<16x16xf32, #tpu.memory_space<hbm>>
        %dma_wait3A_71 = arith.constant 9984 : i32
        %dma_wait3A_72 = arith.constant 0 : i32
        %dma_wait3A_73 = tpu.memref_slice %arg4[%dma_wait3A_71, %dma_wait3A_72] : memref<10000x16xf32, #tpu.memory_space<vmem_shared>> -> memref<16x16xf32, #tpu.memory_space<vmem_shared>>
        tpu.wait_dma2 semaphore(%run_scoped3A : memref<!tpu.dma_semaphore, #tpu.memory_space<semaphore_mem>>) src(%dma_wait3A_73 : memref<16x16xf32, #tpu.memory_space<vmem_shared>>) dst(%dma_wait3A_70 : memref<16x16xf32, #tpu.memory_space<hbm>>)
        tpu.yield
      }) : () -> ()
    } else {
    }
    return
  }
}

#map = affine_map<(d0, d1) -> (0, 0)>
#map1 = affine_map<(d0, d1) -> (0, 0, 0)>
module attributes {stable_mosaic.version = 14 : i64} {
  func.func @scatter_kernel(%arg0: i32, %arg1: i32, %arg2: memref<10000x128xf32, #tpu.memory_space<hbm>>, %arg3: memref<2560x125xi32, #tpu.memory_space<hbm>>, %arg4: memref<2560x125xi32, #tpu.memory_space<hbm>>, %arg5: memref<2x10000x128xf32, #tpu.memory_space<hbm>>, %arg6: memref<10000x128xf32, #tpu.memory_space<vmem_shared>>, %arg7: memref<40x125xi32, #tpu.memory_space<vmem>>, %arg8: memref<40x125xi32, #tpu.memory_space<vmem>>, %arg9: memref<125x128xf32, #tpu.memory_space<vmem>>, %arg10: memref<125x128xf32, #tpu.memory_space<vmem>>, %arg11: memref<!tpu.dma_semaphore, #tpu.memory_space<semaphore_mem>>, %arg12: memref<!tpu.dma_semaphore, #tpu.memory_space<semaphore_mem>>) attributes {dimension_semantics = [#tpu.dimension_semantics<core_parallel>, #tpu.dimension_semantics<subcore_parallel>], iteration_bounds = array<i64: 2, 16>, scalar_prefetch = 0 : i64, scratch_operands = 7 : i64, tpu.core_type = #tpu.core_type<sc_vector_subcore>, window_params = [{transform_indices = #map}, {transform_indices = #map}, {transform_indices = #map}, {transform_indices = #map1}]} {
    %mul3A = arith.constant 16 : i32
    %mul3A_0 = arith.muli %arg0, %mul3A : i32
    %add3A = arith.addi %mul3A_0, %arg1 : i32
    %broadcast_in_dim3A = arith.constant 0.000000e+00 : f32
    %broadcast_in_dim3A_1 = vector.broadcast %broadcast_in_dim3A : f32 to vector<16xf32>
    %scan3A = arith.constant 0 : i32
    %scan3A_2 = arith.constant 0 : i32
    %scan3A_3 = arith.constant 104 : i32
    %scan3A_4 = arith.addi %scan3A_2, %scan3A_3 : i32
    %scan3A_5 = arith.constant 1 : i32
    %scan3A_6 = scf.for %scan3A_79 = %scan3A_2 to %scan3A_4 step %scan3A_5 iter_args(%scan3A_80 = %scan3A) -> (i32)  : i32 {
      %swap3A = arith.index_cast %scan3A_79 : i32 to index
      %swap3A_81 = arith.constant 0 : index
      %swap3A_82 = tpu.vector_load %arg9[%swap3A, %swap3A_81] {strides = array<i32>} : memref<125x128xf32, #tpu.memory_space<vmem>>, vector<1x16xf32>,
      %swap3A_83 = vector.shape_cast %swap3A_82 : vector<1x16xf32> to vector<16xf32>
      %swap3A_84 = vector.shape_cast %broadcast_in_dim3A_1 : vector<16xf32> to vector<1x16xf32>
      tpu.vector_store %arg9[%swap3A, %swap3A_81], %swap3A_84 {strides = array<i32>} : memref<125x128xf32, #tpu.memory_space<vmem>>, vector<1x16xf32>,
      %swap3A_85 = arith.index_cast %scan3A_79 : i32 to index
      %swap3A_86 = arith.constant 16 : index
      %swap3A_87 = tpu.vector_load %arg9[%swap3A_85, %swap3A_86] {strides = array<i32>} : memref<125x128xf32, #tpu.memory_space<vmem>>, vector<1x16xf32>,
      %swap3A_88 = vector.shape_cast %swap3A_87 : vector<1x16xf32> to vector<16xf32>
      %swap3A_89 = vector.shape_cast %broadcast_in_dim3A_1 : vector<16xf32> to vector<1x16xf32>
      tpu.vector_store %arg9[%swap3A_85, %swap3A_86], %swap3A_89 {strides = array<i32>} : memref<125x128xf32, #tpu.memory_space<vmem>>, vector<1x16xf32>,
      %swap3A_90 = arith.index_cast %scan3A_79 : i32 to index
      %swap3A_91 = arith.constant 32 : index
      %swap3A_92 = tpu.vector_load %arg9[%swap3A_90, %swap3A_91] {strides = array<i32>} : memref<125x128xf32, #tpu.memory_space<vmem>>, vector<1x16xf32>,
      %swap3A_93 = vector.shape_cast %swap3A_92 : vector<1x16xf32> to vector<16xf32>
      %swap3A_94 = vector.shape_cast %broadcast_in_dim3A_1 : vector<16xf32> to vector<1x16xf32>
      tpu.vector_store %arg9[%swap3A_90, %swap3A_91], %swap3A_94 {strides = array<i32>} : memref<125x128xf32, #tpu.memory_space<vmem>>, vector<1x16xf32>,
      %swap3A_95 = arith.index_cast %scan3A_79 : i32 to index
      %swap3A_96 = arith.constant 48 : index
      %swap3A_97 = tpu.vector_load %arg9[%swap3A_95, %swap3A_96] {strides = array<i32>} : memref<125x128xf32, #tpu.memory_space<vmem>>, vector<1x16xf32>,
      %swap3A_98 = vector.shape_cast %swap3A_97 : vector<1x16xf32> to vector<16xf32>
      %swap3A_99 = vector.shape_cast %broadcast_in_dim3A_1 : vector<16xf32> to vector<1x16xf32>
      tpu.vector_store %arg9[%swap3A_95, %swap3A_96], %swap3A_99 {strides = array<i32>} : memref<125x128xf32, #tpu.memory_space<vmem>>, vector<1x16xf32>,
      %swap3A_100 = arith.index_cast %scan3A_79 : i32 to index
      %swap3A_101 = arith.constant 64 : index
      %swap3A_102 = tpu.vector_load %arg9[%swap3A_100, %swap3A_101] {strides = array<i32>} : memref<125x128xf32, #tpu.memory_space<vmem>>, vector<1x16xf32>,
      %swap3A_103 = vector.shape_cast %swap3A_102 : vector<1x16xf32> to vector<16xf32>
      %swap3A_104 = vector.shape_cast %broadcast_in_dim3A_1 : vector<16xf32> to vector<1x16xf32>
      tpu.vector_store %arg9[%swap3A_100, %swap3A_101], %swap3A_104 {strides = array<i32>} : memref<125x128xf32, #tpu.memory_space<vmem>>, vector<1x16xf32>,
      %swap3A_105 = arith.index_cast %scan3A_79 : i32 to index
      %swap3A_106 = arith.constant 80 : index
      %swap3A_107 = tpu.vector_load %arg9[%swap3A_105, %swap3A_106] {strides = array<i32>} : memref<125x128xf32, #tpu.memory_space<vmem>>, vector<1x16xf32>,
      %swap3A_108 = vector.shape_cast %swap3A_107 : vector<1x16xf32> to vector<16xf32>
      %swap3A_109 = vector.shape_cast %broadcast_in_dim3A_1 : vector<16xf32> to vector<1x16xf32>
      tpu.vector_store %arg9[%swap3A_105, %swap3A_106], %swap3A_109 {strides = array<i32>} : memref<125x128xf32, #tpu.memory_space<vmem>>, vector<1x16xf32>,
      %swap3A_110 = arith.index_cast %scan3A_79 : i32 to index
      %swap3A_111 = arith.constant 96 : index
      %swap3A_112 = tpu.vector_load %arg9[%swap3A_110, %swap3A_111] {strides = array<i32>} : memref<125x128xf32, #tpu.memory_space<vmem>>, vector<1x16xf32>,
      %swap3A_113 = vector.shape_cast %swap3A_112 : vector<1x16xf32> to vector<16xf32>
      %swap3A_114 = vector.shape_cast %broadcast_in_dim3A_1 : vector<16xf32> to vector<1x16xf32>
      tpu.vector_store %arg9[%swap3A_110, %swap3A_111], %swap3A_114 {strides = array<i32>} : memref<125x128xf32, #tpu.memory_space<vmem>>, vector<1x16xf32>,
      %swap3A_115 = arith.index_cast %scan3A_79 : i32 to index
      %swap3A_116 = arith.constant 112 : index
      %swap3A_117 = tpu.vector_load %arg9[%swap3A_115, %swap3A_116] {strides = array<i32>} : memref<125x128xf32, #tpu.memory_space<vmem>>, vector<1x16xf32>,
      %swap3A_118 = vector.shape_cast %swap3A_117 : vector<1x16xf32> to vector<16xf32>
      %swap3A_119 = vector.shape_cast %broadcast_in_dim3A_1 : vector<16xf32> to vector<1x16xf32>
      tpu.vector_store %arg9[%swap3A_115, %swap3A_116], %swap3A_119 {strides = array<i32>} : memref<125x128xf32, #tpu.memory_space<vmem>>, vector<1x16xf32>,
      %scan3A_120 = arith.constant 0 : i32
      scf.yield %scan3A_120 : i32
    }
    %scan3A_7 = arith.constant 104 : i32
    %mul3A_8 = arith.constant 624 : i32
    %mul3A_9 = arith.muli %arg1, %mul3A_8 : i32
    %add3A_10 = arith.constant 0 : i32
    %add3A_11 = arith.addi %mul3A_9, %add3A_10 : i32
    "tpu.region"() ({
      %run_scoped3A = tpu.sem_alloc : memref<!tpu.dma_semaphore, #tpu.memory_space<semaphore_mem>>
      %dma_start3A_79 = arith.constant 0 : i32
      %dma_start3A_80 = arith.constant 0 : i32
      %dma_start3A_81 = tpu.memref_slice %arg9[%dma_start3A_79, %dma_start3A_80] : memref<125x128xf32, #tpu.memory_space<vmem>> -> memref<104x128xf32, #tpu.memory_space<vmem>>
      %dma_start3A_82 = arith.constant 0 : i32
      %dma_start3A_83 = tpu.memref_slice %arg6[%add3A_11, %dma_start3A_82] : memref<10000x128xf32, #tpu.memory_space<vmem_shared>> -> memref<104x128xf32, #tpu.memory_space<vmem_shared>>
      %dma_start3A_84 = arith.constant 0 : i32
      %dma_start3A_85 = tpu.memref_slice %arg6[%add3A_11, %dma_start3A_84] : memref<10000x128xf32, #tpu.memory_space<vmem_shared>> -> memref<104x128xf32, #tpu.memory_space<vmem_shared>>
      %dma_start3A_86 = arith.constant 0 : i32
      %dma_start3A_87 = arith.constant 0 : i32
      %dma_start3A_88 = tpu.memref_slice %arg9[%dma_start3A_86, %dma_start3A_87] : memref<125x128xf32, #tpu.memory_space<vmem>> -> memref<104x128xf32, #tpu.memory_space<vmem>>
      tpu.enqueue_dma source(%dma_start3A_88 : memref<104x128xf32, #tpu.memory_space<vmem>>) target(%dma_start3A_85 : memref<104x128xf32, #tpu.memory_space<vmem_shared>>) target_semaphore(%run_scoped3A : memref<!tpu.dma_semaphore, #tpu.memory_space<semaphore_mem>>)
      %dma_wait3A = arith.constant 0 : i32
      %dma_wait3A_89 = arith.constant 0 : i32
      %dma_wait3A_90 = tpu.memref_slice %arg9[%dma_wait3A, %dma_wait3A_89] : memref<125x128xf32, #tpu.memory_space<vmem>> -> memref<104x128xf32, #tpu.memory_space<vmem>>
      %dma_wait3A_91 = arith.constant 0 : i32
      %dma_wait3A_92 = tpu.memref_slice %arg6[%add3A_11, %dma_wait3A_91] : memref<10000x128xf32, #tpu.memory_space<vmem_shared>> -> memref<104x128xf32, #tpu.memory_space<vmem_shared>>
      %dma_wait3A_93 = arith.constant 0 : i32
      %dma_wait3A_94 = tpu.memref_slice %arg6[%add3A_11, %dma_wait3A_93] : memref<10000x128xf32, #tpu.memory_space<vmem_shared>> -> memref<104x128xf32, #tpu.memory_space<vmem_shared>>
      %dma_wait3A_95 = arith.constant 0 : i32
      %dma_wait3A_96 = arith.constant 0 : i32
      %dma_wait3A_97 = tpu.memref_slice %arg9[%dma_wait3A_95, %dma_wait3A_96] : memref<125x128xf32, #tpu.memory_space<vmem>> -> memref<104x128xf32, #tpu.memory_space<vmem>>
      tpu.wait_dma2 semaphore(%run_scoped3A : memref<!tpu.dma_semaphore, #tpu.memory_space<semaphore_mem>>) src(%dma_wait3A_97 : memref<104x128xf32, #tpu.memory_space<vmem>>) dst(%dma_wait3A_94 : memref<104x128xf32, #tpu.memory_space<vmem_shared>>)
      tpu.yield
    }) : () -> ()
    %mul3A_12 = arith.constant 624 : i32
    %mul3A_13 = arith.muli %arg1, %mul3A_12 : i32
    %add3A_14 = arith.constant 104 : i32
    %add3A_15 = arith.addi %mul3A_13, %add3A_14 : i32
    "tpu.region"() ({
      %run_scoped3A = tpu.sem_alloc : memref<!tpu.dma_semaphore, #tpu.memory_space<semaphore_mem>>
      %dma_start3A_79 = arith.constant 0 : i32
      %dma_start3A_80 = arith.constant 0 : i32
      %dma_start3A_81 = tpu.memref_slice %arg9[%dma_start3A_79, %dma_start3A_80] : memref<125x128xf32, #tpu.memory_space<vmem>> -> memref<104x128xf32, #tpu.memory_space<vmem>>
      %dma_start3A_82 = arith.constant 0 : i32
      %dma_start3A_83 = tpu.memref_slice %arg6[%add3A_15, %dma_start3A_82] : memref<10000x128xf32, #tpu.memory_space<vmem_shared>> -> memref<104x128xf32, #tpu.memory_space<vmem_shared>>
      %dma_start3A_84 = arith.constant 0 : i32
      %dma_start3A_85 = tpu.memref_slice %arg6[%add3A_15, %dma_start3A_84] : memref<10000x128xf32, #tpu.memory_space<vmem_shared>> -> memref<104x128xf32, #tpu.memory_space<vmem_shared>>
      %dma_start3A_86 = arith.constant 0 : i32
      %dma_start3A_87 = arith.constant 0 : i32
      %dma_start3A_88 = tpu.memref_slice %arg9[%dma_start3A_86, %dma_start3A_87] : memref<125x128xf32, #tpu.memory_space<vmem>> -> memref<104x128xf32, #tpu.memory_space<vmem>>
      tpu.enqueue_dma source(%dma_start3A_88 : memref<104x128xf32, #tpu.memory_space<vmem>>) target(%dma_start3A_85 : memref<104x128xf32, #tpu.memory_space<vmem_shared>>) target_semaphore(%run_scoped3A : memref<!tpu.dma_semaphore, #tpu.memory_space<semaphore_mem>>)
      %dma_wait3A = arith.constant 0 : i32
      %dma_wait3A_89 = arith.constant 0 : i32
      %dma_wait3A_90 = tpu.memref_slice %arg9[%dma_wait3A, %dma_wait3A_89] : memref<125x128xf32, #tpu.memory_space<vmem>> -> memref<104x128xf32, #tpu.memory_space<vmem>>
      %dma_wait3A_91 = arith.constant 0 : i32
      %dma_wait3A_92 = tpu.memref_slice %arg6[%add3A_15, %dma_wait3A_91] : memref<10000x128xf32, #tpu.memory_space<vmem_shared>> -> memref<104x128xf32, #tpu.memory_space<vmem_shared>>
      %dma_wait3A_93 = arith.constant 0 : i32
      %dma_wait3A_94 = tpu.memref_slice %arg6[%add3A_15, %dma_wait3A_93] : memref<10000x128xf32, #tpu.memory_space<vmem_shared>> -> memref<104x128xf32, #tpu.memory_space<vmem_shared>>
      %dma_wait3A_95 = arith.constant 0 : i32
      %dma_wait3A_96 = arith.constant 0 : i32
      %dma_wait3A_97 = tpu.memref_slice %arg9[%dma_wait3A_95, %dma_wait3A_96] : memref<125x128xf32, #tpu.memory_space<vmem>> -> memref<104x128xf32, #tpu.memory_space<vmem>>
      tpu.wait_dma2 semaphore(%run_scoped3A : memref<!tpu.dma_semaphore, #tpu.memory_space<semaphore_mem>>) src(%dma_wait3A_97 : memref<104x128xf32, #tpu.memory_space<vmem>>) dst(%dma_wait3A_94 : memref<104x128xf32, #tpu.memory_space<vmem_shared>>)
      tpu.yield
    }) : () -> ()
    %mul3A_16 = arith.constant 624 : i32
    %mul3A_17 = arith.muli %arg1, %mul3A_16 : i32
    %add3A_18 = arith.constant 208 : i32
    %add3A_19 = arith.addi %mul3A_17, %add3A_18 : i32
    "tpu.region"() ({
      %run_scoped3A = tpu.sem_alloc : memref<!tpu.dma_semaphore, #tpu.memory_space<semaphore_mem>>
      %dma_start3A_79 = arith.constant 0 : i32
      %dma_start3A_80 = arith.constant 0 : i32
      %dma_start3A_81 = tpu.memref_slice %arg9[%dma_start3A_79, %dma_start3A_80] : memref<125x128xf32, #tpu.memory_space<vmem>> -> memref<104x128xf32, #tpu.memory_space<vmem>>
      %dma_start3A_82 = arith.constant 0 : i32
      %dma_start3A_83 = tpu.memref_slice %arg6[%add3A_19, %dma_start3A_82] : memref<10000x128xf32, #tpu.memory_space<vmem_shared>> -> memref<104x128xf32, #tpu.memory_space<vmem_shared>>
      %dma_start3A_84 = arith.constant 0 : i32
      %dma_start3A_85 = tpu.memref_slice %arg6[%add3A_19, %dma_start3A_84] : memref<10000x128xf32, #tpu.memory_space<vmem_shared>> -> memref<104x128xf32, #tpu.memory_space<vmem_shared>>
      %dma_start3A_86 = arith.constant 0 : i32
      %dma_start3A_87 = arith.constant 0 : i32
      %dma_start3A_88 = tpu.memref_slice %arg9[%dma_start3A_86, %dma_start3A_87] : memref<125x128xf32, #tpu.memory_space<vmem>> -> memref<104x128xf32, #tpu.memory_space<vmem>>
      tpu.enqueue_dma source(%dma_start3A_88 : memref<104x128xf32, #tpu.memory_space<vmem>>) target(%dma_start3A_85 : memref<104x128xf32, #tpu.memory_space<vmem_shared>>) target_semaphore(%run_scoped3A : memref<!tpu.dma_semaphore, #tpu.memory_space<semaphore_mem>>)
      %dma_wait3A = arith.constant 0 : i32
      %dma_wait3A_89 = arith.constant 0 : i32
      %dma_wait3A_90 = tpu.memref_slice %arg9[%dma_wait3A, %dma_wait3A_89] : memref<125x128xf32, #tpu.memory_space<vmem>> -> memref<104x128xf32, #tpu.memory_space<vmem>>
      %dma_wait3A_91 = arith.constant 0 : i32
      %dma_wait3A_92 = tpu.memref_slice %arg6[%add3A_19, %dma_wait3A_91] : memref<10000x128xf32, #tpu.memory_space<vmem_shared>> -> memref<104x128xf32, #tpu.memory_space<vmem_shared>>
      %dma_wait3A_93 = arith.constant 0 : i32
      %dma_wait3A_94 = tpu.memref_slice %arg6[%add3A_19, %dma_wait3A_93] : memref<10000x128xf32, #tpu.memory_space<vmem_shared>> -> memref<104x128xf32, #tpu.memory_space<vmem_shared>>
      %dma_wait3A_95 = arith.constant 0 : i32
      %dma_wait3A_96 = arith.constant 0 : i32
      %dma_wait3A_97 = tpu.memref_slice %arg9[%dma_wait3A_95, %dma_wait3A_96] : memref<125x128xf32, #tpu.memory_space<vmem>> -> memref<104x128xf32, #tpu.memory_space<vmem>>
      tpu.wait_dma2 semaphore(%run_scoped3A : memref<!tpu.dma_semaphore, #tpu.memory_space<semaphore_mem>>) src(%dma_wait3A_97 : memref<104x128xf32, #tpu.memory_space<vmem>>) dst(%dma_wait3A_94 : memref<104x128xf32, #tpu.memory_space<vmem_shared>>)
      tpu.yield
    }) : () -> ()
    %mul3A_20 = arith.constant 624 : i32
    %mul3A_21 = arith.muli %arg1, %mul3A_20 : i32
    %add3A_22 = arith.constant 312 : i32
    %add3A_23 = arith.addi %mul3A_21, %add3A_22 : i32
    "tpu.region"() ({
      %run_scoped3A = tpu.sem_alloc : memref<!tpu.dma_semaphore, #tpu.memory_space<semaphore_mem>>
      %dma_start3A_79 = arith.constant 0 : i32
      %dma_start3A_80 = arith.constant 0 : i32
      %dma_start3A_81 = tpu.memref_slice %arg9[%dma_start3A_79, %dma_start3A_80] : memref<125x128xf32, #tpu.memory_space<vmem>> -> memref<104x128xf32, #tpu.memory_space<vmem>>
      %dma_start3A_82 = arith.constant 0 : i32
      %dma_start3A_83 = tpu.memref_slice %arg6[%add3A_23, %dma_start3A_82] : memref<10000x128xf32, #tpu.memory_space<vmem_shared>> -> memref<104x128xf32, #tpu.memory_space<vmem_shared>>
      %dma_start3A_84 = arith.constant 0 : i32
      %dma_start3A_85 = tpu.memref_slice %arg6[%add3A_23, %dma_start3A_84] : memref<10000x128xf32, #tpu.memory_space<vmem_shared>> -> memref<104x128xf32, #tpu.memory_space<vmem_shared>>
      %dma_start3A_86 = arith.constant 0 : i32
      %dma_start3A_87 = arith.constant 0 : i32
      %dma_start3A_88 = tpu.memref_slice %arg9[%dma_start3A_86, %dma_start3A_87] : memref<125x128xf32, #tpu.memory_space<vmem>> -> memref<104x128xf32, #tpu.memory_space<vmem>>
      tpu.enqueue_dma source(%dma_start3A_88 : memref<104x128xf32, #tpu.memory_space<vmem>>) target(%dma_start3A_85 : memref<104x128xf32, #tpu.memory_space<vmem_shared>>) target_semaphore(%run_scoped3A : memref<!tpu.dma_semaphore, #tpu.memory_space<semaphore_mem>>)
      %dma_wait3A = arith.constant 0 : i32
      %dma_wait3A_89 = arith.constant 0 : i32
      %dma_wait3A_90 = tpu.memref_slice %arg9[%dma_wait3A, %dma_wait3A_89] : memref<125x128xf32, #tpu.memory_space<vmem>> -> memref<104x128xf32, #tpu.memory_space<vmem>>
      %dma_wait3A_91 = arith.constant 0 : i32
      %dma_wait3A_92 = tpu.memref_slice %arg6[%add3A_23, %dma_wait3A_91] : memref<10000x128xf32, #tpu.memory_space<vmem_shared>> -> memref<104x128xf32, #tpu.memory_space<vmem_shared>>
      %dma_wait3A_93 = arith.constant 0 : i32
      %dma_wait3A_94 = tpu.memref_slice %arg6[%add3A_23, %dma_wait3A_93] : memref<10000x128xf32, #tpu.memory_space<vmem_shared>> -> memref<104x128xf32, #tpu.memory_space<vmem_shared>>
      %dma_wait3A_95 = arith.constant 0 : i32
      %dma_wait3A_96 = arith.constant 0 : i32
      %dma_wait3A_97 = tpu.memref_slice %arg9[%dma_wait3A_95, %dma_wait3A_96] : memref<125x128xf32, #tpu.memory_space<vmem>> -> memref<104x128xf32, #tpu.memory_space<vmem>>
      tpu.wait_dma2 semaphore(%run_scoped3A : memref<!tpu.dma_semaphore, #tpu.memory_space<semaphore_mem>>) src(%dma_wait3A_97 : memref<104x128xf32, #tpu.memory_space<vmem>>) dst(%dma_wait3A_94 : memref<104x128xf32, #tpu.memory_space<vmem_shared>>)
      tpu.yield
    }) : () -> ()
    %mul3A_24 = arith.constant 624 : i32
    %mul3A_25 = arith.muli %arg1, %mul3A_24 : i32
    %add3A_26 = arith.constant 416 : i32
    %add3A_27 = arith.addi %mul3A_25, %add3A_26 : i32
    "tpu.region"() ({
      %run_scoped3A = tpu.sem_alloc : memref<!tpu.dma_semaphore, #tpu.memory_space<semaphore_mem>>
      %dma_start3A_79 = arith.constant 0 : i32
      %dma_start3A_80 = arith.constant 0 : i32
      %dma_start3A_81 = tpu.memref_slice %arg9[%dma_start3A_79, %dma_start3A_80] : memref<125x128xf32, #tpu.memory_space<vmem>> -> memref<104x128xf32, #tpu.memory_space<vmem>>
      %dma_start3A_82 = arith.constant 0 : i32
      %dma_start3A_83 = tpu.memref_slice %arg6[%add3A_27, %dma_start3A_82] : memref<10000x128xf32, #tpu.memory_space<vmem_shared>> -> memref<104x128xf32, #tpu.memory_space<vmem_shared>>
      %dma_start3A_84 = arith.constant 0 : i32
      %dma_start3A_85 = tpu.memref_slice %arg6[%add3A_27, %dma_start3A_84] : memref<10000x128xf32, #tpu.memory_space<vmem_shared>> -> memref<104x128xf32, #tpu.memory_space<vmem_shared>>
      %dma_start3A_86 = arith.constant 0 : i32
      %dma_start3A_87 = arith.constant 0 : i32
      %dma_start3A_88 = tpu.memref_slice %arg9[%dma_start3A_86, %dma_start3A_87] : memref<125x128xf32, #tpu.memory_space<vmem>> -> memref<104x128xf32, #tpu.memory_space<vmem>>
      tpu.enqueue_dma source(%dma_start3A_88 : memref<104x128xf32, #tpu.memory_space<vmem>>) target(%dma_start3A_85 : memref<104x128xf32, #tpu.memory_space<vmem_shared>>) target_semaphore(%run_scoped3A : memref<!tpu.dma_semaphore, #tpu.memory_space<semaphore_mem>>)
      %dma_wait3A = arith.constant 0 : i32
      %dma_wait3A_89 = arith.constant 0 : i32
      %dma_wait3A_90 = tpu.memref_slice %arg9[%dma_wait3A, %dma_wait3A_89] : memref<125x128xf32, #tpu.memory_space<vmem>> -> memref<104x128xf32, #tpu.memory_space<vmem>>
      %dma_wait3A_91 = arith.constant 0 : i32
      %dma_wait3A_92 = tpu.memref_slice %arg6[%add3A_27, %dma_wait3A_91] : memref<10000x128xf32, #tpu.memory_space<vmem_shared>> -> memref<104x128xf32, #tpu.memory_space<vmem_shared>>
      %dma_wait3A_93 = arith.constant 0 : i32
      %dma_wait3A_94 = tpu.memref_slice %arg6[%add3A_27, %dma_wait3A_93] : memref<10000x128xf32, #tpu.memory_space<vmem_shared>> -> memref<104x128xf32, #tpu.memory_space<vmem_shared>>
      %dma_wait3A_95 = arith.constant 0 : i32
      %dma_wait3A_96 = arith.constant 0 : i32
      %dma_wait3A_97 = tpu.memref_slice %arg9[%dma_wait3A_95, %dma_wait3A_96] : memref<125x128xf32, #tpu.memory_space<vmem>> -> memref<104x128xf32, #tpu.memory_space<vmem>>
      tpu.wait_dma2 semaphore(%run_scoped3A : memref<!tpu.dma_semaphore, #tpu.memory_space<semaphore_mem>>) src(%dma_wait3A_97 : memref<104x128xf32, #tpu.memory_space<vmem>>) dst(%dma_wait3A_94 : memref<104x128xf32, #tpu.memory_space<vmem_shared>>)
      tpu.yield
    }) : () -> ()
    %mul3A_28 = arith.constant 624 : i32
    %mul3A_29 = arith.muli %arg1, %mul3A_28 : i32
    %add3A_30 = arith.constant 520 : i32
    %add3A_31 = arith.addi %mul3A_29, %add3A_30 : i32
    "tpu.region"() ({
      %run_scoped3A = tpu.sem_alloc : memref<!tpu.dma_semaphore, #tpu.memory_space<semaphore_mem>>
      %dma_start3A_79 = arith.constant 0 : i32
      %dma_start3A_80 = arith.constant 0 : i32
      %dma_start3A_81 = tpu.memref_slice %arg9[%dma_start3A_79, %dma_start3A_80] : memref<125x128xf32, #tpu.memory_space<vmem>> -> memref<104x128xf32, #tpu.memory_space<vmem>>
      %dma_start3A_82 = arith.constant 0 : i32
      %dma_start3A_83 = tpu.memref_slice %arg6[%add3A_31, %dma_start3A_82] : memref<10000x128xf32, #tpu.memory_space<vmem_shared>> -> memref<104x128xf32, #tpu.memory_space<vmem_shared>>
      %dma_start3A_84 = arith.constant 0 : i32
      %dma_start3A_85 = tpu.memref_slice %arg6[%add3A_31, %dma_start3A_84] : memref<10000x128xf32, #tpu.memory_space<vmem_shared>> -> memref<104x128xf32, #tpu.memory_space<vmem_shared>>
      %dma_start3A_86 = arith.constant 0 : i32
      %dma_start3A_87 = arith.constant 0 : i32
      %dma_start3A_88 = tpu.memref_slice %arg9[%dma_start3A_86, %dma_start3A_87] : memref<125x128xf32, #tpu.memory_space<vmem>> -> memref<104x128xf32, #tpu.memory_space<vmem>>
      tpu.enqueue_dma source(%dma_start3A_88 : memref<104x128xf32, #tpu.memory_space<vmem>>) target(%dma_start3A_85 : memref<104x128xf32, #tpu.memory_space<vmem_shared>>) target_semaphore(%run_scoped3A : memref<!tpu.dma_semaphore, #tpu.memory_space<semaphore_mem>>)
      %dma_wait3A = arith.constant 0 : i32
      %dma_wait3A_89 = arith.constant 0 : i32
      %dma_wait3A_90 = tpu.memref_slice %arg9[%dma_wait3A, %dma_wait3A_89] : memref<125x128xf32, #tpu.memory_space<vmem>> -> memref<104x128xf32, #tpu.memory_space<vmem>>
      %dma_wait3A_91 = arith.constant 0 : i32
      %dma_wait3A_92 = tpu.memref_slice %arg6[%add3A_31, %dma_wait3A_91] : memref<10000x128xf32, #tpu.memory_space<vmem_shared>> -> memref<104x128xf32, #tpu.memory_space<vmem_shared>>
      %dma_wait3A_93 = arith.constant 0 : i32
      %dma_wait3A_94 = tpu.memref_slice %arg6[%add3A_31, %dma_wait3A_93] : memref<10000x128xf32, #tpu.memory_space<vmem_shared>> -> memref<104x128xf32, #tpu.memory_space<vmem_shared>>
      %dma_wait3A_95 = arith.constant 0 : i32
      %dma_wait3A_96 = arith.constant 0 : i32
      %dma_wait3A_97 = tpu.memref_slice %arg9[%dma_wait3A_95, %dma_wait3A_96] : memref<125x128xf32, #tpu.memory_space<vmem>> -> memref<104x128xf32, #tpu.memory_space<vmem>>
      tpu.wait_dma2 semaphore(%run_scoped3A : memref<!tpu.dma_semaphore, #tpu.memory_space<semaphore_mem>>) src(%dma_wait3A_97 : memref<104x128xf32, #tpu.memory_space<vmem>>) dst(%dma_wait3A_94 : memref<104x128xf32, #tpu.memory_space<vmem_shared>>)
      tpu.yield
    }) : () -> ()
    %eq3A = arith.constant 0 : i32
    %eq3A_32 = arith.cmpi eq, %arg1, %eq3A : i32
    %convert_element_type3A = arith.extui %eq3A_32 : i1 to i32
    %cond3A = arith.constant 0 : i32
    %cond3A_33 = arith.cmpi ne, %convert_element_type3A, %cond3A : i32
    scf.if %cond3A_33 {
      "tpu.region"() ({
        %run_scoped3A = tpu.sem_alloc : memref<!tpu.dma_semaphore, #tpu.memory_space<semaphore_mem>>
        %dma_start3A_79 = arith.constant 0 : i32
        %dma_start3A_80 = arith.constant 0 : i32
        %dma_start3A_81 = tpu.memref_slice %arg9[%dma_start3A_79, %dma_start3A_80] : memref<125x128xf32, #tpu.memory_space<vmem>> -> memref<16x128xf32, #tpu.memory_space<vmem>>
        %dma_start3A_82 = arith.constant 9984 : i32
        %dma_start3A_83 = arith.constant 0 : i32
        %dma_start3A_84 = tpu.memref_slice %arg6[%dma_start3A_82, %dma_start3A_83] : memref<10000x128xf32, #tpu.memory_space<vmem_shared>> -> memref<16x128xf32, #tpu.memory_space<vmem_shared>>
        %dma_start3A_85 = arith.constant 9984 : i32
        %dma_start3A_86 = arith.constant 0 : i32
        %dma_start3A_87 = tpu.memref_slice %arg6[%dma_start3A_85, %dma_start3A_86] : memref<10000x128xf32, #tpu.memory_space<vmem_shared>> -> memref<16x128xf32, #tpu.memory_space<vmem_shared>>
        %dma_start3A_88 = arith.constant 0 : i32
        %dma_start3A_89 = arith.constant 0 : i32
        %dma_start3A_90 = tpu.memref_slice %arg9[%dma_start3A_88, %dma_start3A_89] : memref<125x128xf32, #tpu.memory_space<vmem>> -> memref<16x128xf32, #tpu.memory_space<vmem>>
        tpu.enqueue_dma source(%dma_start3A_90 : memref<16x128xf32, #tpu.memory_space<vmem>>) target(%dma_start3A_87 : memref<16x128xf32, #tpu.memory_space<vmem_shared>>) target_semaphore(%run_scoped3A : memref<!tpu.dma_semaphore, #tpu.memory_space<semaphore_mem>>)
        %dma_wait3A = arith.constant 0 : i32
        %dma_wait3A_91 = arith.constant 0 : i32
        %dma_wait3A_92 = tpu.memref_slice %arg9[%dma_wait3A, %dma_wait3A_91] : memref<125x128xf32, #tpu.memory_space<vmem>> -> memref<16x128xf32, #tpu.memory_space<vmem>>
        %dma_wait3A_93 = arith.constant 9984 : i32
        %dma_wait3A_94 = arith.constant 0 : i32
        %dma_wait3A_95 = tpu.memref_slice %arg6[%dma_wait3A_93, %dma_wait3A_94] : memref<10000x128xf32, #tpu.memory_space<vmem_shared>> -> memref<16x128xf32, #tpu.memory_space<vmem_shared>>
        %dma_wait3A_96 = arith.constant 9984 : i32
        %dma_wait3A_97 = arith.constant 0 : i32
        %dma_wait3A_98 = tpu.memref_slice %arg6[%dma_wait3A_96, %dma_wait3A_97] : memref<10000x128xf32, #tpu.memory_space<vmem_shared>> -> memref<16x128xf32, #tpu.memory_space<vmem_shared>>
        %dma_wait3A_99 = arith.constant 0 : i32
        %dma_wait3A_100 = arith.constant 0 : i32
        %dma_wait3A_101 = tpu.memref_slice %arg9[%dma_wait3A_99, %dma_wait3A_100] : memref<125x128xf32, #tpu.memory_space<vmem>> -> memref<16x128xf32, #tpu.memory_space<vmem>>
        tpu.wait_dma2 semaphore(%run_scoped3A : memref<!tpu.dma_semaphore, #tpu.memory_space<semaphore_mem>>) src(%dma_wait3A_101 : memref<16x128xf32, #tpu.memory_space<vmem>>) dst(%dma_wait3A_98 : memref<16x128xf32, #tpu.memory_space<vmem_shared>>)
        tpu.yield
      }) : () -> ()
    } else {
    }
    %barrier3A = arith.constant 0 : index
    tpu.barrier barrier_id(%barrier3A)
    %mul3A_34 = arith.constant 80 : i32
    %mul3A_35 = arith.muli %add3A, %mul3A_34 : i32
    %add3A_36 = arith.constant 0 : i32
    %add3A_37 = arith.addi %mul3A_35, %add3A_36 : i32
    "tpu.region"() ({
      %run_scoped3A = tpu.sem_alloc : memref<!tpu.dma_semaphore, #tpu.memory_space<semaphore_mem>>
      %dma_start3A_79 = arith.constant 0 : i32
      %dma_start3A_80 = tpu.memref_slice %arg3[%add3A_37, %dma_start3A_79] : memref<2560x125xi32, #tpu.memory_space<hbm>> -> memref<40x125xi32, #tpu.memory_space<hbm>>
      %dma_start3A_81 = arith.constant 0 : i32
      %dma_start3A_82 = tpu.memref_slice %arg3[%add3A_37, %dma_start3A_81] : memref<2560x125xi32, #tpu.memory_space<hbm>> -> memref<40x125xi32, #tpu.memory_space<hbm>>
      tpu.enqueue_dma source(%dma_start3A_82 : memref<40x125xi32, #tpu.memory_space<hbm>>) target(%arg7 : memref<40x125xi32, #tpu.memory_space<vmem>>) target_semaphore(%run_scoped3A : memref<!tpu.dma_semaphore, #tpu.memory_space<semaphore_mem>>)
      %dma_wait3A = arith.constant 0 : i32
      %dma_wait3A_83 = tpu.memref_slice %arg3[%add3A_37, %dma_wait3A] : memref<2560x125xi32, #tpu.memory_space<hbm>> -> memref<40x125xi32, #tpu.memory_space<hbm>>
      %dma_wait3A_84 = arith.constant 0 : i32
      %dma_wait3A_85 = tpu.memref_slice %arg3[%add3A_37, %dma_wait3A_84] : memref<2560x125xi32, #tpu.memory_space<hbm>> -> memref<40x125xi32, #tpu.memory_space<hbm>>
      tpu.wait_dma2 semaphore(%run_scoped3A : memref<!tpu.dma_semaphore, #tpu.memory_space<semaphore_mem>>) src(%dma_wait3A_85 : memref<40x125xi32, #tpu.memory_space<hbm>>) dst(%arg7 : memref<40x125xi32, #tpu.memory_space<vmem>>)
      tpu.yield
    }) : () -> ()
    "tpu.region"() ({
      %run_scoped3A = tpu.sem_alloc : memref<!tpu.dma_semaphore, #tpu.memory_space<semaphore_mem>>
      %dma_start3A_79 = arith.constant 0 : i32
      %dma_start3A_80 = tpu.memref_slice %arg4[%add3A_37, %dma_start3A_79] : memref<2560x125xi32, #tpu.memory_space<hbm>> -> memref<40x125xi32, #tpu.memory_space<hbm>>
      %dma_start3A_81 = arith.constant 0 : i32
      %dma_start3A_82 = tpu.memref_slice %arg4[%add3A_37, %dma_start3A_81] : memref<2560x125xi32, #tpu.memory_space<hbm>> -> memref<40x125xi32, #tpu.memory_space<hbm>>
      tpu.enqueue_dma source(%dma_start3A_82 : memref<40x125xi32, #tpu.memory_space<hbm>>) target(%arg8 : memref<40x125xi32, #tpu.memory_space<vmem>>) target_semaphore(%run_scoped3A : memref<!tpu.dma_semaphore, #tpu.memory_space<semaphore_mem>>)
      %dma_wait3A = arith.constant 0 : i32
      %dma_wait3A_83 = tpu.memref_slice %arg4[%add3A_37, %dma_wait3A] : memref<2560x125xi32, #tpu.memory_space<hbm>> -> memref<40x125xi32, #tpu.memory_space<hbm>>
      %dma_wait3A_84 = arith.constant 0 : i32
      %dma_wait3A_85 = tpu.memref_slice %arg4[%add3A_37, %dma_wait3A_84] : memref<2560x125xi32, #tpu.memory_space<hbm>> -> memref<40x125xi32, #tpu.memory_space<hbm>>
      tpu.wait_dma2 semaphore(%run_scoped3A : memref<!tpu.dma_semaphore, #tpu.memory_space<semaphore_mem>>) src(%dma_wait3A_85 : memref<40x125xi32, #tpu.memory_space<hbm>>) dst(%arg8 : memref<40x125xi32, #tpu.memory_space<vmem>>)
      tpu.yield
    }) : () -> ()
    %dma_start3A = arith.constant 0 : i32
    %dma_start3A_38 = arith.constant 0 : i32
    %dma_start3A_39 = tpu.memref_slice %arg7[%dma_start3A, %dma_start3A_38] : memref<40x125xi32, #tpu.memory_space<vmem>> -> memref<1x125xi32, #tpu.memory_space<vmem>>
    %dma_start3A_40 = tpu.memref_squeeze %dma_start3A_39 : memref<1x125xi32, #tpu.memory_space<vmem>> -> memref<125xi32, #tpu.memory_space<vmem>>
    %dma_start3A_41 = arith.constant 0 : i32
    %dma_start3A_42 = arith.constant 0 : i32
    %dma_start3A_43 = tpu.memref_slice %arg2[%dma_start3A_41, %dma_start3A_42] : memref<10000x128xf32, #tpu.memory_space<hbm>> -> memref<10000x128xf32, #tpu.memory_space<hbm>>
    tpu.enqueue_indirect_dma source(%dma_start3A_43 : memref<10000x128xf32, #tpu.memory_space<hbm>>) target(%arg9 : memref<125x128xf32, #tpu.memory_space<vmem>>) offsets(%dma_start3A_40 : memref<125xi32, #tpu.memory_space<vmem>>) semaphore(%arg11 : memref<!tpu.dma_semaphore, #tpu.memory_space<semaphore_mem>>)
    %scan3A_44 = arith.constant 0 : i32
    %scan3A_45 = arith.constant 0 : i32
    %scan3A_46 = arith.constant 20 : i32
    %scan3A_47 = arith.addi %scan3A_45, %scan3A_46 : i32
    %scan3A_48 = arith.constant 1 : i32
    %scan3A_49 = scf.for %scan3A_79 = %scan3A_45 to %scan3A_47 step %scan3A_48 iter_args(%scan3A_80 = %scan3A_44) -> (i32)  : i32 {
      %mul3A_81 = arith.constant 2 : i32
      %mul3A_82 = arith.muli %mul3A_81, %scan3A_79 : i32
      %add3A_83 = arith.constant 1 : i32
      %add3A_84 = arith.addi %mul3A_82, %add3A_83 : i32
      %dma_start3A_85 = arith.constant 0 : i32
      %dma_start3A_86 = tpu.memref_slice %arg7[%add3A_84, %dma_start3A_85] : memref<40x125xi32, #tpu.memory_space<vmem>> -> memref<1x125xi32, #tpu.memory_space<vmem>>
      %dma_start3A_87 = tpu.memref_squeeze %dma_start3A_86 : memref<1x125xi32, #tpu.memory_space<vmem>> -> memref<125xi32, #tpu.memory_space<vmem>>
      %dma_start3A_88 = arith.constant 0 : i32
      %dma_start3A_89 = arith.constant 0 : i32
      %dma_start3A_90 = tpu.memref_slice %arg2[%dma_start3A_88, %dma_start3A_89] : memref<10000x128xf32, #tpu.memory_space<hbm>> -> memref<10000x128xf32, #tpu.memory_space<hbm>>
      tpu.enqueue_indirect_dma source(%dma_start3A_90 : memref<10000x128xf32, #tpu.memory_space<hbm>>) target(%arg10 : memref<125x128xf32, #tpu.memory_space<vmem>>) offsets(%dma_start3A_87 : memref<125xi32, #tpu.memory_space<vmem>>) semaphore(%arg12 : memref<!tpu.dma_semaphore, #tpu.memory_space<semaphore_mem>>)
      %dma_wait3A = arith.constant 0 : i32
      %dma_wait3A_91 = tpu.memref_slice %arg7[%mul3A_82, %dma_wait3A] : memref<40x125xi32, #tpu.memory_space<vmem>> -> memref<1x125xi32, #tpu.memory_space<vmem>>
      %dma_wait3A_92 = tpu.memref_squeeze %dma_wait3A_91 : memref<1x125xi32, #tpu.memory_space<vmem>> -> memref<125xi32, #tpu.memory_space<vmem>>
      %dma_wait3A_93 = arith.constant 0 : i32
      %dma_wait3A_94 = arith.constant 0 : i32
      %dma_wait3A_95 = tpu.memref_slice %arg2[%dma_wait3A_93, %dma_wait3A_94] : memref<10000x128xf32, #tpu.memory_space<hbm>> -> memref<10000x128xf32, #tpu.memory_space<hbm>>
      tpu.wait_indirect_dma semaphore(%arg11 : memref<!tpu.dma_semaphore, #tpu.memory_space<semaphore_mem>>) src(%dma_wait3A_95 : memref<10000x128xf32, #tpu.memory_space<hbm>>) dst(%arg9 : memref<125x128xf32, #tpu.memory_space<vmem>>)
      "tpu.region"() ({
        %run_scoped3A = tpu.sem_alloc : memref<!tpu.dma_semaphore, #tpu.memory_space<semaphore_mem>>
        %dma_start3A_109 = arith.constant 0 : i32
        %dma_start3A_110 = tpu.memref_slice %arg8[%mul3A_82, %dma_start3A_109] : memref<40x125xi32, #tpu.memory_space<vmem>> -> memref<1x125xi32, #tpu.memory_space<vmem>>
        %dma_start3A_111 = tpu.memref_squeeze %dma_start3A_110 : memref<1x125xi32, #tpu.memory_space<vmem>> -> memref<125xi32, #tpu.memory_space<vmem>>
        %dma_start3A_112 = arith.constant 0 : i32
        %dma_start3A_113 = arith.constant 0 : i32
        %dma_start3A_114 = tpu.memref_slice %arg6[%dma_start3A_112, %dma_start3A_113] : memref<10000x128xf32, #tpu.memory_space<vmem_shared>> -> memref<10000x128xf32, #tpu.memory_space<vmem_shared>>
        tpu.enqueue_indirect_dma source(%arg9 : memref<125x128xf32, #tpu.memory_space<vmem>>) target(%dma_start3A_114 : memref<10000x128xf32, #tpu.memory_space<vmem_shared>>) offsets(%dma_start3A_111 : memref<125xi32, #tpu.memory_space<vmem>>) semaphore(%run_scoped3A : memref<!tpu.dma_semaphore, #tpu.memory_space<semaphore_mem>>) {add = true}
        %dma_wait3A_115 = arith.constant 0 : i32
        %dma_wait3A_116 = tpu.memref_slice %arg8[%mul3A_82, %dma_wait3A_115] : memref<40x125xi32, #tpu.memory_space<vmem>> -> memref<1x125xi32, #tpu.memory_space<vmem>>
        %dma_wait3A_117 = tpu.memref_squeeze %dma_wait3A_116 : memref<1x125xi32, #tpu.memory_space<vmem>> -> memref<125xi32, #tpu.memory_space<vmem>>
        %dma_wait3A_118 = arith.constant 0 : i32
        %dma_wait3A_119 = arith.constant 0 : i32
        %dma_wait3A_120 = tpu.memref_slice %arg6[%dma_wait3A_118, %dma_wait3A_119] : memref<10000x128xf32, #tpu.memory_space<vmem_shared>> -> memref<10000x128xf32, #tpu.memory_space<vmem_shared>>
        tpu.wait_indirect_dma semaphore(%run_scoped3A : memref<!tpu.dma_semaphore, #tpu.memory_space<semaphore_mem>>) src(%arg9 : memref<125x128xf32, #tpu.memory_space<vmem>>) dst(%dma_wait3A_120 : memref<10000x128xf32, #tpu.memory_space<vmem_shared>>)
        tpu.yield
      }) : () -> ()
      %add3A_96 = arith.constant 1 : i32
      %add3A_97 = arith.addi %add3A_84, %add3A_96 : i32
      %lt3A = arith.constant 40 : i32
      %lt3A_98 = arith.cmpi slt, %add3A_97, %lt3A : i32
      %convert_element_type3A_99 = arith.extui %lt3A_98 : i1 to i32
      %cond3A_100 = arith.constant 0 : i32
      %cond3A_101 = arith.cmpi ne, %convert_element_type3A_99, %cond3A_100 : i32
      scf.if %cond3A_101 {
        %add3A_109 = arith.constant 1 : i32
        %add3A_110 = arith.addi %add3A_84, %add3A_109 : i32
        %dma_start3A_111 = arith.constant 0 : i32
        %dma_start3A_112 = tpu.memref_slice %arg7[%add3A_110, %dma_start3A_111] : memref<40x125xi32, #tpu.memory_space<vmem>> -> memref<1x125xi32, #tpu.memory_space<vmem>>
        %dma_start3A_113 = tpu.memref_squeeze %dma_start3A_112 : memref<1x125xi32, #tpu.memory_space<vmem>> -> memref<125xi32, #tpu.memory_space<vmem>>
        %dma_start3A_114 = arith.constant 0 : i32
        %dma_start3A_115 = arith.constant 0 : i32
        %dma_start3A_116 = tpu.memref_slice %arg2[%dma_start3A_114, %dma_start3A_115] : memref<10000x128xf32, #tpu.memory_space<hbm>> -> memref<10000x128xf32, #tpu.memory_space<hbm>>
        tpu.enqueue_indirect_dma source(%dma_start3A_116 : memref<10000x128xf32, #tpu.memory_space<hbm>>) target(%arg9 : memref<125x128xf32, #tpu.memory_space<vmem>>) offsets(%dma_start3A_113 : memref<125xi32, #tpu.memory_space<vmem>>) semaphore(%arg11 : memref<!tpu.dma_semaphore, #tpu.memory_space<semaphore_mem>>)
      } else {
      }
      %dma_wait3A_102 = arith.constant 0 : i32
      %dma_wait3A_103 = tpu.memref_slice %arg7[%add3A_84, %dma_wait3A_102] : memref<40x125xi32, #tpu.memory_space<vmem>> -> memref<1x125xi32, #tpu.memory_space<vmem>>
      %dma_wait3A_104 = tpu.memref_squeeze %dma_wait3A_103 : memref<1x125xi32, #tpu.memory_space<vmem>> -> memref<125xi32, #tpu.memory_space<vmem>>
      %dma_wait3A_105 = arith.constant 0 : i32
      %dma_wait3A_106 = arith.constant 0 : i32
      %dma_wait3A_107 = tpu.memref_slice %arg2[%dma_wait3A_105, %dma_wait3A_106] : memref<10000x128xf32, #tpu.memory_space<hbm>> -> memref<10000x128xf32, #tpu.memory_space<hbm>>
      tpu.wait_indirect_dma semaphore(%arg12 : memref<!tpu.dma_semaphore, #tpu.memory_space<semaphore_mem>>) src(%dma_wait3A_107 : memref<10000x128xf32, #tpu.memory_space<hbm>>) dst(%arg10 : memref<125x128xf32, #tpu.memory_space<vmem>>)
      "tpu.region"() ({
        %run_scoped3A = tpu.sem_alloc : memref<!tpu.dma_semaphore, #tpu.memory_space<semaphore_mem>>
        %dma_start3A_109 = arith.constant 0 : i32
        %dma_start3A_110 = tpu.memref_slice %arg8[%add3A_84, %dma_start3A_109] : memref<40x125xi32, #tpu.memory_space<vmem>> -> memref<1x125xi32, #tpu.memory_space<vmem>>
        %dma_start3A_111 = tpu.memref_squeeze %dma_start3A_110 : memref<1x125xi32, #tpu.memory_space<vmem>> -> memref<125xi32, #tpu.memory_space<vmem>>
        %dma_start3A_112 = arith.constant 0 : i32
        %dma_start3A_113 = arith.constant 0 : i32
        %dma_start3A_114 = tpu.memref_slice %arg6[%dma_start3A_112, %dma_start3A_113] : memref<10000x128xf32, #tpu.memory_space<vmem_shared>> -> memref<10000x128xf32, #tpu.memory_space<vmem_shared>>
        tpu.enqueue_indirect_dma source(%arg10 : memref<125x128xf32, #tpu.memory_space<vmem>>) target(%dma_start3A_114 : memref<10000x128xf32, #tpu.memory_space<vmem_shared>>) offsets(%dma_start3A_111 : memref<125xi32, #tpu.memory_space<vmem>>) semaphore(%run_scoped3A : memref<!tpu.dma_semaphore, #tpu.memory_space<semaphore_mem>>) {add = true}
        %dma_wait3A_115 = arith.constant 0 : i32
        %dma_wait3A_116 = tpu.memref_slice %arg8[%add3A_84, %dma_wait3A_115] : memref<40x125xi32, #tpu.memory_space<vmem>> -> memref<1x125xi32, #tpu.memory_space<vmem>>
        %dma_wait3A_117 = tpu.memref_squeeze %dma_wait3A_116 : memref<1x125xi32, #tpu.memory_space<vmem>> -> memref<125xi32, #tpu.memory_space<vmem>>
        %dma_wait3A_118 = arith.constant 0 : i32
        %dma_wait3A_119 = arith.constant 0 : i32
        %dma_wait3A_120 = tpu.memref_slice %arg6[%dma_wait3A_118, %dma_wait3A_119] : memref<10000x128xf32, #tpu.memory_space<vmem_shared>> -> memref<10000x128xf32, #tpu.memory_space<vmem_shared>>
        tpu.wait_indirect_dma semaphore(%run_scoped3A : memref<!tpu.dma_semaphore, #tpu.memory_space<semaphore_mem>>) src(%arg10 : memref<125x128xf32, #tpu.memory_space<vmem>>) dst(%dma_wait3A_120 : memref<10000x128xf32, #tpu.memory_space<vmem_shared>>)
        tpu.yield
      }) : () -> ()
      %scan3A_108 = arith.constant 0 : i32
      scf.yield %scan3A_108 : i32
    }
    %scan3A_50 = arith.constant 20 : i32
    %mul3A_51 = arith.constant 80 : i32
    %mul3A_52 = arith.muli %add3A, %mul3A_51 : i32
    %add3A_53 = arith.constant 40 : i32
    %add3A_54 = arith.addi %mul3A_52, %add3A_53 : i32
    "tpu.region"() ({
      %run_scoped3A = tpu.sem_alloc : memref<!tpu.dma_semaphore, #tpu.memory_space<semaphore_mem>>
      %dma_start3A_79 = arith.constant 0 : i32
      %dma_start3A_80 = tpu.memref_slice %arg3[%add3A_54, %dma_start3A_79] : memref<2560x125xi32, #tpu.memory_space<hbm>> -> memref<40x125xi32, #tpu.memory_space<hbm>>
      %dma_start3A_81 = arith.constant 0 : i32
      %dma_start3A_82 = tpu.memref_slice %arg3[%add3A_54, %dma_start3A_81] : memref<2560x125xi32, #tpu.memory_space<hbm>> -> memref<40x125xi32, #tpu.memory_space<hbm>>
      tpu.enqueue_dma source(%dma_start3A_82 : memref<40x125xi32, #tpu.memory_space<hbm>>) target(%arg7 : memref<40x125xi32, #tpu.memory_space<vmem>>) target_semaphore(%run_scoped3A : memref<!tpu.dma_semaphore, #tpu.memory_space<semaphore_mem>>)
      %dma_wait3A = arith.constant 0 : i32
      %dma_wait3A_83 = tpu.memref_slice %arg3[%add3A_54, %dma_wait3A] : memref<2560x125xi32, #tpu.memory_space<hbm>> -> memref<40x125xi32, #tpu.memory_space<hbm>>
      %dma_wait3A_84 = arith.constant 0 : i32
      %dma_wait3A_85 = tpu.memref_slice %arg3[%add3A_54, %dma_wait3A_84] : memref<2560x125xi32, #tpu.memory_space<hbm>> -> memref<40x125xi32, #tpu.memory_space<hbm>>
      tpu.wait_dma2 semaphore(%run_scoped3A : memref<!tpu.dma_semaphore, #tpu.memory_space<semaphore_mem>>) src(%dma_wait3A_85 : memref<40x125xi32, #tpu.memory_space<hbm>>) dst(%arg7 : memref<40x125xi32, #tpu.memory_space<vmem>>)
      tpu.yield
    }) : () -> ()
    "tpu.region"() ({
      %run_scoped3A = tpu.sem_alloc : memref<!tpu.dma_semaphore, #tpu.memory_space<semaphore_mem>>
      %dma_start3A_79 = arith.constant 0 : i32
      %dma_start3A_80 = tpu.memref_slice %arg4[%add3A_54, %dma_start3A_79] : memref<2560x125xi32, #tpu.memory_space<hbm>> -> memref<40x125xi32, #tpu.memory_space<hbm>>
      %dma_start3A_81 = arith.constant 0 : i32
      %dma_start3A_82 = tpu.memref_slice %arg4[%add3A_54, %dma_start3A_81] : memref<2560x125xi32, #tpu.memory_space<hbm>> -> memref<40x125xi32, #tpu.memory_space<hbm>>
      tpu.enqueue_dma source(%dma_start3A_82 : memref<40x125xi32, #tpu.memory_space<hbm>>) target(%arg8 : memref<40x125xi32, #tpu.memory_space<vmem>>) target_semaphore(%run_scoped3A : memref<!tpu.dma_semaphore, #tpu.memory_space<semaphore_mem>>)
      %dma_wait3A = arith.constant 0 : i32
      %dma_wait3A_83 = tpu.memref_slice %arg4[%add3A_54, %dma_wait3A] : memref<2560x125xi32, #tpu.memory_space<hbm>> -> memref<40x125xi32, #tpu.memory_space<hbm>>
      %dma_wait3A_84 = arith.constant 0 : i32
      %dma_wait3A_85 = tpu.memref_slice %arg4[%add3A_54, %dma_wait3A_84] : memref<2560x125xi32, #tpu.memory_space<hbm>> -> memref<40x125xi32, #tpu.memory_space<hbm>>
      tpu.wait_dma2 semaphore(%run_scoped3A : memref<!tpu.dma_semaphore, #tpu.memory_space<semaphore_mem>>) src(%dma_wait3A_85 : memref<40x125xi32, #tpu.memory_space<hbm>>) dst(%arg8 : memref<40x125xi32, #tpu.memory_space<vmem>>)
      tpu.yield
    }) : () -> ()
    %dma_start3A_55 = arith.constant 0 : i32
    %dma_start3A_56 = arith.constant 0 : i32
    %dma_start3A_57 = tpu.memref_slice %arg7[%dma_start3A_55, %dma_start3A_56] : memref<40x125xi32, #tpu.memory_space<vmem>> -> memref<1x125xi32, #tpu.memory_space<vmem>>
    %dma_start3A_58 = tpu.memref_squeeze %dma_start3A_57 : memref<1x125xi32, #tpu.memory_space<vmem>> -> memref<125xi32, #tpu.memory_space<vmem>>
    %dma_start3A_59 = arith.constant 0 : i32
    %dma_start3A_60 = arith.constant 0 : i32
    %dma_start3A_61 = tpu.memref_slice %arg2[%dma_start3A_59, %dma_start3A_60] : memref<10000x128xf32, #tpu.memory_space<hbm>> -> memref<10000x128xf32, #tpu.memory_space<hbm>>
    tpu.enqueue_indirect_dma source(%dma_start3A_61 : memref<10000x128xf32, #tpu.memory_space<hbm>>) target(%arg9 : memref<125x128xf32, #tpu.memory_space<vmem>>) offsets(%dma_start3A_58 : memref<125xi32, #tpu.memory_space<vmem>>) semaphore(%arg11 : memref<!tpu.dma_semaphore, #tpu.memory_space<semaphore_mem>>)
    %scan3A_62 = arith.constant 0 : i32
    %scan3A_63 = arith.constant 0 : i32
    %scan3A_64 = arith.constant 20 : i32
    %scan3A_65 = arith.addi %scan3A_63, %scan3A_64 : i32
    %scan3A_66 = arith.constant 1 : i32
    %scan3A_67 = scf.for %scan3A_79 = %scan3A_63 to %scan3A_65 step %scan3A_66 iter_args(%scan3A_80 = %scan3A_62) -> (i32)  : i32 {
      %mul3A_81 = arith.constant 2 : i32
      %mul3A_82 = arith.muli %mul3A_81, %scan3A_79 : i32
      %add3A_83 = arith.constant 1 : i32
      %add3A_84 = arith.addi %mul3A_82, %add3A_83 : i32
      %dma_start3A_85 = arith.constant 0 : i32
      %dma_start3A_86 = tpu.memref_slice %arg7[%add3A_84, %dma_start3A_85] : memref<40x125xi32, #tpu.memory_space<vmem>> -> memref<1x125xi32, #tpu.memory_space<vmem>>
      %dma_start3A_87 = tpu.memref_squeeze %dma_start3A_86 : memref<1x125xi32, #tpu.memory_space<vmem>> -> memref<125xi32, #tpu.memory_space<vmem>>
      %dma_start3A_88 = arith.constant 0 : i32
      %dma_start3A_89 = arith.constant 0 : i32
      %dma_start3A_90 = tpu.memref_slice %arg2[%dma_start3A_88, %dma_start3A_89] : memref<10000x128xf32, #tpu.memory_space<hbm>> -> memref<10000x128xf32, #tpu.memory_space<hbm>>
      tpu.enqueue_indirect_dma source(%dma_start3A_90 : memref<10000x128xf32, #tpu.memory_space<hbm>>) target(%arg10 : memref<125x128xf32, #tpu.memory_space<vmem>>) offsets(%dma_start3A_87 : memref<125xi32, #tpu.memory_space<vmem>>) semaphore(%arg12 : memref<!tpu.dma_semaphore, #tpu.memory_space<semaphore_mem>>)
      %dma_wait3A = arith.constant 0 : i32
      %dma_wait3A_91 = tpu.memref_slice %arg7[%mul3A_82, %dma_wait3A] : memref<40x125xi32, #tpu.memory_space<vmem>> -> memref<1x125xi32, #tpu.memory_space<vmem>>
      %dma_wait3A_92 = tpu.memref_squeeze %dma_wait3A_91 : memref<1x125xi32, #tpu.memory_space<vmem>> -> memref<125xi32, #tpu.memory_space<vmem>>
      %dma_wait3A_93 = arith.constant 0 : i32
      %dma_wait3A_94 = arith.constant 0 : i32
      %dma_wait3A_95 = tpu.memref_slice %arg2[%dma_wait3A_93, %dma_wait3A_94] : memref<10000x128xf32, #tpu.memory_space<hbm>> -> memref<10000x128xf32, #tpu.memory_space<hbm>>
      tpu.wait_indirect_dma semaphore(%arg11 : memref<!tpu.dma_semaphore, #tpu.memory_space<semaphore_mem>>) src(%dma_wait3A_95 : memref<10000x128xf32, #tpu.memory_space<hbm>>) dst(%arg9 : memref<125x128xf32, #tpu.memory_space<vmem>>)
      "tpu.region"() ({
        %run_scoped3A = tpu.sem_alloc : memref<!tpu.dma_semaphore, #tpu.memory_space<semaphore_mem>>
        %dma_start3A_109 = arith.constant 0 : i32
        %dma_start3A_110 = tpu.memref_slice %arg8[%mul3A_82, %dma_start3A_109] : memref<40x125xi32, #tpu.memory_space<vmem>> -> memref<1x125xi32, #tpu.memory_space<vmem>>
        %dma_start3A_111 = tpu.memref_squeeze %dma_start3A_110 : memref<1x125xi32, #tpu.memory_space<vmem>> -> memref<125xi32, #tpu.memory_space<vmem>>
        %dma_start3A_112 = arith.constant 0 : i32
        %dma_start3A_113 = arith.constant 0 : i32
        %dma_start3A_114 = tpu.memref_slice %arg6[%dma_start3A_112, %dma_start3A_113] : memref<10000x128xf32, #tpu.memory_space<vmem_shared>> -> memref<10000x128xf32, #tpu.memory_space<vmem_shared>>
        tpu.enqueue_indirect_dma source(%arg9 : memref<125x128xf32, #tpu.memory_space<vmem>>) target(%dma_start3A_114 : memref<10000x128xf32, #tpu.memory_space<vmem_shared>>) offsets(%dma_start3A_111 : memref<125xi32, #tpu.memory_space<vmem>>) semaphore(%run_scoped3A : memref<!tpu.dma_semaphore, #tpu.memory_space<semaphore_mem>>) {add = true}
        %dma_wait3A_115 = arith.constant 0 : i32
        %dma_wait3A_116 = tpu.memref_slice %arg8[%mul3A_82, %dma_wait3A_115] : memref<40x125xi32, #tpu.memory_space<vmem>> -> memref<1x125xi32, #tpu.memory_space<vmem>>
        %dma_wait3A_117 = tpu.memref_squeeze %dma_wait3A_116 : memref<1x125xi32, #tpu.memory_space<vmem>> -> memref<125xi32, #tpu.memory_space<vmem>>
        %dma_wait3A_118 = arith.constant 0 : i32
        %dma_wait3A_119 = arith.constant 0 : i32
        %dma_wait3A_120 = tpu.memref_slice %arg6[%dma_wait3A_118, %dma_wait3A_119] : memref<10000x128xf32, #tpu.memory_space<vmem_shared>> -> memref<10000x128xf32, #tpu.memory_space<vmem_shared>>
        tpu.wait_indirect_dma semaphore(%run_scoped3A : memref<!tpu.dma_semaphore, #tpu.memory_space<semaphore_mem>>) src(%arg9 : memref<125x128xf32, #tpu.memory_space<vmem>>) dst(%dma_wait3A_120 : memref<10000x128xf32, #tpu.memory_space<vmem_shared>>)
        tpu.yield
      }) : () -> ()
      %add3A_96 = arith.constant 1 : i32
      %add3A_97 = arith.addi %add3A_84, %add3A_96 : i32
      %lt3A = arith.constant 40 : i32
      %lt3A_98 = arith.cmpi slt, %add3A_97, %lt3A : i32
      %convert_element_type3A_99 = arith.extui %lt3A_98 : i1 to i32
      %cond3A_100 = arith.constant 0 : i32
      %cond3A_101 = arith.cmpi ne, %convert_element_type3A_99, %cond3A_100 : i32
      scf.if %cond3A_101 {
        %add3A_109 = arith.constant 1 : i32
        %add3A_110 = arith.addi %add3A_84, %add3A_109 : i32
        %dma_start3A_111 = arith.constant 0 : i32
        %dma_start3A_112 = tpu.memref_slice %arg7[%add3A_110, %dma_start3A_111] : memref<40x125xi32, #tpu.memory_space<vmem>> -> memref<1x125xi32, #tpu.memory_space<vmem>>
        %dma_start3A_113 = tpu.memref_squeeze %dma_start3A_112 : memref<1x125xi32, #tpu.memory_space<vmem>> -> memref<125xi32, #tpu.memory_space<vmem>>
        %dma_start3A_114 = arith.constant 0 : i32
        %dma_start3A_115 = arith.constant 0 : i32
        %dma_start3A_116 = tpu.memref_slice %arg2[%dma_start3A_114, %dma_start3A_115] : memref<10000x128xf32, #tpu.memory_space<hbm>> -> memref<10000x128xf32, #tpu.memory_space<hbm>>
        tpu.enqueue_indirect_dma source(%dma_start3A_116 : memref<10000x128xf32, #tpu.memory_space<hbm>>) target(%arg9 : memref<125x128xf32, #tpu.memory_space<vmem>>) offsets(%dma_start3A_113 : memref<125xi32, #tpu.memory_space<vmem>>) semaphore(%arg11 : memref<!tpu.dma_semaphore, #tpu.memory_space<semaphore_mem>>)
      } else {
      }
      %dma_wait3A_102 = arith.constant 0 : i32
      %dma_wait3A_103 = tpu.memref_slice %arg7[%add3A_84, %dma_wait3A_102] : memref<40x125xi32, #tpu.memory_space<vmem>> -> memref<1x125xi32, #tpu.memory_space<vmem>>
      %dma_wait3A_104 = tpu.memref_squeeze %dma_wait3A_103 : memref<1x125xi32, #tpu.memory_space<vmem>> -> memref<125xi32, #tpu.memory_space<vmem>>
      %dma_wait3A_105 = arith.constant 0 : i32
      %dma_wait3A_106 = arith.constant 0 : i32
      %dma_wait3A_107 = tpu.memref_slice %arg2[%dma_wait3A_105, %dma_wait3A_106] : memref<10000x128xf32, #tpu.memory_space<hbm>> -> memref<10000x128xf32, #tpu.memory_space<hbm>>
      tpu.wait_indirect_dma semaphore(%arg12 : memref<!tpu.dma_semaphore, #tpu.memory_space<semaphore_mem>>) src(%dma_wait3A_107 : memref<10000x128xf32, #tpu.memory_space<hbm>>) dst(%arg10 : memref<125x128xf32, #tpu.memory_space<vmem>>)
      "tpu.region"() ({
        %run_scoped3A = tpu.sem_alloc : memref<!tpu.dma_semaphore, #tpu.memory_space<semaphore_mem>>
        %dma_start3A_109 = arith.constant 0 : i32
        %dma_start3A_110 = tpu.memref_slice %arg8[%add3A_84, %dma_start3A_109] : memref<40x125xi32, #tpu.memory_space<vmem>> -> memref<1x125xi32, #tpu.memory_space<vmem>>
        %dma_start3A_111 = tpu.memref_squeeze %dma_start3A_110 : memref<1x125xi32, #tpu.memory_space<vmem>> -> memref<125xi32, #tpu.memory_space<vmem>>
        %dma_start3A_112 = arith.constant 0 : i32
        %dma_start3A_113 = arith.constant 0 : i32
        %dma_start3A_114 = tpu.memref_slice %arg6[%dma_start3A_112, %dma_start3A_113] : memref<10000x128xf32, #tpu.memory_space<vmem_shared>> -> memref<10000x128xf32, #tpu.memory_space<vmem_shared>>
        tpu.enqueue_indirect_dma source(%arg10 : memref<125x128xf32, #tpu.memory_space<vmem>>) target(%dma_start3A_114 : memref<10000x128xf32, #tpu.memory_space<vmem_shared>>) offsets(%dma_start3A_111 : memref<125xi32, #tpu.memory_space<vmem>>) semaphore(%run_scoped3A : memref<!tpu.dma_semaphore, #tpu.memory_space<semaphore_mem>>) {add = true}
        %dma_wait3A_115 = arith.constant 0 : i32
        %dma_wait3A_116 = tpu.memref_slice %arg8[%add3A_84, %dma_wait3A_115] : memref<40x125xi32, #tpu.memory_space<vmem>> -> memref<1x125xi32, #tpu.memory_space<vmem>>
        %dma_wait3A_117 = tpu.memref_squeeze %dma_wait3A_116 : memref<1x125xi32, #tpu.memory_space<vmem>> -> memref<125xi32, #tpu.memory_space<vmem>>
        %dma_wait3A_118 = arith.constant 0 : i32
        %dma_wait3A_119 = arith.constant 0 : i32
        %dma_wait3A_120 = tpu.memref_slice %arg6[%dma_wait3A_118, %dma_wait3A_119] : memref<10000x128xf32, #tpu.memory_space<vmem_shared>> -> memref<10000x128xf32, #tpu.memory_space<vmem_shared>>
        tpu.wait_indirect_dma semaphore(%run_scoped3A : memref<!tpu.dma_semaphore, #tpu.memory_space<semaphore_mem>>) src(%arg10 : memref<125x128xf32, #tpu.memory_space<vmem>>) dst(%dma_wait3A_120 : memref<10000x128xf32, #tpu.memory_space<vmem_shared>>)
        tpu.yield
      }) : () -> ()
      %scan3A_108 = arith.constant 0 : i32
      scf.yield %scan3A_108 : i32
    }
    %scan3A_68 = arith.constant 20 : i32
    %barrier3A_69 = arith.constant 0 : index
    tpu.barrier barrier_id(%barrier3A_69)
    %mul3A_70 = arith.constant 624 : i32
    %mul3A_71 = arith.muli %arg1, %mul3A_70 : i32
    %mul3A_72 = arith.constant 624 : i32
    %mul3A_73 = arith.muli %arg1, %mul3A_72 : i32
    "tpu.region"() ({
      %run_scoped3A = tpu.sem_alloc : memref<!tpu.dma_semaphore, #tpu.memory_space<semaphore_mem>>
      %dma_start3A_79 = arith.constant 0 : i32
      %dma_start3A_80 = tpu.memref_slice %arg5[%arg0, %mul3A_73, %dma_start3A_79] : memref<2x10000x128xf32, #tpu.memory_space<hbm>> -> memref<1x624x128xf32, #tpu.memory_space<hbm>>
      %dma_start3A_81 = tpu.memref_squeeze %dma_start3A_80 : memref<1x624x128xf32, #tpu.memory_space<hbm>> -> memref<624x128xf32, #tpu.memory_space<hbm>>
      %dma_start3A_82 = arith.constant 0 : i32
      %dma_start3A_83 = tpu.memref_slice %arg6[%mul3A_71, %dma_start3A_82] : memref<10000x128xf32, #tpu.memory_space<vmem_shared>> -> memref<624x128xf32, #tpu.memory_space<vmem_shared>>
      tpu.enqueue_dma source(%dma_start3A_83 : memref<624x128xf32, #tpu.memory_space<vmem_shared>>) target(%dma_start3A_81 : memref<624x128xf32, #tpu.memory_space<hbm>>) target_semaphore(%run_scoped3A : memref<!tpu.dma_semaphore, #tpu.memory_space<semaphore_mem>>)
      %dma_wait3A = arith.constant 0 : i32
      %dma_wait3A_84 = tpu.memref_slice %arg5[%arg0, %mul3A_73, %dma_wait3A] : memref<2x10000x128xf32, #tpu.memory_space<hbm>> -> memref<1x624x128xf32, #tpu.memory_space<hbm>>
      %dma_wait3A_85 = tpu.memref_squeeze %dma_wait3A_84 : memref<1x624x128xf32, #tpu.memory_space<hbm>> -> memref<624x128xf32, #tpu.memory_space<hbm>>
      %dma_wait3A_86 = arith.constant 0 : i32
      %dma_wait3A_87 = tpu.memref_slice %arg6[%mul3A_71, %dma_wait3A_86] : memref<10000x128xf32, #tpu.memory_space<vmem_shared>> -> memref<624x128xf32, #tpu.memory_space<vmem_shared>>
      tpu.wait_dma2 semaphore(%run_scoped3A : memref<!tpu.dma_semaphore, #tpu.memory_space<semaphore_mem>>) src(%dma_wait3A_87 : memref<624x128xf32, #tpu.memory_space<vmem_shared>>) dst(%dma_wait3A_85 : memref<624x128xf32, #tpu.memory_space<hbm>>)
      tpu.yield
    }) : () -> ()
    %eq3A_74 = arith.constant 0 : i32
    %eq3A_75 = arith.cmpi eq, %arg1, %eq3A_74 : i32
    %convert_element_type3A_76 = arith.extui %eq3A_75 : i1 to i32
    %cond3A_77 = arith.constant 0 : i32
    %cond3A_78 = arith.cmpi ne, %convert_element_type3A_76, %cond3A_77 : i32
    scf.if %cond3A_78 {
      "tpu.region"() ({
        %run_scoped3A = tpu.sem_alloc : memref<!tpu.dma_semaphore, #tpu.memory_space<semaphore_mem>>
        %dma_start3A_79 = arith.constant 9984 : i32
        %dma_start3A_80 = arith.constant 0 : i32
        %dma_start3A_81 = tpu.memref_slice %arg5[%arg0, %dma_start3A_79, %dma_start3A_80] : memref<2x10000x128xf32, #tpu.memory_space<hbm>> -> memref<1x16x128xf32, #tpu.memory_space<hbm>>
        %dma_start3A_82 = tpu.memref_squeeze %dma_start3A_81 : memref<1x16x128xf32, #tpu.memory_space<hbm>> -> memref<16x128xf32, #tpu.memory_space<hbm>>
        %dma_start3A_83 = arith.constant 9984 : i32
        %dma_start3A_84 = arith.constant 0 : i32
        %dma_start3A_85 = tpu.memref_slice %arg6[%dma_start3A_83, %dma_start3A_84] : memref<10000x128xf32, #tpu.memory_space<vmem_shared>> -> memref<16x128xf32, #tpu.memory_space<vmem_shared>>
        tpu.enqueue_dma source(%dma_start3A_85 : memref<16x128xf32, #tpu.memory_space<vmem_shared>>) target(%dma_start3A_82 : memref<16x128xf32, #tpu.memory_space<hbm>>) target_semaphore(%run_scoped3A : memref<!tpu.dma_semaphore, #tpu.memory_space<semaphore_mem>>)
        %dma_wait3A = arith.constant 9984 : i32
        %dma_wait3A_86 = arith.constant 0 : i32
        %dma_wait3A_87 = tpu.memref_slice %arg5[%arg0, %dma_wait3A, %dma_wait3A_86] : memref<2x10000x128xf32, #tpu.memory_space<hbm>> -> memref<1x16x128xf32, #tpu.memory_space<hbm>>
        %dma_wait3A_88 = tpu.memref_squeeze %dma_wait3A_87 : memref<1x16x128xf32, #tpu.memory_space<hbm>> -> memref<16x128xf32, #tpu.memory_space<hbm>>
        %dma_wait3A_89 = arith.constant 9984 : i32
        %dma_wait3A_90 = arith.constant 0 : i32
        %dma_wait3A_91 = tpu.memref_slice %arg6[%dma_wait3A_89, %dma_wait3A_90] : memref<10000x128xf32, #tpu.memory_space<vmem_shared>> -> memref<16x128xf32, #tpu.memory_space<vmem_shared>>
        tpu.wait_dma2 semaphore(%run_scoped3A : memref<!tpu.dma_semaphore, #tpu.memory_space<semaphore_mem>>) src(%dma_wait3A_91 : memref<16x128xf32, #tpu.memory_space<vmem_shared>>) dst(%dma_wait3A_88 : memref<16x128xf32, #tpu.memory_space<hbm>>)
        tpu.yield
      }) : () -> ()
    } else {
    }
    return
  }
}

#map = affine_map<(d0, d1) -> (0, 0)>
#map1 = affine_map<(d0, d1) -> (0, 0, 0)>
module attributes {stable_mosaic.version = 14 : i64} {
  func.func @scatter_kernel(%arg0: i32, %arg1: i32, %arg2: memref<10000x128xf32, #tpu.memory_space<hbm>>, %arg3: memref<2560x125xi32, #tpu.memory_space<hbm>>, %arg4: memref<2560x125xi32, #tpu.memory_space<hbm>>, %arg5: memref<2x10000x128xf32, #tpu.memory_space<hbm>>, %arg6: memref<10000x128xf32, #tpu.memory_space<vmem_shared>>, %arg7: memref<40x125xi32, #tpu.memory_space<vmem>>, %arg8: memref<40x125xi32, #tpu.memory_space<vmem>>, %arg9: memref<125x128xf32, #tpu.memory_space<vmem>>, %arg10: memref<125x128xf32, #tpu.memory_space<vmem>>, %arg11: memref<!tpu.dma_semaphore, #tpu.memory_space<semaphore_mem>>, %arg12: memref<!tpu.dma_semaphore, #tpu.memory_space<semaphore_mem>>) attributes {dimension_semantics = [#tpu.dimension_semantics<core_parallel>, #tpu.dimension_semantics<subcore_parallel>], iteration_bounds = array<i64: 2, 16>, scalar_prefetch = 0 : i64, scratch_operands = 7 : i64, tpu.core_type = #tpu.core_type<sc_vector_subcore>, window_params = [{transform_indices = #map}, {transform_indices = #map}, {transform_indices = #map}, {transform_indices = #map1}]} {
    %mul3A = arith.constant 16 : i32
    %mul3A_0 = arith.muli %arg0, %mul3A : i32
    %add3A = arith.addi %mul3A_0, %arg1 : i32
    %broadcast_in_dim3A = arith.constant 0.000000e+00 : f32
    %broadcast_in_dim3A_1 = vector.broadcast %broadcast_in_dim3A : f32 to vector<16xf32>
    %scan3A = arith.constant 0 : i32
    %scan3A_2 = arith.constant 0 : i32
    %scan3A_3 = arith.constant 104 : i32
    %scan3A_4 = arith.addi %scan3A_2, %scan3A_3 : i32
    %scan3A_5 = arith.constant 1 : i32
    %scan3A_6 = scf.for %scan3A_79 = %scan3A_2 to %scan3A_4 step %scan3A_5 iter_args(%scan3A_80 = %scan3A) -> (i32)  : i32 {
      %swap3A = arith.index_cast %scan3A_79 : i32 to index
      %swap3A_81 = arith.constant 0 : index
      %swap3A_82 = tpu.vector_load %arg9[%swap3A, %swap3A_81] {strides = array<i32>} : memref<125x128xf32, #tpu.memory_space<vmem>>, vector<1x16xf32>,
      %swap3A_83 = vector.shape_cast %swap3A_82 : vector<1x16xf32> to vector<16xf32>
      %swap3A_84 = vector.shape_cast %broadcast_in_dim3A_1 : vector<16xf32> to vector<1x16xf32>
      tpu.vector_store %arg9[%swap3A, %swap3A_81], %swap3A_84 {strides = array<i32>} : memref<125x128xf32, #tpu.memory_space<vmem>>, vector<1x16xf32>,
      %swap3A_85 = arith.index_cast %scan3A_79 : i32 to index
      %swap3A_86 = arith.constant 16 : index
      %swap3A_87 = tpu.vector_load %arg9[%swap3A_85, %swap3A_86] {strides = array<i32>} : memref<125x128xf32, #tpu.memory_space<vmem>>, vector<1x16xf32>,
      %swap3A_88 = vector.shape_cast %swap3A_87 : vector<1x16xf32> to vector<16xf32>
      %swap3A_89 = vector.shape_cast %broadcast_in_dim3A_1 : vector<16xf32> to vector<1x16xf32>
      tpu.vector_store %arg9[%swap3A_85, %swap3A_86], %swap3A_89 {strides = array<i32>} : memref<125x128xf32, #tpu.memory_space<vmem>>, vector<1x16xf32>,
      %swap3A_90 = arith.index_cast %scan3A_79 : i32 to index
      %swap3A_91 = arith.constant 32 : index
      %swap3A_92 = tpu.vector_load %arg9[%swap3A_90, %swap3A_91] {strides = array<i32>} : memref<125x128xf32, #tpu.memory_space<vmem>>, vector<1x16xf32>,
      %swap3A_93 = vector.shape_cast %swap3A_92 : vector<1x16xf32> to vector<16xf32>
      %swap3A_94 = vector.shape_cast %broadcast_in_dim3A_1 : vector<16xf32> to vector<1x16xf32>
      tpu.vector_store %arg9[%swap3A_90, %swap3A_91], %swap3A_94 {strides = array<i32>} : memref<125x128xf32, #tpu.memory_space<vmem>>, vector<1x16xf32>,
      %swap3A_95 = arith.index_cast %scan3A_79 : i32 to index
      %swap3A_96 = arith.constant 48 : index
      %swap3A_97 = tpu.vector_load %arg9[%swap3A_95, %swap3A_96] {strides = array<i32>} : memref<125x128xf32, #tpu.memory_space<vmem>>, vector<1x16xf32>,
      %swap3A_98 = vector.shape_cast %swap3A_97 : vector<1x16xf32> to vector<16xf32>
      %swap3A_99 = vector.shape_cast %broadcast_in_dim3A_1 : vector<16xf32> to vector<1x16xf32>
      tpu.vector_store %arg9[%swap3A_95, %swap3A_96], %swap3A_99 {strides = array<i32>} : memref<125x128xf32, #tpu.memory_space<vmem>>, vector<1x16xf32>,
      %swap3A_100 = arith.index_cast %scan3A_79 : i32 to index
      %swap3A_101 = arith.constant 64 : index
      %swap3A_102 = tpu.vector_load %arg9[%swap3A_100, %swap3A_101] {strides = array<i32>} : memref<125x128xf32, #tpu.memory_space<vmem>>, vector<1x16xf32>,
      %swap3A_103 = vector.shape_cast %swap3A_102 : vector<1x16xf32> to vector<16xf32>
      %swap3A_104 = vector.shape_cast %broadcast_in_dim3A_1 : vector<16xf32> to vector<1x16xf32>
      tpu.vector_store %arg9[%swap3A_100, %swap3A_101], %swap3A_104 {strides = array<i32>} : memref<125x128xf32, #tpu.memory_space<vmem>>, vector<1x16xf32>,
      %swap3A_105 = arith.index_cast %scan3A_79 : i32 to index
      %swap3A_106 = arith.constant 80 : index
      %swap3A_107 = tpu.vector_load %arg9[%swap3A_105, %swap3A_106] {strides = array<i32>} : memref<125x128xf32, #tpu.memory_space<vmem>>, vector<1x16xf32>,
      %swap3A_108 = vector.shape_cast %swap3A_107 : vector<1x16xf32> to vector<16xf32>
      %swap3A_109 = vector.shape_cast %broadcast_in_dim3A_1 : vector<16xf32> to vector<1x16xf32>
      tpu.vector_store %arg9[%swap3A_105, %swap3A_106], %swap3A_109 {strides = array<i32>} : memref<125x128xf32, #tpu.memory_space<vmem>>, vector<1x16xf32>,
      %swap3A_110 = arith.index_cast %scan3A_79 : i32 to index
      %swap3A_111 = arith.constant 96 : index
      %swap3A_112 = tpu.vector_load %arg9[%swap3A_110, %swap3A_111] {strides = array<i32>} : memref<125x128xf32, #tpu.memory_space<vmem>>, vector<1x16xf32>,
      %swap3A_113 = vector.shape_cast %swap3A_112 : vector<1x16xf32> to vector<16xf32>
      %swap3A_114 = vector.shape_cast %broadcast_in_dim3A_1 : vector<16xf32> to vector<1x16xf32>
      tpu.vector_store %arg9[%swap3A_110, %swap3A_111], %swap3A_114 {strides = array<i32>} : memref<125x128xf32, #tpu.memory_space<vmem>>, vector<1x16xf32>,
      %swap3A_115 = arith.index_cast %scan3A_79 : i32 to index
      %swap3A_116 = arith.constant 112 : index
      %swap3A_117 = tpu.vector_load %arg9[%swap3A_115, %swap3A_116] {strides = array<i32>} : memref<125x128xf32, #tpu.memory_space<vmem>>, vector<1x16xf32>,
      %swap3A_118 = vector.shape_cast %swap3A_117 : vector<1x16xf32> to vector<16xf32>
      %swap3A_119 = vector.shape_cast %broadcast_in_dim3A_1 : vector<16xf32> to vector<1x16xf32>
      tpu.vector_store %arg9[%swap3A_115, %swap3A_116], %swap3A_119 {strides = array<i32>} : memref<125x128xf32, #tpu.memory_space<vmem>>, vector<1x16xf32>,
      %scan3A_120 = arith.constant 0 : i32
      scf.yield %scan3A_120 : i32
    }
    %scan3A_7 = arith.constant 104 : i32
    %mul3A_8 = arith.constant 624 : i32
    %mul3A_9 = arith.muli %arg1, %mul3A_8 : i32
    %add3A_10 = arith.constant 0 : i32
    %add3A_11 = arith.addi %mul3A_9, %add3A_10 : i32
    "tpu.region"() ({
      %run_scoped3A = tpu.sem_alloc : memref<!tpu.dma_semaphore, #tpu.memory_space<semaphore_mem>>
      %dma_start3A_79 = arith.constant 0 : i32
      %dma_start3A_80 = arith.constant 0 : i32
      %dma_start3A_81 = tpu.memref_slice %arg9[%dma_start3A_79, %dma_start3A_80] : memref<125x128xf32, #tpu.memory_space<vmem>> -> memref<104x128xf32, #tpu.memory_space<vmem>>
      %dma_start3A_82 = arith.constant 0 : i32
      %dma_start3A_83 = tpu.memref_slice %arg6[%add3A_11, %dma_start3A_82] : memref<10000x128xf32, #tpu.memory_space<vmem_shared>> -> memref<104x128xf32, #tpu.memory_space<vmem_shared>>
      %dma_start3A_84 = arith.constant 0 : i32
      %dma_start3A_85 = tpu.memref_slice %arg6[%add3A_11, %dma_start3A_84] : memref<10000x128xf32, #tpu.memory_space<vmem_shared>> -> memref<104x128xf32, #tpu.memory_space<vmem_shared>>
      %dma_start3A_86 = arith.constant 0 : i32
      %dma_start3A_87 = arith.constant 0 : i32
      %dma_start3A_88 = tpu.memref_slice %arg9[%dma_start3A_86, %dma_start3A_87] : memref<125x128xf32, #tpu.memory_space<vmem>> -> memref<104x128xf32, #tpu.memory_space<vmem>>
      tpu.enqueue_dma source(%dma_start3A_88 : memref<104x128xf32, #tpu.memory_space<vmem>>) target(%dma_start3A_85 : memref<104x128xf32, #tpu.memory_space<vmem_shared>>) target_semaphore(%run_scoped3A : memref<!tpu.dma_semaphore, #tpu.memory_space<semaphore_mem>>)
      %dma_wait3A = arith.constant 0 : i32
      %dma_wait3A_89 = arith.constant 0 : i32
      %dma_wait3A_90 = tpu.memref_slice %arg9[%dma_wait3A, %dma_wait3A_89] : memref<125x128xf32, #tpu.memory_space<vmem>> -> memref<104x128xf32, #tpu.memory_space<vmem>>
      %dma_wait3A_91 = arith.constant 0 : i32
      %dma_wait3A_92 = tpu.memref_slice %arg6[%add3A_11, %dma_wait3A_91] : memref<10000x128xf32, #tpu.memory_space<vmem_shared>> -> memref<104x128xf32, #tpu.memory_space<vmem_shared>>
      %dma_wait3A_93 = arith.constant 0 : i32
      %dma_wait3A_94 = tpu.memref_slice %arg6[%add3A_11, %dma_wait3A_93] : memref<10000x128xf32, #tpu.memory_space<vmem_shared>> -> memref<104x128xf32, #tpu.memory_space<vmem_shared>>
      %dma_wait3A_95 = arith.constant 0 : i32
      %dma_wait3A_96 = arith.constant 0 : i32
      %dma_wait3A_97 = tpu.memref_slice %arg9[%dma_wait3A_95, %dma_wait3A_96] : memref<125x128xf32, #tpu.memory_space<vmem>> -> memref<104x128xf32, #tpu.memory_space<vmem>>
      tpu.wait_dma2 semaphore(%run_scoped3A : memref<!tpu.dma_semaphore, #tpu.memory_space<semaphore_mem>>) src(%dma_wait3A_97 : memref<104x128xf32, #tpu.memory_space<vmem>>) dst(%dma_wait3A_94 : memref<104x128xf32, #tpu.memory_space<vmem_shared>>)
      tpu.yield
    }) : () -> ()
    %mul3A_12 = arith.constant 624 : i32
    %mul3A_13 = arith.muli %arg1, %mul3A_12 : i32
    %add3A_14 = arith.constant 104 : i32
    %add3A_15 = arith.addi %mul3A_13, %add3A_14 : i32
    "tpu.region"() ({
      %run_scoped3A = tpu.sem_alloc : memref<!tpu.dma_semaphore, #tpu.memory_space<semaphore_mem>>
      %dma_start3A_79 = arith.constant 0 : i32
      %dma_start3A_80 = arith.constant 0 : i32
      %dma_start3A_81 = tpu.memref_slice %arg9[%dma_start3A_79, %dma_start3A_80] : memref<125x128xf32, #tpu.memory_space<vmem>> -> memref<104x128xf32, #tpu.memory_space<vmem>>
      %dma_start3A_82 = arith.constant 0 : i32
      %dma_start3A_83 = tpu.memref_slice %arg6[%add3A_15, %dma_start3A_82] : memref<10000x128xf32, #tpu.memory_space<vmem_shared>> -> memref<104x128xf32, #tpu.memory_space<vmem_shared>>
      %dma_start3A_84 = arith.constant 0 : i32
      %dma_start3A_85 = tpu.memref_slice %arg6[%add3A_15, %dma_start3A_84] : memref<10000x128xf32, #tpu.memory_space<vmem_shared>> -> memref<104x128xf32, #tpu.memory_space<vmem_shared>>
      %dma_start3A_86 = arith.constant 0 : i32
      %dma_start3A_87 = arith.constant 0 : i32
      %dma_start3A_88 = tpu.memref_slice %arg9[%dma_start3A_86, %dma_start3A_87] : memref<125x128xf32, #tpu.memory_space<vmem>> -> memref<104x128xf32, #tpu.memory_space<vmem>>
      tpu.enqueue_dma source(%dma_start3A_88 : memref<104x128xf32, #tpu.memory_space<vmem>>) target(%dma_start3A_85 : memref<104x128xf32, #tpu.memory_space<vmem_shared>>) target_semaphore(%run_scoped3A : memref<!tpu.dma_semaphore, #tpu.memory_space<semaphore_mem>>)
      %dma_wait3A = arith.constant 0 : i32
      %dma_wait3A_89 = arith.constant 0 : i32
      %dma_wait3A_90 = tpu.memref_slice %arg9[%dma_wait3A, %dma_wait3A_89] : memref<125x128xf32, #tpu.memory_space<vmem>> -> memref<104x128xf32, #tpu.memory_space<vmem>>
      %dma_wait3A_91 = arith.constant 0 : i32
      %dma_wait3A_92 = tpu.memref_slice %arg6[%add3A_15, %dma_wait3A_91] : memref<10000x128xf32, #tpu.memory_space<vmem_shared>> -> memref<104x128xf32, #tpu.memory_space<vmem_shared>>
      %dma_wait3A_93 = arith.constant 0 : i32
      %dma_wait3A_94 = tpu.memref_slice %arg6[%add3A_15, %dma_wait3A_93] : memref<10000x128xf32, #tpu.memory_space<vmem_shared>> -> memref<104x128xf32, #tpu.memory_space<vmem_shared>>
      %dma_wait3A_95 = arith.constant 0 : i32
      %dma_wait3A_96 = arith.constant 0 : i32
      %dma_wait3A_97 = tpu.memref_slice %arg9[%dma_wait3A_95, %dma_wait3A_96] : memref<125x128xf32, #tpu.memory_space<vmem>> -> memref<104x128xf32, #tpu.memory_space<vmem>>
      tpu.wait_dma2 semaphore(%run_scoped3A : memref<!tpu.dma_semaphore, #tpu.memory_space<semaphore_mem>>) src(%dma_wait3A_97 : memref<104x128xf32, #tpu.memory_space<vmem>>) dst(%dma_wait3A_94 : memref<104x128xf32, #tpu.memory_space<vmem_shared>>)
      tpu.yield
    }) : () -> ()
    %mul3A_16 = arith.constant 624 : i32
    %mul3A_17 = arith.muli %arg1, %mul3A_16 : i32
    %add3A_18 = arith.constant 208 : i32
    %add3A_19 = arith.addi %mul3A_17, %add3A_18 : i32
    "tpu.region"() ({
      %run_scoped3A = tpu.sem_alloc : memref<!tpu.dma_semaphore, #tpu.memory_space<semaphore_mem>>
      %dma_start3A_79 = arith.constant 0 : i32
      %dma_start3A_80 = arith.constant 0 : i32
      %dma_start3A_81 = tpu.memref_slice %arg9[%dma_start3A_79, %dma_start3A_80] : memref<125x128xf32, #tpu.memory_space<vmem>> -> memref<104x128xf32, #tpu.memory_space<vmem>>
      %dma_start3A_82 = arith.constant 0 : i32
      %dma_start3A_83 = tpu.memref_slice %arg6[%add3A_19, %dma_start3A_82] : memref<10000x128xf32, #tpu.memory_space<vmem_shared>> -> memref<104x128xf32, #tpu.memory_space<vmem_shared>>
      %dma_start3A_84 = arith.constant 0 : i32
      %dma_start3A_85 = tpu.memref_slice %arg6[%add3A_19, %dma_start3A_84] : memref<10000x128xf32, #tpu.memory_space<vmem_shared>> -> memref<104x128xf32, #tpu.memory_space<vmem_shared>>
      %dma_start3A_86 = arith.constant 0 : i32
      %dma_start3A_87 = arith.constant 0 : i32
      %dma_start3A_88 = tpu.memref_slice %arg9[%dma_start3A_86, %dma_start3A_87] : memref<125x128xf32, #tpu.memory_space<vmem>> -> memref<104x128xf32, #tpu.memory_space<vmem>>
      tpu.enqueue_dma source(%dma_start3A_88 : memref<104x128xf32, #tpu.memory_space<vmem>>) target(%dma_start3A_85 : memref<104x128xf32, #tpu.memory_space<vmem_shared>>) target_semaphore(%run_scoped3A : memref<!tpu.dma_semaphore, #tpu.memory_space<semaphore_mem>>)
      %dma_wait3A = arith.constant 0 : i32
      %dma_wait3A_89 = arith.constant 0 : i32
      %dma_wait3A_90 = tpu.memref_slice %arg9[%dma_wait3A, %dma_wait3A_89] : memref<125x128xf32, #tpu.memory_space<vmem>> -> memref<104x128xf32, #tpu.memory_space<vmem>>
      %dma_wait3A_91 = arith.constant 0 : i32
      %dma_wait3A_92 = tpu.memref_slice %arg6[%add3A_19, %dma_wait3A_91] : memref<10000x128xf32, #tpu.memory_space<vmem_shared>> -> memref<104x128xf32, #tpu.memory_space<vmem_shared>>
      %dma_wait3A_93 = arith.constant 0 : i32
      %dma_wait3A_94 = tpu.memref_slice %arg6[%add3A_19, %dma_wait3A_93] : memref<10000x128xf32, #tpu.memory_space<vmem_shared>> -> memref<104x128xf32, #tpu.memory_space<vmem_shared>>
      %dma_wait3A_95 = arith.constant 0 : i32
      %dma_wait3A_96 = arith.constant 0 : i32
      %dma_wait3A_97 = tpu.memref_slice %arg9[%dma_wait3A_95, %dma_wait3A_96] : memref<125x128xf32, #tpu.memory_space<vmem>> -> memref<104x128xf32, #tpu.memory_space<vmem>>
      tpu.wait_dma2 semaphore(%run_scoped3A : memref<!tpu.dma_semaphore, #tpu.memory_space<semaphore_mem>>) src(%dma_wait3A_97 : memref<104x128xf32, #tpu.memory_space<vmem>>) dst(%dma_wait3A_94 : memref<104x128xf32, #tpu.memory_space<vmem_shared>>)
      tpu.yield
    }) : () -> ()
    %mul3A_20 = arith.constant 624 : i32
    %mul3A_21 = arith.muli %arg1, %mul3A_20 : i32
    %add3A_22 = arith.constant 312 : i32
    %add3A_23 = arith.addi %mul3A_21, %add3A_22 : i32
    "tpu.region"() ({
      %run_scoped3A = tpu.sem_alloc : memref<!tpu.dma_semaphore, #tpu.memory_space<semaphore_mem>>
      %dma_start3A_79 = arith.constant 0 : i32
      %dma_start3A_80 = arith.constant 0 : i32
      %dma_start3A_81 = tpu.memref_slice %arg9[%dma_start3A_79, %dma_start3A_80] : memref<125x128xf32, #tpu.memory_space<vmem>> -> memref<104x128xf32, #tpu.memory_space<vmem>>
      %dma_start3A_82 = arith.constant 0 : i32
      %dma_start3A_83 = tpu.memref_slice %arg6[%add3A_23, %dma_start3A_82] : memref<10000x128xf32, #tpu.memory_space<vmem_shared>> -> memref<104x128xf32, #tpu.memory_space<vmem_shared>>
      %dma_start3A_84 = arith.constant 0 : i32
      %dma_start3A_85 = tpu.memref_slice %arg6[%add3A_23, %dma_start3A_84] : memref<10000x128xf32, #tpu.memory_space<vmem_shared>> -> memref<104x128xf32, #tpu.memory_space<vmem_shared>>
      %dma_start3A_86 = arith.constant 0 : i32
      %dma_start3A_87 = arith.constant 0 : i32
      %dma_start3A_88 = tpu.memref_slice %arg9[%dma_start3A_86, %dma_start3A_87] : memref<125x128xf32, #tpu.memory_space<vmem>> -> memref<104x128xf32, #tpu.memory_space<vmem>>
      tpu.enqueue_dma source(%dma_start3A_88 : memref<104x128xf32, #tpu.memory_space<vmem>>) target(%dma_start3A_85 : memref<104x128xf32, #tpu.memory_space<vmem_shared>>) target_semaphore(%run_scoped3A : memref<!tpu.dma_semaphore, #tpu.memory_space<semaphore_mem>>)
      %dma_wait3A = arith.constant 0 : i32
      %dma_wait3A_89 = arith.constant 0 : i32
      %dma_wait3A_90 = tpu.memref_slice %arg9[%dma_wait3A, %dma_wait3A_89] : memref<125x128xf32, #tpu.memory_space<vmem>> -> memref<104x128xf32, #tpu.memory_space<vmem>>
      %dma_wait3A_91 = arith.constant 0 : i32
      %dma_wait3A_92 = tpu.memref_slice %arg6[%add3A_23, %dma_wait3A_91] : memref<10000x128xf32, #tpu.memory_space<vmem_shared>> -> memref<104x128xf32, #tpu.memory_space<vmem_shared>>
      %dma_wait3A_93 = arith.constant 0 : i32
      %dma_wait3A_94 = tpu.memref_slice %arg6[%add3A_23, %dma_wait3A_93] : memref<10000x128xf32, #tpu.memory_space<vmem_shared>> -> memref<104x128xf32, #tpu.memory_space<vmem_shared>>
      %dma_wait3A_95 = arith.constant 0 : i32
      %dma_wait3A_96 = arith.constant 0 : i32
      %dma_wait3A_97 = tpu.memref_slice %arg9[%dma_wait3A_95, %dma_wait3A_96] : memref<125x128xf32, #tpu.memory_space<vmem>> -> memref<104x128xf32, #tpu.memory_space<vmem>>
      tpu.wait_dma2 semaphore(%run_scoped3A : memref<!tpu.dma_semaphore, #tpu.memory_space<semaphore_mem>>) src(%dma_wait3A_97 : memref<104x128xf32, #tpu.memory_space<vmem>>) dst(%dma_wait3A_94 : memref<104x128xf32, #tpu.memory_space<vmem_shared>>)
      tpu.yield
    }) : () -> ()
    %mul3A_24 = arith.constant 624 : i32
    %mul3A_25 = arith.muli %arg1, %mul3A_24 : i32
    %add3A_26 = arith.constant 416 : i32
    %add3A_27 = arith.addi %mul3A_25, %add3A_26 : i32
    "tpu.region"() ({
      %run_scoped3A = tpu.sem_alloc : memref<!tpu.dma_semaphore, #tpu.memory_space<semaphore_mem>>
      %dma_start3A_79 = arith.constant 0 : i32
      %dma_start3A_80 = arith.constant 0 : i32
      %dma_start3A_81 = tpu.memref_slice %arg9[%dma_start3A_79, %dma_start3A_80] : memref<125x128xf32, #tpu.memory_space<vmem>> -> memref<104x128xf32, #tpu.memory_space<vmem>>
      %dma_start3A_82 = arith.constant 0 : i32
      %dma_start3A_83 = tpu.memref_slice %arg6[%add3A_27, %dma_start3A_82] : memref<10000x128xf32, #tpu.memory_space<vmem_shared>> -> memref<104x128xf32, #tpu.memory_space<vmem_shared>>
      %dma_start3A_84 = arith.constant 0 : i32
      %dma_start3A_85 = tpu.memref_slice %arg6[%add3A_27, %dma_start3A_84] : memref<10000x128xf32, #tpu.memory_space<vmem_shared>> -> memref<104x128xf32, #tpu.memory_space<vmem_shared>>
      %dma_start3A_86 = arith.constant 0 : i32
      %dma_start3A_87 = arith.constant 0 : i32
      %dma_start3A_88 = tpu.memref_slice %arg9[%dma_start3A_86, %dma_start3A_87] : memref<125x128xf32, #tpu.memory_space<vmem>> -> memref<104x128xf32, #tpu.memory_space<vmem>>
      tpu.enqueue_dma source(%dma_start3A_88 : memref<104x128xf32, #tpu.memory_space<vmem>>) target(%dma_start3A_85 : memref<104x128xf32, #tpu.memory_space<vmem_shared>>) target_semaphore(%run_scoped3A : memref<!tpu.dma_semaphore, #tpu.memory_space<semaphore_mem>>)
      %dma_wait3A = arith.constant 0 : i32
      %dma_wait3A_89 = arith.constant 0 : i32
      %dma_wait3A_90 = tpu.memref_slice %arg9[%dma_wait3A, %dma_wait3A_89] : memref<125x128xf32, #tpu.memory_space<vmem>> -> memref<104x128xf32, #tpu.memory_space<vmem>>
      %dma_wait3A_91 = arith.constant 0 : i32
      %dma_wait3A_92 = tpu.memref_slice %arg6[%add3A_27, %dma_wait3A_91] : memref<10000x128xf32, #tpu.memory_space<vmem_shared>> -> memref<104x128xf32, #tpu.memory_space<vmem_shared>>
      %dma_wait3A_93 = arith.constant 0 : i32
      %dma_wait3A_94 = tpu.memref_slice %arg6[%add3A_27, %dma_wait3A_93] : memref<10000x128xf32, #tpu.memory_space<vmem_shared>> -> memref<104x128xf32, #tpu.memory_space<vmem_shared>>
      %dma_wait3A_95 = arith.constant 0 : i32
      %dma_wait3A_96 = arith.constant 0 : i32
      %dma_wait3A_97 = tpu.memref_slice %arg9[%dma_wait3A_95, %dma_wait3A_96] : memref<125x128xf32, #tpu.memory_space<vmem>> -> memref<104x128xf32, #tpu.memory_space<vmem>>
      tpu.wait_dma2 semaphore(%run_scoped3A : memref<!tpu.dma_semaphore, #tpu.memory_space<semaphore_mem>>) src(%dma_wait3A_97 : memref<104x128xf32, #tpu.memory_space<vmem>>) dst(%dma_wait3A_94 : memref<104x128xf32, #tpu.memory_space<vmem_shared>>)
      tpu.yield
    }) : () -> ()
    %mul3A_28 = arith.constant 624 : i32
    %mul3A_29 = arith.muli %arg1, %mul3A_28 : i32
    %add3A_30 = arith.constant 520 : i32
    %add3A_31 = arith.addi %mul3A_29, %add3A_30 : i32
    "tpu.region"() ({
      %run_scoped3A = tpu.sem_alloc : memref<!tpu.dma_semaphore, #tpu.memory_space<semaphore_mem>>
      %dma_start3A_79 = arith.constant 0 : i32
      %dma_start3A_80 = arith.constant 0 : i32
      %dma_start3A_81 = tpu.memref_slice %arg9[%dma_start3A_79, %dma_start3A_80] : memref<125x128xf32, #tpu.memory_space<vmem>> -> memref<104x128xf32, #tpu.memory_space<vmem>>
      %dma_start3A_82 = arith.constant 0 : i32
      %dma_start3A_83 = tpu.memref_slice %arg6[%add3A_31, %dma_start3A_82] : memref<10000x128xf32, #tpu.memory_space<vmem_shared>> -> memref<104x128xf32, #tpu.memory_space<vmem_shared>>
      %dma_start3A_84 = arith.constant 0 : i32
      %dma_start3A_85 = tpu.memref_slice %arg6[%add3A_31, %dma_start3A_84] : memref<10000x128xf32, #tpu.memory_space<vmem_shared>> -> memref<104x128xf32, #tpu.memory_space<vmem_shared>>
      %dma_start3A_86 = arith.constant 0 : i32
      %dma_start3A_87 = arith.constant 0 : i32
      %dma_start3A_88 = tpu.memref_slice %arg9[%dma_start3A_86, %dma_start3A_87] : memref<125x128xf32, #tpu.memory_space<vmem>> -> memref<104x128xf32, #tpu.memory_space<vmem>>
      tpu.enqueue_dma source(%dma_start3A_88 : memref<104x128xf32, #tpu.memory_space<vmem>>) target(%dma_start3A_85 : memref<104x128xf32, #tpu.memory_space<vmem_shared>>) target_semaphore(%run_scoped3A : memref<!tpu.dma_semaphore, #tpu.memory_space<semaphore_mem>>)
      %dma_wait3A = arith.constant 0 : i32
      %dma_wait3A_89 = arith.constant 0 : i32
      %dma_wait3A_90 = tpu.memref_slice %arg9[%dma_wait3A, %dma_wait3A_89] : memref<125x128xf32, #tpu.memory_space<vmem>> -> memref<104x128xf32, #tpu.memory_space<vmem>>
      %dma_wait3A_91 = arith.constant 0 : i32
      %dma_wait3A_92 = tpu.memref_slice %arg6[%add3A_31, %dma_wait3A_91] : memref<10000x128xf32, #tpu.memory_space<vmem_shared>> -> memref<104x128xf32, #tpu.memory_space<vmem_shared>>
      %dma_wait3A_93 = arith.constant 0 : i32
      %dma_wait3A_94 = tpu.memref_slice %arg6[%add3A_31, %dma_wait3A_93] : memref<10000x128xf32, #tpu.memory_space<vmem_shared>> -> memref<104x128xf32, #tpu.memory_space<vmem_shared>>
      %dma_wait3A_95 = arith.constant 0 : i32
      %dma_wait3A_96 = arith.constant 0 : i32
      %dma_wait3A_97 = tpu.memref_slice %arg9[%dma_wait3A_95, %dma_wait3A_96] : memref<125x128xf32, #tpu.memory_space<vmem>> -> memref<104x128xf32, #tpu.memory_space<vmem>>
      tpu.wait_dma2 semaphore(%run_scoped3A : memref<!tpu.dma_semaphore, #tpu.memory_space<semaphore_mem>>) src(%dma_wait3A_97 : memref<104x128xf32, #tpu.memory_space<vmem>>) dst(%dma_wait3A_94 : memref<104x128xf32, #tpu.memory_space<vmem_shared>>)
      tpu.yield
    }) : () -> ()
    %eq3A = arith.constant 0 : i32
    %eq3A_32 = arith.cmpi eq, %arg1, %eq3A : i32
    %convert_element_type3A = arith.extui %eq3A_32 : i1 to i32
    %cond3A = arith.constant 0 : i32
    %cond3A_33 = arith.cmpi ne, %convert_element_type3A, %cond3A : i32
    scf.if %cond3A_33 {
      "tpu.region"() ({
        %run_scoped3A = tpu.sem_alloc : memref<!tpu.dma_semaphore, #tpu.memory_space<semaphore_mem>>
        %dma_start3A_79 = arith.constant 0 : i32
        %dma_start3A_80 = arith.constant 0 : i32
        %dma_start3A_81 = tpu.memref_slice %arg9[%dma_start3A_79, %dma_start3A_80] : memref<125x128xf32, #tpu.memory_space<vmem>> -> memref<16x128xf32, #tpu.memory_space<vmem>>
        %dma_start3A_82 = arith.constant 9984 : i32
        %dma_start3A_83 = arith.constant 0 : i32
        %dma_start3A_84 = tpu.memref_slice %arg6[%dma_start3A_82, %dma_start3A_83] : memref<10000x128xf32, #tpu.memory_space<vmem_shared>> -> memref<16x128xf32, #tpu.memory_space<vmem_shared>>
        %dma_start3A_85 = arith.constant 9984 : i32
        %dma_start3A_86 = arith.constant 0 : i32
        %dma_start3A_87 = tpu.memref_slice %arg6[%dma_start3A_85, %dma_start3A_86] : memref<10000x128xf32, #tpu.memory_space<vmem_shared>> -> memref<16x128xf32, #tpu.memory_space<vmem_shared>>
        %dma_start3A_88 = arith.constant 0 : i32
        %dma_start3A_89 = arith.constant 0 : i32
        %dma_start3A_90 = tpu.memref_slice %arg9[%dma_start3A_88, %dma_start3A_89] : memref<125x128xf32, #tpu.memory_space<vmem>> -> memref<16x128xf32, #tpu.memory_space<vmem>>
        tpu.enqueue_dma source(%dma_start3A_90 : memref<16x128xf32, #tpu.memory_space<vmem>>) target(%dma_start3A_87 : memref<16x128xf32, #tpu.memory_space<vmem_shared>>) target_semaphore(%run_scoped3A : memref<!tpu.dma_semaphore, #tpu.memory_space<semaphore_mem>>)
        %dma_wait3A = arith.constant 0 : i32
        %dma_wait3A_91 = arith.constant 0 : i32
        %dma_wait3A_92 = tpu.memref_slice %arg9[%dma_wait3A, %dma_wait3A_91] : memref<125x128xf32, #tpu.memory_space<vmem>> -> memref<16x128xf32, #tpu.memory_space<vmem>>
        %dma_wait3A_93 = arith.constant 9984 : i32
        %dma_wait3A_94 = arith.constant 0 : i32
        %dma_wait3A_95 = tpu.memref_slice %arg6[%dma_wait3A_93, %dma_wait3A_94] : memref<10000x128xf32, #tpu.memory_space<vmem_shared>> -> memref<16x128xf32, #tpu.memory_space<vmem_shared>>
        %dma_wait3A_96 = arith.constant 9984 : i32
        %dma_wait3A_97 = arith.constant 0 : i32
        %dma_wait3A_98 = tpu.memref_slice %arg6[%dma_wait3A_96, %dma_wait3A_97] : memref<10000x128xf32, #tpu.memory_space<vmem_shared>> -> memref<16x128xf32, #tpu.memory_space<vmem_shared>>
        %dma_wait3A_99 = arith.constant 0 : i32
        %dma_wait3A_100 = arith.constant 0 : i32
        %dma_wait3A_101 = tpu.memref_slice %arg9[%dma_wait3A_99, %dma_wait3A_100] : memref<125x128xf32, #tpu.memory_space<vmem>> -> memref<16x128xf32, #tpu.memory_space<vmem>>
        tpu.wait_dma2 semaphore(%run_scoped3A : memref<!tpu.dma_semaphore, #tpu.memory_space<semaphore_mem>>) src(%dma_wait3A_101 : memref<16x128xf32, #tpu.memory_space<vmem>>) dst(%dma_wait3A_98 : memref<16x128xf32, #tpu.memory_space<vmem_shared>>)
        tpu.yield
      }) : () -> ()
    } else {
    }
    %barrier3A = arith.constant 0 : index
    tpu.barrier barrier_id(%barrier3A)
    %mul3A_34 = arith.constant 80 : i32
    %mul3A_35 = arith.muli %add3A, %mul3A_34 : i32
    %add3A_36 = arith.constant 0 : i32
    %add3A_37 = arith.addi %mul3A_35, %add3A_36 : i32
    "tpu.region"() ({
      %run_scoped3A = tpu.sem_alloc : memref<!tpu.dma_semaphore, #tpu.memory_space<semaphore_mem>>
      %dma_start3A_79 = arith.constant 0 : i32
      %dma_start3A_80 = tpu.memref_slice %arg3[%add3A_37, %dma_start3A_79] : memref<2560x125xi32, #tpu.memory_space<hbm>> -> memref<40x125xi32, #tpu.memory_space<hbm>>
      %dma_start3A_81 = arith.constant 0 : i32
      %dma_start3A_82 = tpu.memref_slice %arg3[%add3A_37, %dma_start3A_81] : memref<2560x125xi32, #tpu.memory_space<hbm>> -> memref<40x125xi32, #tpu.memory_space<hbm>>
      tpu.enqueue_dma source(%dma_start3A_82 : memref<40x125xi32, #tpu.memory_space<hbm>>) target(%arg7 : memref<40x125xi32, #tpu.memory_space<vmem>>) target_semaphore(%run_scoped3A : memref<!tpu.dma_semaphore, #tpu.memory_space<semaphore_mem>>)
      %dma_wait3A = arith.constant 0 : i32
      %dma_wait3A_83 = tpu.memref_slice %arg3[%add3A_37, %dma_wait3A] : memref<2560x125xi32, #tpu.memory_space<hbm>> -> memref<40x125xi32, #tpu.memory_space<hbm>>
      %dma_wait3A_84 = arith.constant 0 : i32
      %dma_wait3A_85 = tpu.memref_slice %arg3[%add3A_37, %dma_wait3A_84] : memref<2560x125xi32, #tpu.memory_space<hbm>> -> memref<40x125xi32, #tpu.memory_space<hbm>>
      tpu.wait_dma2 semaphore(%run_scoped3A : memref<!tpu.dma_semaphore, #tpu.memory_space<semaphore_mem>>) src(%dma_wait3A_85 : memref<40x125xi32, #tpu.memory_space<hbm>>) dst(%arg7 : memref<40x125xi32, #tpu.memory_space<vmem>>)
      tpu.yield
    }) : () -> ()
    "tpu.region"() ({
      %run_scoped3A = tpu.sem_alloc : memref<!tpu.dma_semaphore, #tpu.memory_space<semaphore_mem>>
      %dma_start3A_79 = arith.constant 0 : i32
      %dma_start3A_80 = tpu.memref_slice %arg4[%add3A_37, %dma_start3A_79] : memref<2560x125xi32, #tpu.memory_space<hbm>> -> memref<40x125xi32, #tpu.memory_space<hbm>>
      %dma_start3A_81 = arith.constant 0 : i32
      %dma_start3A_82 = tpu.memref_slice %arg4[%add3A_37, %dma_start3A_81] : memref<2560x125xi32, #tpu.memory_space<hbm>> -> memref<40x125xi32, #tpu.memory_space<hbm>>
      tpu.enqueue_dma source(%dma_start3A_82 : memref<40x125xi32, #tpu.memory_space<hbm>>) target(%arg8 : memref<40x125xi32, #tpu.memory_space<vmem>>) target_semaphore(%run_scoped3A : memref<!tpu.dma_semaphore, #tpu.memory_space<semaphore_mem>>)
      %dma_wait3A = arith.constant 0 : i32
      %dma_wait3A_83 = tpu.memref_slice %arg4[%add3A_37, %dma_wait3A] : memref<2560x125xi32, #tpu.memory_space<hbm>> -> memref<40x125xi32, #tpu.memory_space<hbm>>
      %dma_wait3A_84 = arith.constant 0 : i32
      %dma_wait3A_85 = tpu.memref_slice %arg4[%add3A_37, %dma_wait3A_84] : memref<2560x125xi32, #tpu.memory_space<hbm>> -> memref<40x125xi32, #tpu.memory_space<hbm>>
      tpu.wait_dma2 semaphore(%run_scoped3A : memref<!tpu.dma_semaphore, #tpu.memory_space<semaphore_mem>>) src(%dma_wait3A_85 : memref<40x125xi32, #tpu.memory_space<hbm>>) dst(%arg8 : memref<40x125xi32, #tpu.memory_space<vmem>>)
      tpu.yield
    }) : () -> ()
    %dma_start3A = arith.constant 0 : i32
    %dma_start3A_38 = arith.constant 0 : i32
    %dma_start3A_39 = tpu.memref_slice %arg7[%dma_start3A, %dma_start3A_38] : memref<40x125xi32, #tpu.memory_space<vmem>> -> memref<1x125xi32, #tpu.memory_space<vmem>>
    %dma_start3A_40 = tpu.memref_squeeze %dma_start3A_39 : memref<1x125xi32, #tpu.memory_space<vmem>> -> memref<125xi32, #tpu.memory_space<vmem>>
    %dma_start3A_41 = arith.constant 0 : i32
    %dma_start3A_42 = arith.constant 0 : i32
    %dma_start3A_43 = tpu.memref_slice %arg2[%dma_start3A_41, %dma_start3A_42] : memref<10000x128xf32, #tpu.memory_space<hbm>> -> memref<10000x128xf32, #tpu.memory_space<hbm>>
    tpu.enqueue_indirect_dma source(%dma_start3A_43 : memref<10000x128xf32, #tpu.memory_space<hbm>>) target(%arg9 : memref<125x128xf32, #tpu.memory_space<vmem>>) offsets(%dma_start3A_40 : memref<125xi32, #tpu.memory_space<vmem>>) semaphore(%arg11 : memref<!tpu.dma_semaphore, #tpu.memory_space<semaphore_mem>>)
    %scan3A_44 = arith.constant 0 : i32
    %scan3A_45 = arith.constant 0 : i32
    %scan3A_46 = arith.constant 20 : i32
    %scan3A_47 = arith.addi %scan3A_45, %scan3A_46 : i32
    %scan3A_48 = arith.constant 1 : i32
    %scan3A_49 = scf.for %scan3A_79 = %scan3A_45 to %scan3A_47 step %scan3A_48 iter_args(%scan3A_80 = %scan3A_44) -> (i32)  : i32 {
      %mul3A_81 = arith.constant 2 : i32
      %mul3A_82 = arith.muli %mul3A_81, %scan3A_79 : i32
      %add3A_83 = arith.constant 1 : i32
      %add3A_84 = arith.addi %mul3A_82, %add3A_83 : i32
      %dma_start3A_85 = arith.constant 0 : i32
      %dma_start3A_86 = tpu.memref_slice %arg7[%add3A_84, %dma_start3A_85] : memref<40x125xi32, #tpu.memory_space<vmem>> -> memref<1x125xi32, #tpu.memory_space<vmem>>
      %dma_start3A_87 = tpu.memref_squeeze %dma_start3A_86 : memref<1x125xi32, #tpu.memory_space<vmem>> -> memref<125xi32, #tpu.memory_space<vmem>>
      %dma_start3A_88 = arith.constant 0 : i32
      %dma_start3A_89 = arith.constant 0 : i32
      %dma_start3A_90 = tpu.memref_slice %arg2[%dma_start3A_88, %dma_start3A_89] : memref<10000x128xf32, #tpu.memory_space<hbm>> -> memref<10000x128xf32, #tpu.memory_space<hbm>>
      tpu.enqueue_indirect_dma source(%dma_start3A_90 : memref<10000x128xf32, #tpu.memory_space<hbm>>) target(%arg10 : memref<125x128xf32, #tpu.memory_space<vmem>>) offsets(%dma_start3A_87 : memref<125xi32, #tpu.memory_space<vmem>>) semaphore(%arg12 : memref<!tpu.dma_semaphore, #tpu.memory_space<semaphore_mem>>)
      %dma_wait3A = arith.constant 0 : i32
      %dma_wait3A_91 = tpu.memref_slice %arg7[%mul3A_82, %dma_wait3A] : memref<40x125xi32, #tpu.memory_space<vmem>> -> memref<1x125xi32, #tpu.memory_space<vmem>>
      %dma_wait3A_92 = tpu.memref_squeeze %dma_wait3A_91 : memref<1x125xi32, #tpu.memory_space<vmem>> -> memref<125xi32, #tpu.memory_space<vmem>>
      %dma_wait3A_93 = arith.constant 0 : i32
      %dma_wait3A_94 = arith.constant 0 : i32
      %dma_wait3A_95 = tpu.memref_slice %arg2[%dma_wait3A_93, %dma_wait3A_94] : memref<10000x128xf32, #tpu.memory_space<hbm>> -> memref<10000x128xf32, #tpu.memory_space<hbm>>
      tpu.wait_indirect_dma semaphore(%arg11 : memref<!tpu.dma_semaphore, #tpu.memory_space<semaphore_mem>>) src(%dma_wait3A_95 : memref<10000x128xf32, #tpu.memory_space<hbm>>) dst(%arg9 : memref<125x128xf32, #tpu.memory_space<vmem>>)
      "tpu.region"() ({
        %run_scoped3A = tpu.sem_alloc : memref<!tpu.dma_semaphore, #tpu.memory_space<semaphore_mem>>
        %dma_start3A_109 = arith.constant 0 : i32
        %dma_start3A_110 = tpu.memref_slice %arg8[%mul3A_82, %dma_start3A_109] : memref<40x125xi32, #tpu.memory_space<vmem>> -> memref<1x125xi32, #tpu.memory_space<vmem>>
        %dma_start3A_111 = tpu.memref_squeeze %dma_start3A_110 : memref<1x125xi32, #tpu.memory_space<vmem>> -> memref<125xi32, #tpu.memory_space<vmem>>
        %dma_start3A_112 = arith.constant 0 : i32
        %dma_start3A_113 = arith.constant 0 : i32
        %dma_start3A_114 = tpu.memref_slice %arg6[%dma_start3A_112, %dma_start3A_113] : memref<10000x128xf32, #tpu.memory_space<vmem_shared>> -> memref<10000x128xf32, #tpu.memory_space<vmem_shared>>
        tpu.enqueue_indirect_dma source(%arg9 : memref<125x128xf32, #tpu.memory_space<vmem>>) target(%dma_start3A_114 : memref<10000x128xf32, #tpu.memory_space<vmem_shared>>) offsets(%dma_start3A_111 : memref<125xi32, #tpu.memory_space<vmem>>) semaphore(%run_scoped3A : memref<!tpu.dma_semaphore, #tpu.memory_space<semaphore_mem>>) {add = true}
        %dma_wait3A_115 = arith.constant 0 : i32
        %dma_wait3A_116 = tpu.memref_slice %arg8[%mul3A_82, %dma_wait3A_115] : memref<40x125xi32, #tpu.memory_space<vmem>> -> memref<1x125xi32, #tpu.memory_space<vmem>>
        %dma_wait3A_117 = tpu.memref_squeeze %dma_wait3A_116 : memref<1x125xi32, #tpu.memory_space<vmem>> -> memref<125xi32, #tpu.memory_space<vmem>>
        %dma_wait3A_118 = arith.constant 0 : i32
        %dma_wait3A_119 = arith.constant 0 : i32
        %dma_wait3A_120 = tpu.memref_slice %arg6[%dma_wait3A_118, %dma_wait3A_119] : memref<10000x128xf32, #tpu.memory_space<vmem_shared>> -> memref<10000x128xf32, #tpu.memory_space<vmem_shared>>
        tpu.wait_indirect_dma semaphore(%run_scoped3A : memref<!tpu.dma_semaphore, #tpu.memory_space<semaphore_mem>>) src(%arg9 : memref<125x128xf32, #tpu.memory_space<vmem>>) dst(%dma_wait3A_120 : memref<10000x128xf32, #tpu.memory_space<vmem_shared>>)
        tpu.yield
      }) : () -> ()
      %add3A_96 = arith.constant 1 : i32
      %add3A_97 = arith.addi %add3A_84, %add3A_96 : i32
      %lt3A = arith.constant 40 : i32
      %lt3A_98 = arith.cmpi slt, %add3A_97, %lt3A : i32
      %convert_element_type3A_99 = arith.extui %lt3A_98 : i1 to i32
      %cond3A_100 = arith.constant 0 : i32
      %cond3A_101 = arith.cmpi ne, %convert_element_type3A_99, %cond3A_100 : i32
      scf.if %cond3A_101 {
        %add3A_109 = arith.constant 1 : i32
        %add3A_110 = arith.addi %add3A_84, %add3A_109 : i32
        %dma_start3A_111 = arith.constant 0 : i32
        %dma_start3A_112 = tpu.memref_slice %arg7[%add3A_110, %dma_start3A_111] : memref<40x125xi32, #tpu.memory_space<vmem>> -> memref<1x125xi32, #tpu.memory_space<vmem>>
        %dma_start3A_113 = tpu.memref_squeeze %dma_start3A_112 : memref<1x125xi32, #tpu.memory_space<vmem>> -> memref<125xi32, #tpu.memory_space<vmem>>
        %dma_start3A_114 = arith.constant 0 : i32
        %dma_start3A_115 = arith.constant 0 : i32
        %dma_start3A_116 = tpu.memref_slice %arg2[%dma_start3A_114, %dma_start3A_115] : memref<10000x128xf32, #tpu.memory_space<hbm>> -> memref<10000x128xf32, #tpu.memory_space<hbm>>
        tpu.enqueue_indirect_dma source(%dma_start3A_116 : memref<10000x128xf32, #tpu.memory_space<hbm>>) target(%arg9 : memref<125x128xf32, #tpu.memory_space<vmem>>) offsets(%dma_start3A_113 : memref<125xi32, #tpu.memory_space<vmem>>) semaphore(%arg11 : memref<!tpu.dma_semaphore, #tpu.memory_space<semaphore_mem>>)
      } else {
      }
      %dma_wait3A_102 = arith.constant 0 : i32
      %dma_wait3A_103 = tpu.memref_slice %arg7[%add3A_84, %dma_wait3A_102] : memref<40x125xi32, #tpu.memory_space<vmem>> -> memref<1x125xi32, #tpu.memory_space<vmem>>
      %dma_wait3A_104 = tpu.memref_squeeze %dma_wait3A_103 : memref<1x125xi32, #tpu.memory_space<vmem>> -> memref<125xi32, #tpu.memory_space<vmem>>
      %dma_wait3A_105 = arith.constant 0 : i32
      %dma_wait3A_106 = arith.constant 0 : i32
      %dma_wait3A_107 = tpu.memref_slice %arg2[%dma_wait3A_105, %dma_wait3A_106] : memref<10000x128xf32, #tpu.memory_space<hbm>> -> memref<10000x128xf32, #tpu.memory_space<hbm>>
      tpu.wait_indirect_dma semaphore(%arg12 : memref<!tpu.dma_semaphore, #tpu.memory_space<semaphore_mem>>) src(%dma_wait3A_107 : memref<10000x128xf32, #tpu.memory_space<hbm>>) dst(%arg10 : memref<125x128xf32, #tpu.memory_space<vmem>>)
      "tpu.region"() ({
        %run_scoped3A = tpu.sem_alloc : memref<!tpu.dma_semaphore, #tpu.memory_space<semaphore_mem>>
        %dma_start3A_109 = arith.constant 0 : i32
        %dma_start3A_110 = tpu.memref_slice %arg8[%add3A_84, %dma_start3A_109] : memref<40x125xi32, #tpu.memory_space<vmem>> -> memref<1x125xi32, #tpu.memory_space<vmem>>
        %dma_start3A_111 = tpu.memref_squeeze %dma_start3A_110 : memref<1x125xi32, #tpu.memory_space<vmem>> -> memref<125xi32, #tpu.memory_space<vmem>>
        %dma_start3A_112 = arith.constant 0 : i32
        %dma_start3A_113 = arith.constant 0 : i32
        %dma_start3A_114 = tpu.memref_slice %arg6[%dma_start3A_112, %dma_start3A_113] : memref<10000x128xf32, #tpu.memory_space<vmem_shared>> -> memref<10000x128xf32, #tpu.memory_space<vmem_shared>>
        tpu.enqueue_indirect_dma source(%arg10 : memref<125x128xf32, #tpu.memory_space<vmem>>) target(%dma_start3A_114 : memref<10000x128xf32, #tpu.memory_space<vmem_shared>>) offsets(%dma_start3A_111 : memref<125xi32, #tpu.memory_space<vmem>>) semaphore(%run_scoped3A : memref<!tpu.dma_semaphore, #tpu.memory_space<semaphore_mem>>) {add = true}
        %dma_wait3A_115 = arith.constant 0 : i32
        %dma_wait3A_116 = tpu.memref_slice %arg8[%add3A_84, %dma_wait3A_115] : memref<40x125xi32, #tpu.memory_space<vmem>> -> memref<1x125xi32, #tpu.memory_space<vmem>>
        %dma_wait3A_117 = tpu.memref_squeeze %dma_wait3A_116 : memref<1x125xi32, #tpu.memory_space<vmem>> -> memref<125xi32, #tpu.memory_space<vmem>>
        %dma_wait3A_118 = arith.constant 0 : i32
        %dma_wait3A_119 = arith.constant 0 : i32
        %dma_wait3A_120 = tpu.memref_slice %arg6[%dma_wait3A_118, %dma_wait3A_119] : memref<10000x128xf32, #tpu.memory_space<vmem_shared>> -> memref<10000x128xf32, #tpu.memory_space<vmem_shared>>
        tpu.wait_indirect_dma semaphore(%run_scoped3A : memref<!tpu.dma_semaphore, #tpu.memory_space<semaphore_mem>>) src(%arg10 : memref<125x128xf32, #tpu.memory_space<vmem>>) dst(%dma_wait3A_120 : memref<10000x128xf32, #tpu.memory_space<vmem_shared>>)
        tpu.yield
      }) : () -> ()
      %scan3A_108 = arith.constant 0 : i32
      scf.yield %scan3A_108 : i32
    }
    %scan3A_50 = arith.constant 20 : i32
    %mul3A_51 = arith.constant 80 : i32
    %mul3A_52 = arith.muli %add3A, %mul3A_51 : i32
    %add3A_53 = arith.constant 40 : i32
    %add3A_54 = arith.addi %mul3A_52, %add3A_53 : i32
    "tpu.region"() ({
      %run_scoped3A = tpu.sem_alloc : memref<!tpu.dma_semaphore, #tpu.memory_space<semaphore_mem>>
      %dma_start3A_79 = arith.constant 0 : i32
      %dma_start3A_80 = tpu.memref_slice %arg3[%add3A_54, %dma_start3A_79] : memref<2560x125xi32, #tpu.memory_space<hbm>> -> memref<40x125xi32, #tpu.memory_space<hbm>>
      %dma_start3A_81 = arith.constant 0 : i32
      %dma_start3A_82 = tpu.memref_slice %arg3[%add3A_54, %dma_start3A_81] : memref<2560x125xi32, #tpu.memory_space<hbm>> -> memref<40x125xi32, #tpu.memory_space<hbm>>
      tpu.enqueue_dma source(%dma_start3A_82 : memref<40x125xi32, #tpu.memory_space<hbm>>) target(%arg7 : memref<40x125xi32, #tpu.memory_space<vmem>>) target_semaphore(%run_scoped3A : memref<!tpu.dma_semaphore, #tpu.memory_space<semaphore_mem>>)
      %dma_wait3A = arith.constant 0 : i32
      %dma_wait3A_83 = tpu.memref_slice %arg3[%add3A_54, %dma_wait3A] : memref<2560x125xi32, #tpu.memory_space<hbm>> -> memref<40x125xi32, #tpu.memory_space<hbm>>
      %dma_wait3A_84 = arith.constant 0 : i32
      %dma_wait3A_85 = tpu.memref_slice %arg3[%add3A_54, %dma_wait3A_84] : memref<2560x125xi32, #tpu.memory_space<hbm>> -> memref<40x125xi32, #tpu.memory_space<hbm>>
      tpu.wait_dma2 semaphore(%run_scoped3A : memref<!tpu.dma_semaphore, #tpu.memory_space<semaphore_mem>>) src(%dma_wait3A_85 : memref<40x125xi32, #tpu.memory_space<hbm>>) dst(%arg7 : memref<40x125xi32, #tpu.memory_space<vmem>>)
      tpu.yield
    }) : () -> ()
    "tpu.region"() ({
      %run_scoped3A = tpu.sem_alloc : memref<!tpu.dma_semaphore, #tpu.memory_space<semaphore_mem>>
      %dma_start3A_79 = arith.constant 0 : i32
      %dma_start3A_80 = tpu.memref_slice %arg4[%add3A_54, %dma_start3A_79] : memref<2560x125xi32, #tpu.memory_space<hbm>> -> memref<40x125xi32, #tpu.memory_space<hbm>>
      %dma_start3A_81 = arith.constant 0 : i32
      %dma_start3A_82 = tpu.memref_slice %arg4[%add3A_54, %dma_start3A_81] : memref<2560x125xi32, #tpu.memory_space<hbm>> -> memref<40x125xi32, #tpu.memory_space<hbm>>
      tpu.enqueue_dma source(%dma_start3A_82 : memref<40x125xi32, #tpu.memory_space<hbm>>) target(%arg8 : memref<40x125xi32, #tpu.memory_space<vmem>>) target_semaphore(%run_scoped3A : memref<!tpu.dma_semaphore, #tpu.memory_space<semaphore_mem>>)
      %dma_wait3A = arith.constant 0 : i32
      %dma_wait3A_83 = tpu.memref_slice %arg4[%add3A_54, %dma_wait3A] : memref<2560x125xi32, #tpu.memory_space<hbm>> -> memref<40x125xi32, #tpu.memory_space<hbm>>
      %dma_wait3A_84 = arith.constant 0 : i32
      %dma_wait3A_85 = tpu.memref_slice %arg4[%add3A_54, %dma_wait3A_84] : memref<2560x125xi32, #tpu.memory_space<hbm>> -> memref<40x125xi32, #tpu.memory_space<hbm>>
      tpu.wait_dma2 semaphore(%run_scoped3A : memref<!tpu.dma_semaphore, #tpu.memory_space<semaphore_mem>>) src(%dma_wait3A_85 : memref<40x125xi32, #tpu.memory_space<hbm>>) dst(%arg8 : memref<40x125xi32, #tpu.memory_space<vmem>>)
      tpu.yield
    }) : () -> ()
    %dma_start3A_55 = arith.constant 0 : i32
    %dma_start3A_56 = arith.constant 0 : i32
    %dma_start3A_57 = tpu.memref_slice %arg7[%dma_start3A_55, %dma_start3A_56] : memref<40x125xi32, #tpu.memory_space<vmem>> -> memref<1x125xi32, #tpu.memory_space<vmem>>
    %dma_start3A_58 = tpu.memref_squeeze %dma_start3A_57 : memref<1x125xi32, #tpu.memory_space<vmem>> -> memref<125xi32, #tpu.memory_space<vmem>>
    %dma_start3A_59 = arith.constant 0 : i32
    %dma_start3A_60 = arith.constant 0 : i32
    %dma_start3A_61 = tpu.memref_slice %arg2[%dma_start3A_59, %dma_start3A_60] : memref<10000x128xf32, #tpu.memory_space<hbm>> -> memref<10000x128xf32, #tpu.memory_space<hbm>>
    tpu.enqueue_indirect_dma source(%dma_start3A_61 : memref<10000x128xf32, #tpu.memory_space<hbm>>) target(%arg9 : memref<125x128xf32, #tpu.memory_space<vmem>>) offsets(%dma_start3A_58 : memref<125xi32, #tpu.memory_space<vmem>>) semaphore(%arg11 : memref<!tpu.dma_semaphore, #tpu.memory_space<semaphore_mem>>)
    %scan3A_62 = arith.constant 0 : i32
    %scan3A_63 = arith.constant 0 : i32
    %scan3A_64 = arith.constant 20 : i32
    %scan3A_65 = arith.addi %scan3A_63, %scan3A_64 : i32
    %scan3A_66 = arith.constant 1 : i32
    %scan3A_67 = scf.for %scan3A_79 = %scan3A_63 to %scan3A_65 step %scan3A_66 iter_args(%scan3A_80 = %scan3A_62) -> (i32)  : i32 {
      %mul3A_81 = arith.constant 2 : i32
      %mul3A_82 = arith.muli %mul3A_81, %scan3A_79 : i32
      %add3A_83 = arith.constant 1 : i32
      %add3A_84 = arith.addi %mul3A_82, %add3A_83 : i32
      %dma_start3A_85 = arith.constant 0 : i32
      %dma_start3A_86 = tpu.memref_slice %arg7[%add3A_84, %dma_start3A_85] : memref<40x125xi32, #tpu.memory_space<vmem>> -> memref<1x125xi32, #tpu.memory_space<vmem>>
      %dma_start3A_87 = tpu.memref_squeeze %dma_start3A_86 : memref<1x125xi32, #tpu.memory_space<vmem>> -> memref<125xi32, #tpu.memory_space<vmem>>
      %dma_start3A_88 = arith.constant 0 : i32
      %dma_start3A_89 = arith.constant 0 : i32
      %dma_start3A_90 = tpu.memref_slice %arg2[%dma_start3A_88, %dma_start3A_89] : memref<10000x128xf32, #tpu.memory_space<hbm>> -> memref<10000x128xf32, #tpu.memory_space<hbm>>
      tpu.enqueue_indirect_dma source(%dma_start3A_90 : memref<10000x128xf32, #tpu.memory_space<hbm>>) target(%arg10 : memref<125x128xf32, #tpu.memory_space<vmem>>) offsets(%dma_start3A_87 : memref<125xi32, #tpu.memory_space<vmem>>) semaphore(%arg12 : memref<!tpu.dma_semaphore, #tpu.memory_space<semaphore_mem>>)
      %dma_wait3A = arith.constant 0 : i32
      %dma_wait3A_91 = tpu.memref_slice %arg7[%mul3A_82, %dma_wait3A] : memref<40x125xi32, #tpu.memory_space<vmem>> -> memref<1x125xi32, #tpu.memory_space<vmem>>
      %dma_wait3A_92 = tpu.memref_squeeze %dma_wait3A_91 : memref<1x125xi32, #tpu.memory_space<vmem>> -> memref<125xi32, #tpu.memory_space<vmem>>
      %dma_wait3A_93 = arith.constant 0 : i32
      %dma_wait3A_94 = arith.constant 0 : i32
      %dma_wait3A_95 = tpu.memref_slice %arg2[%dma_wait3A_93, %dma_wait3A_94] : memref<10000x128xf32, #tpu.memory_space<hbm>> -> memref<10000x128xf32, #tpu.memory_space<hbm>>
      tpu.wait_indirect_dma semaphore(%arg11 : memref<!tpu.dma_semaphore, #tpu.memory_space<semaphore_mem>>) src(%dma_wait3A_95 : memref<10000x128xf32, #tpu.memory_space<hbm>>) dst(%arg9 : memref<125x128xf32, #tpu.memory_space<vmem>>)
      "tpu.region"() ({
        %run_scoped3A = tpu.sem_alloc : memref<!tpu.dma_semaphore, #tpu.memory_space<semaphore_mem>>
        %dma_start3A_109 = arith.constant 0 : i32
        %dma_start3A_110 = tpu.memref_slice %arg8[%mul3A_82, %dma_start3A_109] : memref<40x125xi32, #tpu.memory_space<vmem>> -> memref<1x125xi32, #tpu.memory_space<vmem>>
        %dma_start3A_111 = tpu.memref_squeeze %dma_start3A_110 : memref<1x125xi32, #tpu.memory_space<vmem>> -> memref<125xi32, #tpu.memory_space<vmem>>
        %dma_start3A_112 = arith.constant 0 : i32
        %dma_start3A_113 = arith.constant 0 : i32
        %dma_start3A_114 = tpu.memref_slice %arg6[%dma_start3A_112, %dma_start3A_113] : memref<10000x128xf32, #tpu.memory_space<vmem_shared>> -> memref<10000x128xf32, #tpu.memory_space<vmem_shared>>
        tpu.enqueue_indirect_dma source(%arg9 : memref<125x128xf32, #tpu.memory_space<vmem>>) target(%dma_start3A_114 : memref<10000x128xf32, #tpu.memory_space<vmem_shared>>) offsets(%dma_start3A_111 : memref<125xi32, #tpu.memory_space<vmem>>) semaphore(%run_scoped3A : memref<!tpu.dma_semaphore, #tpu.memory_space<semaphore_mem>>) {add = true}
        %dma_wait3A_115 = arith.constant 0 : i32
        %dma_wait3A_116 = tpu.memref_slice %arg8[%mul3A_82, %dma_wait3A_115] : memref<40x125xi32, #tpu.memory_space<vmem>> -> memref<1x125xi32, #tpu.memory_space<vmem>>
        %dma_wait3A_117 = tpu.memref_squeeze %dma_wait3A_116 : memref<1x125xi32, #tpu.memory_space<vmem>> -> memref<125xi32, #tpu.memory_space<vmem>>
        %dma_wait3A_118 = arith.constant 0 : i32
        %dma_wait3A_119 = arith.constant 0 : i32
        %dma_wait3A_120 = tpu.memref_slice %arg6[%dma_wait3A_118, %dma_wait3A_119] : memref<10000x128xf32, #tpu.memory_space<vmem_shared>> -> memref<10000x128xf32, #tpu.memory_space<vmem_shared>>
        tpu.wait_indirect_dma semaphore(%run_scoped3A : memref<!tpu.dma_semaphore, #tpu.memory_space<semaphore_mem>>) src(%arg9 : memref<125x128xf32, #tpu.memory_space<vmem>>) dst(%dma_wait3A_120 : memref<10000x128xf32, #tpu.memory_space<vmem_shared>>)
        tpu.yield
      }) : () -> ()
      %add3A_96 = arith.constant 1 : i32
      %add3A_97 = arith.addi %add3A_84, %add3A_96 : i32
      %lt3A = arith.constant 40 : i32
      %lt3A_98 = arith.cmpi slt, %add3A_97, %lt3A : i32
      %convert_element_type3A_99 = arith.extui %lt3A_98 : i1 to i32
      %cond3A_100 = arith.constant 0 : i32
      %cond3A_101 = arith.cmpi ne, %convert_element_type3A_99, %cond3A_100 : i32
      scf.if %cond3A_101 {
        %add3A_109 = arith.constant 1 : i32
        %add3A_110 = arith.addi %add3A_84, %add3A_109 : i32
        %dma_start3A_111 = arith.constant 0 : i32
        %dma_start3A_112 = tpu.memref_slice %arg7[%add3A_110, %dma_start3A_111] : memref<40x125xi32, #tpu.memory_space<vmem>> -> memref<1x125xi32, #tpu.memory_space<vmem>>
        %dma_start3A_113 = tpu.memref_squeeze %dma_start3A_112 : memref<1x125xi32, #tpu.memory_space<vmem>> -> memref<125xi32, #tpu.memory_space<vmem>>
        %dma_start3A_114 = arith.constant 0 : i32
        %dma_start3A_115 = arith.constant 0 : i32
        %dma_start3A_116 = tpu.memref_slice %arg2[%dma_start3A_114, %dma_start3A_115] : memref<10000x128xf32, #tpu.memory_space<hbm>> -> memref<10000x128xf32, #tpu.memory_space<hbm>>
        tpu.enqueue_indirect_dma source(%dma_start3A_116 : memref<10000x128xf32, #tpu.memory_space<hbm>>) target(%arg9 : memref<125x128xf32, #tpu.memory_space<vmem>>) offsets(%dma_start3A_113 : memref<125xi32, #tpu.memory_space<vmem>>) semaphore(%arg11 : memref<!tpu.dma_semaphore, #tpu.memory_space<semaphore_mem>>)
      } else {
      }
      %dma_wait3A_102 = arith.constant 0 : i32
      %dma_wait3A_103 = tpu.memref_slice %arg7[%add3A_84, %dma_wait3A_102] : memref<40x125xi32, #tpu.memory_space<vmem>> -> memref<1x125xi32, #tpu.memory_space<vmem>>
      %dma_wait3A_104 = tpu.memref_squeeze %dma_wait3A_103 : memref<1x125xi32, #tpu.memory_space<vmem>> -> memref<125xi32, #tpu.memory_space<vmem>>
      %dma_wait3A_105 = arith.constant 0 : i32
      %dma_wait3A_106 = arith.constant 0 : i32
      %dma_wait3A_107 = tpu.memref_slice %arg2[%dma_wait3A_105, %dma_wait3A_106] : memref<10000x128xf32, #tpu.memory_space<hbm>> -> memref<10000x128xf32, #tpu.memory_space<hbm>>
      tpu.wait_indirect_dma semaphore(%arg12 : memref<!tpu.dma_semaphore, #tpu.memory_space<semaphore_mem>>) src(%dma_wait3A_107 : memref<10000x128xf32, #tpu.memory_space<hbm>>) dst(%arg10 : memref<125x128xf32, #tpu.memory_space<vmem>>)
      "tpu.region"() ({
        %run_scoped3A = tpu.sem_alloc : memref<!tpu.dma_semaphore, #tpu.memory_space<semaphore_mem>>
        %dma_start3A_109 = arith.constant 0 : i32
        %dma_start3A_110 = tpu.memref_slice %arg8[%add3A_84, %dma_start3A_109] : memref<40x125xi32, #tpu.memory_space<vmem>> -> memref<1x125xi32, #tpu.memory_space<vmem>>
        %dma_start3A_111 = tpu.memref_squeeze %dma_start3A_110 : memref<1x125xi32, #tpu.memory_space<vmem>> -> memref<125xi32, #tpu.memory_space<vmem>>
        %dma_start3A_112 = arith.constant 0 : i32
        %dma_start3A_113 = arith.constant 0 : i32
        %dma_start3A_114 = tpu.memref_slice %arg6[%dma_start3A_112, %dma_start3A_113] : memref<10000x128xf32, #tpu.memory_space<vmem_shared>> -> memref<10000x128xf32, #tpu.memory_space<vmem_shared>>
        tpu.enqueue_indirect_dma source(%arg10 : memref<125x128xf32, #tpu.memory_space<vmem>>) target(%dma_start3A_114 : memref<10000x128xf32, #tpu.memory_space<vmem_shared>>) offsets(%dma_start3A_111 : memref<125xi32, #tpu.memory_space<vmem>>) semaphore(%run_scoped3A : memref<!tpu.dma_semaphore, #tpu.memory_space<semaphore_mem>>) {add = true}
        %dma_wait3A_115 = arith.constant 0 : i32
        %dma_wait3A_116 = tpu.memref_slice %arg8[%add3A_84, %dma_wait3A_115] : memref<40x125xi32, #tpu.memory_space<vmem>> -> memref<1x125xi32, #tpu.memory_space<vmem>>
        %dma_wait3A_117 = tpu.memref_squeeze %dma_wait3A_116 : memref<1x125xi32, #tpu.memory_space<vmem>> -> memref<125xi32, #tpu.memory_space<vmem>>
        %dma_wait3A_118 = arith.constant 0 : i32
        %dma_wait3A_119 = arith.constant 0 : i32
        %dma_wait3A_120 = tpu.memref_slice %arg6[%dma_wait3A_118, %dma_wait3A_119] : memref<10000x128xf32, #tpu.memory_space<vmem_shared>> -> memref<10000x128xf32, #tpu.memory_space<vmem_shared>>
        tpu.wait_indirect_dma semaphore(%run_scoped3A : memref<!tpu.dma_semaphore, #tpu.memory_space<semaphore_mem>>) src(%arg10 : memref<125x128xf32, #tpu.memory_space<vmem>>) dst(%dma_wait3A_120 : memref<10000x128xf32, #tpu.memory_space<vmem_shared>>)
        tpu.yield
      }) : () -> ()
      %scan3A_108 = arith.constant 0 : i32
      scf.yield %scan3A_108 : i32
    }
    %scan3A_68 = arith.constant 20 : i32
    %barrier3A_69 = arith.constant 0 : index
    tpu.barrier barrier_id(%barrier3A_69)
    %mul3A_70 = arith.constant 624 : i32
    %mul3A_71 = arith.muli %arg1, %mul3A_70 : i32
    %mul3A_72 = arith.constant 624 : i32
    %mul3A_73 = arith.muli %arg1, %mul3A_72 : i32
    "tpu.region"() ({
      %run_scoped3A = tpu.sem_alloc : memref<!tpu.dma_semaphore, #tpu.memory_space<semaphore_mem>>
      %dma_start3A_79 = arith.constant 0 : i32
      %dma_start3A_80 = tpu.memref_slice %arg5[%arg0, %mul3A_73, %dma_start3A_79] : memref<2x10000x128xf32, #tpu.memory_space<hbm>> -> memref<1x624x128xf32, #tpu.memory_space<hbm>>
      %dma_start3A_81 = tpu.memref_squeeze %dma_start3A_80 : memref<1x624x128xf32, #tpu.memory_space<hbm>> -> memref<624x128xf32, #tpu.memory_space<hbm>>
      %dma_start3A_82 = arith.constant 0 : i32
      %dma_start3A_83 = tpu.memref_slice %arg6[%mul3A_71, %dma_start3A_82] : memref<10000x128xf32, #tpu.memory_space<vmem_shared>> -> memref<624x128xf32, #tpu.memory_space<vmem_shared>>
      tpu.enqueue_dma source(%dma_start3A_83 : memref<624x128xf32, #tpu.memory_space<vmem_shared>>) target(%dma_start3A_81 : memref<624x128xf32, #tpu.memory_space<hbm>>) target_semaphore(%run_scoped3A : memref<!tpu.dma_semaphore, #tpu.memory_space<semaphore_mem>>)
      %dma_wait3A = arith.constant 0 : i32
      %dma_wait3A_84 = tpu.memref_slice %arg5[%arg0, %mul3A_73, %dma_wait3A] : memref<2x10000x128xf32, #tpu.memory_space<hbm>> -> memref<1x624x128xf32, #tpu.memory_space<hbm>>
      %dma_wait3A_85 = tpu.memref_squeeze %dma_wait3A_84 : memref<1x624x128xf32, #tpu.memory_space<hbm>> -> memref<624x128xf32, #tpu.memory_space<hbm>>
      %dma_wait3A_86 = arith.constant 0 : i32
      %dma_wait3A_87 = tpu.memref_slice %arg6[%mul3A_71, %dma_wait3A_86] : memref<10000x128xf32, #tpu.memory_space<vmem_shared>> -> memref<624x128xf32, #tpu.memory_space<vmem_shared>>
      tpu.wait_dma2 semaphore(%run_scoped3A : memref<!tpu.dma_semaphore, #tpu.memory_space<semaphore_mem>>) src(%dma_wait3A_87 : memref<624x128xf32, #tpu.memory_space<vmem_shared>>) dst(%dma_wait3A_85 : memref<624x128xf32, #tpu.memory_space<hbm>>)
      tpu.yield
    }) : () -> ()
    %eq3A_74 = arith.constant 0 : i32
    %eq3A_75 = arith.cmpi eq, %arg1, %eq3A_74 : i32
    %convert_element_type3A_76 = arith.extui %eq3A_75 : i1 to i32
    %cond3A_77 = arith.constant 0 : i32
    %cond3A_78 = arith.cmpi ne, %convert_element_type3A_76, %cond3A_77 : i32
    scf.if %cond3A_78 {
      "tpu.region"() ({
        %run_scoped3A = tpu.sem_alloc : memref<!tpu.dma_semaphore, #tpu.memory_space<semaphore_mem>>
        %dma_start3A_79 = arith.constant 9984 : i32
        %dma_start3A_80 = arith.constant 0 : i32
        %dma_start3A_81 = tpu.memref_slice %arg5[%arg0, %dma_start3A_79, %dma_start3A_80] : memref<2x10000x128xf32, #tpu.memory_space<hbm>> -> memref<1x16x128xf32, #tpu.memory_space<hbm>>
        %dma_start3A_82 = tpu.memref_squeeze %dma_start3A_81 : memref<1x16x128xf32, #tpu.memory_space<hbm>> -> memref<16x128xf32, #tpu.memory_space<hbm>>
        %dma_start3A_83 = arith.constant 9984 : i32
        %dma_start3A_84 = arith.constant 0 : i32
        %dma_start3A_85 = tpu.memref_slice %arg6[%dma_start3A_83, %dma_start3A_84] : memref<10000x128xf32, #tpu.memory_space<vmem_shared>> -> memref<16x128xf32, #tpu.memory_space<vmem_shared>>
        tpu.enqueue_dma source(%dma_start3A_85 : memref<16x128xf32, #tpu.memory_space<vmem_shared>>) target(%dma_start3A_82 : memref<16x128xf32, #tpu.memory_space<hbm>>) target_semaphore(%run_scoped3A : memref<!tpu.dma_semaphore, #tpu.memory_space<semaphore_mem>>)
        %dma_wait3A = arith.constant 9984 : i32
        %dma_wait3A_86 = arith.constant 0 : i32
        %dma_wait3A_87 = tpu.memref_slice %arg5[%arg0, %dma_wait3A, %dma_wait3A_86] : memref<2x10000x128xf32, #tpu.memory_space<hbm>> -> memref<1x16x128xf32, #tpu.memory_space<hbm>>
        %dma_wait3A_88 = tpu.memref_squeeze %dma_wait3A_87 : memref<1x16x128xf32, #tpu.memory_space<hbm>> -> memref<16x128xf32, #tpu.memory_space<hbm>>
        %dma_wait3A_89 = arith.constant 9984 : i32
        %dma_wait3A_90 = arith.constant 0 : i32
        %dma_wait3A_91 = tpu.memref_slice %arg6[%dma_wait3A_89, %dma_wait3A_90] : memref<10000x128xf32, #tpu.memory_space<vmem_shared>> -> memref<16x128xf32, #tpu.memory_space<vmem_shared>>
        tpu.wait_dma2 semaphore(%run_scoped3A : memref<!tpu.dma_semaphore, #tpu.memory_space<semaphore_mem>>) src(%dma_wait3A_91 : memref<16x128xf32, #tpu.memory_space<vmem_shared>>) dst(%dma_wait3A_88 : memref<16x128xf32, #tpu.memory_space<hbm>>)
        tpu.yield
      }) : () -> ()
    } else {
    }
    return
  }
}

module attributes {stable_mosaic.version = 14 : i64} {
  func.func @body(%arg0: i32, %arg1: memref<2x2000x16xf32, #tpu.memory_space<vmem>>, %arg2: memref<2000x128xf32, #tpu.memory_space<vmem>>, %arg3: memref<128x128xf32, #tpu.memory_space<vmem>>, %arg4: memref<2000x1xf32, #tpu.memory_space<vmem>>, %arg5: memref<2000x128xf32, #tpu.memory_space<vmem>>) attributes {dimension_semantics = [#tpu.dimension_semantics<arbitrary>], iteration_bounds = array<i64: 5>, scalar_prefetch = 0 : i64, scratch_operands = 0 : i64, tpu.core_type = #tpu.core_type<tc>, window_params = [{transform_indices = @transform_0, window_bounds = array<i64: 2, 2000, 16>}, {transform_indices = @transform_1, window_bounds = array<i64: 2000, 128>}, {pipeline_mode = #tpu.pipeline_mode<synchronous>, transform_indices = @transform_2, window_bounds = array<i64: 128, 128>}, {transform_indices = @transform_3, window_bounds = array<i64: 2000, 1>}, {transform_indices = @transform_4, window_bounds = array<i64: 2000, 128>}]} {
    %get3A = arith.constant 0 : index
    %get3A_0 = arith.constant 0 : index
    %get3A_1 = arith.constant 0 : index
    %get3A_2 = vector.load %arg1[%get3A, %get3A_0, %get3A_1] : memref<2x2000x16xf32, #tpu.memory_space<vmem>>, vector<1x2000x1xf32>
    %get3A_3 = vector.shape_cast %get3A_2 : vector<1x2000x1xf32> to vector<2000xf32>
    %get3A_4 = arith.constant 1 : index
    %get3A_5 = arith.constant 0 : index
    %get3A_6 = arith.constant 0 : index
    %get3A_7 = vector.load %arg1[%get3A_4, %get3A_5, %get3A_6] : memref<2x2000x16xf32, #tpu.memory_space<vmem>>, vector<1x2000x1xf32>
    %get3A_8 = vector.shape_cast %get3A_7 : vector<1x2000x1xf32> to vector<2000xf32>
    %add3A = arith.addf %get3A_3, %get3A_8 : vector<2000xf32>
    %add3A_9 = arith.constant 1.000000e+00 : f32
    %add3A_10 = vector.broadcast %add3A_9 : f32 to vector<2000xf32>
    %add3A_11 = arith.addf %add3A, %add3A_10 : vector<2000xf32>
    %rsqrt3A = math.rsqrt %add3A_11 : vector<2000xf32>
    %broadcast_in_dim3A = vector.shape_cast %rsqrt3A : vector<2000xf32> to vector<2000x1xf32>
    %swap3A = arith.constant 0 : index
    %swap3A_12 = arith.constant 0 : index
    %swap3A_13 = vector.load %arg4[%swap3A, %swap3A_12] : memref<2000x1xf32, #tpu.memory_space<vmem>>, vector<2000x1xf32>
    tpu.vector_store %arg4[%swap3A, %swap3A_12], %broadcast_in_dim3A {strides = array<i32>} : memref<2000x1xf32, #tpu.memory_space<vmem>>, vector<2000x1xf32>,
    %get3A_14 = arith.constant 0 : index
    %get3A_15 = arith.constant 0 : index
    %get3A_16 = vector.load %arg2[%get3A_14, %get3A_15] : memref<2000x128xf32, #tpu.memory_space<vmem>>, vector<2000x128xf32>
    %get3A_17 = arith.constant 0 : index
    %get3A_18 = arith.constant 0 : index
    %get3A_19 = vector.load %arg3[%get3A_17, %get3A_18] : memref<128x128xf32, #tpu.memory_space<vmem>>, vector<128x128xf32>
    %dot_general3A = arith.constant dense<0.000000e+00> : vector<2000x128xf32>
    %dot_general3A_20 = tpu.matmul %get3A_16, %get3A_19, %dot_general3A {dimension_numbers = #tpu.dot_dimension_numbers<[1], [0], [0], [1], [0, 0, 1, 1], [], []>, transpose_lhs_hint = false} : vector<2000x128xf32>, vector<128x128xf32>, vector<2000x128xf32> -> vector<2000x128xf32>
    %mul3A = vector.broadcast %broadcast_in_dim3A : vector<2000x1xf32> to vector<2000x128xf32>
    %mul3A_21 = arith.mulf %mul3A, %dot_general3A_20 : vector<2000x128xf32>
    %swap3A_22 = arith.constant 0 : index
    %swap3A_23 = arith.constant 0 : index
    %swap3A_24 = vector.load %arg5[%swap3A_22, %swap3A_23] : memref<2000x128xf32, #tpu.memory_space<vmem>>, vector<2000x128xf32>
    tpu.vector_store %arg5[%swap3A_22, %swap3A_23], %mul3A_21 {strides = array<i32>} : memref<2000x128xf32, #tpu.memory_space<vmem>>, vector<2000x128xf32>,
    return
  }
  func.func @transform_0(%arg0: i32) -> (i32, i32, i32) {
    %c0_i32 = arith.constant 0 : i32
    %c0_i32_0 = arith.constant 0 : i32
    %c0_i32_1 = arith.constant 0 : i32
    return %c0_i32, %arg0, %c0_i32_0 : i32, i32, i32
  }
  func.func @transform_1(%arg0: i32) -> (i32, i32) {
    %c0_i32 = arith.constant 0 : i32
    %c0_i32_0 = arith.constant 0 : i32
    return %arg0, %c0_i32 : i32, i32
  }
  func.func @transform_2(%arg0: i32) -> (i32, i32) {
    %c0_i32 = arith.constant 0 : i32
    %c0_i32_0 = arith.constant 0 : i32
    %c0_i32_1 = arith.constant 0 : i32
    return %c0_i32, %c0_i32_0 : i32, i32
  }
  func.func @transform_3(%arg0: i32) -> (i32, i32) {
    %c0_i32 = arith.constant 0 : i32
    %c0_i32_0 = arith.constant 0 : i32
    return %arg0, %c0_i32 : i32, i32
  }
  func.func @transform_4(%arg0: i32) -> (i32, i32) {
    %c0_i32 = arith.constant 0 : i32
    %c0_i32_0 = arith.constant 0 : i32
    return %arg0, %c0_i32 : i32, i32
  }
}

module attributes {stable_mosaic.version = 14 : i64} {
  func.func @body(%arg0: i32, %arg1: memref<2x2000x128xf32, #tpu.memory_space<vmem>>, %arg2: memref<2000x128xf32, #tpu.memory_space<vmem>>, %arg3: memref<2000x1xf32, #tpu.memory_space<vmem>>, %arg4: memref<1x128xf32, #tpu.memory_space<vmem>>, %arg5: memref<128x128xf32, #tpu.memory_space<vmem>>, %arg6: memref<2000x128xf32, #tpu.memory_space<vmem>>) attributes {dimension_semantics = [#tpu.dimension_semantics<arbitrary>], iteration_bounds = array<i64: 5>, scalar_prefetch = 0 : i64, scratch_operands = 0 : i64, tpu.core_type = #tpu.core_type<tc>, window_params = [{transform_indices = @transform_0, window_bounds = array<i64: 2, 2000, 128>}, {transform_indices = @transform_1, window_bounds = array<i64: 2000, 128>}, {transform_indices = @transform_2, window_bounds = array<i64: 2000, 1>}, {pipeline_mode = #tpu.pipeline_mode<synchronous>, transform_indices = @transform_3, window_bounds = array<i64: 1, 128>}, {pipeline_mode = #tpu.pipeline_mode<synchronous>, transform_indices = @transform_4, window_bounds = array<i64: 128, 128>}, {transform_indices = @transform_5, window_bounds = array<i64: 2000, 128>}]} {
    %get3A = arith.constant 0 : index
    %get3A_0 = arith.constant 0 : index
    %get3A_1 = vector.load %arg3[%get3A, %get3A_0] : memref<2000x1xf32, #tpu.memory_space<vmem>>, vector<2000x1xf32>
    %get3A_2 = arith.constant 0 : index
    %get3A_3 = arith.constant 0 : index
    %get3A_4 = arith.constant 0 : index
    %get3A_5 = vector.load %arg1[%get3A_2, %get3A_3, %get3A_4] : memref<2x2000x128xf32, #tpu.memory_space<vmem>>, vector<1x2000x128xf32>
    %get3A_6 = vector.shape_cast %get3A_5 : vector<1x2000x128xf32> to vector<2000x128xf32>
    %get3A_7 = arith.constant 1 : index
    %get3A_8 = arith.constant 0 : index
    %get3A_9 = arith.constant 0 : index
    %get3A_10 = vector.load %arg1[%get3A_7, %get3A_8, %get3A_9] : memref<2x2000x128xf32, #tpu.memory_space<vmem>>, vector<1x2000x128xf32>
    %get3A_11 = vector.shape_cast %get3A_10 : vector<1x2000x128xf32> to vector<2000x128xf32>
    %add3A = arith.addf %get3A_6, %get3A_11 : vector<2000x128xf32>
    %get3A_12 = arith.constant 0 : index
    %get3A_13 = arith.constant 0 : index
    %get3A_14 = vector.load %arg2[%get3A_12, %get3A_13] : memref<2000x128xf32, #tpu.memory_space<vmem>>, vector<2000x128xf32>
    %add3A_15 = arith.addf %add3A, %get3A_14 : vector<2000x128xf32>
    %mul3A = vector.broadcast %get3A_1 : vector<2000x1xf32> to vector<2000x128xf32>
    %mul3A_16 = arith.mulf %add3A_15, %mul3A : vector<2000x128xf32>
    %get3A_17 = arith.constant 0 : index
    %get3A_18 = arith.constant 0 : index
    %get3A_19 = vector.load %arg4[%get3A_17, %get3A_18] : memref<1x128xf32, #tpu.memory_space<vmem>>, vector<1x128xf32>
    %add3A_20 = vector.broadcast %get3A_19 : vector<1x128xf32> to vector<2000x128xf32>
    %add3A_21 = arith.addf %mul3A_16, %add3A_20 : vector<2000x128xf32>
    %max3A = arith.constant 0.000000e+00 : f32
    %max3A_22 = vector.broadcast %max3A : f32 to vector<2000x128xf32>
    %max3A_23 = arith.maximumf %add3A_21, %max3A_22 : vector<2000x128xf32>
    %get3A_24 = arith.constant 0 : index
    %get3A_25 = arith.constant 0 : index
    %get3A_26 = vector.load %arg5[%get3A_24, %get3A_25] : memref<128x128xf32, #tpu.memory_space<vmem>>, vector<128x128xf32>
    %dot_general3A = arith.constant dense<0.000000e+00> : vector<2000x128xf32>
    %dot_general3A_27 = tpu.matmul %max3A_23, %get3A_26, %dot_general3A {dimension_numbers = #tpu.dot_dimension_numbers<[1], [0], [0], [1], [0, 0, 1, 1], [], []>, transpose_lhs_hint = false} : vector<2000x128xf32>, vector<128x128xf32>, vector<2000x128xf32> -> vector<2000x128xf32>
    %mul3A_28 = vector.broadcast %get3A_1 : vector<2000x1xf32> to vector<2000x128xf32>
    %mul3A_29 = arith.mulf %mul3A_28, %dot_general3A_27 : vector<2000x128xf32>
    %swap3A = arith.constant 0 : index
    %swap3A_30 = arith.constant 0 : index
    %swap3A_31 = vector.load %arg6[%swap3A, %swap3A_30] : memref<2000x128xf32, #tpu.memory_space<vmem>>, vector<2000x128xf32>
    tpu.vector_store %arg6[%swap3A, %swap3A_30], %mul3A_29 {strides = array<i32>} : memref<2000x128xf32, #tpu.memory_space<vmem>>, vector<2000x128xf32>,
    return
  }
  func.func @transform_0(%arg0: i32) -> (i32, i32, i32) {
    %c0_i32 = arith.constant 0 : i32
    %c0_i32_0 = arith.constant 0 : i32
    %c0_i32_1 = arith.constant 0 : i32
    return %c0_i32, %arg0, %c0_i32_0 : i32, i32, i32
  }
  func.func @transform_1(%arg0: i32) -> (i32, i32) {
    %c0_i32 = arith.constant 0 : i32
    %c0_i32_0 = arith.constant 0 : i32
    return %arg0, %c0_i32 : i32, i32
  }
  func.func @transform_2(%arg0: i32) -> (i32, i32) {
    %c0_i32 = arith.constant 0 : i32
    %c0_i32_0 = arith.constant 0 : i32
    return %arg0, %c0_i32 : i32, i32
  }
  func.func @transform_3(%arg0: i32) -> (i32, i32) {
    %c0_i32 = arith.constant 0 : i32
    %c0_i32_0 = arith.constant 0 : i32
    %c0_i32_1 = arith.constant 0 : i32
    return %c0_i32, %c0_i32_0 : i32, i32
  }
  func.func @transform_4(%arg0: i32) -> (i32, i32) {
    %c0_i32 = arith.constant 0 : i32
    %c0_i32_0 = arith.constant 0 : i32
    %c0_i32_1 = arith.constant 0 : i32
    return %c0_i32, %c0_i32_0 : i32, i32
  }
  func.func @transform_5(%arg0: i32) -> (i32, i32) {
    %c0_i32 = arith.constant 0 : i32
    %c0_i32_0 = arith.constant 0 : i32
    return %arg0, %c0_i32 : i32, i32
  }
}

module attributes {stable_mosaic.version = 14 : i64} {
  func.func @body(%arg0: i32, %arg1: memref<2x2000x128xf32, #tpu.memory_space<vmem>>, %arg2: memref<2000x128xf32, #tpu.memory_space<vmem>>, %arg3: memref<2000x1xf32, #tpu.memory_space<vmem>>, %arg4: memref<1x128xf32, #tpu.memory_space<vmem>>, %arg5: memref<2000x128xf32, #tpu.memory_space<vmem>>, %arg6: memref<2000x128xf32, #tpu.memory_space<vmem>>) attributes {dimension_semantics = [#tpu.dimension_semantics<arbitrary>], iteration_bounds = array<i64: 5>, scalar_prefetch = 0 : i64, scratch_operands = 0 : i64, tpu.core_type = #tpu.core_type<tc>, window_params = [{transform_indices = @transform_0, window_bounds = array<i64: 2, 2000, 128>}, {transform_indices = @transform_1, window_bounds = array<i64: 2000, 128>}, {transform_indices = @transform_2, window_bounds = array<i64: 2000, 1>}, {pipeline_mode = #tpu.pipeline_mode<synchronous>, transform_indices = @transform_3, window_bounds = array<i64: 1, 128>}, {transform_indices = @transform_4, window_bounds = array<i64: 2000, 128>}, {transform_indices = @transform_5, window_bounds = array<i64: 2000, 128>}]} {
    %get3A = arith.constant 0 : index
    %get3A_0 = arith.constant 0 : index
    %get3A_1 = vector.load %arg3[%get3A, %get3A_0] : memref<2000x1xf32, #tpu.memory_space<vmem>>, vector<2000x1xf32>
    %get3A_2 = arith.constant 0 : index
    %get3A_3 = arith.constant 0 : index
    %get3A_4 = arith.constant 0 : index
    %get3A_5 = vector.load %arg1[%get3A_2, %get3A_3, %get3A_4] : memref<2x2000x128xf32, #tpu.memory_space<vmem>>, vector<1x2000x128xf32>
    %get3A_6 = vector.shape_cast %get3A_5 : vector<1x2000x128xf32> to vector<2000x128xf32>
    %get3A_7 = arith.constant 1 : index
    %get3A_8 = arith.constant 0 : index
    %get3A_9 = arith.constant 0 : index
    %get3A_10 = vector.load %arg1[%get3A_7, %get3A_8, %get3A_9] : memref<2x2000x128xf32, #tpu.memory_space<vmem>>, vector<1x2000x128xf32>
    %get3A_11 = vector.shape_cast %get3A_10 : vector<1x2000x128xf32> to vector<2000x128xf32>
    %add3A = arith.addf %get3A_6, %get3A_11 : vector<2000x128xf32>
    %get3A_12 = arith.constant 0 : index
    %get3A_13 = arith.constant 0 : index
    %get3A_14 = vector.load %arg2[%get3A_12, %get3A_13] : memref<2000x128xf32, #tpu.memory_space<vmem>>, vector<2000x128xf32>
    %add3A_15 = arith.addf %add3A, %get3A_14 : vector<2000x128xf32>
    %mul3A = vector.broadcast %get3A_1 : vector<2000x1xf32> to vector<2000x128xf32>
    %mul3A_16 = arith.mulf %add3A_15, %mul3A : vector<2000x128xf32>
    %get3A_17 = arith.constant 0 : index
    %get3A_18 = arith.constant 0 : index
    %get3A_19 = vector.load %arg4[%get3A_17, %get3A_18] : memref<1x128xf32, #tpu.memory_space<vmem>>, vector<1x128xf32>
    %add3A_20 = vector.broadcast %get3A_19 : vector<1x128xf32> to vector<2000x128xf32>
    %add3A_21 = arith.addf %mul3A_16, %add3A_20 : vector<2000x128xf32>
    %logistic3A = arith.negf %add3A_21 : vector<2000x128xf32>
    %logistic3A_22 = math.exp %logistic3A : vector<2000x128xf32>
    %logistic3A_23 = arith.constant 1.000000e+00 : f32
    %logistic3A_24 = vector.broadcast %logistic3A_23 : f32 to vector<2000x128xf32>
    %logistic3A_25 = arith.addf %logistic3A_24, %logistic3A_22 : vector<2000x128xf32>
    %logistic3A_26 = arith.divf %logistic3A_24, %logistic3A_25 : vector<2000x128xf32>
    %swap3A = arith.constant 0 : index
    %swap3A_27 = arith.constant 0 : index
    %swap3A_28 = vector.load %arg5[%swap3A, %swap3A_27] : memref<2000x128xf32, #tpu.memory_space<vmem>>, vector<2000x128xf32>
    tpu.vector_store %arg5[%swap3A, %swap3A_27], %logistic3A_26 {strides = array<i32>} : memref<2000x128xf32, #tpu.memory_space<vmem>>, vector<2000x128xf32>,
    %ge3A = arith.constant 5.000000e-01 : f32
    %ge3A_29 = vector.broadcast %ge3A : f32 to vector<2000x128xf32>
    %ge3A_30 = arith.cmpf oge, %logistic3A_26, %ge3A_29 : vector<2000x128xf32>
    %jit3A = arith.constant 1.000000e+00 : f32
    %jit3A_31 = arith.constant 0.000000e+00 : f32
    %broadcast_in_dim3A = vector.broadcast %jit3A : f32 to vector<2000x128xf32>
    %broadcast_in_dim3A_32 = vector.broadcast %jit3A_31 : f32 to vector<2000x128xf32>
    %select_n3A = arith.select %ge3A_30, %broadcast_in_dim3A, %broadcast_in_dim3A_32 : vector<2000x128xi1>, vector<2000x128xf32>
    %swap3A_33 = arith.constant 0 : index
    %swap3A_34 = arith.constant 0 : index
    %swap3A_35 = vector.load %arg6[%swap3A_33, %swap3A_34] : memref<2000x128xf32, #tpu.memory_space<vmem>>, vector<2000x128xf32>
    tpu.vector_store %arg6[%swap3A_33, %swap3A_34], %select_n3A {strides = array<i32>} : memref<2000x128xf32, #tpu.memory_space<vmem>>, vector<2000x128xf32>,
    return
  }
  func.func @transform_0(%arg0: i32) -> (i32, i32, i32) {
    %c0_i32 = arith.constant 0 : i32
    %c0_i32_0 = arith.constant 0 : i32
    %c0_i32_1 = arith.constant 0 : i32
    return %c0_i32, %arg0, %c0_i32_0 : i32, i32, i32
  }
  func.func @transform_1(%arg0: i32) -> (i32, i32) {
    %c0_i32 = arith.constant 0 : i32
    %c0_i32_0 = arith.constant 0 : i32
    return %arg0, %c0_i32 : i32, i32
  }
  func.func @transform_2(%arg0: i32) -> (i32, i32) {
    %c0_i32 = arith.constant 0 : i32
    %c0_i32_0 = arith.constant 0 : i32
    return %arg0, %c0_i32 : i32, i32
  }
  func.func @transform_3(%arg0: i32) -> (i32, i32) {
    %c0_i32 = arith.constant 0 : i32
    %c0_i32_0 = arith.constant 0 : i32
    %c0_i32_1 = arith.constant 0 : i32
    return %c0_i32, %c0_i32_0 : i32, i32
  }
  func.func @transform_4(%arg0: i32) -> (i32, i32) {
    %c0_i32 = arith.constant 0 : i32
    %c0_i32_0 = arith.constant 0 : i32
    return %arg0, %c0_i32 : i32, i32
  }
  func.func @transform_5(%arg0: i32) -> (i32, i32) {
    %c0_i32 = arith.constant 0 : i32
    %c0_i32_0 = arith.constant 0 : i32
    return %arg0, %c0_i32 : i32, i32
  }
}

</mosaic_0001>

<sc_bundles>
// kernel: kernel.10.cloned.1.call-start
scs
__scs_entry_jumppad:
0x0: {  	(pc) =	sbr.rel $0x88, $3  }
0x1: {  	(tag) =	ssettag $0x0;
	lr =	simm.s32 $0x1  }
0x2: {  	[smem:$0x3F99] =	sst lr;
	_ =	strace $0xD0000000  }
0x3: {  	_ = 	snop  }
0x4: {  	_ = 	snop  }
0x5: {  	_ = 	snop  }
0x6: {  	_ = 	snop  }
0x7: {  	_ = 	snop  }
__scs_overlays_trampoline_lowered:
0x8: {  	[smem:$0x3FA8] =	sst s0  }
0x9: {  	[smem:$0x3FA9] =	sst s1  }
0xa: {  	[smem:$0x3FAA] =	sst s2  }
0xb: {  	[smem:$0x3FAB] =	sst s3  }
0xc: {  	[smem:$0x3FAC] =	sst s4  }
0xd: {  	[smem:$0x3FAD] =	sst s5  }
0xe: {  	[smem:$0x3FAE] =	sst s6  }
0xf: {  	[smem:$0x3FAF] =	sst s7  }
0x10: {  	[smem:$0x3FB0] =	sst s8  }
0x11: {  	[smem:$0x3FB1] =	sst s9;
	s0 =	simm.s32 @!p0 $0x0  }
0x12: {  	s1 =	sld [smem:$0x3F97];
	s0 =	simm.s32 @p0 $0x1  }
0x13: {  	[smem:$0x3FB2] =	sst s0;
	s0 =	simm.s32 @!p1 $0x0  }
0x14: {  	s2 =	sld [smem:$0x3F96];
	s0 =	simm.s32 @p1 $0x1  }
0x15: {  	[smem:$0x3FB3] =	sst s0;
	s0 =	simm.s32 @!p2 $0x0  }
0x16: {  	s3 =	sld [smem:$0x3FDB];
	s0 =	simm.s32 @p2 $0x1  }
0x17: {  	s4 =	simm.s32 $0x1BF5;
	[smem:$0x3FB5] =	sst s0  }
0x18: {  	s0 =	sld [smem:$0x3F98];
	_ =	swait.ge [sflag:s4], $0x0  }
0x19: {  	s7 =	sld [smem:$0x3F99]  }
0x1a: {  	s8 =	sadd.s32 $0xFFFFE003, lr  }
0x1b: {  	s9 =	sadd.s32 $0xFFFFFEF7, lr;
	s5 =	simm.s32 $0xFFFFFFFF;
	p2 =	slt.u32 s8, $0xFFFFF086  }
0x1c: {  	p1 =	slt.u32 s9, $0xF7A;
	s5 =	simm.s32 @!p2 $0x0  }
0x1d: {  	s5 =	simm.s32 @p1 $0x1;
	p0 =	seq.s32 s7, s2  }
0x1e: {  	s7 =	smul.u32 @!p0 $0xF7A, s2;
	p2 =	seq.s32 @!p0 s5, $0x0  }
0x1f: {  	s9 =	smul.u32 $0xF7A, s1;
	s8 =	simm.s32 @!p0 $0x1BF5;
	p2 =	por !p2, p0  }
0x20: {  	[sflag:s8] =	ssyncset.s32 @!p0 $0xFFFFF086;
	s6 =	sadd.s32 @!p0 s3, s7;
	s7 =	simm.s32 @!p0 $0x108  }
0x21: {  	s3 =	sadd.s32 s3, s9;
	s6 =	sadd.s32 @!p0 $0x88, s6;
	s7 =	simm.s32 @p2 $0x1082  }
0x22: {  	[simem:s7], [sflag:s8] =	dma.local @!p0 [hbm:s6], $0xF7A  }
0x23: {  	s9 =	sor.u32 $0xD0000000, s2;
	s6 =	simm.s32 $0x108;
	_ =	swait.ge @!p0 [sflag:s8], $0x0  }
0x24: {  	s3 =	sadd.s32 $0x88, s3;
	s6 =	simm.s32 @!p1 $0x1082;
	[sflag:s4] =	ssyncset.s32 $0xFFFFF086  }
0x25: {  	[simem:s6], [sflag:s4] =	dma.local [hbm:s3], $0xF7A  }
0x26: {  	[smem:$0x3F99] =	sst s1;
	(tag) =	ssettag s2;
	_ =	strace s9  }
0x27: {  	s1 =	sld [smem:$0x3FA9]  }
0x28: {  	s2 =	sld [smem:$0x3FAA]  }
0x29: {  	s4 =	sld [smem:$0x3FAC]  }
0x2a: {  	p0 =	seq.s32 s5, $0x0;
	s5 =	sld [smem:$0x3FAD]  }
0x2b: {  	s6 =	sld [smem:$0x3FAE]  }
0x2c: {  	s7 =	sld [smem:$0x3FAF]  }
0x2d: {  	s3 =	simm.s32 $0x108;
	s8 =	sld [smem:$0x3FB0]  }
0x2e: {  	s3 =	simm.s32 @!p0 $0x1082;
	s9 =	sld [smem:$0x3FB1]  }
0x2f: {  	lr =	sadd.s32 s0, s3;
	s0 =	sld [smem:$0x3FA8]  }
0x30: {  	s3 =	sld [smem:$0x3FAB]  }
0x31: {  	[smem:$0x3FB4] =	sst s10  }
0x32: {  	s10 =	sld [smem:$0x3FB2];
	_ =	sdelay $0x3  }
0x33: {  	p0 =	seq.s32 s10, $0x1;
	s10 =	sld [smem:$0x3FB4];
	_ =	sdelay $0x3  }
0x34: {  	[smem:$0x3FB4] =	sst s10  }
0x35: {  	s10 =	sld [smem:$0x3FB3];
	_ =	sdelay $0x3  }
0x36: {  	p1 =	seq.s32 s10, $0x1;
	s10 =	sld [smem:$0x3FB4];
	_ =	sdelay $0x3  }
0x37: {  	[smem:$0x3FB4] =	sst s10  }
0x38: {  	s10 =	sld [smem:$0x3FB5]  }
0x39: {  	_ = 	snop;
	(pc) =	sbr.ind lr, $3  }
0x3a: {  	_ = 	snop  }
0x3b: {  	_ = 	snop  }
0x3c: {  	p2 =	seq.s32 s10, $0x1;
	s10 =	sld [smem:$0x3FB4]  }
0x3d: {  	_ =	shalt  }
0x3e: {  	_ =	shalt  }
0x3f: {  	_ =	shalt  }
0x40: {  	_ =	shalt  }
0x41: {  	_ =	shalt  }
0x42: {  	_ =	shalt  }
0x43: {  	_ =	shalt  }
0x44: {  	_ =	shalt  }
0x45: {  	_ =	shalt  }
0x46: {  	_ =	shalt  }
0x47: {  	_ =	shalt  }
0x48: {  	_ =	shalt  }
0x49: {  	_ =	shalt  }
0x4a: {  	_ =	shalt  }
0x4b: {  	_ =	shalt  }
0x4c: {  	_ =	shalt  }
0x4d: {  	_ =	shalt  }
0x4e: {  	_ =	shalt  }
0x4f: {  	_ =	shalt  }
0x50: {  	_ =	shalt  }
0x51: {  	_ =	shalt  }
0x52: {  	_ =	shalt  }
0x53: {  	_ =	shalt  }
0x54: {  	_ =	shalt  }
0x55: {  	_ =	shalt  }
0x56: {  	_ =	shalt  }
0x57: {  	_ =	shalt  }
0x58: {  	_ =	shalt  }
0x59: {  	_ =	shalt  }
0x5a: {  	_ =	shalt  }
0x5b: {  	_ =	shalt  }
0x5c: {  	_ =	shalt  }
0x5d: {  	_ =	shalt  }
0x5e: {  	_ =	shalt  }
0x5f: {  	_ =	shalt  }
0x60: {  	_ =	shalt  }
0x61: {  	_ =	shalt  }
0x62: {  	_ =	shalt  }
0x63: {  	_ =	shalt  }
0x64: {  	_ =	shalt  }
0x65: {  	_ =	shalt  }
0x66: {  	_ =	shalt  }
0x67: {  	_ =	shalt  }
0x68: {  	_ =	shalt  }
0x69: {  	_ =	shalt  }
0x6a: {  	_ =	shalt  }
0x6b: {  	_ =	shalt  }
0x6c: {  	_ =	shalt  }
0x6d: {  	_ =	shalt  }
0x6e: {  	_ =	shalt  }
0x6f: {  	_ =	shalt  }
0x70: {  	_ =	shalt  }
0x71: {  	_ =	shalt  }
0x72: {  	_ =	shalt  }
0x73: {  	_ =	shalt  }
0x74: {  	_ =	shalt  }
0x75: {  	_ =	shalt  }
0x76: {  	_ =	shalt  }
0x77: {  	_ =	shalt  }
0x78: {  	_ =	shalt  }
0x79: {  	_ =	shalt  }
0x7a: {  	_ =	shalt  }
0x7b: {  	_ =	shalt  }
0x7c: {  	_ =	shalt  }
0x7d: {  	_ =	shalt  }
0x7e: {  	_ =	shalt  }
0x7f: {  	_ =	shalt  }
0x80: {  	_ =	shalt  }
0x81: {  	_ =	shalt  }
0x82: {  	_ =	shalt  }
0x83: {  	_ =	shalt  }
0x84: {  	_ =	shalt  }
0x85: {  	_ =	shalt  }
0x86: {  	_ =	shalt  }
0x87: {  	_ =	shalt  }
.Lfunc_end0:
.L_simem_size_0:
called_computation_lowered:
.L_overlay_start_0:
0x88: {  	s2 =	sld [smem:$0x3FD9]  }
0x89: {  	s3 =	sld [smem:$0x3FFE];
	_ =	sdelay $0x1  }
0x8a: {  	s1 =	srdreg.scid  }
0x8b: {  	s0 =	sand.u32 $0x1, s1  }
0x8c: {  	s14 =	sshll.u32 s0, $0xA;
	s2 =	sadd.s32 s3, s2  }
0x8d: {  	s2 =	sadd.s32 s2, s14  }
0x8e: {  	[smem:$0x3FC0] =	sst s2  }
0x8f: {  	_ = 	snop  }
0x90: {  	s2 =	sld [smem:$0x3FD0];
	_ =	sdelay $0x2  }
0x91: {  	s15 =	simm.s32 $0xA;
	s4 =	simm.s32 $0x10  }
0x92: {  	[smem:s4], [sflag:s15] =	dma.local [hbm:s2], $0x1  }
0x93: {  	_ =	swait.eq [sflag:s15], $0x1  }
0x94: {  	[sflag:s15] =	ssyncset.done $0x0  }
0x95: {  	[sflag:s15] =	ssyncadd.s32 $0xFFFFFFFF  }
0x96: {  	s16 =	sld [smem:$0x11];
	(tm) =	ssettm $0x1  }
0x97: {  	s17 =	sld [smem:$0x3FFB];
	_ =	sdelay $0x3  }
0x98: {  	_ =	strace s17  }
0x99: {  	s3 =	sld [smem:$0x3FFC];
	_ =	sdelay $0x3  }
0x9a: {  	_ =	strace s3  }
0x9b: {  	s3 =	sld [smem:$0x3FFD];
	_ =	sdelay $0x3  }
0x9c: {  	_ =	strace s3  }
0x9d: {  	_ =	strace $0x8FFFFFFF  }
0x9e: {  	s18 =	sld [smem:$0x3FDB];
	_ =	sdelay $0x1  }
0x9f: {  	s19 =	simm.s32 $_scs_section_size  }
0xa0: {  	s5 =	simm.s32 $_size__tile_overlayer_lowered;
	s6 =	simm.s32 $_tile_overlayer_lowered  }
0xa1: {  	s22 =	simm.s32 $0x1BFF;
	s21 =	sshll.u32 s6, $0x1;
	s3 =	sadd.s32 s19, s18  }
0xa2: {  	s7 =	simm.s32 $0x0;
	s20 =	sshll.u32 s5, $0x1;
	s5 =	sadd.s32 s21, s3  }
0xa3: {  	[timem:s7], [sflag:s22] =	dma.local [hbm:s5], s20  }
0xa4: {  	_ =	swait.ge [sflag:s22], s20  }
0xa5: {  	s4 =	ssub.s32 $0x0, s20;
	[sflag:s22] =	ssyncset.done $0x0  }
0xa6: {  	[sflag:s22] =	ssyncadd.s32 s4;
	_ =	sdelay $0x1  }
0xa7: {  	s23 =	simm.s32 $0x1B8B  }
0xa8: {  	_ =	swait.ge [sflag:s23], $0x1  }
0xa9: {  	[sflag:s23] =	ssyncset.done $0x0  }
0xaa: {  	s25 =	simm.s32 $0x1B8E;
	s24 =	sld [smem:$0x3FFE];
	[sflag:s23] =	ssyncadd.s32 $0xFFFFFFFF  }
0xab: {  	s26 =	simm.s32 $execute0_lowered;
	[smem:$0x3FD2] =	sst s25  }
0xac: {  	s5 =	sshll.u32 s26, $0x1;
	_ =	strace $0x80000046;
	[dreg:$0x1] =	wrdreg $0xFFFFFFFF  }
0xad: {  	s28 =	simm.s32 $_size_execute0_lowered;
	s3 =	sadd.s32 s3, s5;
	[dreg:$0x0] =	wrdreg $0x0  }
0xae: {  	s5 =	sshll.u32 s28, $0x1;
	[dreg:$0x2] =	wrdreg s3  }
0xaf: {  	[dreg:$0x3] =	wrdreg s5  }
0xb0: {  	[dreg:$0x4] =	wrdreg $0xC0  }
0xb1: {  	_ =	task [dreg:s7], $0x5FFFF  }
0xb2: {  	[dreg:$0x1] =	wrdreg $0xFFFFFFFF  }
0xb3: {  	[dreg:$0x0] =	wrdreg $0x60  }
0xb4: {  	[dreg:$0x2] =	wrdreg s16  }
0xb5: {  	[dreg:$0x3] =	wrdreg s24  }
0xb6: {  	[dreg:$0x4] =	wrdreg $0x0  }
0xb7: {  	[dreg:$0x5] =	wrdreg $0x9  }
0xb8: {  	_ =	task.clear_ibuf [dreg:s7], $0x6FFFF;
	_ =	strace $0x90000046  }
0xb9: {  	s29 =	simm.s32 $0x9;
	_ =	strace $0x80000048  }
0xba: {  	_ =	swait.ge [sflag:s29], $0x1  }
0xbb: {  	[sflag:s29] =	ssyncadd.s32 $0xFFFFFFFF  }
0xbc: {  	_ =	strace $0x90000048  }
0xbd: {  	_ =	sfence  }
0xbe: {  	s30 =	sld [smem:$0x0];
	_ =	sdelay $0x2  }
0xbf: {  	s31 =	sshll.u32 s1, $0xD;
	s1 =	sshrl.u32 s1, $0x2  }
0xc0: {  	s3 =	sand.u32 $0x4000, s31;
	s1 =	sadd.s32 s1, s30  }
0xc1: {  	s0 =	sor.u32 s3, s0;
	s1 =	sshll.u32 s1, $0x11  }
0xc2: {  	s0 =	sor.u32 s1, s0  }
0xc3: {  	s0 =	sadd.s32 $0x8F2B, s0  }
0xc4: {  	[sflag:s0] =	ssyncadd.remote.s32 $0x1  }
0xc5: {  	_ =	sfence.sel $0xFFFF  }
0xc6: {  	[dreg:$0x0] =	wrdreg $0xFFFFFFFF;
	(pc) =	sbr.abs _section_cstart, $3  }
0xc7: {  	[dreg:$0x1] =	wrdreg $0xFFFFFFFF  }
0xc8: {  	_ =	task.clear_ibuf [dreg:s7], $0x2FFFF;
	_ =	strace $0x9FFFFFFF  }
0xc9: {  	(tm) =	ssettm $0x7FFFFFFF  }
tec
execute0_lowered:
.L_overlay_start_1:
0x0: {  	(tag) =	ssettag $0x1  }
0x1: {  	s11 =	rddreg [dreg:$0x0]  }
0x2: {  	s4 =	rddreg [dreg:$0x1]  }
0x3: {  	s1 =	rddreg [dreg:$0x2]  }
0x4: {  	s0 =	rddreg [dreg:$0x3]  }
0x5: {  	s2 =	simm.s32 $0x0;
	s5 =	srdreg.scid;
	s3 =	stileid.u32  }
0x6: {  	s17 =	simm.s32 $0x2710;
	s18 =	simm.s32 $0x7D;
	s19 =	simm.s32 $0x4F10  }
0x7: {  	[smem:$0x7FF] =	sst s2;
	s8 =	sand.u32 $0x1, s5;
	s29 =	smul.u32 $0x9C00, s3  }
0x8: {  	s12 =	sadd.s32 $0xD400, s4;
	s13 =	smul.u32 $0x2700, s3;
	p0 =	sne.s32 s3, $0x0  }
0x9: {  	_ =	strace $0x80000047;
	s30 =	ssub.s32 $0x2, s8;
	s31 =	sshll.u32 s8, $0x4  }
0xa: {  	s15 =	smul.u32 $0x27100, s8;
	s6 =	sshrl.u32 s30, $0x1;
	s5 =	sshrl.u32 s29, $0x2  }
0xb: {  	s10 =	sor.u32 s3, s31;
	s4 =	sadd.s32 s13, s1;
	s14 =	ssub.s32 s30, s6  }
0xc: {  	s9 =	sadd.s32 s5, s1;
	s16 =	smul.u32 $0x500, s10;
	s10 =	sadd.s32 $0x27000, s1  }
0xd: {  	s13 =	sadd.s32 s13, s15;
	s15 =	sshrl.u32 s15, $0x3;
	s5 =	sadd.s32 $0x680, s9  }
0xe: {  	s6 =	sadd.s32 $0xD00, s9;
	s7 =	sadd.s32 $0x1380, s9;
	s8 =	sadd.s32 $0x1A00, s9  }
0xf: {  	s9 =	sadd.s32 $0x2080, s9;
	s13 =	sshrl.u32 s13, $0x3;
	s15 =	sadd.s32 s12, s15  }
0x10: {  	s14 =	smax.u32 s14, $0x1;
	s11 =	sadd.s32 s11, s16;
	s12 =	sadd.s32 s12, s13  }
0x11: {  	v0 =	vimm.f32 $1.000000000e+00;
	v1 =	vimm.f32 $0.0e+00;
	s13 =	sadd.s32 $0x4E00, s15;
	s15 =	simm.s32 $0x56E0;
	s16 =	simm.s32 $0x1  }
.LBB2_1:
0x12: {  	s20 =	simm.s32 $0x0  }
.LBB2_2:
0x13: {  	p1 =	sne.s32 s20, $0x1F00  }
.Ltmp0:
0x14: {  	_ = 	snop;
	(pc) =	sbr.rel @p1 .LBB2_2-.Ltmp0, $3  }
0x15: {  	_ =	sdelay $0x1  }
0x16: {  	s21 =	sshra.s32 s20, $0x2  }
0x17: {  	s20 =	sadd.s32 $0x40, s20;
	[tilespmem:s21+$0x4F10] =	vst v0  }
0x18: {  	s20 =	simm.s32 $0x40;
	s21 =	simm.s32 $0x0  }
.LBB2_4:
0x19: {  	p1 =	sne.s32 s20, $0x19C0;
	[tilespmem:s21+$0x56E0] =	vst v1;
	s21 =	smov.u32 s20;
	s20 =	sadd.s32 $0x40, s20  }
.Ltmp1:
0x1a: {  	(pc) =	sbr.rel @p1 .LBB2_4-.Ltmp1, $2  }
0x1b: {  	_ =	sdelay $0x2  }
0x1c: {  	s21 =	sshra.s32 s21, $0x2  }
0x1d: {  	[tilespmem:s21+$0x56E0] =	vst v1  }
0x1e: {  	[spmem:s4] =	stream.linear.scatter [tilespmem:s15], [sflag:$0x1], $0x680, $0x38;
	[tilespmem:$0x5D60] =	vst v63  }
0x1f: {  	_ =	swait.ge [sflag:s16], $0x680  }
0x20: {  	[sflag:s16] =	ssyncset.done $0x0  }
0x21: {  	[sflag:s16] =	ssyncadd.s32 $0xFFFFF980  }
0x22: {  	[spmem:s5] =	stream.linear.scatter [tilespmem:s15], [sflag:$0x1], $0x680, $0x38;
	[tilespmem:$0x5D60] =	vst v63  }
0x23: {  	_ =	swait.ge [sflag:s16], $0x680  }
0x24: {  	[sflag:s16] =	ssyncset.done $0x0  }
0x25: {  	[sflag:s16] =	ssyncadd.s32 $0xFFFFF980  }
0x26: {  	[spmem:s6] =	stream.linear.scatter [tilespmem:s15], [sflag:$0x1], $0x680, $0x38;
	[tilespmem:$0x5D60] =	vst v63  }
0x27: {  	_ =	swait.ge [sflag:s16], $0x680  }
0x28: {  	[sflag:s16] =	ssyncset.done $0x0  }
0x29: {  	[sflag:s16] =	ssyncadd.s32 $0xFFFFF980  }
0x2a: {  	[spmem:s7] =	stream.linear.scatter [tilespmem:s15], [sflag:$0x1], $0x680, $0x38;
	[tilespmem:$0x5D60] =	vst v63  }
0x2b: {  	_ =	swait.ge [sflag:s16], $0x680  }
0x2c: {  	[sflag:s16] =	ssyncset.done $0x0  }
0x2d: {  	[sflag:s16] =	ssyncadd.s32 $0xFFFFF980  }
0x2e: {  	[spmem:s8] =	stream.linear.scatter [tilespmem:s15], [sflag:$0x1], $0x680, $0x38;
	[tilespmem:$0x5D60] =	vst v63  }
0x2f: {  	_ =	swait.ge [sflag:s16], $0x680  }
0x30: {  	[sflag:s16] =	ssyncset.done $0x0  }
0x31: {  	[sflag:s16] =	ssyncadd.s32 $0xFFFFF980  }
0x32: {  	[spmem:s9] =	stream.linear.scatter [tilespmem:s15], [sflag:$0x1], $0x680, $0x38;
	[tilespmem:$0x5D60] =	vst v63  }
0x33: {  	_ =	swait.ge [sflag:s16], $0x680  }
0x34: {  	[sflag:s16] =	ssyncset.done $0x0  }
0x35: {  	s20 =	simm.s32 @!p0 $0x56E0;
	[sflag:s16] =	ssyncadd.s32 $0xFFFFF980  }
0x36: {  	[spmem:s10] =	stream.linear.scatter @!p0 [tilespmem:s20], [sflag:$0x1], $0x100, $0x38;
	[tilespmem:$0x5D60] =	vst v63  }
0x37: {  	s20 =	simm.s32 @!p0 $0x1  }
0x38: {  	_ =	swait.ge @!p0 [sflag:s20], $0x100  }
0x39: {  	[sflag:s20] =	ssyncset.done @!p0 $0x0  }
0x3a: {  	s30 =	simm.s32 $0x0;
	[sflag:s20] =	ssyncadd.s32 @!p0 $0xFFFFFF00  }
0x3b: {  	[tilespmem:s17], [sflag:$0x1] =	stream.linear.gather [hbm4b:s11+s30], $0x2800, $0x38;
	[tilespmem:$0x5D60] =	vst v63  }
0x3c: {  	_ =	swait.ge [sflag:s16], $0x2800  }
0x3d: {  	[sflag:s16] =	ssyncset.done $0x0  }
0x3e: {  	[sflag:s16] =	ssyncadd.s32 $0xFFFFD800  }
0x3f: {  	s31 =	simm.s32 $0x2710;
	[bflag:$0x0] =	sbarrier.arrive $0xFFFF  }
0x40: {  	[spmem:s1] =	stream.indirect.scatter.add.f32 [tilespmem:s19], [sflag:$0x1], $0x10, s31, s18, $0xb8;
	[tilespmem:$0x5D60] =	vst v63  }
0x41: {  	s20 =	simm.s32 $0x200;
	_ =	swait.ge [sflag:s16], $0x7D0  }
.LBB2_6:
0x42: {  	s21 =	sshra.s32 s20, $0x2;
	[sflag:s16] =	ssyncset.done $0x0;
	p1 =	sne.s32 s20, $0x9E00  }
.Ltmp2:
0x43: {  	s21 =	sadd.s32 $0x2710, s21;
	[sflag:s16] =	ssyncadd.s32 $0xFFFFF830;
	(pc) =	sbr.rel @p1 .LBB2_6-.Ltmp2, $3  }
0x44: {  	[spmem:s1] =	stream.indirect.scatter.add.f32 [tilespmem:s19], [sflag:$0x1], $0x10, s21, s18, $0xb8;
	[tilespmem:$0x5D60] =	vst v63  }
0x45: {  	s20 =	sadd.s32 $0x200, s20;
	_ =	sdelay $0x1  }
0x46: {  	_ =	swait.ge [sflag:s16], $0x7D0  }
0x47: {  	[sflag:s16] =	ssyncset.done $0x0  }
0x48: {  	s20 =	sshll.u32 s3, $0x6;
	[sflag:s16] =	ssyncadd.s32 $0xFFFFF830  }
0x49: {  	s21 =	sshrl.u32 s4, $0x3;
	s20 =	sor.u32 $0x1C01, s20;
	[bflag:$0x0] =	sbarrier.arrive $0xFFFF  }
0x4a: {  	[hbm:s12], [sflag:s20] =	dma.local [spmem:s21], $0x4E0  }
0x4b: {  	_ =	swait.ge [sflag:s16], $0x4E0  }
0x4c: {  	s2 =	sadd.s32 $0x1, s2;
	[sflag:s16] =	ssyncset.done $0x0  }
0x4d: {  	p1 =	sne.s32 s2, s14;
	s21 =	sshrl.u32 @!p0 s10, $0x3;
	[sflag:s16] =	ssyncadd.s32 $0xFFFFFB20  }
0x4e: {  	[hbm:s13], [sflag:s20] =	dma.local @!p0 [spmem:s21], $0x20  }
.Ltmp3:
0x4f: {  	_ = 	snop;
	(pc) =	sbr.rel @p1 .LBB2_1-.Ltmp3, $4  }
0x50: {  	s20 =	simm.s32 @!p0 $0x1  }
0x51: {  	_ =	swait.ge @!p0 [sflag:s20], $0x20  }
0x52: {  	[sflag:s20] =	ssyncset.done @!p0 $0x0  }
0x53: {  	[sflag:s20] =	ssyncadd.s32 @!p0 $0xFFFFFFE0  }
0x54: {  	_ =	sfence.sel $0x180000  }
0x55: {  	[bflag:$0x0] =	sbarrier.arrive $0xFFFF  }
0x56: {  	_ =	strace $0x90000047  }
0x57: {  	s0 =	sadd.s32 @!p0 $0x100000, s0;
	[bflag:$0x2] =	sbarrier.arrive $0xFFFF  }
0x58: {  	[sflag:s0] =	ssyncadd.tile.s32 @!p0 $0x1;
	_ =	shalt  }
.Lfunc_end2:
_tile_overlayer_lowered:
.L_overlay_start_2:
0x59: {  	(tag) =	ssettag $0x2  }
0x5a: {  	s0 =	rddreg [dreg:$0x0];
	s2 =	stileid.u32  }
0x5b: {  	s1 =	rddreg [dreg:$0x1];
	p0 =	sne.s32 s2, $0x0  }
0x5c: {  	s3 =	rddreg [dreg:$0x2];
	[bflag:$0x3] =	sbarrier.arrive $0xFFFF;
	s2 =	simm.s32 @!p0 $0x1C01  }
0x5d: {  	[timem:s3], [sflag:s2] =	dma.local @!p0 [hbm:s0], s1  }
0x5e: {  	s0 =	simm.s32 @!p0 $0x1  }
0x5f: {  	_ =	swait.ge @!p0 [sflag:s0], s1  }
0x60: {  	s1 =	ssub.s32 @!p0 $0x0, s1;
	[sflag:s0] =	ssyncset.done @!p0 $0x0  }
0x61: {  	[sflag:s0] =	ssyncadd.s32 @!p0 s1  }
0x62: {  	[bflag:$0x3] =	sbarrier.arrive $0xFFFF  }
0x63: {  	_ =	shalt  }

// kernel: kernel.13.cloned.1.call-start
scs
__scs_entry_jumppad:
0x0: {  	(pc) =	sbr.rel $0x88, $3  }
0x1: {  	(tag) =	ssettag $0x0;
	lr =	simm.s32 $0x1  }
0x2: {  	[smem:$0x3F99] =	sst lr;
	_ =	strace $0xD0000000  }
0x3: {  	_ = 	snop  }
0x4: {  	_ = 	snop  }
0x5: {  	_ = 	snop  }
0x6: {  	_ = 	snop  }
0x7: {  	_ = 	snop  }
__scs_overlays_trampoline_lowered:
0x8: {  	[smem:$0x3FA8] =	sst s0  }
0x9: {  	[smem:$0x3FA9] =	sst s1  }
0xa: {  	[smem:$0x3FAA] =	sst s2  }
0xb: {  	[smem:$0x3FAB] =	sst s3  }
0xc: {  	[smem:$0x3FAC] =	sst s4  }
0xd: {  	[smem:$0x3FAD] =	sst s5  }
0xe: {  	[smem:$0x3FAE] =	sst s6  }
0xf: {  	[smem:$0x3FAF] =	sst s7  }
0x10: {  	[smem:$0x3FB0] =	sst s8  }
0x11: {  	[smem:$0x3FB1] =	sst s9;
	s0 =	simm.s32 @!p0 $0x0  }
0x12: {  	s1 =	sld [smem:$0x3F97];
	s0 =	simm.s32 @p0 $0x1  }
0x13: {  	[smem:$0x3FB2] =	sst s0;
	s0 =	simm.s32 @!p1 $0x0  }
0x14: {  	s2 =	sld [smem:$0x3F96];
	s0 =	simm.s32 @p1 $0x1  }
0x15: {  	[smem:$0x3FB3] =	sst s0;
	s0 =	simm.s32 @!p2 $0x0  }
0x16: {  	s3 =	sld [smem:$0x3FDB];
	s0 =	simm.s32 @p2 $0x1  }
0x17: {  	s4 =	simm.s32 $0x1BF5;
	[smem:$0x3FB5] =	sst s0  }
0x18: {  	s0 =	sld [smem:$0x3F98];
	_ =	swait.ge [sflag:s4], $0x0  }
0x19: {  	s7 =	sld [smem:$0x3F99]  }
0x1a: {  	s8 =	sadd.s32 $0xFFFFE003, lr  }
0x1b: {  	s9 =	sadd.s32 $0xFFFFFEF7, lr;
	s5 =	simm.s32 $0xFFFFFFFF;
	p2 =	slt.u32 s8, $0xFFFFF086  }
0x1c: {  	p1 =	slt.u32 s9, $0xF7A;
	s5 =	simm.s32 @!p2 $0x0  }
0x1d: {  	s5 =	simm.s32 @p1 $0x1;
	p0 =	seq.s32 s7, s2  }
0x1e: {  	s7 =	smul.u32 @!p0 $0xF7A, s2;
	p2 =	seq.s32 @!p0 s5, $0x0  }
0x1f: {  	s9 =	smul.u32 $0xF7A, s1;
	s8 =	simm.s32 @!p0 $0x1BF5;
	p2 =	por !p2, p0  }
0x20: {  	[sflag:s8] =	ssyncset.s32 @!p0 $0xFFFFF086;
	s6 =	sadd.s32 @!p0 s3, s7;
	s7 =	simm.s32 @!p0 $0x108  }
0x21: {  	s3 =	sadd.s32 s3, s9;
	s6 =	sadd.s32 @!p0 $0x88, s6;
	s7 =	simm.s32 @p2 $0x1082  }
0x22: {  	[simem:s7], [sflag:s8] =	dma.local @!p0 [hbm:s6], $0xF7A  }
0x23: {  	s9 =	sor.u32 $0xD0000000, s2;
	s6 =	simm.s32 $0x108;
	_ =	swait.ge @!p0 [sflag:s8], $0x0  }
0x24: {  	s3 =	sadd.s32 $0x88, s3;
	s6 =	simm.s32 @!p1 $0x1082;
	[sflag:s4] =	ssyncset.s32 $0xFFFFF086  }
0x25: {  	[simem:s6], [sflag:s4] =	dma.local [hbm:s3], $0xF7A  }
0x26: {  	[smem:$0x3F99] =	sst s1;
	(tag) =	ssettag s2;
	_ =	strace s9  }
0x27: {  	s1 =	sld [smem:$0x3FA9]  }
0x28: {  	s2 =	sld [smem:$0x3FAA]  }
0x29: {  	s4 =	sld [smem:$0x3FAC]  }
0x2a: {  	p0 =	seq.s32 s5, $0x0;
	s5 =	sld [smem:$0x3FAD]  }
0x2b: {  	s6 =	sld [smem:$0x3FAE]  }
0x2c: {  	s7 =	sld [smem:$0x3FAF]  }
0x2d: {  	s3 =	simm.s32 $0x108;
	s8 =	sld [smem:$0x3FB0]  }
0x2e: {  	s3 =	simm.s32 @!p0 $0x1082;
	s9 =	sld [smem:$0x3FB1]  }
0x2f: {  	lr =	sadd.s32 s0, s3;
	s0 =	sld [smem:$0x3FA8]  }
0x30: {  	s3 =	sld [smem:$0x3FAB]  }
0x31: {  	[smem:$0x3FB4] =	sst s10  }
0x32: {  	s10 =	sld [smem:$0x3FB2];
	_ =	sdelay $0x3  }
0x33: {  	p0 =	seq.s32 s10, $0x1;
	s10 =	sld [smem:$0x3FB4];
	_ =	sdelay $0x3  }
0x34: {  	[smem:$0x3FB4] =	sst s10  }
0x35: {  	s10 =	sld [smem:$0x3FB3];
	_ =	sdelay $0x3  }
0x36: {  	p1 =	seq.s32 s10, $0x1;
	s10 =	sld [smem:$0x3FB4];
	_ =	sdelay $0x3  }
0x37: {  	[smem:$0x3FB4] =	sst s10  }
0x38: {  	s10 =	sld [smem:$0x3FB5]  }
0x39: {  	_ = 	snop;
	(pc) =	sbr.ind lr, $3  }
0x3a: {  	_ = 	snop  }
0x3b: {  	_ = 	snop  }
0x3c: {  	p2 =	seq.s32 s10, $0x1;
	s10 =	sld [smem:$0x3FB4]  }
0x3d: {  	_ =	shalt  }
0x3e: {  	_ =	shalt  }
0x3f: {  	_ =	shalt  }
0x40: {  	_ =	shalt  }
0x41: {  	_ =	shalt  }
0x42: {  	_ =	shalt  }
0x43: {  	_ =	shalt  }
0x44: {  	_ =	shalt  }
0x45: {  	_ =	shalt  }
0x46: {  	_ =	shalt  }
0x47: {  	_ =	shalt  }
0x48: {  	_ =	shalt  }
0x49: {  	_ =	shalt  }
0x4a: {  	_ =	shalt  }
0x4b: {  	_ =	shalt  }
0x4c: {  	_ =	shalt  }
0x4d: {  	_ =	shalt  }
0x4e: {  	_ =	shalt  }
0x4f: {  	_ =	shalt  }
0x50: {  	_ =	shalt  }
0x51: {  	_ =	shalt  }
0x52: {  	_ =	shalt  }
0x53: {  	_ =	shalt  }
0x54: {  	_ =	shalt  }
0x55: {  	_ =	shalt  }
0x56: {  	_ =	shalt  }
0x57: {  	_ =	shalt  }
0x58: {  	_ =	shalt  }
0x59: {  	_ =	shalt  }
0x5a: {  	_ =	shalt  }
0x5b: {  	_ =	shalt  }
0x5c: {  	_ =	shalt  }
0x5d: {  	_ =	shalt  }
0x5e: {  	_ =	shalt  }
0x5f: {  	_ =	shalt  }
0x60: {  	_ =	shalt  }
0x61: {  	_ =	shalt  }
0x62: {  	_ =	shalt  }
0x63: {  	_ =	shalt  }
0x64: {  	_ =	shalt  }
0x65: {  	_ =	shalt  }
0x66: {  	_ =	shalt  }
0x67: {  	_ =	shalt  }
0x68: {  	_ =	shalt  }
0x69: {  	_ =	shalt  }
0x6a: {  	_ =	shalt  }
0x6b: {  	_ =	shalt  }
0x6c: {  	_ =	shalt  }
0x6d: {  	_ =	shalt  }
0x6e: {  	_ =	shalt  }
0x6f: {  	_ =	shalt  }
0x70: {  	_ =	shalt  }
0x71: {  	_ =	shalt  }
0x72: {  	_ =	shalt  }
0x73: {  	_ =	shalt  }
0x74: {  	_ =	shalt  }
0x75: {  	_ =	shalt  }
0x76: {  	_ =	shalt  }
0x77: {  	_ =	shalt  }
0x78: {  	_ =	shalt  }
0x79: {  	_ =	shalt  }
0x7a: {  	_ =	shalt  }
0x7b: {  	_ =	shalt  }
0x7c: {  	_ =	shalt  }
0x7d: {  	_ =	shalt  }
0x7e: {  	_ =	shalt  }
0x7f: {  	_ =	shalt  }
0x80: {  	_ =	shalt  }
0x81: {  	_ =	shalt  }
0x82: {  	_ =	shalt  }
0x83: {  	_ =	shalt  }
0x84: {  	_ =	shalt  }
0x85: {  	_ =	shalt  }
0x86: {  	_ =	shalt  }
0x87: {  	_ =	shalt  }
.Lfunc_end0:
.L_simem_size_0:
called_computation.1_lowered:
.L_overlay_start_0:
0x88: {  	s2 =	sld [smem:$0x3FD9]  }
0x89: {  	s3 =	sld [smem:$0x3FFE];
	_ =	sdelay $0x1  }
0x8a: {  	s1 =	srdreg.scid  }
0x8b: {  	s0 =	sand.u32 $0x1, s1  }
0x8c: {  	s14 =	sshll.u32 s0, $0xA;
	s2 =	sadd.s32 s3, s2  }
0x8d: {  	s2 =	sadd.s32 s2, s14  }
0x8e: {  	[smem:$0x3FC0] =	sst s2  }
0x8f: {  	_ = 	snop  }
0x90: {  	s2 =	sld [smem:$0x3FD0];
	_ =	sdelay $0x2  }
0x91: {  	s15 =	simm.s32 $0xA;
	s4 =	simm.s32 $0x10  }
0x92: {  	[smem:s4], [sflag:s15] =	dma.local [hbm:s2], $0x1  }
0x93: {  	_ =	swait.eq [sflag:s15], $0x1  }
0x94: {  	[sflag:s15] =	ssyncset.done $0x0  }
0x95: {  	s16 =	sld [smem:$0x10];
	[sflag:s15] =	ssyncadd.s32 $0xFFFFFFFF  }
0x96: {  	s17 =	sld [smem:$0x11];
	(tm) =	ssettm $0x1  }
0x97: {  	s18 =	sld [smem:$0x3FFB];
	_ =	sdelay $0x3  }
0x98: {  	_ =	strace s18  }
0x99: {  	s4 =	sld [smem:$0x3FFC];
	_ =	sdelay $0x3  }
0x9a: {  	_ =	strace s4  }
0x9b: {  	s4 =	sld [smem:$0x3FFD];
	_ =	sdelay $0x3  }
0x9c: {  	_ =	strace s4  }
0x9d: {  	_ =	strace $0x8FFFFFFF  }
0x9e: {  	s19 =	sld [smem:$0x3FDB];
	_ =	sdelay $0x1  }
0x9f: {  	s5 =	simm.s32 $_scs_section_size  }
0xa0: {  	s6 =	simm.s32 $_size__tile_overlayer_lowered;
	s7 =	simm.s32 $_tile_overlayer_lowered  }
0xa1: {  	s22 =	simm.s32 $0x1BFF;
	s21 =	sshll.u32 s7, $0x1;
	s4 =	sadd.s32 s5, s19  }
0xa2: {  	s8 =	simm.s32 $0x0;
	s20 =	sshll.u32 s6, $0x1;
	s6 =	sadd.s32 s21, s4  }
0xa3: {  	[timem:s8], [sflag:s22] =	dma.local [hbm:s6], s20  }
0xa4: {  	_ =	swait.ge [sflag:s22], s20  }
0xa5: {  	s5 =	ssub.s32 $0x0, s20;
	[sflag:s22] =	ssyncset.done $0x0  }
0xa6: {  	[sflag:s22] =	ssyncadd.s32 s5;
	_ =	sdelay $0x1  }
0xa7: {  	s23 =	simm.s32 $0x1B8B  }
0xa8: {  	_ =	swait.ge [sflag:s23], $0x1  }
0xa9: {  	[sflag:s23] =	ssyncset.done $0x0  }
0xaa: {  	s25 =	simm.s32 $0x1B8E;
	s24 =	sld [smem:$0x3FFE];
	[sflag:s23] =	ssyncadd.s32 $0xFFFFFFFF  }
0xab: {  	s26 =	simm.s32 $execute0_lowered;
	[smem:$0x3FD2] =	sst s25  }
0xac: {  	s6 =	sshll.u32 s26, $0x1;
	_ =	strace $0x80000049;
	[dreg:$0x1] =	wrdreg $0xFFFFFFFF  }
0xad: {  	s28 =	simm.s32 $_size_execute0_lowered;
	s4 =	sadd.s32 s4, s6;
	[dreg:$0x0] =	wrdreg $0x0  }
0xae: {  	s6 =	sshll.u32 s28, $0x1;
	[dreg:$0x2] =	wrdreg s4  }
0xaf: {  	[dreg:$0x3] =	wrdreg s6  }
0xb0: {  	[dreg:$0x4] =	wrdreg $0xC0  }
0xb1: {  	_ =	task [dreg:s8], $0x5FFFF  }
0xb2: {  	[dreg:$0x1] =	wrdreg $0xFFFFFFFF  }
0xb3: {  	[dreg:$0x0] =	wrdreg $0x60  }
0xb4: {  	[dreg:$0x2] =	wrdreg s17  }
0xb5: {  	[dreg:$0x3] =	wrdreg s16  }
0xb6: {  	[dreg:$0x4] =	wrdreg s24  }
0xb7: {  	[dreg:$0x5] =	wrdreg $0x0  }
0xb8: {  	[dreg:$0x6] =	wrdreg $0x9  }
0xb9: {  	_ =	task.clear_ibuf [dreg:s8], $0x7FFFF;
	_ =	strace $0x90000049  }
0xba: {  	s29 =	simm.s32 $0x9;
	_ =	strace $0x8000004B  }
0xbb: {  	_ =	swait.ge [sflag:s29], $0x1  }
0xbc: {  	[sflag:s29] =	ssyncadd.s32 $0xFFFFFFFF  }
0xbd: {  	_ =	strace $0x9000004B  }
0xbe: {  	_ =	sfence  }
0xbf: {  	s30 =	sld [smem:$0x0];
	_ =	sdelay $0x2  }
0xc0: {  	s31 =	sshll.u32 s1, $0xD;
	s1 =	sshrl.u32 s1, $0x2  }
0xc1: {  	s3 =	sand.u32 $0x4000, s31;
	s1 =	sadd.s32 s1, s30  }
0xc2: {  	s0 =	sor.u32 s3, s0;
	s1 =	sshll.u32 s1, $0x11  }
0xc3: {  	s0 =	sor.u32 s1, s0  }
0xc4: {  	s0 =	sadd.s32 $0x8F2B, s0  }
0xc5: {  	[sflag:s0] =	ssyncadd.remote.s32 $0x1  }
0xc6: {  	_ =	sfence.sel $0xFFFF  }
0xc7: {  	[dreg:$0x0] =	wrdreg $0xFFFFFFFF;
	(pc) =	sbr.abs _section_cstart, $3  }
0xc8: {  	[dreg:$0x1] =	wrdreg $0xFFFFFFFF  }
0xc9: {  	_ =	task.clear_ibuf [dreg:s8], $0x2FFFF;
	_ =	strace $0x9FFFFFFF  }
0xca: {  	(tm) =	ssettm $0x7FFFFFFF  }
0xcb: {  	_ =	shalt  }
tec
execute0_lowered:
.L_overlay_start_1:
0x0: {  	(tag) =	ssettag $0x1  }
0x1: {  	s1 =	rddreg [dreg:$0x0]  }
0x2: {  	s0 =	rddreg [dreg:$0x1]  }
0x3: {  	s5 =	rddreg [dreg:$0x2]  }
0x4: {  	s2 =	rddreg [dreg:$0x3];
	s3 =	simm.s32 $0x0;
	s4 =	stileid.u32  }
0x5: {  	s6 =	srdreg.scid;
	s21 =	simm.s32 $0x13880;
	s22 =	simm.s32 $0x14C80  }
0x6: {  	s23 =	simm.s32 $0x7D;
	s28 =	simm.s32 $0x14C00;
	s29 =	simm.s32 $0x15F80  }
0x7: {  	s30 =	simm.s32 $0x16000;
	[smem:$0x7FF] =	sst s3;
	s7 =	smul.u32 $0x4E000, s4  }
0x8: {  	s15 =	sadd.s32 $0x3400, s5;
	s16 =	sadd.s32 $0xD400, s5;
	s11 =	sand.u32 $0x1, s6  }
0x9: {  	s19 =	smul.u32 $0x13800, s4;
	p0 =	sne.s32 s4, $0x0;
	_ =	strace $0x8000004A  }
0xa: {  	s6 =	ssub.s32 $0x2, s11;
	s24 =	sshll.u32 s11, $0x4;
	s17 =	smul.u32 $0x138800, s11  }
0xb: {  	s11 =	sadd.s32 $0x138000, s2;
	s7 =	sshrl.u32 s7, $0x2;
	s9 =	sor.u32 s4, s24  }
0xc: {  	s8 =	sshrl.u32 s6, $0x1;
	s24 =	simm.s32 $0x1A080;
	s13 =	smul.u32 $0x500, s9  }
0xd: {  	s5 =	sadd.s32 s7, s2;
	s18 =	ssub.s32 s6, s8;
	s12 =	smul.u32 $0x2800, s9  }
0xe: {  	s31 =	sadd.s32 s19, s17;
	s17 =	sshrl.u32 s17, $0x3;
	s19 =	simm.s32 $0x16080  }
0xf: {  	s25 =	sadd.s32 $0x3400, s5;
	s26 =	sadd.s32 $0x6800, s5;
	s8 =	sadd.s32 $0x9C00, s5  }
0x10: {  	s9 =	sadd.s32 $0xD000, s5;
	s10 =	sadd.s32 $0x10400, s5;
	[dreg:$0x5] =	wrdreg s25  }
0x11: {  	s17 =	sadd.s32 s16, s17;
	s18 =	smax.u32 s18, $0x1;
	[dreg:$0x6] =	wrdreg s26  }
0x12: {  	s14 =	sshrl.u32 s12, $0x3;
	s12 =	sadd.s32 s0, s13;
	s13 =	sadd.s32 s15, s13  }
0x13: {  	s17 =	sadd.s32 $0x27000, s17;
	s25 =	simm.s32 $0x1;
	s20 =	sadd.s32 $0x280, s14  }
0x14: {  	s26 =	simm.s32 $0x2;
	s14 =	sadd.s32 s0, s20;
	s0 =	sshrl.u32 s31, $0x3  }
0x15: {  	v0 =	vimm.f32 $0.0e+00;
	s15 =	sadd.s32 s15, s20;
	s20 =	simm.s32 $0x3;
	s16 =	sadd.s32 s16, s0  }
.LBB2_1:
0x16: {  	s31 =	simm.s32 $0x0;
	s0 =	simm.s32 $0x200  }
.LBB2_2:
0x17: {  	p1 =	sne.s32 s0, $0xCE00;
	[tilespmem:s31+$0x160F0] =	vst v0  }
0x18: {  	[tilespmem:s31+$0x16080] =	vst v0  }
0x19: {  	[tilespmem:s31+$0x16090] =	vst v0  }
.Ltmp0:
0x1a: {  	[tilespmem:s31+$0x160A0] =	vst v0;
	(pc) =	sbr.rel @p1 .LBB2_2-.Ltmp0, $4  }
0x1b: {  	[tilespmem:s31+$0x160B0] =	vst v0  }
0x1c: {  	[tilespmem:s31+$0x160C0] =	vst v0  }
0x1d: {  	[tilespmem:s31+$0x160D0] =	vst v0  }
0x1e: {  	[tilespmem:s31+$0x160E0] =	vst v0;
	s31 =	sshra.s32 s0, $0x2;
	s0 =	sadd.s32 $0x200, s0  }
0x1f: {  	[tilespmem:s31+$0x160F0] =	vst v0  }
0x20: {  	[tilespmem:s31+$0x16080] =	vst v0  }
0x21: {  	[tilespmem:s31+$0x16090] =	vst v0  }
0x22: {  	[tilespmem:s31+$0x160A0] =	vst v0  }
0x23: {  	[tilespmem:s31+$0x160B0] =	vst v0  }
0x24: {  	[tilespmem:s31+$0x160C0] =	vst v0  }
0x25: {  	[tilespmem:s31+$0x160D0] =	vst v0  }
0x26: {  	[tilespmem:s31+$0x160E0] =	vst v0  }
0x27: {  	[spmem:s5] =	stream.linear.scatter [tilespmem:s19], [sflag:$0x3], $0x3400, $0x38;
	[tilespmem:$0x1E080] =	vst v63  }
0x28: {  	_ =	swait.ge [sflag:s20], $0x3400  }
0x29: {  	[sflag:s20] =	ssyncset.done $0x0  }
0x2a: {  	s0 =	rddreg [dreg:$0x5];
	[sflag:s20] =	ssyncadd.s32 $0xFFFFCC00  }
0x2b: {  	[spmem:s0] =	stream.linear.scatter [tilespmem:s19], [sflag:$0x3], $0x3400, $0x38;
	[tilespmem:$0x1E080] =	vst v63  }
0x2c: {  	_ =	swait.ge [sflag:s20], $0x3400  }
0x2d: {  	[sflag:s20] =	ssyncset.done $0x0  }
0x2e: {  	s4 =	rddreg [dreg:$0x6];
	[sflag:s20] =	ssyncadd.s32 $0xFFFFCC00  }
0x2f: {  	[spmem:s4] =	stream.linear.scatter [tilespmem:s19], [sflag:$0x3], $0x3400, $0x38;
	[tilespmem:$0x1E080] =	vst v63  }
0x30: {  	_ =	swait.ge [sflag:s20], $0x3400  }
0x31: {  	[sflag:s20] =	ssyncset.done $0x0  }
0x32: {  	[sflag:s20] =	ssyncadd.s32 $0xFFFFCC00  }
0x33: {  	[spmem:s8] =	stream.linear.scatter [tilespmem:s19], [sflag:$0x3], $0x3400, $0x38;
	[tilespmem:$0x1E080] =	vst v63  }
0x34: {  	_ =	swait.ge [sflag:s20], $0x3400  }
0x35: {  	[sflag:s20] =	ssyncset.done $0x0  }
0x36: {  	[sflag:s20] =	ssyncadd.s32 $0xFFFFCC00  }
0x37: {  	[spmem:s9] =	stream.linear.scatter [tilespmem:s19], [sflag:$0x3], $0x3400, $0x38;
	[tilespmem:$0x1E080] =	vst v63  }
0x38: {  	_ =	swait.ge [sflag:s20], $0x3400  }
0x39: {  	[sflag:s20] =	ssyncset.done $0x0  }
0x3a: {  	[sflag:s20] =	ssyncadd.s32 $0xFFFFCC00  }
0x3b: {  	[spmem:s10] =	stream.linear.scatter [tilespmem:s19], [sflag:$0x3], $0x3400, $0x38;
	[tilespmem:$0x1E080] =	vst v63  }
0x3c: {  	_ =	swait.ge [sflag:s20], $0x3400  }
0x3d: {  	[sflag:s20] =	ssyncset.done $0x0  }
0x3e: {  	s0 =	simm.s32 @!p0 $0x16080;
	[sflag:s20] =	ssyncadd.s32 $0xFFFFCC00  }
0x3f: {  	[spmem:s11] =	stream.linear.scatter @!p0 [tilespmem:s0], [sflag:$0x3], $0x800, $0x38;
	[tilespmem:$0x1E080] =	vst v63  }
0x40: {  	s0 =	simm.s32 @!p0 $0x3  }
0x41: {  	_ =	swait.ge @!p0 [sflag:s0], $0x800  }
0x42: {  	[sflag:s0] =	ssyncset.done @!p0 $0x0  }
0x43: {  	[sflag:s0] =	ssyncadd.s32 @!p0 $0xFFFFF800  }
0x44: {  	s6 =	simm.s32 $0x0;
	[bflag:$0x0] =	sbarrier.arrive $0xFFFF  }
0x45: {  	[tilespmem:s21], [sflag:$0x3] =	stream.linear.gather [hbm4b:s12+s6], $0x1400, $0x38;
	[tilespmem:$0x1E080] =	vst v63  }
0x46: {  	_ =	swait.ge [sflag:s20], $0x1400  }
0x47: {  	[sflag:s20] =	ssyncset.done $0x0  }
0x48: {  	[sflag:s20] =	ssyncadd.s32 $0xFFFFEC00  }
0x49: {  	[tilespmem:s22], [sflag:$0x3] =	stream.linear.gather [hbm4b:s13+s6], $0x1400, $0x38;
	[tilespmem:$0x1E080] =	vst v63  }
0x4a: {  	_ =	swait.ge [sflag:s20], $0x1400  }
0x4b: {  	[sflag:s20] =	ssyncset.done $0x0  }
0x4c: {  	[sflag:s20] =	ssyncadd.s32 $0xFFFFEC00  }
0x4d: {  	[tilespmem:s19], [sflag:$0x1] =	stream.indirect.gather [hbm4b:s1+s23], $0x80, s21, s23, $0xb8;
	[tilespmem:$0x1E080] =	vst v63  }
0x4e: {  	s7 =	simm.s32 $0x13900  }
0x4f: {  	[tilespmem:s24], [sflag:$0x2] =	stream.indirect.gather [hbm4b:s1+s23], $0x80, s7, s23, $0xb8;
	[tilespmem:$0x1E080] =	vst v63  }
0x50: {  	_ =	swait.ge [sflag:s25], $0x3E80  }
0x51: {  	[sflag:s25] =	ssyncset.done $0x0  }
0x52: {  	s4 =	simm.s32 $0x14C80;
	[sflag:s25] =	ssyncadd.s32 $0xFFFFC180  }
0x53: {  	[spmem:s2] =	stream.indirect.scatter.add.f32 [tilespmem:s19], [sflag:$0x3], $0x80, s4, s23, $0xb8;
	[tilespmem:$0x1E080] =	vst v63  }
0x54: {  	_ =	swait.ge [sflag:s20], $0x3E80  }
0x55: {  	[sflag:s20] =	ssyncset.done $0x0  }
0x56: {  	s6 =	simm.s32 $0x13980;
	[sflag:s20] =	ssyncadd.s32 $0xFFFFC180  }
0x57: {  	[tilespmem:s19], [sflag:$0x1] =	stream.indirect.gather [hbm4b:s1+s23], $0x80, s6, s23, $0xb8;
	[tilespmem:$0x1E080] =	vst v63  }
0x58: {  	_ =	swait.ge [sflag:s26], $0x3E80  }
0x59: {  	[sflag:s26] =	ssyncset.done $0x0  }
0x5a: {  	s7 =	simm.s32 $0x14D00;
	[sflag:s26] =	ssyncadd.s32 $0xFFFFC180  }
0x5b: {  	[spmem:s2] =	stream.indirect.scatter.add.f32 [tilespmem:s24], [sflag:$0x3], $0x80, s7, s23, $0xb8;
	[tilespmem:$0x1E080] =	vst v63  }
0x5c: {  	_ =	swait.ge [sflag:s20], $0x3E80  }
0x5d: {  	s31 =	simm.s32 $0x100;
	s0 =	simm.s32 $0x800;
	[sflag:s20] =	ssyncset.done $0x0  }
.LBB2_4:
0x5e: {  	s4 =	sadd.s32 $0x13900, s31  }
0x5f: {  	[sflag:s20] =	ssyncadd.s32 $0xFFFFC180;
	s6 =	smov.u32 s0;
	s7 =	sadd.s32 $0x400, s0  }
0x60: {  	[tilespmem:s24], [sflag:$0x2] =	stream.indirect.gather [hbm4b:s1+s23], $0x80, s4, s23, $0xb8;
	[tilespmem:$0x1E080] =	vst v63  }
0x61: {  	p1 =	sne.s32 s0, $0x4800;
	_ =	swait.ge [sflag:s25], $0x3E80  }
0x62: {  	[sflag:s25] =	ssyncset.done $0x0  }
0x63: {  	s0 =	sadd.s32 $0x14C80, s31;
	[sflag:s25] =	ssyncadd.s32 $0xFFFFC180  }
0x64: {  	[spmem:s2] =	stream.indirect.scatter.add.f32 [tilespmem:s19], [sflag:$0x3], $0x80, s0, s23, $0xb8;
	[tilespmem:$0x1E080] =	vst v63  }
0x65: {  	_ =	swait.ge [sflag:s20], $0x3E80  }
0x66: {  	[sflag:s20] =	ssyncset.done $0x0  }
0x67: {  	s0 =	sadd.s32 $0x13980, s31;
	[sflag:s20] =	ssyncadd.s32 $0xFFFFC180  }
0x68: {  	[tilespmem:s19], [sflag:$0x1] =	stream.indirect.gather [hbm4b:s1+s23], $0x80, s0, s23, $0xb8;
	[tilespmem:$0x1E080] =	vst v63  }
0x69: {  	_ =	swait.ge [sflag:s26], $0x3E80  }
.Ltmp1:
0x6a: {  	[sflag:s26] =	ssyncset.done $0x0;
	(pc) =	sbr.rel @p1 .LBB2_4-.Ltmp1, $4  }
0x6b: {  	s0 =	sadd.s32 $0x14D00, s31;
	[sflag:s26] =	ssyncadd.s32 $0xFFFFC180  }
0x6c: {  	[spmem:s2] =	stream.indirect.scatter.add.f32 [tilespmem:s24], [sflag:$0x3], $0x80, s0, s23, $0xb8;
	[tilespmem:$0x1E080] =	vst v63  }
0x6d: {  	_ =	swait.ge [sflag:s20], $0x3E80  }
0x6e: {  	s31 =	sshra.s32 s6, $0x2;
	s0 =	smov.u32 s7;
	[sflag:s20] =	ssyncset.done $0x0  }
0x6f: {  	s0 =	sadd.s32 $0x13900, s31;
	[sflag:s20] =	ssyncadd.s32 $0xFFFFC180  }
0x70: {  	[tilespmem:s24], [sflag:$0x2] =	stream.indirect.gather [hbm4b:s1+s23], $0x80, s0, s23, $0xb8;
	[tilespmem:$0x1E080] =	vst v63  }
0x71: {  	_ =	swait.ge [sflag:s25], $0x3E80  }
0x72: {  	[sflag:s25] =	ssyncset.done $0x0  }
0x73: {  	s6 =	sadd.s32 $0x14C80, s31;
	[sflag:s25] =	ssyncadd.s32 $0xFFFFC180  }
0x74: {  	[spmem:s2] =	stream.indirect.scatter.add.f32 [tilespmem:s19], [sflag:$0x3], $0x80, s6, s23, $0xb8;
	[tilespmem:$0x1E080] =	vst v63  }
0x75: {  	_ =	swait.ge [sflag:s20], $0x3E80  }
0x76: {  	[sflag:s20] =	ssyncset.done $0x0  }
0x77: {  	s7 =	sadd.s32 $0x13980, s31;
	[sflag:s20] =	ssyncadd.s32 $0xFFFFC180  }
0x78: {  	[tilespmem:s19], [sflag:$0x1] =	stream.indirect.gather [hbm4b:s1+s23], $0x80, s7, s23, $0xb8;
	[tilespmem:$0x1E080] =	vst v63  }
0x79: {  	_ =	swait.ge [sflag:s26], $0x3E80  }
0x7a: {  	[sflag:s26] =	ssyncset.done $0x0  }
0x7b: {  	s4 =	sadd.s32 $0x14D00, s31;
	[sflag:s26] =	ssyncadd.s32 $0xFFFFC180  }
0x7c: {  	[spmem:s2] =	stream.indirect.scatter.add.f32 [tilespmem:s24], [sflag:$0x3], $0x80, s4, s23, $0xb8;
	[tilespmem:$0x1E080] =	vst v63  }
0x7d: {  	_ =	swait.ge [sflag:s20], $0x3E80  }
0x7e: {  	[sflag:s20] =	ssyncset.done $0x0  }
0x7f: {  	[sflag:s20] =	ssyncadd.s32 $0xFFFFC180  }
0x80: {  	[tilespmem:s24], [sflag:$0x2] =	stream.indirect.gather [hbm4b:s1+s23], $0x80, s28, s23, $0xb8;
	[tilespmem:$0x1E080] =	vst v63  }
0x81: {  	_ =	swait.ge [sflag:s25], $0x3E80  }
0x82: {  	[sflag:s25] =	ssyncset.done $0x0  }
0x83: {  	[sflag:s25] =	ssyncadd.s32 $0xFFFFC180  }
0x84: {  	[spmem:s2] =	stream.indirect.scatter.add.f32 [tilespmem:s19], [sflag:$0x3], $0x80, s29, s23, $0xb8;
	[tilespmem:$0x1E080] =	vst v63  }
0x85: {  	_ =	swait.ge [sflag:s20], $0x3E80  }
0x86: {  	[sflag:s20] =	ssyncset.done $0x0  }
0x87: {  	[sflag:s20] =	ssyncadd.s32 $0xFFFFC180  }
0x88: {  	_ =	swait.ge [sflag:s26], $0x3E80  }
0x89: {  	[sflag:s26] =	ssyncset.done $0x0  }
0x8a: {  	[sflag:s26] =	ssyncadd.s32 $0xFFFFC180  }
0x8b: {  	[spmem:s2] =	stream.indirect.scatter.add.f32 [tilespmem:s24], [sflag:$0x3], $0x80, s30, s23, $0xb8;
	[tilespmem:$0x1E080] =	vst v63  }
0x8c: {  	_ =	swait.ge [sflag:s20], $0x3E80  }
0x8d: {  	[sflag:s20] =	ssyncset.done $0x0  }
0x8e: {  	s6 =	simm.s32 $0x0;
	[sflag:s20] =	ssyncadd.s32 $0xFFFFC180  }
0x8f: {  	[tilespmem:s21], [sflag:$0x3] =	stream.linear.gather [hbm4b:s14+s6], $0x1400, $0x38;
	[tilespmem:$0x1E080] =	vst v63  }
0x90: {  	_ =	swait.ge [sflag:s20], $0x1400  }
0x91: {  	[sflag:s20] =	ssyncset.done $0x0  }
0x92: {  	[sflag:s20] =	ssyncadd.s32 $0xFFFFEC00  }
0x93: {  	[tilespmem:s22], [sflag:$0x3] =	stream.linear.gather [hbm4b:s15+s6], $0x1400, $0x38;
	[tilespmem:$0x1E080] =	vst v63  }
0x94: {  	_ =	swait.ge [sflag:s20], $0x1400  }
0x95: {  	[sflag:s20] =	ssyncset.done $0x0  }
0x96: {  	[sflag:s20] =	ssyncadd.s32 $0xFFFFEC00  }
0x97: {  	[tilespmem:s19], [sflag:$0x1] =	stream.indirect.gather [hbm4b:s1+s23], $0x80, s21, s23, $0xb8;
	[tilespmem:$0x1E080] =	vst v63  }
0x98: {  	s7 =	simm.s32 $0x13900  }
0x99: {  	[tilespmem:s24], [sflag:$0x2] =	stream.indirect.gather [hbm4b:s1+s23], $0x80, s7, s23, $0xb8;
	[tilespmem:$0x1E080] =	vst v63  }
0x9a: {  	_ =	swait.ge [sflag:s25], $0x3E80  }
0x9b: {  	[sflag:s25] =	ssyncset.done $0x0  }
0x9c: {  	s4 =	simm.s32 $0x14C80;
	[sflag:s25] =	ssyncadd.s32 $0xFFFFC180  }
0x9d: {  	[spmem:s2] =	stream.indirect.scatter.add.f32 [tilespmem:s19], [sflag:$0x3], $0x80, s4, s23, $0xb8;
	[tilespmem:$0x1E080] =	vst v63  }
0x9e: {  	_ =	swait.ge [sflag:s20], $0x3E80  }
0x9f: {  	[sflag:s20] =	ssyncset.done $0x0  }
0xa0: {  	s6 =	simm.s32 $0x13980;
	[sflag:s20] =	ssyncadd.s32 $0xFFFFC180  }
0xa1: {  	[tilespmem:s19], [sflag:$0x1] =	stream.indirect.gather [hbm4b:s1+s23], $0x80, s6, s23, $0xb8;
	[tilespmem:$0x1E080] =	vst v63  }
0xa2: {  	_ =	swait.ge [sflag:s26], $0x3E80  }
0xa3: {  	[sflag:s26] =	ssyncset.done $0x0  }
0xa4: {  	s7 =	simm.s32 $0x14D00;
	[sflag:s26] =	ssyncadd.s32 $0xFFFFC180  }
0xa5: {  	[spmem:s2] =	stream.indirect.scatter.add.f32 [tilespmem:s24], [sflag:$0x3], $0x80, s7, s23, $0xb8;
	[tilespmem:$0x1E080] =	vst v63  }
0xa6: {  	_ =	swait.ge [sflag:s20], $0x3E80  }
0xa7: {  	s31 =	simm.s32 $0x100;
	s0 =	simm.s32 $0x800;
	[sflag:s20] =	ssyncset.done $0x0  }
.LBB2_6:
0xa8: {  	s4 =	sadd.s32 $0x13900, s31  }
0xa9: {  	[sflag:s20] =	ssyncadd.s32 $0xFFFFC180;
	s6 =	smov.u32 s0;
	s7 =	sadd.s32 $0x400, s0  }
0xaa: {  	[tilespmem:s24], [sflag:$0x2] =	stream.indirect.gather [hbm4b:s1+s23], $0x80, s4, s23, $0xb8;
	[tilespmem:$0x1E080] =	vst v63  }
0xab: {  	p1 =	sne.s32 s0, $0x4800;
	_ =	swait.ge [sflag:s25], $0x3E80  }
0xac: {  	[sflag:s25] =	ssyncset.done $0x0  }
0xad: {  	s0 =	sadd.s32 $0x14C80, s31;
	[sflag:s25] =	ssyncadd.s32 $0xFFFFC180  }
0xae: {  	[spmem:s2] =	stream.indirect.scatter.add.f32 [tilespmem:s19], [sflag:$0x3], $0x80, s0, s23, $0xb8;
	[tilespmem:$0x1E080] =	vst v63  }
0xaf: {  	_ =	swait.ge [sflag:s20], $0x3E80  }
0xb0: {  	[sflag:s20] =	ssyncset.done $0x0  }
0xb1: {  	s0 =	sadd.s32 $0x13980, s31;
	[sflag:s20] =	ssyncadd.s32 $0xFFFFC180  }
0xb2: {  	[tilespmem:s19], [sflag:$0x1] =	stream.indirect.gather [hbm4b:s1+s23], $0x80, s0, s23, $0xb8;
	[tilespmem:$0x1E080] =	vst v63  }
0xb3: {  	_ =	swait.ge [sflag:s26], $0x3E80  }
.Ltmp2:
0xb4: {  	[sflag:s26] =	ssyncset.done $0x0;
	(pc) =	sbr.rel @p1 .LBB2_6-.Ltmp2, $4  }
0xb5: {  	s0 =	sadd.s32 $0x14D00, s31;
	[sflag:s26] =	ssyncadd.s32 $0xFFFFC180  }
0xb6: {  	[spmem:s2] =	stream.indirect.scatter.add.f32 [tilespmem:s24], [sflag:$0x3], $0x80, s0, s23, $0xb8;
	[tilespmem:$0x1E080] =	vst v63  }
0xb7: {  	_ =	swait.ge [sflag:s20], $0x3E80  }
0xb8: {  	s31 =	sshra.s32 s6, $0x2;
	s0 =	smov.u32 s7;
	[sflag:s20] =	ssyncset.done $0x0  }
0xb9: {  	s0 =	sadd.s32 $0x13900, s31;
	[sflag:s20] =	ssyncadd.s32 $0xFFFFC180  }
0xba: {  	[tilespmem:s24], [sflag:$0x2] =	stream.indirect.gather [hbm4b:s1+s23], $0x80, s0, s23, $0xb8;
	[tilespmem:$0x1E080] =	vst v63  }
0xbb: {  	_ =	swait.ge [sflag:s25], $0x3E80  }
0xbc: {  	[sflag:s25] =	ssyncset.done $0x0  }
0xbd: {  	s4 =	sadd.s32 $0x14C80, s31;
	[sflag:s25] =	ssyncadd.s32 $0xFFFFC180  }
0xbe: {  	[spmem:s2] =	stream.indirect.scatter.add.f32 [tilespmem:s19], [sflag:$0x3], $0x80, s4, s23, $0xb8;
	[tilespmem:$0x1E080] =	vst v63  }
0xbf: {  	_ =	swait.ge [sflag:s20], $0x3E80  }
0xc0: {  	[sflag:s20] =	ssyncset.done $0x0  }
0xc1: {  	s6 =	sadd.s32 $0x13980, s31;
	[sflag:s20] =	ssyncadd.s32 $0xFFFFC180  }
0xc2: {  	[tilespmem:s19], [sflag:$0x1] =	stream.indirect.gather [hbm4b:s1+s23], $0x80, s6, s23, $0xb8;
	[tilespmem:$0x1E080] =	vst v63  }
0xc3: {  	_ =	swait.ge [sflag:s26], $0x3E80  }
0xc4: {  	[sflag:s26] =	ssyncset.done $0x0  }
0xc5: {  	s7 =	sadd.s32 $0x14D00, s31;
	[sflag:s26] =	ssyncadd.s32 $0xFFFFC180  }
0xc6: {  	[spmem:s2] =	stream.indirect.scatter.add.f32 [tilespmem:s24], [sflag:$0x3], $0x80, s7, s23, $0xb8;
	[tilespmem:$0x1E080] =	vst v63  }
0xc7: {  	_ =	swait.ge [sflag:s20], $0x3E80  }
0xc8: {  	[sflag:s20] =	ssyncset.done $0x0  }
0xc9: {  	[sflag:s20] =	ssyncadd.s32 $0xFFFFC180  }
0xca: {  	[tilespmem:s24], [sflag:$0x2] =	stream.indirect.gather [hbm4b:s1+s23], $0x80, s28, s23, $0xb8;
	[tilespmem:$0x1E080] =	vst v63  }
0xcb: {  	_ =	swait.ge [sflag:s25], $0x3E80  }
0xcc: {  	[sflag:s25] =	ssyncset.done $0x0  }
0xcd: {  	[sflag:s25] =	ssyncadd.s32 $0xFFFFC180  }
0xce: {  	[spmem:s2] =	stream.indirect.scatter.add.f32 [tilespmem:s19], [sflag:$0x3], $0x80, s29, s23, $0xb8;
	[tilespmem:$0x1E080] =	vst v63  }
0xcf: {  	_ =	swait.ge [sflag:s20], $0x3E80  }
0xd0: {  	[sflag:s20] =	ssyncset.done $0x0  }
0xd1: {  	[sflag:s20] =	ssyncadd.s32 $0xFFFFC180  }
0xd2: {  	_ =	swait.ge [sflag:s26], $0x3E80  }
0xd3: {  	[sflag:s26] =	ssyncset.done $0x0  }
0xd4: {  	[sflag:s26] =	ssyncadd.s32 $0xFFFFC180  }
0xd5: {  	[spmem:s2] =	stream.indirect.scatter.add.f32 [tilespmem:s24], [sflag:$0x3], $0x80, s30, s23, $0xb8;
	[tilespmem:$0x1E080] =	vst v63  }
0xd6: {  	_ =	swait.ge [sflag:s20], $0x3E80  }
0xd7: {  	s31 =	stileid.u32;
	[sflag:s20] =	ssyncset.done $0x0  }
0xd8: {  	s0 =	sshll.u32 s31, $0x6;
	[sflag:s20] =	ssyncadd.s32 $0xFFFFC180  }
0xd9: {  	s0 =	sor.u32 $0x1C03, s0;
	s4 =	sshrl.u32 s5, $0x3;
	[bflag:$0x0] =	sbarrier.arrive $0xFFFF  }
0xda: {  	[hbm:s16], [sflag:s0] =	dma.local [spmem:s4], $0x2700  }
0xdb: {  	_ =	swait.ge [sflag:s20], $0x2700  }
0xdc: {  	s3 =	sadd.s32 $0x1, s3;
	[sflag:s20] =	ssyncset.done $0x0  }
0xdd: {  	p1 =	sne.s32 s3, s18;
	s4 =	sshrl.u32 @!p0 s11, $0x3;
	[sflag:s20] =	ssyncadd.s32 $0xFFFFD900  }
0xde: {  	[hbm:s17], [sflag:s0] =	dma.local @!p0 [spmem:s4], $0x100  }
.Ltmp3:
0xdf: {  	_ = 	snop;
	(pc) =	sbr.rel @p1 .LBB2_1-.Ltmp3, $4  }
0xe0: {  	s0 =	simm.s32 @!p0 $0x3  }
0xe1: {  	_ =	swait.ge @!p0 [sflag:s0], $0x100  }
0xe2: {  	[sflag:s0] =	ssyncset.done @!p0 $0x0  }
0xe3: {  	[sflag:s0] =	ssyncadd.s32 @!p0 $0xFFFFFF00  }
0xe4: {  	_ =	sfence.sel $0x180000  }
0xe5: {  	[bflag:$0x0] =	sbarrier.arrive $0xFFFF  }
0xe6: {  	_ =	strace $0x9000004A  }
0xe7: {  	[bflag:$0x2] =	sbarrier.arrive $0xFFFF  }
0xe8: {  	s0 =	rddreg [dreg:$0x4]  }
0xe9: {  	s0 =	sadd.s32 @!p0 $0x100000, s0  }
0xea: {  	[sflag:s0] =	ssyncadd.tile.s32 @!p0 $0x1;
	_ =	shalt  }
.Lfunc_end2:
_tile_overlayer_lowered:
.L_overlay_start_2:
0xeb: {  	(tag) =	ssettag $0x2  }
0xec: {  	s0 =	rddreg [dreg:$0x0];
	s2 =	stileid.u32  }
0xed: {  	s1 =	rddreg [dreg:$0x1];
	p0 =	sne.s32 s2, $0x0  }
0xee: {  	s3 =	rddreg [dreg:$0x2];
	[bflag:$0x3] =	sbarrier.arrive $0xFFFF;
	s2 =	simm.s32 @!p0 $0x1C03  }
0xef: {  	[timem:s3], [sflag:s2] =	dma.local @!p0 [hbm:s0], s1  }
0xf0: {  	s0 =	simm.s32 @!p0 $0x3  }
0xf1: {  	_ =	swait.ge @!p0 [sflag:s0], s1  }
0xf2: {  	s1 =	ssub.s32 @!p0 $0x0, s1;
	[sflag:s0] =	ssyncset.done @!p0 $0x0  }
0xf3: {  	[sflag:s0] =	ssyncadd.s32 @!p0 s1  }
0xf4: {  	[bflag:$0x3] =	sbarrier.arrive $0xFFFF  }
0xf5: {  	_ =	shalt  }

// kernel: kernel.16.cloned.1.call-start
scs
__scs_entry_jumppad:
0x0: {  	(pc) =	sbr.rel $0x88, $3  }
0x1: {  	(tag) =	ssettag $0x0;
	lr =	simm.s32 $0x1  }
0x2: {  	[smem:$0x3F99] =	sst lr;
	_ =	strace $0xD0000000  }
0x3: {  	_ = 	snop  }
0x4: {  	_ = 	snop  }
0x5: {  	_ = 	snop  }
0x6: {  	_ = 	snop  }
0x7: {  	_ = 	snop  }
__scs_overlays_trampoline_lowered:
0x8: {  	[smem:$0x3FA8] =	sst s0  }
0x9: {  	[smem:$0x3FA9] =	sst s1  }
0xa: {  	[smem:$0x3FAA] =	sst s2  }
0xb: {  	[smem:$0x3FAB] =	sst s3  }
0xc: {  	[smem:$0x3FAC] =	sst s4  }
0xd: {  	[smem:$0x3FAD] =	sst s5  }
0xe: {  	[smem:$0x3FAE] =	sst s6  }
0xf: {  	[smem:$0x3FAF] =	sst s7  }
0x10: {  	[smem:$0x3FB0] =	sst s8  }
0x11: {  	[smem:$0x3FB1] =	sst s9;
	s0 =	simm.s32 @!p0 $0x0  }
0x12: {  	s1 =	sld [smem:$0x3F97];
	s0 =	simm.s32 @p0 $0x1  }
0x13: {  	[smem:$0x3FB2] =	sst s0;
	s0 =	simm.s32 @!p1 $0x0  }
0x14: {  	s2 =	sld [smem:$0x3F96];
	s0 =	simm.s32 @p1 $0x1  }
0x15: {  	[smem:$0x3FB3] =	sst s0;
	s0 =	simm.s32 @!p2 $0x0  }
0x16: {  	s3 =	sld [smem:$0x3FDB];
	s0 =	simm.s32 @p2 $0x1  }
0x17: {  	s4 =	simm.s32 $0x1BF5;
	[smem:$0x3FB5] =	sst s0  }
0x18: {  	s0 =	sld [smem:$0x3F98];
	_ =	swait.ge [sflag:s4], $0x0  }
0x19: {  	s7 =	sld [smem:$0x3F99]  }
0x1a: {  	s8 =	sadd.s32 $0xFFFFE003, lr  }
0x1b: {  	s9 =	sadd.s32 $0xFFFFFEF7, lr;
	s5 =	simm.s32 $0xFFFFFFFF;
	p2 =	slt.u32 s8, $0xFFFFF086  }
0x1c: {  	p1 =	slt.u32 s9, $0xF7A;
	s5 =	simm.s32 @!p2 $0x0  }
0x1d: {  	s5 =	simm.s32 @p1 $0x1;
	p0 =	seq.s32 s7, s2  }
0x1e: {  	s7 =	smul.u32 @!p0 $0xF7A, s2;
	p2 =	seq.s32 @!p0 s5, $0x0  }
0x1f: {  	s9 =	smul.u32 $0xF7A, s1;
	s8 =	simm.s32 @!p0 $0x1BF5;
	p2 =	por !p2, p0  }
0x20: {  	[sflag:s8] =	ssyncset.s32 @!p0 $0xFFFFF086;
	s6 =	sadd.s32 @!p0 s3, s7;
	s7 =	simm.s32 @!p0 $0x108  }
0x21: {  	s3 =	sadd.s32 s3, s9;
	s6 =	sadd.s32 @!p0 $0x88, s6;
	s7 =	simm.s32 @p2 $0x1082  }
0x22: {  	[simem:s7], [sflag:s8] =	dma.local @!p0 [hbm:s6], $0xF7A  }
0x23: {  	s9 =	sor.u32 $0xD0000000, s2;
	s6 =	simm.s32 $0x108;
	_ =	swait.ge @!p0 [sflag:s8], $0x0  }
0x24: {  	s3 =	sadd.s32 $0x88, s3;
	s6 =	simm.s32 @!p1 $0x1082;
	[sflag:s4] =	ssyncset.s32 $0xFFFFF086  }
0x25: {  	[simem:s6], [sflag:s4] =	dma.local [hbm:s3], $0xF7A  }
0x26: {  	[smem:$0x3F99] =	sst s1;
	(tag) =	ssettag s2;
	_ =	strace s9  }
0x27: {  	s1 =	sld [smem:$0x3FA9]  }
0x28: {  	s2 =	sld [smem:$0x3FAA]  }
0x29: {  	s4 =	sld [smem:$0x3FAC]  }
0x2a: {  	p0 =	seq.s32 s5, $0x0;
	s5 =	sld [smem:$0x3FAD]  }
0x2b: {  	s6 =	sld [smem:$0x3FAE]  }
0x2c: {  	s7 =	sld [smem:$0x3FAF]  }
0x2d: {  	s3 =	simm.s32 $0x108;
	s8 =	sld [smem:$0x3FB0]  }
0x2e: {  	s3 =	simm.s32 @!p0 $0x1082;
	s9 =	sld [smem:$0x3FB1]  }
0x2f: {  	lr =	sadd.s32 s0, s3;
	s0 =	sld [smem:$0x3FA8]  }
0x30: {  	s3 =	sld [smem:$0x3FAB]  }
0x31: {  	[smem:$0x3FB4] =	sst s10  }
0x32: {  	s10 =	sld [smem:$0x3FB2];
	_ =	sdelay $0x3  }
0x33: {  	p0 =	seq.s32 s10, $0x1;
	s10 =	sld [smem:$0x3FB4];
	_ =	sdelay $0x3  }
0x34: {  	[smem:$0x3FB4] =	sst s10  }
0x35: {  	s10 =	sld [smem:$0x3FB3];
	_ =	sdelay $0x3  }
0x36: {  	p1 =	seq.s32 s10, $0x1;
	s10 =	sld [smem:$0x3FB4];
	_ =	sdelay $0x3  }
0x37: {  	[smem:$0x3FB4] =	sst s10  }
0x38: {  	s10 =	sld [smem:$0x3FB5]  }
0x39: {  	_ = 	snop;
	(pc) =	sbr.ind lr, $3  }
0x3a: {  	_ = 	snop  }
0x3b: {  	_ = 	snop  }
0x3c: {  	p2 =	seq.s32 s10, $0x1;
	s10 =	sld [smem:$0x3FB4]  }
0x3d: {  	_ =	shalt  }
0x3e: {  	_ =	shalt  }
0x3f: {  	_ =	shalt  }
0x40: {  	_ =	shalt  }
0x41: {  	_ =	shalt  }
0x42: {  	_ =	shalt  }
0x43: {  	_ =	shalt  }
0x44: {  	_ =	shalt  }
0x45: {  	_ =	shalt  }
0x46: {  	_ =	shalt  }
0x47: {  	_ =	shalt  }
0x48: {  	_ =	shalt  }
0x49: {  	_ =	shalt  }
0x4a: {  	_ =	shalt  }
0x4b: {  	_ =	shalt  }
0x4c: {  	_ =	shalt  }
0x4d: {  	_ =	shalt  }
0x4e: {  	_ =	shalt  }
0x4f: {  	_ =	shalt  }
0x50: {  	_ =	shalt  }
0x51: {  	_ =	shalt  }
0x52: {  	_ =	shalt  }
0x53: {  	_ =	shalt  }
0x54: {  	_ =	shalt  }
0x55: {  	_ =	shalt  }
0x56: {  	_ =	shalt  }
0x57: {  	_ =	shalt  }
0x58: {  	_ =	shalt  }
0x59: {  	_ =	shalt  }
0x5a: {  	_ =	shalt  }
0x5b: {  	_ =	shalt  }
0x5c: {  	_ =	shalt  }
0x5d: {  	_ =	shalt  }
0x5e: {  	_ =	shalt  }
0x5f: {  	_ =	shalt  }
0x60: {  	_ =	shalt  }
0x61: {  	_ =	shalt  }
0x62: {  	_ =	shalt  }
0x63: {  	_ =	shalt  }
0x64: {  	_ =	shalt  }
0x65: {  	_ =	shalt  }
0x66: {  	_ =	shalt  }
0x67: {  	_ =	shalt  }
0x68: {  	_ =	shalt  }
0x69: {  	_ =	shalt  }
0x6a: {  	_ =	shalt  }
0x6b: {  	_ =	shalt  }
0x6c: {  	_ =	shalt  }
0x6d: {  	_ =	shalt  }
0x6e: {  	_ =	shalt  }
0x6f: {  	_ =	shalt  }
0x70: {  	_ =	shalt  }
0x71: {  	_ =	shalt  }
0x72: {  	_ =	shalt  }
0x73: {  	_ =	shalt  }
0x74: {  	_ =	shalt  }
0x75: {  	_ =	shalt  }
0x76: {  	_ =	shalt  }
0x77: {  	_ =	shalt  }
0x78: {  	_ =	shalt  }
0x79: {  	_ =	shalt  }
0x7a: {  	_ =	shalt  }
0x7b: {  	_ =	shalt  }
0x7c: {  	_ =	shalt  }
0x7d: {  	_ =	shalt  }
0x7e: {  	_ =	shalt  }
0x7f: {  	_ =	shalt  }
0x80: {  	_ =	shalt  }
0x81: {  	_ =	shalt  }
0x82: {  	_ =	shalt  }
0x83: {  	_ =	shalt  }
0x84: {  	_ =	shalt  }
0x85: {  	_ =	shalt  }
0x86: {  	_ =	shalt  }
0x87: {  	_ =	shalt  }
.Lfunc_end0:
.L_simem_size_0:
called_computation.2_lowered:
.L_overlay_start_0:
0x88: {  	s2 =	sld [smem:$0x3FD9]  }
0x89: {  	s3 =	sld [smem:$0x3FFE];
	_ =	sdelay $0x1  }
0x8a: {  	s1 =	srdreg.scid  }
0x8b: {  	s0 =	sand.u32 $0x1, s1  }
0x8c: {  	s14 =	sshll.u32 s0, $0xA;
	s2 =	sadd.s32 s3, s2  }
0x8d: {  	s2 =	sadd.s32 s2, s14  }
0x8e: {  	[smem:$0x3FC0] =	sst s2  }
0x8f: {  	_ = 	snop  }
0x90: {  	s2 =	sld [smem:$0x3FD0];
	_ =	sdelay $0x2  }
0x91: {  	s15 =	simm.s32 $0xA;
	s4 =	simm.s32 $0x10  }
0x92: {  	[smem:s4], [sflag:s15] =	dma.local [hbm:s2], $0x1  }
0x93: {  	_ =	swait.eq [sflag:s15], $0x1  }
0x94: {  	[sflag:s15] =	ssyncset.done $0x0  }
0x95: {  	s16 =	sld [smem:$0x10];
	[sflag:s15] =	ssyncadd.s32 $0xFFFFFFFF  }
0x96: {  	s17 =	sld [smem:$0x11];
	(tm) =	ssettm $0x1  }
0x97: {  	s18 =	sld [smem:$0x3FFB];
	_ =	sdelay $0x3  }
0x98: {  	_ =	strace s18  }
0x99: {  	s4 =	sld [smem:$0x3FFC];
	_ =	sdelay $0x3  }
0x9a: {  	_ =	strace s4  }
0x9b: {  	s4 =	sld [smem:$0x3FFD];
	_ =	sdelay $0x3  }
0x9c: {  	_ =	strace s4  }
0x9d: {  	_ =	strace $0x8FFFFFFF  }
0x9e: {  	s19 =	sld [smem:$0x3FDB];
	_ =	sdelay $0x1  }
0x9f: {  	s5 =	simm.s32 $_scs_section_size  }
0xa0: {  	s6 =	simm.s32 $_size__tile_overlayer_lowered;
	s7 =	simm.s32 $_tile_overlayer_lowered  }
0xa1: {  	s22 =	simm.s32 $0x1BFF;
	s21 =	sshll.u32 s7, $0x1;
	s4 =	sadd.s32 s5, s19  }
0xa2: {  	s8 =	simm.s32 $0x0;
	s20 =	sshll.u32 s6, $0x1;
	s6 =	sadd.s32 s21, s4  }
0xa3: {  	[timem:s8], [sflag:s22] =	dma.local [hbm:s6], s20  }
0xa4: {  	_ =	swait.ge [sflag:s22], s20  }
0xa5: {  	s5 =	ssub.s32 $0x0, s20;
	[sflag:s22] =	ssyncset.done $0x0  }
0xa6: {  	[sflag:s22] =	ssyncadd.s32 s5;
	_ =	sdelay $0x1  }
0xa7: {  	s23 =	simm.s32 $0x1B8B  }
0xa8: {  	_ =	swait.ge [sflag:s23], $0x1  }
0xa9: {  	[sflag:s23] =	ssyncset.done $0x0  }
0xaa: {  	s25 =	simm.s32 $0x1B8E;
	s24 =	sld [smem:$0x3FFE];
	[sflag:s23] =	ssyncadd.s32 $0xFFFFFFFF  }
0xab: {  	s26 =	simm.s32 $execute0_lowered;
	[smem:$0x3FD2] =	sst s25  }
0xac: {  	s6 =	sshll.u32 s26, $0x1;
	_ =	strace $0x8000004C;
	[dreg:$0x1] =	wrdreg $0xFFFFFFFF  }
0xad: {  	s28 =	simm.s32 $_size_execute0_lowered;
	s4 =	sadd.s32 s4, s6;
	[dreg:$0x0] =	wrdreg $0x0  }
0xae: {  	s6 =	sshll.u32 s28, $0x1;
	[dreg:$0x2] =	wrdreg s4  }
0xaf: {  	[dreg:$0x3] =	wrdreg s6  }
0xb0: {  	[dreg:$0x4] =	wrdreg $0xC0  }
0xb1: {  	_ =	task [dreg:s8], $0x5FFFF  }
0xb2: {  	[dreg:$0x1] =	wrdreg $0xFFFFFFFF  }
0xb3: {  	[dreg:$0x0] =	wrdreg $0x60  }
0xb4: {  	[dreg:$0x2] =	wrdreg s17  }
0xb5: {  	[dreg:$0x3] =	wrdreg s16  }
0xb6: {  	[dreg:$0x4] =	wrdreg s24  }
0xb7: {  	[dreg:$0x5] =	wrdreg $0x0  }
0xb8: {  	[dreg:$0x6] =	wrdreg $0x9  }
0xb9: {  	_ =	task.clear_ibuf [dreg:s8], $0x7FFFF;
	_ =	strace $0x9000004C  }
0xba: {  	s29 =	simm.s32 $0x9;
	_ =	strace $0x8000004E  }
0xbb: {  	_ =	swait.ge [sflag:s29], $0x1  }
0xbc: {  	[sflag:s29] =	ssyncadd.s32 $0xFFFFFFFF  }
0xbd: {  	_ =	strace $0x9000004E  }
0xbe: {  	_ =	sfence  }
0xbf: {  	s30 =	sld [smem:$0x0];
	_ =	sdelay $0x2  }
0xc0: {  	s31 =	sshll.u32 s1, $0xD;
	s1 =	sshrl.u32 s1, $0x2  }
0xc1: {  	s3 =	sand.u32 $0x4000, s31;
	s1 =	sadd.s32 s1, s30  }
0xc2: {  	s0 =	sor.u32 s3, s0;
	s1 =	sshll.u32 s1, $0x11  }
0xc3: {  	s0 =	sor.u32 s1, s0  }
0xc4: {  	s0 =	sadd.s32 $0x8F2B, s0  }
0xc5: {  	[sflag:s0] =	ssyncadd.remote.s32 $0x1  }
0xc6: {  	_ =	sfence.sel $0xFFFF  }
0xc7: {  	[dreg:$0x0] =	wrdreg $0xFFFFFFFF;
	(pc) =	sbr.abs _section_cstart, $3  }
0xc8: {  	[dreg:$0x1] =	wrdreg $0xFFFFFFFF  }
0xc9: {  	_ =	task.clear_ibuf [dreg:s8], $0x2FFFF;
	_ =	strace $0x9FFFFFFF  }
0xca: {  	(tm) =	ssettm $0x7FFFFFFF  }
0xcb: {  	_ =	shalt  }
tec
execute0_lowered:
.L_overlay_start_1:
0x0: {  	(tag) =	ssettag $0x1  }
0x1: {  	s1 =	rddreg [dreg:$0x0]  }
0x2: {  	s0 =	rddreg [dreg:$0x1]  }
0x3: {  	s5 =	rddreg [dreg:$0x2]  }
0x4: {  	s2 =	rddreg [dreg:$0x3];
	s3 =	simm.s32 $0x0;
	s4 =	stileid.u32  }
0x5: {  	s6 =	srdreg.scid;
	s21 =	simm.s32 $0x13880;
	s22 =	simm.s32 $0x14C80  }
0x6: {  	s23 =	simm.s32 $0x7D;
	s28 =	simm.s32 $0x14C00;
	s29 =	simm.s32 $0x15F80  }
0x7: {  	s30 =	simm.s32 $0x16000;
	[smem:$0x7FF] =	sst s3;
	s7 =	smul.u32 $0x4E000, s4  }
0x8: {  	s15 =	sadd.s32 $0x3400, s5;
	s16 =	sadd.s32 $0xD400, s5;
	s11 =	sand.u32 $0x1, s6  }
0x9: {  	s19 =	smul.u32 $0x13800, s4;
	p0 =	sne.s32 s4, $0x0;
	_ =	strace $0x8000004D  }
0xa: {  	s6 =	ssub.s32 $0x2, s11;
	s24 =	sshll.u32 s11, $0x4;
	s17 =	smul.u32 $0x138800, s11  }
0xb: {  	s11 =	sadd.s32 $0x138000, s2;
	s7 =	sshrl.u32 s7, $0x2;
	s9 =	sor.u32 s4, s24  }
0xc: {  	s8 =	sshrl.u32 s6, $0x1;
	s24 =	simm.s32 $0x1A080;
	s13 =	smul.u32 $0x500, s9  }
0xd: {  	s5 =	sadd.s32 s7, s2;
	s18 =	ssub.s32 s6, s8;
	s12 =	smul.u32 $0x2800, s9  }
0xe: {  	s31 =	sadd.s32 s19, s17;
	s17 =	sshrl.u32 s17, $0x3;
	s19 =	simm.s32 $0x16080  }
0xf: {  	s25 =	sadd.s32 $0x3400, s5;
	s26 =	sadd.s32 $0x6800, s5;
	s8 =	sadd.s32 $0x9C00, s5  }
0x10: {  	s9 =	sadd.s32 $0xD000, s5;
	s10 =	sadd.s32 $0x10400, s5;
	[dreg:$0x5] =	wrdreg s25  }
0x11: {  	s17 =	sadd.s32 s16, s17;
	s18 =	smax.u32 s18, $0x1;
	[dreg:$0x6] =	wrdreg s26  }
0x12: {  	s14 =	sshrl.u32 s12, $0x3;
	s12 =	sadd.s32 s0, s13;
	s13 =	sadd.s32 s15, s13  }
0x13: {  	s17 =	sadd.s32 $0x27000, s17;
	s25 =	simm.s32 $0x1;
	s20 =	sadd.s32 $0x280, s14  }
0x14: {  	s26 =	simm.s32 $0x2;
	s14 =	sadd.s32 s0, s20;
	s0 =	sshrl.u32 s31, $0x3  }
0x15: {  	v0 =	vimm.f32 $0.0e+00;
	s15 =	sadd.s32 s15, s20;
	s20 =	simm.s32 $0x3;
	s16 =	sadd.s32 s16, s0  }
.LBB2_1:
0x16: {  	s31 =	simm.s32 $0x0;
	s0 =	simm.s32 $0x200  }
.LBB2_2:
0x17: {  	p1 =	sne.s32 s0, $0xCE00;
	[tilespmem:s31+$0x160F0] =	vst v0  }
0x18: {  	[tilespmem:s31+$0x16080] =	vst v0  }
0x19: {  	[tilespmem:s31+$0x16090] =	vst v0  }
.Ltmp0:
0x1a: {  	[tilespmem:s31+$0x160A0] =	vst v0;
	(pc) =	sbr.rel @p1 .LBB2_2-.Ltmp0, $4  }
0x1b: {  	[tilespmem:s31+$0x160B0] =	vst v0  }
0x1c: {  	[tilespmem:s31+$0x160C0] =	vst v0  }
0x1d: {  	[tilespmem:s31+$0x160D0] =	vst v0  }
0x1e: {  	[tilespmem:s31+$0x160E0] =	vst v0;
	s31 =	sshra.s32 s0, $0x2;
	s0 =	sadd.s32 $0x200, s0  }
0x1f: {  	[tilespmem:s31+$0x160F0] =	vst v0  }
0x20: {  	[tilespmem:s31+$0x16080] =	vst v0  }
0x21: {  	[tilespmem:s31+$0x16090] =	vst v0  }
0x22: {  	[tilespmem:s31+$0x160A0] =	vst v0  }
0x23: {  	[tilespmem:s31+$0x160B0] =	vst v0  }
0x24: {  	[tilespmem:s31+$0x160C0] =	vst v0  }
0x25: {  	[tilespmem:s31+$0x160D0] =	vst v0  }
0x26: {  	[tilespmem:s31+$0x160E0] =	vst v0  }
0x27: {  	[spmem:s5] =	stream.linear.scatter [tilespmem:s19], [sflag:$0x3], $0x3400, $0x38;
	[tilespmem:$0x1E080] =	vst v63  }
0x28: {  	_ =	swait.ge [sflag:s20], $0x3400  }
0x29: {  	[sflag:s20] =	ssyncset.done $0x0  }
0x2a: {  	s0 =	rddreg [dreg:$0x5];
	[sflag:s20] =	ssyncadd.s32 $0xFFFFCC00  }
0x2b: {  	[spmem:s0] =	stream.linear.scatter [tilespmem:s19], [sflag:$0x3], $0x3400, $0x38;
	[tilespmem:$0x1E080] =	vst v63  }
0x2c: {  	_ =	swait.ge [sflag:s20], $0x3400  }
0x2d: {  	[sflag:s20] =	ssyncset.done $0x0  }
0x2e: {  	s4 =	rddreg [dreg:$0x6];
	[sflag:s20] =	ssyncadd.s32 $0xFFFFCC00  }
0x2f: {  	[spmem:s4] =	stream.linear.scatter [tilespmem:s19], [sflag:$0x3], $0x3400, $0x38;
	[tilespmem:$0x1E080] =	vst v63  }
0x30: {  	_ =	swait.ge [sflag:s20], $0x3400  }
0x31: {  	[sflag:s20] =	ssyncset.done $0x0  }
0x32: {  	[sflag:s20] =	ssyncadd.s32 $0xFFFFCC00  }
0x33: {  	[spmem:s8] =	stream.linear.scatter [tilespmem:s19], [sflag:$0x3], $0x3400, $0x38;
	[tilespmem:$0x1E080] =	vst v63  }
0x34: {  	_ =	swait.ge [sflag:s20], $0x3400  }
0x35: {  	[sflag:s20] =	ssyncset.done $0x0  }
0x36: {  	[sflag:s20] =	ssyncadd.s32 $0xFFFFCC00  }
0x37: {  	[spmem:s9] =	stream.linear.scatter [tilespmem:s19], [sflag:$0x3], $0x3400, $0x38;
	[tilespmem:$0x1E080] =	vst v63  }
0x38: {  	_ =	swait.ge [sflag:s20], $0x3400  }
0x39: {  	[sflag:s20] =	ssyncset.done $0x0  }
0x3a: {  	[sflag:s20] =	ssyncadd.s32 $0xFFFFCC00  }
0x3b: {  	[spmem:s10] =	stream.linear.scatter [tilespmem:s19], [sflag:$0x3], $0x3400, $0x38;
	[tilespmem:$0x1E080] =	vst v63  }
0x3c: {  	_ =	swait.ge [sflag:s20], $0x3400  }
0x3d: {  	[sflag:s20] =	ssyncset.done $0x0  }
0x3e: {  	s0 =	simm.s32 @!p0 $0x16080;
	[sflag:s20] =	ssyncadd.s32 $0xFFFFCC00  }
0x3f: {  	[spmem:s11] =	stream.linear.scatter @!p0 [tilespmem:s0], [sflag:$0x3], $0x800, $0x38;
	[tilespmem:$0x1E080] =	vst v63  }
0x40: {  	s0 =	simm.s32 @!p0 $0x3  }
0x41: {  	_ =	swait.ge @!p0 [sflag:s0], $0x800  }
0x42: {  	[sflag:s0] =	ssyncset.done @!p0 $0x0  }
0x43: {  	[sflag:s0] =	ssyncadd.s32 @!p0 $0xFFFFF800  }
0x44: {  	s6 =	simm.s32 $0x0;
	[bflag:$0x0] =	sbarrier.arrive $0xFFFF  }
0x45: {  	[tilespmem:s21], [sflag:$0x3] =	stream.linear.gather [hbm4b:s12+s6], $0x1400, $0x38;
	[tilespmem:$0x1E080] =	vst v63  }
0x46: {  	_ =	swait.ge [sflag:s20], $0x1400  }
0x47: {  	[sflag:s20] =	ssyncset.done $0x0  }
0x48: {  	[sflag:s20] =	ssyncadd.s32 $0xFFFFEC00  }
0x49: {  	[tilespmem:s22], [sflag:$0x3] =	stream.linear.gather [hbm4b:s13+s6], $0x1400, $0x38;
	[tilespmem:$0x1E080] =	vst v63  }
0x4a: {  	_ =	swait.ge [sflag:s20], $0x1400  }
0x4b: {  	[sflag:s20] =	ssyncset.done $0x0  }
0x4c: {  	[sflag:s20] =	ssyncadd.s32 $0xFFFFEC00  }
0x4d: {  	[tilespmem:s19], [sflag:$0x1] =	stream.indirect.gather [hbm4b:s1+s23], $0x80, s21, s23, $0xb8;
	[tilespmem:$0x1E080] =	vst v63  }
0x4e: {  	s7 =	simm.s32 $0x13900  }
0x4f: {  	[tilespmem:s24], [sflag:$0x2] =	stream.indirect.gather [hbm4b:s1+s23], $0x80, s7, s23, $0xb8;
	[tilespmem:$0x1E080] =	vst v63  }
0x50: {  	_ =	swait.ge [sflag:s25], $0x3E80  }
0x51: {  	[sflag:s25] =	ssyncset.done $0x0  }
0x52: {  	s4 =	simm.s32 $0x14C80;
	[sflag:s25] =	ssyncadd.s32 $0xFFFFC180  }
0x53: {  	[spmem:s2] =	stream.indirect.scatter.add.f32 [tilespmem:s19], [sflag:$0x3], $0x80, s4, s23, $0xb8;
	[tilespmem:$0x1E080] =	vst v63  }
0x54: {  	_ =	swait.ge [sflag:s20], $0x3E80  }
0x55: {  	[sflag:s20] =	ssyncset.done $0x0  }
0x56: {  	s6 =	simm.s32 $0x13980;
	[sflag:s20] =	ssyncadd.s32 $0xFFFFC180  }
0x57: {  	[tilespmem:s19], [sflag:$0x1] =	stream.indirect.gather [hbm4b:s1+s23], $0x80, s6, s23, $0xb8;
	[tilespmem:$0x1E080] =	vst v63  }
0x58: {  	_ =	swait.ge [sflag:s26], $0x3E80  }
0x59: {  	[sflag:s26] =	ssyncset.done $0x0  }
0x5a: {  	s7 =	simm.s32 $0x14D00;
	[sflag:s26] =	ssyncadd.s32 $0xFFFFC180  }
0x5b: {  	[spmem:s2] =	stream.indirect.scatter.add.f32 [tilespmem:s24], [sflag:$0x3], $0x80, s7, s23, $0xb8;
	[tilespmem:$0x1E080] =	vst v63  }
0x5c: {  	_ =	swait.ge [sflag:s20], $0x3E80  }
0x5d: {  	s31 =	simm.s32 $0x100;
	s0 =	simm.s32 $0x800;
	[sflag:s20] =	ssyncset.done $0x0  }
.LBB2_4:
0x5e: {  	s4 =	sadd.s32 $0x13900, s31  }
0x5f: {  	[sflag:s20] =	ssyncadd.s32 $0xFFFFC180;
	s6 =	smov.u32 s0;
	s7 =	sadd.s32 $0x400, s0  }
0x60: {  	[tilespmem:s24], [sflag:$0x2] =	stream.indirect.gather [hbm4b:s1+s23], $0x80, s4, s23, $0xb8;
	[tilespmem:$0x1E080] =	vst v63  }
0x61: {  	p1 =	sne.s32 s0, $0x4800;
	_ =	swait.ge [sflag:s25], $0x3E80  }
0x62: {  	[sflag:s25] =	ssyncset.done $0x0  }
0x63: {  	s0 =	sadd.s32 $0x14C80, s31;
	[sflag:s25] =	ssyncadd.s32 $0xFFFFC180  }
0x64: {  	[spmem:s2] =	stream.indirect.scatter.add.f32 [tilespmem:s19], [sflag:$0x3], $0x80, s0, s23, $0xb8;
	[tilespmem:$0x1E080] =	vst v63  }
0x65: {  	_ =	swait.ge [sflag:s20], $0x3E80  }
0x66: {  	[sflag:s20] =	ssyncset.done $0x0  }
0x67: {  	s0 =	sadd.s32 $0x13980, s31;
	[sflag:s20] =	ssyncadd.s32 $0xFFFFC180  }
0x68: {  	[tilespmem:s19], [sflag:$0x1] =	stream.indirect.gather [hbm4b:s1+s23], $0x80, s0, s23, $0xb8;
	[tilespmem:$0x1E080] =	vst v63  }
0x69: {  	_ =	swait.ge [sflag:s26], $0x3E80  }
.Ltmp1:
0x6a: {  	[sflag:s26] =	ssyncset.done $0x0;
	(pc) =	sbr.rel @p1 .LBB2_4-.Ltmp1, $4  }
0x6b: {  	s0 =	sadd.s32 $0x14D00, s31;
	[sflag:s26] =	ssyncadd.s32 $0xFFFFC180  }
0x6c: {  	[spmem:s2] =	stream.indirect.scatter.add.f32 [tilespmem:s24], [sflag:$0x3], $0x80, s0, s23, $0xb8;
	[tilespmem:$0x1E080] =	vst v63  }
0x6d: {  	_ =	swait.ge [sflag:s20], $0x3E80  }
0x6e: {  	s31 =	sshra.s32 s6, $0x2;
	s0 =	smov.u32 s7;
	[sflag:s20] =	ssyncset.done $0x0  }
0x6f: {  	s0 =	sadd.s32 $0x13900, s31;
	[sflag:s20] =	ssyncadd.s32 $0xFFFFC180  }
0x70: {  	[tilespmem:s24], [sflag:$0x2] =	stream.indirect.gather [hbm4b:s1+s23], $0x80, s0, s23, $0xb8;
	[tilespmem:$0x1E080] =	vst v63  }
0x71: {  	_ =	swait.ge [sflag:s25], $0x3E80  }
0x72: {  	[sflag:s25] =	ssyncset.done $0x0  }
0x73: {  	s6 =	sadd.s32 $0x14C80, s31;
	[sflag:s25] =	ssyncadd.s32 $0xFFFFC180  }
0x74: {  	[spmem:s2] =	stream.indirect.scatter.add.f32 [tilespmem:s19], [sflag:$0x3], $0x80, s6, s23, $0xb8;
	[tilespmem:$0x1E080] =	vst v63  }
0x75: {  	_ =	swait.ge [sflag:s20], $0x3E80  }
0x76: {  	[sflag:s20] =	ssyncset.done $0x0  }
0x77: {  	s7 =	sadd.s32 $0x13980, s31;
	[sflag:s20] =	ssyncadd.s32 $0xFFFFC180  }
0x78: {  	[tilespmem:s19], [sflag:$0x1] =	stream.indirect.gather [hbm4b:s1+s23], $0x80, s7, s23, $0xb8;
	[tilespmem:$0x1E080] =	vst v63  }
0x79: {  	_ =	swait.ge [sflag:s26], $0x3E80  }
0x7a: {  	[sflag:s26] =	ssyncset.done $0x0  }
0x7b: {  	s4 =	sadd.s32 $0x14D00, s31;
	[sflag:s26] =	ssyncadd.s32 $0xFFFFC180  }
0x7c: {  	[spmem:s2] =	stream.indirect.scatter.add.f32 [tilespmem:s24], [sflag:$0x3], $0x80, s4, s23, $0xb8;
	[tilespmem:$0x1E080] =	vst v63  }
0x7d: {  	_ =	swait.ge [sflag:s20], $0x3E80  }
0x7e: {  	[sflag:s20] =	ssyncset.done $0x0  }
0x7f: {  	[sflag:s20] =	ssyncadd.s32 $0xFFFFC180  }
0x80: {  	[tilespmem:s24], [sflag:$0x2] =	stream.indirect.gather [hbm4b:s1+s23], $0x80, s28, s23, $0xb8;
	[tilespmem:$0x1E080] =	vst v63  }
0x81: {  	_ =	swait.ge [sflag:s25], $0x3E80  }
0x82: {  	[sflag:s25] =	ssyncset.done $0x0  }
0x83: {  	[sflag:s25] =	ssyncadd.s32 $0xFFFFC180  }
0x84: {  	[spmem:s2] =	stream.indirect.scatter.add.f32 [tilespmem:s19], [sflag:$0x3], $0x80, s29, s23, $0xb8;
	[tilespmem:$0x1E080] =	vst v63  }
0x85: {  	_ =	swait.ge [sflag:s20], $0x3E80  }
0x86: {  	[sflag:s20] =	ssyncset.done $0x0  }
0x87: {  	[sflag:s20] =	ssyncadd.s32 $0xFFFFC180  }
0x88: {  	_ =	swait.ge [sflag:s26], $0x3E80  }
0x89: {  	[sflag:s26] =	ssyncset.done $0x0  }
0x8a: {  	[sflag:s26] =	ssyncadd.s32 $0xFFFFC180  }
0x8b: {  	[spmem:s2] =	stream.indirect.scatter.add.f32 [tilespmem:s24], [sflag:$0x3], $0x80, s30, s23, $0xb8;
	[tilespmem:$0x1E080] =	vst v63  }
0x8c: {  	_ =	swait.ge [sflag:s20], $0x3E80  }
0x8d: {  	[sflag:s20] =	ssyncset.done $0x0  }
0x8e: {  	s6 =	simm.s32 $0x0;
	[sflag:s20] =	ssyncadd.s32 $0xFFFFC180  }
0x8f: {  	[tilespmem:s21], [sflag:$0x3] =	stream.linear.gather [hbm4b:s14+s6], $0x1400, $0x38;
	[tilespmem:$0x1E080] =	vst v63  }
0x90: {  	_ =	swait.ge [sflag:s20], $0x1400  }
0x91: {  	[sflag:s20] =	ssyncset.done $0x0  }
0x92: {  	[sflag:s20] =	ssyncadd.s32 $0xFFFFEC00  }
0x93: {  	[tilespmem:s22], [sflag:$0x3] =	stream.linear.gather [hbm4b:s15+s6], $0x1400, $0x38;
	[tilespmem:$0x1E080] =	vst v63  }
0x94: {  	_ =	swait.ge [sflag:s20], $0x1400  }
0x95: {  	[sflag:s20] =	ssyncset.done $0x0  }
0x96: {  	[sflag:s20] =	ssyncadd.s32 $0xFFFFEC00  }
0x97: {  	[tilespmem:s19], [sflag:$0x1] =	stream.indirect.gather [hbm4b:s1+s23], $0x80, s21, s23, $0xb8;
	[tilespmem:$0x1E080] =	vst v63  }
0x98: {  	s7 =	simm.s32 $0x13900  }
0x99: {  	[tilespmem:s24], [sflag:$0x2] =	stream.indirect.gather [hbm4b:s1+s23], $0x80, s7, s23, $0xb8;
	[tilespmem:$0x1E080] =	vst v63  }
0x9a: {  	_ =	swait.ge [sflag:s25], $0x3E80  }
0x9b: {  	[sflag:s25] =	ssyncset.done $0x0  }
0x9c: {  	s4 =	simm.s32 $0x14C80;
	[sflag:s25] =	ssyncadd.s32 $0xFFFFC180  }
0x9d: {  	[spmem:s2] =	stream.indirect.scatter.add.f32 [tilespmem:s19], [sflag:$0x3], $0x80, s4, s23, $0xb8;
	[tilespmem:$0x1E080] =	vst v63  }
0x9e: {  	_ =	swait.ge [sflag:s20], $0x3E80  }
0x9f: {  	[sflag:s20] =	ssyncset.done $0x0  }
0xa0: {  	s6 =	simm.s32 $0x13980;
	[sflag:s20] =	ssyncadd.s32 $0xFFFFC180  }
0xa1: {  	[tilespmem:s19], [sflag:$0x1] =	stream.indirect.gather [hbm4b:s1+s23], $0x80, s6, s23, $0xb8;
	[tilespmem:$0x1E080] =	vst v63  }
0xa2: {  	_ =	swait.ge [sflag:s26], $0x3E80  }
0xa3: {  	[sflag:s26] =	ssyncset.done $0x0  }
0xa4: {  	s7 =	simm.s32 $0x14D00;
	[sflag:s26] =	ssyncadd.s32 $0xFFFFC180  }
0xa5: {  	[spmem:s2] =	stream.indirect.scatter.add.f32 [tilespmem:s24], [sflag:$0x3], $0x80, s7, s23, $0xb8;
	[tilespmem:$0x1E080] =	vst v63  }
0xa6: {  	_ =	swait.ge [sflag:s20], $0x3E80  }
0xa7: {  	s31 =	simm.s32 $0x100;
	s0 =	simm.s32 $0x800;
	[sflag:s20] =	ssyncset.done $0x0  }
.LBB2_6:
0xa8: {  	s4 =	sadd.s32 $0x13900, s31  }
0xa9: {  	[sflag:s20] =	ssyncadd.s32 $0xFFFFC180;
	s6 =	smov.u32 s0;
	s7 =	sadd.s32 $0x400, s0  }
0xaa: {  	[tilespmem:s24], [sflag:$0x2] =	stream.indirect.gather [hbm4b:s1+s23], $0x80, s4, s23, $0xb8;
	[tilespmem:$0x1E080] =	vst v63  }
0xab: {  	p1 =	sne.s32 s0, $0x4800;
	_ =	swait.ge [sflag:s25], $0x3E80  }
0xac: {  	[sflag:s25] =	ssyncset.done $0x0  }
0xad: {  	s0 =	sadd.s32 $0x14C80, s31;
	[sflag:s25] =	ssyncadd.s32 $0xFFFFC180  }
0xae: {  	[spmem:s2] =	stream.indirect.scatter.add.f32 [tilespmem:s19], [sflag:$0x3], $0x80, s0, s23, $0xb8;
	[tilespmem:$0x1E080] =	vst v63  }
0xaf: {  	_ =	swait.ge [sflag:s20], $0x3E80  }
0xb0: {  	[sflag:s20] =	ssyncset.done $0x0  }
0xb1: {  	s0 =	sadd.s32 $0x13980, s31;
	[sflag:s20] =	ssyncadd.s32 $0xFFFFC180  }
0xb2: {  	[tilespmem:s19], [sflag:$0x1] =	stream.indirect.gather [hbm4b:s1+s23], $0x80, s0, s23, $0xb8;
	[tilespmem:$0x1E080] =	vst v63  }
0xb3: {  	_ =	swait.ge [sflag:s26], $0x3E80  }
.Ltmp2:
0xb4: {  	[sflag:s26] =	ssyncset.done $0x0;
	(pc) =	sbr.rel @p1 .LBB2_6-.Ltmp2, $4  }
0xb5: {  	s0 =	sadd.s32 $0x14D00, s31;
	[sflag:s26] =	ssyncadd.s32 $0xFFFFC180  }
0xb6: {  	[spmem:s2] =	stream.indirect.scatter.add.f32 [tilespmem:s24], [sflag:$0x3], $0x80, s0, s23, $0xb8;
	[tilespmem:$0x1E080] =	vst v63  }
0xb7: {  	_ =	swait.ge [sflag:s20], $0x3E80  }
0xb8: {  	s31 =	sshra.s32 s6, $0x2;
	s0 =	smov.u32 s7;
	[sflag:s20] =	ssyncset.done $0x0  }
0xb9: {  	s0 =	sadd.s32 $0x13900, s31;
	[sflag:s20] =	ssyncadd.s32 $0xFFFFC180  }
0xba: {  	[tilespmem:s24], [sflag:$0x2] =	stream.indirect.gather [hbm4b:s1+s23], $0x80, s0, s23, $0xb8;
	[tilespmem:$0x1E080] =	vst v63  }
0xbb: {  	_ =	swait.ge [sflag:s25], $0x3E80  }
0xbc: {  	[sflag:s25] =	ssyncset.done $0x0  }
0xbd: {  	s4 =	sadd.s32 $0x14C80, s31;
	[sflag:s25] =	ssyncadd.s32 $0xFFFFC180  }
0xbe: {  	[spmem:s2] =	stream.indirect.scatter.add.f32 [tilespmem:s19], [sflag:$0x3], $0x80, s4, s23, $0xb8;
	[tilespmem:$0x1E080] =	vst v63  }
0xbf: {  	_ =	swait.ge [sflag:s20], $0x3E80  }
0xc0: {  	[sflag:s20] =	ssyncset.done $0x0  }
0xc1: {  	s6 =	sadd.s32 $0x13980, s31;
	[sflag:s20] =	ssyncadd.s32 $0xFFFFC180  }
0xc2: {  	[tilespmem:s19], [sflag:$0x1] =	stream.indirect.gather [hbm4b:s1+s23], $0x80, s6, s23, $0xb8;
	[tilespmem:$0x1E080] =	vst v63  }
0xc3: {  	_ =	swait.ge [sflag:s26], $0x3E80  }
0xc4: {  	[sflag:s26] =	ssyncset.done $0x0  }
0xc5: {  	s7 =	sadd.s32 $0x14D00, s31;
	[sflag:s26] =	ssyncadd.s32 $0xFFFFC180  }
0xc6: {  	[spmem:s2] =	stream.indirect.scatter.add.f32 [tilespmem:s24], [sflag:$0x3], $0x80, s7, s23, $0xb8;
	[tilespmem:$0x1E080] =	vst v63  }
0xc7: {  	_ =	swait.ge [sflag:s20], $0x3E80  }
0xc8: {  	[sflag:s20] =	ssyncset.done $0x0  }
0xc9: {  	[sflag:s20] =	ssyncadd.s32 $0xFFFFC180  }
0xca: {  	[tilespmem:s24], [sflag:$0x2] =	stream.indirect.gather [hbm4b:s1+s23], $0x80, s28, s23, $0xb8;
	[tilespmem:$0x1E080] =	vst v63  }
0xcb: {  	_ =	swait.ge [sflag:s25], $0x3E80  }
0xcc: {  	[sflag:s25] =	ssyncset.done $0x0  }
0xcd: {  	[sflag:s25] =	ssyncadd.s32 $0xFFFFC180  }
0xce: {  	[spmem:s2] =	stream.indirect.scatter.add.f32 [tilespmem:s19], [sflag:$0x3], $0x80, s29, s23, $0xb8;
	[tilespmem:$0x1E080] =	vst v63  }
0xcf: {  	_ =	swait.ge [sflag:s20], $0x3E80  }
0xd0: {  	[sflag:s20] =	ssyncset.done $0x0  }
0xd1: {  	[sflag:s20] =	ssyncadd.s32 $0xFFFFC180  }
0xd2: {  	_ =	swait.ge [sflag:s26], $0x3E80  }
0xd3: {  	[sflag:s26] =	ssyncset.done $0x0  }
0xd4: {  	[sflag:s26] =	ssyncadd.s32 $0xFFFFC180  }
0xd5: {  	[spmem:s2] =	stream.indirect.scatter.add.f32 [tilespmem:s24], [sflag:$0x3], $0x80, s30, s23, $0xb8;
	[tilespmem:$0x1E080] =	vst v63  }
0xd6: {  	_ =	swait.ge [sflag:s20], $0x3E80  }
0xd7: {  	s31 =	stileid.u32;
	[sflag:s20] =	ssyncset.done $0x0  }
0xd8: {  	s0 =	sshll.u32 s31, $0x6;
	[sflag:s20] =	ssyncadd.s32 $0xFFFFC180  }
0xd9: {  	s0 =	sor.u32 $0x1C03, s0;
	s4 =	sshrl.u32 s5, $0x3;
	[bflag:$0x0] =	sbarrier.arrive $0xFFFF  }
0xda: {  	[hbm:s16], [sflag:s0] =	dma.local [spmem:s4], $0x2700  }
0xdb: {  	_ =	swait.ge [sflag:s20], $0x2700  }
0xdc: {  	s3 =	sadd.s32 $0x1, s3;
	[sflag:s20] =	ssyncset.done $0x0  }
0xdd: {  	p1 =	sne.s32 s3, s18;
	s4 =	sshrl.u32 @!p0 s11, $0x3;
	[sflag:s20] =	ssyncadd.s32 $0xFFFFD900  }
0xde: {  	[hbm:s17], [sflag:s0] =	dma.local @!p0 [spmem:s4], $0x100  }
.Ltmp3:
0xdf: {  	_ = 	snop;
	(pc) =	sbr.rel @p1 .LBB2_1-.Ltmp3, $4  }
0xe0: {  	s0 =	simm.s32 @!p0 $0x3  }
0xe1: {  	_ =	swait.ge @!p0 [sflag:s0], $0x100  }
0xe2: {  	[sflag:s0] =	ssyncset.done @!p0 $0x0  }
0xe3: {  	[sflag:s0] =	ssyncadd.s32 @!p0 $0xFFFFFF00  }
0xe4: {  	_ =	sfence.sel $0x180000  }
0xe5: {  	[bflag:$0x0] =	sbarrier.arrive $0xFFFF  }
0xe6: {  	_ =	strace $0x9000004D  }
0xe7: {  	[bflag:$0x2] =	sbarrier.arrive $0xFFFF  }
0xe8: {  	s0 =	rddreg [dreg:$0x4]  }
0xe9: {  	s0 =	sadd.s32 @!p0 $0x100000, s0  }
0xea: {  	[sflag:s0] =	ssyncadd.tile.s32 @!p0 $0x1;
	_ =	shalt  }
.Lfunc_end2:
_tile_overlayer_lowered:
.L_overlay_start_2:
0xeb: {  	(tag) =	ssettag $0x2  }
0xec: {  	s0 =	rddreg [dreg:$0x0];
	s2 =	stileid.u32  }
0xed: {  	s1 =	rddreg [dreg:$0x1];
	p0 =	sne.s32 s2, $0x0  }
0xee: {  	s3 =	rddreg [dreg:$0x2];
	[bflag:$0x3] =	sbarrier.arrive $0xFFFF;
	s2 =	simm.s32 @!p0 $0x1C03  }
0xef: {  	[timem:s3], [sflag:s2] =	dma.local @!p0 [hbm:s0], s1  }
0xf0: {  	s0 =	simm.s32 @!p0 $0x3  }
0xf1: {  	_ =	swait.ge @!p0 [sflag:s0], s1  }
0xf2: {  	s1 =	ssub.s32 @!p0 $0x0, s1;
	[sflag:s0] =	ssyncset.done @!p0 $0x0  }
0xf3: {  	[sflag:s0] =	ssyncadd.s32 @!p0 s1  }
0xf4: {  	[bflag:$0x3] =	sbarrier.arrive $0xFFFF  }
0xf5: {  	_ =	shalt  }

// kernel: kernel.19.cloned.1.call-start
scs
__scs_entry_jumppad:
0x0: {  	(pc) =	sbr.rel $0x88, $3  }
0x1: {  	(tag) =	ssettag $0x0;
	lr =	simm.s32 $0x1  }
0x2: {  	[smem:$0x3F99] =	sst lr;
	_ =	strace $0xD0000000  }
0x3: {  	_ = 	snop  }
0x4: {  	_ = 	snop  }
0x5: {  	_ = 	snop  }
0x6: {  	_ = 	snop  }
0x7: {  	_ = 	snop  }
__scs_overlays_trampoline_lowered:
0x8: {  	[smem:$0x3FA8] =	sst s0  }
0x9: {  	[smem:$0x3FA9] =	sst s1  }
0xa: {  	[smem:$0x3FAA] =	sst s2  }
0xb: {  	[smem:$0x3FAB] =	sst s3  }
0xc: {  	[smem:$0x3FAC] =	sst s4  }
0xd: {  	[smem:$0x3FAD] =	sst s5  }
0xe: {  	[smem:$0x3FAE] =	sst s6  }
0xf: {  	[smem:$0x3FAF] =	sst s7  }
0x10: {  	[smem:$0x3FB0] =	sst s8  }
0x11: {  	[smem:$0x3FB1] =	sst s9;
	s0 =	simm.s32 @!p0 $0x0  }
0x12: {  	s1 =	sld [smem:$0x3F97];
	s0 =	simm.s32 @p0 $0x1  }
0x13: {  	[smem:$0x3FB2] =	sst s0;
	s0 =	simm.s32 @!p1 $0x0  }
0x14: {  	s2 =	sld [smem:$0x3F96];
	s0 =	simm.s32 @p1 $0x1  }
0x15: {  	[smem:$0x3FB3] =	sst s0;
	s0 =	simm.s32 @!p2 $0x0  }
0x16: {  	s3 =	sld [smem:$0x3FDB];
	s0 =	simm.s32 @p2 $0x1  }
0x17: {  	s4 =	simm.s32 $0x1BF5;
	[smem:$0x3FB5] =	sst s0  }
0x18: {  	s0 =	sld [smem:$0x3F98];
	_ =	swait.ge [sflag:s4], $0x0  }
0x19: {  	s7 =	sld [smem:$0x3F99]  }
0x1a: {  	s8 =	sadd.s32 $0xFFFFE003, lr  }
0x1b: {  	s9 =	sadd.s32 $0xFFFFFEF7, lr;
	s5 =	simm.s32 $0xFFFFFFFF;
	p2 =	slt.u32 s8, $0xFFFFF086  }
0x1c: {  	p1 =	slt.u32 s9, $0xF7A;
	s5 =	simm.s32 @!p2 $0x0  }
0x1d: {  	s5 =	simm.s32 @p1 $0x1;
	p0 =	seq.s32 s7, s2  }
0x1e: {  	s7 =	smul.u32 @!p0 $0xF7A, s2;
	p2 =	seq.s32 @!p0 s5, $0x0  }
0x1f: {  	s9 =	smul.u32 $0xF7A, s1;
	s8 =	simm.s32 @!p0 $0x1BF5;
	p2 =	por !p2, p0  }
0x20: {  	[sflag:s8] =	ssyncset.s32 @!p0 $0xFFFFF086;
	s6 =	sadd.s32 @!p0 s3, s7;
	s7 =	simm.s32 @!p0 $0x108  }
0x21: {  	s3 =	sadd.s32 s3, s9;
	s6 =	sadd.s32 @!p0 $0x88, s6;
	s7 =	simm.s32 @p2 $0x1082  }
0x22: {  	[simem:s7], [sflag:s8] =	dma.local @!p0 [hbm:s6], $0xF7A  }
0x23: {  	s9 =	sor.u32 $0xD0000000, s2;
	s6 =	simm.s32 $0x108;
	_ =	swait.ge @!p0 [sflag:s8], $0x0  }
0x24: {  	s3 =	sadd.s32 $0x88, s3;
	s6 =	simm.s32 @!p1 $0x1082;
	[sflag:s4] =	ssyncset.s32 $0xFFFFF086  }
0x25: {  	[simem:s6], [sflag:s4] =	dma.local [hbm:s3], $0xF7A  }
0x26: {  	[smem:$0x3F99] =	sst s1;
	(tag) =	ssettag s2;
	_ =	strace s9  }
0x27: {  	s1 =	sld [smem:$0x3FA9]  }
0x28: {  	s2 =	sld [smem:$0x3FAA]  }
0x29: {  	s4 =	sld [smem:$0x3FAC]  }
0x2a: {  	p0 =	seq.s32 s5, $0x0;
	s5 =	sld [smem:$0x3FAD]  }
0x2b: {  	s6 =	sld [smem:$0x3FAE]  }
0x2c: {  	s7 =	sld [smem:$0x3FAF]  }
0x2d: {  	s3 =	simm.s32 $0x108;
	s8 =	sld [smem:$0x3FB0]  }
0x2e: {  	s3 =	simm.s32 @!p0 $0x1082;
	s9 =	sld [smem:$0x3FB1]  }
0x2f: {  	lr =	sadd.s32 s0, s3;
	s0 =	sld [smem:$0x3FA8]  }
0x30: {  	s3 =	sld [smem:$0x3FAB]  }
0x31: {  	[smem:$0x3FB4] =	sst s10  }
0x32: {  	s10 =	sld [smem:$0x3FB2];
	_ =	sdelay $0x3  }
0x33: {  	p0 =	seq.s32 s10, $0x1;
	s10 =	sld [smem:$0x3FB4];
	_ =	sdelay $0x3  }
0x34: {  	[smem:$0x3FB4] =	sst s10  }
0x35: {  	s10 =	sld [smem:$0x3FB3];
	_ =	sdelay $0x3  }
0x36: {  	p1 =	seq.s32 s10, $0x1;
	s10 =	sld [smem:$0x3FB4];
	_ =	sdelay $0x3  }
0x37: {  	[smem:$0x3FB4] =	sst s10  }
0x38: {  	s10 =	sld [smem:$0x3FB5]  }
0x39: {  	_ = 	snop;
	(pc) =	sbr.ind lr, $3  }
0x3a: {  	_ = 	snop  }
0x3b: {  	_ = 	snop  }
0x3c: {  	p2 =	seq.s32 s10, $0x1;
	s10 =	sld [smem:$0x3FB4]  }
0x3d: {  	_ =	shalt  }
0x3e: {  	_ =	shalt  }
0x3f: {  	_ =	shalt  }
0x40: {  	_ =	shalt  }
0x41: {  	_ =	shalt  }
0x42: {  	_ =	shalt  }
0x43: {  	_ =	shalt  }
0x44: {  	_ =	shalt  }
0x45: {  	_ =	shalt  }
0x46: {  	_ =	shalt  }
0x47: {  	_ =	shalt  }
0x48: {  	_ =	shalt  }
0x49: {  	_ =	shalt  }
0x4a: {  	_ =	shalt  }
0x4b: {  	_ =	shalt  }
0x4c: {  	_ =	shalt  }
0x4d: {  	_ =	shalt  }
0x4e: {  	_ =	shalt  }
0x4f: {  	_ =	shalt  }
0x50: {  	_ =	shalt  }
0x51: {  	_ =	shalt  }
0x52: {  	_ =	shalt  }
0x53: {  	_ =	shalt  }
0x54: {  	_ =	shalt  }
0x55: {  	_ =	shalt  }
0x56: {  	_ =	shalt  }
0x57: {  	_ =	shalt  }
0x58: {  	_ =	shalt  }
0x59: {  	_ =	shalt  }
0x5a: {  	_ =	shalt  }
0x5b: {  	_ =	shalt  }
0x5c: {  	_ =	shalt  }
0x5d: {  	_ =	shalt  }
0x5e: {  	_ =	shalt  }
0x5f: {  	_ =	shalt  }
0x60: {  	_ =	shalt  }
0x61: {  	_ =	shalt  }
0x62: {  	_ =	shalt  }
0x63: {  	_ =	shalt  }
0x64: {  	_ =	shalt  }
0x65: {  	_ =	shalt  }
0x66: {  	_ =	shalt  }
0x67: {  	_ =	shalt  }
0x68: {  	_ =	shalt  }
0x69: {  	_ =	shalt  }
0x6a: {  	_ =	shalt  }
0x6b: {  	_ =	shalt  }
0x6c: {  	_ =	shalt  }
0x6d: {  	_ =	shalt  }
0x6e: {  	_ =	shalt  }
0x6f: {  	_ =	shalt  }
0x70: {  	_ =	shalt  }
0x71: {  	_ =	shalt  }
0x72: {  	_ =	shalt  }
0x73: {  	_ =	shalt  }
0x74: {  	_ =	shalt  }
0x75: {  	_ =	shalt  }
0x76: {  	_ =	shalt  }
0x77: {  	_ =	shalt  }
0x78: {  	_ =	shalt  }
0x79: {  	_ =	shalt  }
0x7a: {  	_ =	shalt  }
0x7b: {  	_ =	shalt  }
0x7c: {  	_ =	shalt  }
0x7d: {  	_ =	shalt  }
0x7e: {  	_ =	shalt  }
0x7f: {  	_ =	shalt  }
0x80: {  	_ =	shalt  }
0x81: {  	_ =	shalt  }
0x82: {  	_ =	shalt  }
0x83: {  	_ =	shalt  }
0x84: {  	_ =	shalt  }
0x85: {  	_ =	shalt  }
0x86: {  	_ =	shalt  }
0x87: {  	_ =	shalt  }
.Lfunc_end0:
.L_simem_size_0:
called_computation.3_lowered:
.L_overlay_start_0:
0x88: {  	s2 =	sld [smem:$0x3FD9]  }
0x89: {  	s3 =	sld [smem:$0x3FFE];
	_ =	sdelay $0x1  }
0x8a: {  	s1 =	srdreg.scid  }
0x8b: {  	s0 =	sand.u32 $0x1, s1  }
0x8c: {  	s14 =	sshll.u32 s0, $0xA;
	s2 =	sadd.s32 s3, s2  }
0x8d: {  	s2 =	sadd.s32 s2, s14  }
0x8e: {  	[smem:$0x3FC0] =	sst s2  }
0x8f: {  	_ = 	snop  }
0x90: {  	s2 =	sld [smem:$0x3FD0];
	_ =	sdelay $0x2  }
0x91: {  	s15 =	simm.s32 $0xA;
	s4 =	simm.s32 $0x10  }
0x92: {  	[smem:s4], [sflag:s15] =	dma.local [hbm:s2], $0x1  }
0x93: {  	_ =	swait.eq [sflag:s15], $0x1  }
0x94: {  	[sflag:s15] =	ssyncset.done $0x0  }
0x95: {  	s16 =	sld [smem:$0x10];
	[sflag:s15] =	ssyncadd.s32 $0xFFFFFFFF  }
0x96: {  	s17 =	sld [smem:$0x11];
	(tm) =	ssettm $0x1  }
0x97: {  	s18 =	sld [smem:$0x3FFB];
	_ =	sdelay $0x3  }
0x98: {  	_ =	strace s18  }
0x99: {  	s4 =	sld [smem:$0x3FFC];
	_ =	sdelay $0x3  }
0x9a: {  	_ =	strace s4  }
0x9b: {  	s4 =	sld [smem:$0x3FFD];
	_ =	sdelay $0x3  }
0x9c: {  	_ =	strace s4  }
0x9d: {  	_ =	strace $0x8FFFFFFF  }
0x9e: {  	s19 =	sld [smem:$0x3FDB];
	_ =	sdelay $0x1  }
0x9f: {  	s5 =	simm.s32 $_scs_section_size  }
0xa0: {  	s6 =	simm.s32 $_size__tile_overlayer_lowered;
	s7 =	simm.s32 $_tile_overlayer_lowered  }
0xa1: {  	s22 =	simm.s32 $0x1BFF;
	s21 =	sshll.u32 s7, $0x1;
	s4 =	sadd.s32 s5, s19  }
0xa2: {  	s8 =	simm.s32 $0x0;
	s20 =	sshll.u32 s6, $0x1;
	s6 =	sadd.s32 s21, s4  }
0xa3: {  	[timem:s8], [sflag:s22] =	dma.local [hbm:s6], s20  }
0xa4: {  	_ =	swait.ge [sflag:s22], s20  }
0xa5: {  	s5 =	ssub.s32 $0x0, s20;
	[sflag:s22] =	ssyncset.done $0x0  }
0xa6: {  	[sflag:s22] =	ssyncadd.s32 s5;
	_ =	sdelay $0x1  }
0xa7: {  	s23 =	simm.s32 $0x1B8B  }
0xa8: {  	_ =	swait.ge [sflag:s23], $0x1  }
0xa9: {  	[sflag:s23] =	ssyncset.done $0x0  }
0xaa: {  	s25 =	simm.s32 $0x1B8E;
	s24 =	sld [smem:$0x3FFE];
	[sflag:s23] =	ssyncadd.s32 $0xFFFFFFFF  }
0xab: {  	s26 =	simm.s32 $execute0_lowered;
	[smem:$0x3FD2] =	sst s25  }
0xac: {  	s6 =	sshll.u32 s26, $0x1;
	_ =	strace $0x8000004F;
	[dreg:$0x1] =	wrdreg $0xFFFFFFFF  }
0xad: {  	s28 =	simm.s32 $_size_execute0_lowered;
	s4 =	sadd.s32 s4, s6;
	[dreg:$0x0] =	wrdreg $0x0  }
0xae: {  	s6 =	sshll.u32 s28, $0x1;
	[dreg:$0x2] =	wrdreg s4  }
0xaf: {  	[dreg:$0x3] =	wrdreg s6  }
0xb0: {  	[dreg:$0x4] =	wrdreg $0xC0  }
0xb1: {  	_ =	task [dreg:s8], $0x5FFFF  }
0xb2: {  	[dreg:$0x1] =	wrdreg $0xFFFFFFFF  }
0xb3: {  	[dreg:$0x0] =	wrdreg $0x60  }
0xb4: {  	[dreg:$0x2] =	wrdreg s17  }
0xb5: {  	[dreg:$0x3] =	wrdreg s16  }
0xb6: {  	[dreg:$0x4] =	wrdreg s24  }
0xb7: {  	[dreg:$0x5] =	wrdreg $0x0  }
0xb8: {  	[dreg:$0x6] =	wrdreg $0x9  }
0xb9: {  	_ =	task.clear_ibuf [dreg:s8], $0x7FFFF;
	_ =	strace $0x9000004F  }
0xba: {  	s29 =	simm.s32 $0x9;
	_ =	strace $0x80000051  }
0xbb: {  	_ =	swait.ge [sflag:s29], $0x1  }
0xbc: {  	[sflag:s29] =	ssyncadd.s32 $0xFFFFFFFF  }
0xbd: {  	_ =	strace $0x90000051  }
0xbe: {  	_ =	sfence  }
0xbf: {  	s30 =	sld [smem:$0x0];
	_ =	sdelay $0x2  }
0xc0: {  	s31 =	sshll.u32 s1, $0xD;
	s1 =	sshrl.u32 s1, $0x2  }
0xc1: {  	s3 =	sand.u32 $0x4000, s31;
	s1 =	sadd.s32 s1, s30  }
0xc2: {  	s0 =	sor.u32 s3, s0;
	s1 =	sshll.u32 s1, $0x11  }
0xc3: {  	s0 =	sor.u32 s1, s0  }
0xc4: {  	s0 =	sadd.s32 $0x8F2B, s0  }
0xc5: {  	[sflag:s0] =	ssyncadd.remote.s32 $0x1  }
0xc6: {  	_ =	sfence.sel $0xFFFF  }
0xc7: {  	[dreg:$0x0] =	wrdreg $0xFFFFFFFF;
	(pc) =	sbr.abs _section_cstart, $3  }
0xc8: {  	[dreg:$0x1] =	wrdreg $0xFFFFFFFF  }
0xc9: {  	_ =	task.clear_ibuf [dreg:s8], $0x2FFFF;
	_ =	strace $0x9FFFFFFF  }
0xca: {  	(tm) =	ssettm $0x7FFFFFFF  }
0xcb: {  	_ =	shalt  }
tec
execute0_lowered:
.L_overlay_start_1:
0x0: {  	(tag) =	ssettag $0x1  }
0x1: {  	s1 =	rddreg [dreg:$0x0]  }
0x2: {  	s0 =	rddreg [dreg:$0x1]  }
0x3: {  	s5 =	rddreg [dreg:$0x2]  }
0x4: {  	s2 =	rddreg [dreg:$0x3];
	s3 =	simm.s32 $0x0;
	s4 =	stileid.u32  }
0x5: {  	s6 =	srdreg.scid;
	s21 =	simm.s32 $0x13880;
	s22 =	simm.s32 $0x14C80  }
0x6: {  	s23 =	simm.s32 $0x7D;
	s28 =	simm.s32 $0x14C00;
	s29 =	simm.s32 $0x15F80  }
0x7: {  	s30 =	simm.s32 $0x16000;
	[smem:$0x7FF] =	sst s3;
	s7 =	smul.u32 $0x4E000, s4  }
0x8: {  	s15 =	sadd.s32 $0x3400, s5;
	s16 =	sadd.s32 $0xD400, s5;
	s11 =	sand.u32 $0x1, s6  }
0x9: {  	s19 =	smul.u32 $0x13800, s4;
	p0 =	sne.s32 s4, $0x0;
	_ =	strace $0x80000050  }
0xa: {  	s6 =	ssub.s32 $0x2, s11;
	s24 =	sshll.u32 s11, $0x4;
	s17 =	smul.u32 $0x138800, s11  }
0xb: {  	s11 =	sadd.s32 $0x138000, s2;
	s7 =	sshrl.u32 s7, $0x2;
	s9 =	sor.u32 s4, s24  }
0xc: {  	s8 =	sshrl.u32 s6, $0x1;
	s24 =	simm.s32 $0x1A080;
	s13 =	smul.u32 $0x500, s9  }
0xd: {  	s5 =	sadd.s32 s7, s2;
	s18 =	ssub.s32 s6, s8;
	s12 =	smul.u32 $0x2800, s9  }
0xe: {  	s31 =	sadd.s32 s19, s17;
	s17 =	sshrl.u32 s17, $0x3;
	s19 =	simm.s32 $0x16080  }
0xf: {  	s25 =	sadd.s32 $0x3400, s5;
	s26 =	sadd.s32 $0x6800, s5;
	s8 =	sadd.s32 $0x9C00, s5  }
0x10: {  	s9 =	sadd.s32 $0xD000, s5;
	s10 =	sadd.s32 $0x10400, s5;
	[dreg:$0x5] =	wrdreg s25  }
0x11: {  	s17 =	sadd.s32 s16, s17;
	s18 =	smax.u32 s18, $0x1;
	[dreg:$0x6] =	wrdreg s26  }
0x12: {  	s14 =	sshrl.u32 s12, $0x3;
	s12 =	sadd.s32 s0, s13;
	s13 =	sadd.s32 s15, s13  }
0x13: {  	s17 =	sadd.s32 $0x27000, s17;
	s25 =	simm.s32 $0x1;
	s20 =	sadd.s32 $0x280, s14  }
0x14: {  	s26 =	simm.s32 $0x2;
	s14 =	sadd.s32 s0, s20;
	s0 =	sshrl.u32 s31, $0x3  }
0x15: {  	v0 =	vimm.f32 $0.0e+00;
	s15 =	sadd.s32 s15, s20;
	s20 =	simm.s32 $0x3;
	s16 =	sadd.s32 s16, s0  }
.LBB2_1:
0x16: {  	s31 =	simm.s32 $0x0;
	s0 =	simm.s32 $0x200  }
.LBB2_2:
0x17: {  	p1 =	sne.s32 s0, $0xCE00;
	[tilespmem:s31+$0x160F0] =	vst v0  }
0x18: {  	[tilespmem:s31+$0x16080] =	vst v0  }
0x19: {  	[tilespmem:s31+$0x16090] =	vst v0  }
.Ltmp0:
0x1a: {  	[tilespmem:s31+$0x160A0] =	vst v0;
	(pc) =	sbr.rel @p1 .LBB2_2-.Ltmp0, $4  }
0x1b: {  	[tilespmem:s31+$0x160B0] =	vst v0  }
0x1c: {  	[tilespmem:s31+$0x160C0] =	vst v0  }
0x1d: {  	[tilespmem:s31+$0x160D0] =	vst v0  }
0x1e: {  	[tilespmem:s31+$0x160E0] =	vst v0;
	s31 =	sshra.s32 s0, $0x2;
	s0 =	sadd.s32 $0x200, s0  }
0x1f: {  	[tilespmem:s31+$0x160F0] =	vst v0  }
0x20: {  	[tilespmem:s31+$0x16080] =	vst v0  }
0x21: {  	[tilespmem:s31+$0x16090] =	vst v0  }
0x22: {  	[tilespmem:s31+$0x160A0] =	vst v0  }
0x23: {  	[tilespmem:s31+$0x160B0] =	vst v0  }
0x24: {  	[tilespmem:s31+$0x160C0] =	vst v0  }
0x25: {  	[tilespmem:s31+$0x160D0] =	vst v0  }
0x26: {  	[tilespmem:s31+$0x160E0] =	vst v0  }
0x27: {  	[spmem:s5] =	stream.linear.scatter [tilespmem:s19], [sflag:$0x3], $0x3400, $0x38;
	[tilespmem:$0x1E080] =	vst v63  }
0x28: {  	_ =	swait.ge [sflag:s20], $0x3400  }
0x29: {  	[sflag:s20] =	ssyncset.done $0x0  }
0x2a: {  	s0 =	rddreg [dreg:$0x5];
	[sflag:s20] =	ssyncadd.s32 $0xFFFFCC00  }
0x2b: {  	[spmem:s0] =	stream.linear.scatter [tilespmem:s19], [sflag:$0x3], $0x3400, $0x38;
	[tilespmem:$0x1E080] =	vst v63  }
0x2c: {  	_ =	swait.ge [sflag:s20], $0x3400  }
0x2d: {  	[sflag:s20] =	ssyncset.done $0x0  }
0x2e: {  	s4 =	rddreg [dreg:$0x6];
	[sflag:s20] =	ssyncadd.s32 $0xFFFFCC00  }
0x2f: {  	[spmem:s4] =	stream.linear.scatter [tilespmem:s19], [sflag:$0x3], $0x3400, $0x38;
	[tilespmem:$0x1E080] =	vst v63  }
0x30: {  	_ =	swait.ge [sflag:s20], $0x3400  }
0x31: {  	[sflag:s20] =	ssyncset.done $0x0  }
0x32: {  	[sflag:s20] =	ssyncadd.s32 $0xFFFFCC00  }
0x33: {  	[spmem:s8] =	stream.linear.scatter [tilespmem:s19], [sflag:$0x3], $0x3400, $0x38;
	[tilespmem:$0x1E080] =	vst v63  }
0x34: {  	_ =	swait.ge [sflag:s20], $0x3400  }
0x35: {  	[sflag:s20] =	ssyncset.done $0x0  }
0x36: {  	[sflag:s20] =	ssyncadd.s32 $0xFFFFCC00  }
0x37: {  	[spmem:s9] =	stream.linear.scatter [tilespmem:s19], [sflag:$0x3], $0x3400, $0x38;
	[tilespmem:$0x1E080] =	vst v63  }
0x38: {  	_ =	swait.ge [sflag:s20], $0x3400  }
0x39: {  	[sflag:s20] =	ssyncset.done $0x0  }
0x3a: {  	[sflag:s20] =	ssyncadd.s32 $0xFFFFCC00  }
0x3b: {  	[spmem:s10] =	stream.linear.scatter [tilespmem:s19], [sflag:$0x3], $0x3400, $0x38;
	[tilespmem:$0x1E080] =	vst v63  }
0x3c: {  	_ =	swait.ge [sflag:s20], $0x3400  }
0x3d: {  	[sflag:s20] =	ssyncset.done $0x0  }
0x3e: {  	s0 =	simm.s32 @!p0 $0x16080;
	[sflag:s20] =	ssyncadd.s32 $0xFFFFCC00  }
0x3f: {  	[spmem:s11] =	stream.linear.scatter @!p0 [tilespmem:s0], [sflag:$0x3], $0x800, $0x38;
	[tilespmem:$0x1E080] =	vst v63  }
0x40: {  	s0 =	simm.s32 @!p0 $0x3  }
0x41: {  	_ =	swait.ge @!p0 [sflag:s0], $0x800  }
0x42: {  	[sflag:s0] =	ssyncset.done @!p0 $0x0  }
0x43: {  	[sflag:s0] =	ssyncadd.s32 @!p0 $0xFFFFF800  }
0x44: {  	s6 =	simm.s32 $0x0;
	[bflag:$0x0] =	sbarrier.arrive $0xFFFF  }
0x45: {  	[tilespmem:s21], [sflag:$0x3] =	stream.linear.gather [hbm4b:s12+s6], $0x1400, $0x38;
	[tilespmem:$0x1E080] =	vst v63  }
0x46: {  	_ =	swait.ge [sflag:s20], $0x1400  }
0x47: {  	[sflag:s20] =	ssyncset.done $0x0  }
0x48: {  	[sflag:s20] =	ssyncadd.s32 $0xFFFFEC00  }
0x49: {  	[tilespmem:s22], [sflag:$0x3] =	stream.linear.gather [hbm4b:s13+s6], $0x1400, $0x38;
	[tilespmem:$0x1E080] =	vst v63  }
0x4a: {  	_ =	swait.ge [sflag:s20], $0x1400  }
0x4b: {  	[sflag:s20] =	ssyncset.done $0x0  }
0x4c: {  	[sflag:s20] =	ssyncadd.s32 $0xFFFFEC00  }
0x4d: {  	[tilespmem:s19], [sflag:$0x1] =	stream.indirect.gather [hbm4b:s1+s23], $0x80, s21, s23, $0xb8;
	[tilespmem:$0x1E080] =	vst v63  }
0x4e: {  	s7 =	simm.s32 $0x13900  }
0x4f: {  	[tilespmem:s24], [sflag:$0x2] =	stream.indirect.gather [hbm4b:s1+s23], $0x80, s7, s23, $0xb8;
	[tilespmem:$0x1E080] =	vst v63  }
0x50: {  	_ =	swait.ge [sflag:s25], $0x3E80  }
0x51: {  	[sflag:s25] =	ssyncset.done $0x0  }
0x52: {  	s4 =	simm.s32 $0x14C80;
	[sflag:s25] =	ssyncadd.s32 $0xFFFFC180  }
0x53: {  	[spmem:s2] =	stream.indirect.scatter.add.f32 [tilespmem:s19], [sflag:$0x3], $0x80, s4, s23, $0xb8;
	[tilespmem:$0x1E080] =	vst v63  }
0x54: {  	_ =	swait.ge [sflag:s20], $0x3E80  }
0x55: {  	[sflag:s20] =	ssyncset.done $0x0  }
0x56: {  	s6 =	simm.s32 $0x13980;
	[sflag:s20] =	ssyncadd.s32 $0xFFFFC180  }
0x57: {  	[tilespmem:s19], [sflag:$0x1] =	stream.indirect.gather [hbm4b:s1+s23], $0x80, s6, s23, $0xb8;
	[tilespmem:$0x1E080] =	vst v63  }
0x58: {  	_ =	swait.ge [sflag:s26], $0x3E80  }
0x59: {  	[sflag:s26] =	ssyncset.done $0x0  }
0x5a: {  	s7 =	simm.s32 $0x14D00;
	[sflag:s26] =	ssyncadd.s32 $0xFFFFC180  }
0x5b: {  	[spmem:s2] =	stream.indirect.scatter.add.f32 [tilespmem:s24], [sflag:$0x3], $0x80, s7, s23, $0xb8;
	[tilespmem:$0x1E080] =	vst v63  }
0x5c: {  	_ =	swait.ge [sflag:s20], $0x3E80  }
0x5d: {  	s31 =	simm.s32 $0x100;
	s0 =	simm.s32 $0x800;
	[sflag:s20] =	ssyncset.done $0x0  }
.LBB2_4:
0x5e: {  	s4 =	sadd.s32 $0x13900, s31  }
0x5f: {  	[sflag:s20] =	ssyncadd.s32 $0xFFFFC180;
	s6 =	smov.u32 s0;
	s7 =	sadd.s32 $0x400, s0  }
0x60: {  	[tilespmem:s24], [sflag:$0x2] =	stream.indirect.gather [hbm4b:s1+s23], $0x80, s4, s23, $0xb8;
	[tilespmem:$0x1E080] =	vst v63  }
0x61: {  	p1 =	sne.s32 s0, $0x4800;
	_ =	swait.ge [sflag:s25], $0x3E80  }
0x62: {  	[sflag:s25] =	ssyncset.done $0x0  }
0x63: {  	s0 =	sadd.s32 $0x14C80, s31;
	[sflag:s25] =	ssyncadd.s32 $0xFFFFC180  }
0x64: {  	[spmem:s2] =	stream.indirect.scatter.add.f32 [tilespmem:s19], [sflag:$0x3], $0x80, s0, s23, $0xb8;
	[tilespmem:$0x1E080] =	vst v63  }
0x65: {  	_ =	swait.ge [sflag:s20], $0x3E80  }
0x66: {  	[sflag:s20] =	ssyncset.done $0x0  }
0x67: {  	s0 =	sadd.s32 $0x13980, s31;
	[sflag:s20] =	ssyncadd.s32 $0xFFFFC180  }
0x68: {  	[tilespmem:s19], [sflag:$0x1] =	stream.indirect.gather [hbm4b:s1+s23], $0x80, s0, s23, $0xb8;
	[tilespmem:$0x1E080] =	vst v63  }
0x69: {  	_ =	swait.ge [sflag:s26], $0x3E80  }
.Ltmp1:
0x6a: {  	[sflag:s26] =	ssyncset.done $0x0;
	(pc) =	sbr.rel @p1 .LBB2_4-.Ltmp1, $4  }
0x6b: {  	s0 =	sadd.s32 $0x14D00, s31;
	[sflag:s26] =	ssyncadd.s32 $0xFFFFC180  }
0x6c: {  	[spmem:s2] =	stream.indirect.scatter.add.f32 [tilespmem:s24], [sflag:$0x3], $0x80, s0, s23, $0xb8;
	[tilespmem:$0x1E080] =	vst v63  }
0x6d: {  	_ =	swait.ge [sflag:s20], $0x3E80  }
0x6e: {  	s31 =	sshra.s32 s6, $0x2;
	s0 =	smov.u32 s7;
	[sflag:s20] =	ssyncset.done $0x0  }
0x6f: {  	s0 =	sadd.s32 $0x13900, s31;
	[sflag:s20] =	ssyncadd.s32 $0xFFFFC180  }
0x70: {  	[tilespmem:s24], [sflag:$0x2] =	stream.indirect.gather [hbm4b:s1+s23], $0x80, s0, s23, $0xb8;
	[tilespmem:$0x1E080] =	vst v63  }
0x71: {  	_ =	swait.ge [sflag:s25], $0x3E80  }
0x72: {  	[sflag:s25] =	ssyncset.done $0x0  }
0x73: {  	s6 =	sadd.s32 $0x14C80, s31;
	[sflag:s25] =	ssyncadd.s32 $0xFFFFC180  }
0x74: {  	[spmem:s2] =	stream.indirect.scatter.add.f32 [tilespmem:s19], [sflag:$0x3], $0x80, s6, s23, $0xb8;
	[tilespmem:$0x1E080] =	vst v63  }
0x75: {  	_ =	swait.ge [sflag:s20], $0x3E80  }
0x76: {  	[sflag:s20] =	ssyncset.done $0x0  }
0x77: {  	s7 =	sadd.s32 $0x13980, s31;
	[sflag:s20] =	ssyncadd.s32 $0xFFFFC180  }
0x78: {  	[tilespmem:s19], [sflag:$0x1] =	stream.indirect.gather [hbm4b:s1+s23], $0x80, s7, s23, $0xb8;
	[tilespmem:$0x1E080] =	vst v63  }
0x79: {  	_ =	swait.ge [sflag:s26], $0x3E80  }
0x7a: {  	[sflag:s26] =	ssyncset.done $0x0  }
0x7b: {  	s4 =	sadd.s32 $0x14D00, s31;
	[sflag:s26] =	ssyncadd.s32 $0xFFFFC180  }
0x7c: {  	[spmem:s2] =	stream.indirect.scatter.add.f32 [tilespmem:s24], [sflag:$0x3], $0x80, s4, s23, $0xb8;
	[tilespmem:$0x1E080] =	vst v63  }
0x7d: {  	_ =	swait.ge [sflag:s20], $0x3E80  }
0x7e: {  	[sflag:s20] =	ssyncset.done $0x0  }
0x7f: {  	[sflag:s20] =	ssyncadd.s32 $0xFFFFC180  }
0x80: {  	[tilespmem:s24], [sflag:$0x2] =	stream.indirect.gather [hbm4b:s1+s23], $0x80, s28, s23, $0xb8;
	[tilespmem:$0x1E080] =	vst v63  }
0x81: {  	_ =	swait.ge [sflag:s25], $0x3E80  }
0x82: {  	[sflag:s25] =	ssyncset.done $0x0  }
0x83: {  	[sflag:s25] =	ssyncadd.s32 $0xFFFFC180  }
0x84: {  	[spmem:s2] =	stream.indirect.scatter.add.f32 [tilespmem:s19], [sflag:$0x3], $0x80, s29, s23, $0xb8;
	[tilespmem:$0x1E080] =	vst v63  }
0x85: {  	_ =	swait.ge [sflag:s20], $0x3E80  }
0x86: {  	[sflag:s20] =	ssyncset.done $0x0  }
0x87: {  	[sflag:s20] =	ssyncadd.s32 $0xFFFFC180  }
0x88: {  	_ =	swait.ge [sflag:s26], $0x3E80  }
0x89: {  	[sflag:s26] =	ssyncset.done $0x0  }
0x8a: {  	[sflag:s26] =	ssyncadd.s32 $0xFFFFC180  }
0x8b: {  	[spmem:s2] =	stream.indirect.scatter.add.f32 [tilespmem:s24], [sflag:$0x3], $0x80, s30, s23, $0xb8;
	[tilespmem:$0x1E080] =	vst v63  }
0x8c: {  	_ =	swait.ge [sflag:s20], $0x3E80  }
0x8d: {  	[sflag:s20] =	ssyncset.done $0x0  }
0x8e: {  	s6 =	simm.s32 $0x0;
	[sflag:s20] =	ssyncadd.s32 $0xFFFFC180  }
0x8f: {  	[tilespmem:s21], [sflag:$0x3] =	stream.linear.gather [hbm4b:s14+s6], $0x1400, $0x38;
	[tilespmem:$0x1E080] =	vst v63  }
0x90: {  	_ =	swait.ge [sflag:s20], $0x1400  }
0x91: {  	[sflag:s20] =	ssyncset.done $0x0  }
0x92: {  	[sflag:s20] =	ssyncadd.s32 $0xFFFFEC00  }
0x93: {  	[tilespmem:s22], [sflag:$0x3] =	stream.linear.gather [hbm4b:s15+s6], $0x1400, $0x38;
	[tilespmem:$0x1E080] =	vst v63  }
0x94: {  	_ =	swait.ge [sflag:s20], $0x1400  }
0x95: {  	[sflag:s20] =	ssyncset.done $0x0  }
0x96: {  	[sflag:s20] =	ssyncadd.s32 $0xFFFFEC00  }
0x97: {  	[tilespmem:s19], [sflag:$0x1] =	stream.indirect.gather [hbm4b:s1+s23], $0x80, s21, s23, $0xb8;
	[tilespmem:$0x1E080] =	vst v63  }
0x98: {  	s7 =	simm.s32 $0x13900  }
0x99: {  	[tilespmem:s24], [sflag:$0x2] =	stream.indirect.gather [hbm4b:s1+s23], $0x80, s7, s23, $0xb8;
	[tilespmem:$0x1E080] =	vst v63  }
0x9a: {  	_ =	swait.ge [sflag:s25], $0x3E80  }
0x9b: {  	[sflag:s25] =	ssyncset.done $0x0  }
0x9c: {  	s4 =	simm.s32 $0x14C80;
	[sflag:s25] =	ssyncadd.s32 $0xFFFFC180  }
0x9d: {  	[spmem:s2] =	stream.indirect.scatter.add.f32 [tilespmem:s19], [sflag:$0x3], $0x80, s4, s23, $0xb8;
	[tilespmem:$0x1E080] =	vst v63  }
0x9e: {  	_ =	swait.ge [sflag:s20], $0x3E80  }
0x9f: {  	[sflag:s20] =	ssyncset.done $0x0  }
0xa0: {  	s6 =	simm.s32 $0x13980;
	[sflag:s20] =	ssyncadd.s32 $0xFFFFC180  }
0xa1: {  	[tilespmem:s19], [sflag:$0x1] =	stream.indirect.gather [hbm4b:s1+s23], $0x80, s6, s23, $0xb8;
	[tilespmem:$0x1E080] =	vst v63  }
0xa2: {  	_ =	swait.ge [sflag:s26], $0x3E80  }
0xa3: {  	[sflag:s26] =	ssyncset.done $0x0  }
0xa4: {  	s7 =	simm.s32 $0x14D00;
	[sflag:s26] =	ssyncadd.s32 $0xFFFFC180  }
0xa5: {  	[spmem:s2] =	stream.indirect.scatter.add.f32 [tilespmem:s24], [sflag:$0x3], $0x80, s7, s23, $0xb8;
	[tilespmem:$0x1E080] =	vst v63  }
0xa6: {  	_ =	swait.ge [sflag:s20], $0x3E80  }
0xa7: {  	s31 =	simm.s32 $0x100;
	s0 =	simm.s32 $0x800;
	[sflag:s20] =	ssyncset.done $0x0  }
.LBB2_6:
0xa8: {  	s4 =	sadd.s32 $0x13900, s31  }
0xa9: {  	[sflag:s20] =	ssyncadd.s32 $0xFFFFC180;
	s6 =	smov.u32 s0;
	s7 =	sadd.s32 $0x400, s0  }
0xaa: {  	[tilespmem:s24], [sflag:$0x2] =	stream.indirect.gather [hbm4b:s1+s23], $0x80, s4, s23, $0xb8;
	[tilespmem:$0x1E080] =	vst v63  }
0xab: {  	p1 =	sne.s32 s0, $0x4800;
	_ =	swait.ge [sflag:s25], $0x3E80  }
0xac: {  	[sflag:s25] =	ssyncset.done $0x0  }
0xad: {  	s0 =	sadd.s32 $0x14C80, s31;
	[sflag:s25] =	ssyncadd.s32 $0xFFFFC180  }
0xae: {  	[spmem:s2] =	stream.indirect.scatter.add.f32 [tilespmem:s19], [sflag:$0x3], $0x80, s0, s23, $0xb8;
	[tilespmem:$0x1E080] =	vst v63  }
0xaf: {  	_ =	swait.ge [sflag:s20], $0x3E80  }
0xb0: {  	[sflag:s20] =	ssyncset.done $0x0  }
0xb1: {  	s0 =	sadd.s32 $0x13980, s31;
	[sflag:s20] =	ssyncadd.s32 $0xFFFFC180  }
0xb2: {  	[tilespmem:s19], [sflag:$0x1] =	stream.indirect.gather [hbm4b:s1+s23], $0x80, s0, s23, $0xb8;
	[tilespmem:$0x1E080] =	vst v63  }
0xb3: {  	_ =	swait.ge [sflag:s26], $0x3E80  }
.Ltmp2:
0xb4: {  	[sflag:s26] =	ssyncset.done $0x0;
	(pc) =	sbr.rel @p1 .LBB2_6-.Ltmp2, $4  }
0xb5: {  	s0 =	sadd.s32 $0x14D00, s31;
	[sflag:s26] =	ssyncadd.s32 $0xFFFFC180  }
0xb6: {  	[spmem:s2] =	stream.indirect.scatter.add.f32 [tilespmem:s24], [sflag:$0x3], $0x80, s0, s23, $0xb8;
	[tilespmem:$0x1E080] =	vst v63  }
0xb7: {  	_ =	swait.ge [sflag:s20], $0x3E80  }
0xb8: {  	s31 =	sshra.s32 s6, $0x2;
	s0 =	smov.u32 s7;
	[sflag:s20] =	ssyncset.done $0x0  }
0xb9: {  	s0 =	sadd.s32 $0x13900, s31;
	[sflag:s20] =	ssyncadd.s32 $0xFFFFC180  }
0xba: {  	[tilespmem:s24], [sflag:$0x2] =	stream.indirect.gather [hbm4b:s1+s23], $0x80, s0, s23, $0xb8;
	[tilespmem:$0x1E080] =	vst v63  }
0xbb: {  	_ =	swait.ge [sflag:s25], $0x3E80  }
0xbc: {  	[sflag:s25] =	ssyncset.done $0x0  }
0xbd: {  	s4 =	sadd.s32 $0x14C80, s31;
	[sflag:s25] =	ssyncadd.s32 $0xFFFFC180  }
0xbe: {  	[spmem:s2] =	stream.indirect.scatter.add.f32 [tilespmem:s19], [sflag:$0x3], $0x80, s4, s23, $0xb8;
	[tilespmem:$0x1E080] =	vst v63  }
0xbf: {  	_ =	swait.ge [sflag:s20], $0x3E80  }
0xc0: {  	[sflag:s20] =	ssyncset.done $0x0  }
0xc1: {  	s6 =	sadd.s32 $0x13980, s31;
	[sflag:s20] =	ssyncadd.s32 $0xFFFFC180  }
0xc2: {  	[tilespmem:s19], [sflag:$0x1] =	stream.indirect.gather [hbm4b:s1+s23], $0x80, s6, s23, $0xb8;
	[tilespmem:$0x1E080] =	vst v63  }
0xc3: {  	_ =	swait.ge [sflag:s26], $0x3E80  }
0xc4: {  	[sflag:s26] =	ssyncset.done $0x0  }
0xc5: {  	s7 =	sadd.s32 $0x14D00, s31;
	[sflag:s26] =	ssyncadd.s32 $0xFFFFC180  }
0xc6: {  	[spmem:s2] =	stream.indirect.scatter.add.f32 [tilespmem:s24], [sflag:$0x3], $0x80, s7, s23, $0xb8;
	[tilespmem:$0x1E080] =	vst v63  }
0xc7: {  	_ =	swait.ge [sflag:s20], $0x3E80  }
0xc8: {  	[sflag:s20] =	ssyncset.done $0x0  }
0xc9: {  	[sflag:s20] =	ssyncadd.s32 $0xFFFFC180  }
0xca: {  	[tilespmem:s24], [sflag:$0x2] =	stream.indirect.gather [hbm4b:s1+s23], $0x80, s28, s23, $0xb8;
	[tilespmem:$0x1E080] =	vst v63  }
0xcb: {  	_ =	swait.ge [sflag:s25], $0x3E80  }
0xcc: {  	[sflag:s25] =	ssyncset.done $0x0  }
0xcd: {  	[sflag:s25] =	ssyncadd.s32 $0xFFFFC180  }
0xce: {  	[spmem:s2] =	stream.indirect.scatter.add.f32 [tilespmem:s19], [sflag:$0x3], $0x80, s29, s23, $0xb8;
	[tilespmem:$0x1E080] =	vst v63  }
0xcf: {  	_ =	swait.ge [sflag:s20], $0x3E80  }
0xd0: {  	[sflag:s20] =	ssyncset.done $0x0  }
0xd1: {  	[sflag:s20] =	ssyncadd.s32 $0xFFFFC180  }
0xd2: {  	_ =	swait.ge [sflag:s26], $0x3E80  }
0xd3: {  	[sflag:s26] =	ssyncset.done $0x0  }
0xd4: {  	[sflag:s26] =	ssyncadd.s32 $0xFFFFC180  }
0xd5: {  	[spmem:s2] =	stream.indirect.scatter.add.f32 [tilespmem:s24], [sflag:$0x3], $0x80, s30, s23, $0xb8;
	[tilespmem:$0x1E080] =	vst v63  }
0xd6: {  	_ =	swait.ge [sflag:s20], $0x3E80  }
0xd7: {  	s31 =	stileid.u32;
	[sflag:s20] =	ssyncset.done $0x0  }
0xd8: {  	s0 =	sshll.u32 s31, $0x6;
	[sflag:s20] =	ssyncadd.s32 $0xFFFFC180  }
0xd9: {  	s0 =	sor.u32 $0x1C03, s0;
	s4 =	sshrl.u32 s5, $0x3;
	[bflag:$0x0] =	sbarrier.arrive $0xFFFF  }
0xda: {  	[hbm:s16], [sflag:s0] =	dma.local [spmem:s4], $0x2700  }
0xdb: {  	_ =	swait.ge [sflag:s20], $0x2700  }
0xdc: {  	s3 =	sadd.s32 $0x1, s3;
	[sflag:s20] =	ssyncset.done $0x0  }
0xdd: {  	p1 =	sne.s32 s3, s18;
	s4 =	sshrl.u32 @!p0 s11, $0x3;
	[sflag:s20] =	ssyncadd.s32 $0xFFFFD900  }
0xde: {  	[hbm:s17], [sflag:s0] =	dma.local @!p0 [spmem:s4], $0x100  }
.Ltmp3:
0xdf: {  	_ = 	snop;
	(pc) =	sbr.rel @p1 .LBB2_1-.Ltmp3, $4  }
0xe0: {  	s0 =	simm.s32 @!p0 $0x3  }
0xe1: {  	_ =	swait.ge @!p0 [sflag:s0], $0x100  }
0xe2: {  	[sflag:s0] =	ssyncset.done @!p0 $0x0  }
0xe3: {  	[sflag:s0] =	ssyncadd.s32 @!p0 $0xFFFFFF00  }
0xe4: {  	_ =	sfence.sel $0x180000  }
0xe5: {  	[bflag:$0x0] =	sbarrier.arrive $0xFFFF  }
0xe6: {  	_ =	strace $0x90000050  }
0xe7: {  	[bflag:$0x2] =	sbarrier.arrive $0xFFFF  }
0xe8: {  	s0 =	rddreg [dreg:$0x4]  }
0xe9: {  	s0 =	sadd.s32 @!p0 $0x100000, s0  }
0xea: {  	[sflag:s0] =	ssyncadd.tile.s32 @!p0 $0x1;
	_ =	shalt  }
.Lfunc_end2:
_tile_overlayer_lowered:
.L_overlay_start_2:
0xeb: {  	(tag) =	ssettag $0x2  }
0xec: {  	s0 =	rddreg [dreg:$0x0];
	s2 =	stileid.u32  }
0xed: {  	s1 =	rddreg [dreg:$0x1];
	p0 =	sne.s32 s2, $0x0  }
0xee: {  	s3 =	rddreg [dreg:$0x2];
	[bflag:$0x3] =	sbarrier.arrive $0xFFFF;
	s2 =	simm.s32 @!p0 $0x1C03  }
0xef: {  	[timem:s3], [sflag:s2] =	dma.local @!p0 [hbm:s0], s1  }
0xf0: {  	s0 =	simm.s32 @!p0 $0x3  }
0xf1: {  	_ =	swait.ge @!p0 [sflag:s0], s1  }
0xf2: {  	s1 =	ssub.s32 @!p0 $0x0, s1;
	[sflag:s0] =	ssyncset.done @!p0 $0x0  }
0xf3: {  	[sflag:s0] =	ssyncadd.s32 @!p0 s1  }
0xf4: {  	[bflag:$0x3] =	sbarrier.arrive $0xFFFF  }
0xf5: {  	_ =	shalt  }

</sc_bundles>
